<compile_context>
chip_gen: v7x
topology: tpu7x:2x2x1
jax: 0.10.2.dev20260603
libtpu: 0.0.44.dev20260713+nightly
codegen_flags: <defaults>
</compile_context>

<pallas_src>
import functools

import numpy as np

import jax
import jax.numpy as jnp
from jax import lax
from jax.experimental import pallas as pl
from jax.experimental.pallas import tpu as pltpu
from jax.experimental.pallas import tpu_sc as plsc

NC = 2
NS = 16
NW = NC * NS
LANES = 16
CHUNK = 128
TAIL = 16
_TOP = -65536


def _silu(x):
    return x * jax.nn.sigmoid(x)


def _pack_perm(hdim):
    wdim = hdim // 2
    q = np.empty((hdim,), np.int32)
    for j in range(wdim):
        g, i = divmod(j, 16)
        q[j] = 32 * g + i
        q[wdim + j] = 32 * g + 16 + i
    return q


def _pre_body(h_ref, wa_ref, wb_ref, ha_ref, hb_ref):
    h = h_ref[...]
    ha_ref[...] = jnp.dot(h, wa_ref[...], preferred_element_type=jnp.float32)
    hb_ref[...] = jnp.dot(h, wb_ref[...], preferred_element_type=jnp.float32)


def _tc_pre(h, WeA, WeB):
    n, d = h.shape
    bn = 2000
    grid = (n // bn,)
    return pl.pallas_call(
        _pre_body,
        grid=grid,
        in_specs=[
            pl.BlockSpec((bn, d), lambda i: (i, 0)),
            pl.BlockSpec(WeA.shape, lambda i: (0, 0)),
            pl.BlockSpec(WeB.shape, lambda i: (0, 0)),
        ],
        out_specs=[
            pl.BlockSpec((bn, WeA.shape[1]), lambda i: (i, 0)),
            pl.BlockSpec((bn, WeB.shape[1]), lambda i: (i, 0)),
        ],
        out_shape=[
            jax.ShapeDtypeStruct((n, WeA.shape[1]), jnp.float32),
            jax.ShapeDtypeStruct((n, WeB.shape[1]), jnp.float32),
        ],
    )(h, WeA, WeB)


def _sc_gather_add(hA, hB, rows, cols):
    n, hdim = hA.shape
    e = rows.shape[0]
    ew = e // NW
    nfull = ew // CHUNK
    rem = ew - nfull * CHUNK
    wdim = hdim // 2
    assert nfull % 2 == 0
    mesh = plsc.VectorSubcoreMesh(
        core_axis_name="c", subcore_axis_name="s", num_cores=NC, num_subcores=NS)

    @functools.partial(
        pl.kernel,
        out_type=jax.ShapeDtypeStruct((e, wdim), jnp.int32),
        mesh=mesh,
        scratch_types=[
            pltpu.VMEM((CHUNK,), jnp.int32), pltpu.VMEM((CHUNK,), jnp.int32),
            pltpu.VMEM((CHUNK,), jnp.int32), pltpu.VMEM((CHUNK,), jnp.int32),
            pltpu.VMEM((CHUNK, hdim), jnp.float32),
            pltpu.VMEM((CHUNK, hdim), jnp.float32),
            pltpu.VMEM((CHUNK, hdim), jnp.float32),
            pltpu.VMEM((CHUNK, hdim), jnp.float32),
            pltpu.VMEM((CHUNK, wdim), jnp.int32),
            pltpu.VMEM((CHUNK, wdim), jnp.int32),
            pltpu.VMEM((TAIL,), jnp.int32), pltpu.VMEM((TAIL,), jnp.int32),
            pltpu.VMEM((TAIL, hdim), jnp.float32),
            pltpu.VMEM((TAIL, hdim), jnp.float32),
            pltpu.VMEM((TAIL, wdim), jnp.int32),
            pltpu.SemaphoreType.DMA, pltpu.SemaphoreType.DMA,
            pltpu.SemaphoreType.DMA, pltpu.SemaphoreType.DMA,
            pltpu.SemaphoreType.DMA, pltpu.SemaphoreType.DMA,
        ],
    )
    def gather_kernel(ha_hbm, hb_hbm, rows_hbm, cols_hbm, out_hbm,
                      ir0, ir1, ic0, ic1, ba0, ba1, bb0, bb1, ob0, ob1,
                      irt, ict, bat, bbt, obt,
                      sa0, sa1, sb0, sb1, so0, so1):
        wid = lax.axis_index("s") * NC + lax.axis_index("c")
        base0 = wid * ew
        IR, IC = (ir0, ir1), (ic0, ic1)
        BA, BB = (ba0, ba1), (bb0, bb1)
        OB = (ob0, ob1)
        SA, SB, SO = (sa0, sa1), (sb0, sb1), (so0, so1)

        def fetch(c, p):
            base = base0 + c * CHUNK
            pltpu.sync_copy(rows_hbm.at[pl.ds(base, CHUNK)], IR[p])
            pltpu.sync_copy(cols_hbm.at[pl.ds(base, CHUNK)], IC[p])
            pltpu.async_copy(ha_hbm.at[IR[p]], BA[p], SA[p])
            pltpu.async_copy(hb_hbm.at[IC[p]], BB[p], SB[p])

        def addpack(bufa, bufb, outb, k):
            def rowfn(i, _):
                for g in range(hdim // 32):
                    sla = pl.ds(32 * g, LANES)
                    slb = pl.ds(32 * g + LANES, LANES)
                    a = bufa[i, sla] + bufb[i, sla]
                    b = bufa[i, slb] + bufb[i, slb]
                    lo = lax.shift_right_logical(
                        lax.bitcast_convert_type(a, jnp.int32) + 0x8000, 16)
                    hi = ((lax.bitcast_convert_type(b, jnp.int32) + 0x8000)
                          & _TOP)
                    outb[i, pl.ds(LANES * g, LANES)] = hi | lo
                return 0

            lax.fori_loop(0, k, rowfn, 0)

        fetch(0, 0)

        def body(it, _):
            for p in range(2):
                c = it * 2 + p

                @pl.when(c + 1 < nfull)
                def _():
                    fetch(c + 1, 1 - p)

                pltpu.make_async_copy(ha_hbm.at[IR[p]], BA[p], SA[p]).wait()
                pltpu.make_async_copy(hb_hbm.at[IC[p]], BB[p], SB[p]).wait()

                @pl.when(c >= 2)
                def _():
                    pltpu.make_async_copy(
                        OB[p], out_hbm.at[pl.ds(0, CHUNK)], SO[p]).wait()

                addpack(BA[p], BB[p], OB[p], CHUNK)
                pltpu.async_copy(
                    OB[p], out_hbm.at[pl.ds(base0 + c * CHUNK, CHUNK)], SO[p])
            return 0

        lax.fori_loop(0, nfull // 2, body, 0)
        pltpu.make_async_copy(OB[0], out_hbm.at[pl.ds(0, CHUNK)], SO[0]).wait()
        pltpu.make_async_copy(OB[1], out_hbm.at[pl.ds(0, CHUNK)], SO[1]).wait()

        if rem:
            base = base0 + nfull * CHUNK
            pltpu.sync_copy(rows_hbm.at[pl.ds(base, rem)], irt)
            pltpu.sync_copy(cols_hbm.at[pl.ds(base, rem)], ict)
            cpa = pltpu.async_copy(ha_hbm.at[irt], bat, sa0)
            cpb = pltpu.async_copy(hb_hbm.at[ict], bbt, sb0)
            cpa.wait()
            cpb.wait()
            addpack(bat, bbt, obt, rem)
            pltpu.sync_copy(obt, out_hbm.at[pl.ds(base, rem)])

    return gather_kernel(hA, hB, rows, cols)


def _edge_body(pre_ref, eat_ref, wc_ref, b1_ref, w2_ref, b2_ref,
               wa_ref, ba_ref, mij_ref, ef_ref):
    w = pre_ref[...]
    half = w.shape[1]
    alo = lax.bitcast_convert_type(w << 16, jnp.float32)
    ahi = lax.bitcast_convert_type(w & _TOP, jnp.float32)
    ea_c = lax.dot_general(eat_ref[...], wc_ref[...], (((0,), (0,)), ((), ())),
                           preferred_element_type=jnp.float32)
    x = jnp.concatenate([alo, ahi], axis=1) + ea_c + b1_ref[...]
    m = _silu(x)
    y = jnp.dot(m, w2_ref[...], preferred_element_type=jnp.float32) + b2_ref[...]
    mij = _silu(y)
    att = jax.nn.sigmoid(
        jnp.sum(mij * wa_ref[...], axis=1, keepdims=True) + ba_ref[0, 0])
    mij_ref[...] = mij
    ef = mij * att
    lo = lax.shift_right_logical(
        lax.bitcast_convert_type(ef[:, :half], jnp.int32) + 0x8000, 16)
    hi = (lax.bitcast_convert_type(ef[:, half:], jnp.int32) + 0x8000) & _TOP
    ef_ref[...] = hi | lo


def _tc_edge(pre1_32, ea_t, WeC, b_e1, W_e2, b_e2, W_att, b_att):
    e, wdim = pre1_32.shape
    hdim = 2 * wdim
    de = ea_t.shape[0]
    be = 2560
    grid = (e // be,)
    wa_row = W_att.reshape(1, hdim)
    ba = b_att.reshape(1, 1)
    b1 = b_e1.reshape(1, hdim)
    b2 = b_e2.reshape(1, hdim)
    return pl.pallas_call(
        _edge_body,
        grid=grid,
        in_specs=[
            pl.BlockSpec((be, wdim), lambda i: (i, 0)),
            pl.BlockSpec((de, be), lambda i: (0, i)),
            pl.BlockSpec((de, hdim), lambda i: (0, 0)),
            pl.BlockSpec((1, hdim), lambda i: (0, 0)),
            pl.BlockSpec((hdim, hdim), lambda i: (0, 0)),
            pl.BlockSpec((1, hdim), lambda i: (0, 0)),
            pl.BlockSpec((1, hdim), lambda i: (0, 0)),
            pl.BlockSpec((1, 1), lambda i: (0, 0)),
        ],
        out_specs=[
            pl.BlockSpec((be, hdim), lambda i: (i, 0)),
            pl.BlockSpec((be, wdim), lambda i: (i, 0)),
        ],
        out_shape=[
            jax.ShapeDtypeStruct((e, hdim), jnp.float32),
            jax.ShapeDtypeStruct((e, wdim), jnp.int32),
        ],
    )(pre1_32, ea_t, WeC, b1, W_e2, b2, wa_row, ba)


SCHUNK = 64


def _sc_scatter(efp, rows, n):
    e, wdim = efp.shape
    hdim = 2 * wdim
    ew = e // NW
    nfull = ew // SCHUNK
    rem = ew - nfull * SCHUNK
    assert nfull % 4 == 0
    slab = ((n + NS - 1) // NS + 7) // 8 * 8
    slab_last = n - slab * (NS - 1)
    assert slab_last > 0
    mesh = plsc.VectorSubcoreMesh(
        core_axis_name="c", subcore_axis_name="s", num_cores=NC, num_subcores=NS)
    zeros = jnp.zeros((slab, hdim), jnp.float32)

    @functools.partial(
        pl.kernel,
        out_type=jax.ShapeDtypeStruct((NC, n, hdim), jnp.float32),
        mesh=mesh,
        scratch_types=[
            pltpu.VMEM((SCHUNK,), jnp.int32),
            pltpu.VMEM((SCHUNK,), jnp.int32),
            pltpu.VMEM((SCHUNK,), jnp.int32),
            pltpu.VMEM((SCHUNK,), jnp.int32),
            pltpu.VMEM((SCHUNK, wdim), jnp.int32),
            pltpu.VMEM((SCHUNK, wdim), jnp.int32),
            pltpu.VMEM((SCHUNK, hdim), jnp.float32),
            pltpu.VMEM((SCHUNK, hdim), jnp.float32),
            pltpu.VMEM((TAIL,), jnp.int32),
            pltpu.VMEM((TAIL, wdim), jnp.int32),
            pltpu.VMEM((TAIL, hdim), jnp.float32),
            pltpu.VMEM_SHARED((n, hdim), jnp.float32),
            pltpu.SemaphoreType.DMA, pltpu.SemaphoreType.DMA,
            pltpu.SemaphoreType.DMA, pltpu.SemaphoreType.DMA,
        ],
    )
    def scatter_kernel(ef_hbm, rows_hbm, z_hbm, out_hbm,
                       ir0, ir1, ir2, ir3, eb0, eb1, bf0, bf1,
                       irt, ebt, buft, acc_sh,
                       se0, se1, ss0, ss1):
        cid = lax.axis_index("c")
        sid = lax.axis_index("s")
        wid = sid * NC + cid
        base0 = wid * ew
        IR = (ir0, ir1, ir2, ir3)
        EB = (eb0, eb1)
        BF = (bf0, bf1)
        SE, SS = (se0, se1), (ss0, ss1)

        @pl.when(sid < NS - 1)
        def _():
            pltpu.sync_copy(z_hbm, acc_sh.at[pl.ds(sid * slab, slab)])

        @pl.when(sid == NS - 1)
        def _():
            pltpu.sync_copy(z_hbm.at[pl.ds(0, slab_last)],
                            acc_sh.at[pl.ds(sid * slab, slab_last)])

        plsc.subcore_barrier()

        def unpack(src, dst, k):
            def rowfn(i, _):
                for t in range(wdim // LANES):
                    w = src[i, pl.ds(LANES * t, LANES)]
                    dst[i, pl.ds(LANES * t, LANES)] = (
                        lax.bitcast_convert_type(w << 16, jnp.float32))
                    dst[i, pl.ds(wdim + LANES * t, LANES)] = (
                        lax.bitcast_convert_type(w & _TOP, jnp.float32))
                return 0

            lax.fori_loop(0, k, rowfn, 0)

        def fetch(c, i3, p):
            base = base0 + c * SCHUNK
            pltpu.sync_copy(rows_hbm.at[pl.ds(base, SCHUNK)], IR[i3])
            pltpu.async_copy(ef_hbm.at[pl.ds(base, SCHUNK)], EB[p], SE[p])

        fetch(0, 0, 0)

        def body(it, _):
            for u in range(4):
                c = it * 4 + u
                i3 = u
                p = u % 2

                @pl.when(c >= 2)
                def _():
                    pltpu.make_async_copy(
                        BF[p], acc_sh.at[IR[i3]], SS[p]).wait()

                @pl.when(c + 1 < nfull)
                def _():
                    fetch(c + 1, (u + 1) % 4, 1 - p)

                pltpu.make_async_copy(
                    ef_hbm.at[pl.ds(0, SCHUNK)], EB[p], SE[p]).wait()

                unpack(EB[p], BF[p], SCHUNK)
                pltpu.async_copy(BF[p], acc_sh.at[IR[i3]], SS[p], add=True)
            return 0

        lax.fori_loop(0, nfull // 4, body, 0)
        pltpu.make_async_copy(BF[0], acc_sh.at[IR[0]], SS[0]).wait()
        pltpu.make_async_copy(BF[1], acc_sh.at[IR[1]], SS[1]).wait()

        if rem:
            base = base0 + nfull * SCHUNK
            pltpu.sync_copy(rows_hbm.at[pl.ds(base, rem)], irt)
            pltpu.sync_copy(ef_hbm.at[pl.ds(base, rem)], ebt)
            unpack(ebt, buft, rem)
            pltpu.sync_copy(buft, acc_sh.at[irt], add=True)
        plsc.subcore_barrier()

        @pl.when(sid < NS - 1)
        def _():
            pltpu.sync_copy(acc_sh.at[pl.ds(sid * slab, slab)],
                            out_hbm.at[cid, pl.ds(sid * slab, slab)])

        @pl.when(sid == NS - 1)
        def _():
            pltpu.sync_copy(acc_sh.at[pl.ds(sid * slab, slab_last)],
                            out_hbm.at[cid, pl.ds(sid * slab, slab_last)])

    return scatter_kernel(efp, rows, zeros)


def _node_body(h_ref, p0_ref, p1_ref, p2_ref, p3_ref, nm_ref,
               w1a_ref, w1b_ref, b1_ref, w2_ref, b2_ref, norm_inv_ref, out_ref):
    h = h_ref[...]
    agg = ((p0_ref[...] + p1_ref[...]) + (p2_ref[...] + p3_ref[...])
           ) * norm_inv_ref[0, 0]
    x = (jnp.dot(h, w1a_ref[...], preferred_element_type=jnp.float32)
         + jnp.dot(agg, w1b_ref[...], preferred_element_type=jnp.float32)
         + b1_ref[...])
    t = _silu(x)
    out = h + jnp.dot(t, w2_ref[...], preferred_element_type=jnp.float32) + b2_ref[...]
    out_ref[...] = out * nm_ref[...]


def _tc_node(h, p0, p1, p2, p3, node_mask, Wn1a, Wn1b, b_n1, W_n2, b_n2, norm):
    n, d = h.shape
    hdim = Wn1b.shape[0]
    bn = 2000
    grid = (n // bn,)
    b1 = b_n1.reshape(1, -1)
    b2 = b_n2.reshape(1, -1)
    norm_inv = jnp.full((1, 1), 1.0 / norm, jnp.float32)
    return pl.pallas_call(
        _node_body,
        grid=grid,
        in_specs=[
            pl.BlockSpec((bn, d), lambda i: (i, 0)),
            pl.BlockSpec((bn, hdim), lambda i: (i, 0)),
            pl.BlockSpec((bn, hdim), lambda i: (i, 0)),
            pl.BlockSpec((bn, hdim), lambda i: (i, 0)),
            pl.BlockSpec((bn, hdim), lambda i: (i, 0)),
            pl.BlockSpec((bn, 1), lambda i: (i, 0)),
            pl.BlockSpec(Wn1a.shape, lambda i: (0, 0)),
            pl.BlockSpec(Wn1b.shape, lambda i: (0, 0)),
            pl.BlockSpec((1, b_n1.shape[0]), lambda i: (0, 0)),
            pl.BlockSpec(W_n2.shape, lambda i: (0, 0)),
            pl.BlockSpec((1, b_n2.shape[0]), lambda i: (0, 0)),
            pl.BlockSpec((1, 1), lambda i: (0, 0)),
        ],
        out_specs=pl.BlockSpec((bn, d), lambda i: (i, 0)),
        out_shape=jax.ShapeDtypeStruct((n, d), jnp.float32),
    )(h, p0, p1, p2, p3, node_mask, Wn1a, Wn1b, b1, W_n2, b2, norm_inv)


def kernel(h, edge_index, edge_attr, node_mask, edge_mask,
           W_e1, b_e1, W_e2, b_e2, W_att, b_att,
           W_n1, b_n1, W_n2, b_n2):
    n, d = h.shape
    hdim = W_e2.shape[0]
    norm = 32.0
    WeA = W_e1[:d]
    WeB = W_e1[d:2 * d]
    WeC = W_e1[2 * d:]
    rows = edge_index[0]
    cols = edge_index[1]
    e = rows.shape[0]

    q = _pack_perm(hdim)

    e1 = min(((e // 2 + 8191) // 8192) * 8192, e)
    ea_t = edge_attr.T
    WeC_q, b_e1_q, W_e2_q = WeC[:, q], b_e1[q], W_e2[q, :]

    hA, hB = _tc_pre(h, WeA, WeB)
    pre_a = _sc_gather_add(hA, hB, rows[:e1], cols[:e1])
    pre_b = _sc_gather_add(hA, hB, rows[e1:], cols[e1:])
    mij_a, ef_a = _tc_edge(pre_a, ea_t[:, :e1],
                           WeC_q, b_e1_q, W_e2_q, b_e2, W_att, b_att)
    part_a = _sc_scatter(ef_a, rows[:e1], n)
    mij_b, ef_b = _tc_edge(pre_b, ea_t[:, e1:],
                           WeC_q, b_e1_q, W_e2_q, b_e2, W_att, b_att)
    part_b = _sc_scatter(ef_b, rows[e1:], n)
    mij = jnp.concatenate([mij_a, mij_b], axis=0)
    h_out = _tc_node(h, part_a[0], part_a[1], part_b[0], part_b[1], node_mask,
                     W_n1[:d], W_n1[d:], b_n1, W_n2, b_n2, norm)
    return (h_out, mij)

# --- scband reference (transcript-rebuilt; emitter-appended) ---
"""Pipeline reference for scband-gcl-70351564309241 (READ-ONLY COPY).

The authoritative reference and input builder live on the scoring server;
editing this copy changes nothing except your own understanding.
"""

import jax, jax.numpy as jnp
import numpy as np

N = 10000
E = 320000
D = 128      # input_nf = output_nf
H = 128      # hidden_nf
DE = 16      # edges_in_d
NORM = 32.0  # normalization_factor


def _init_linear(key, fan_in, fan_out):
    k1, k2 = jax.random.split(key)
    bound = 1.0 / np.sqrt(fan_in)
    W = jax.random.uniform(k1, (fan_in, fan_out), minval=-bound, maxval=bound, dtype=jnp.float32)
    b = jax.random.uniform(k2, (fan_out,), minval=-bound, maxval=bound, dtype=jnp.float32)
    return W, b


def setup_inputs(seed: int = 0) -> dict:
    key = jax.random.key(seed)
    ks = jax.random.split(key, 10)
    h = jax.random.normal(ks[0], (N, D), dtype=jnp.float32)
    edge_index = jax.random.randint(ks[1], (2, E), 0, N, dtype=jnp.int32)
    edge_attr = jax.random.normal(ks[2], (E, DE), dtype=jnp.float32)
    node_mask = jnp.ones((N, 1), dtype=jnp.float32)
    edge_mask = jnp.ones((E, 1), dtype=jnp.float32)
    W_e1, b_e1 = _init_linear(ks[3], 2 * D + DE, H)
    W_e2, b_e2 = _init_linear(ks[4], H, H)
    W_att, b_att = _init_linear(ks[5], H, 1)
    W_n1, b_n1 = _init_linear(ks[6], H + D, H)
    W_n2, b_n2 = _init_linear(ks[7], H, D)
    return {
        "h": h, "edge_index": edge_index, "edge_attr": edge_attr,
        "node_mask": node_mask, "edge_mask": edge_mask,
        "W_e1": W_e1, "b_e1": b_e1, "W_e2": W_e2, "b_e2": b_e2,
        "W_att": W_att, "b_att": b_att,
        "W_n1": W_n1, "b_n1": b_n1, "W_n2": W_n2, "b_n2": b_n2,
    }


def reference(h, edge_index, edge_attr, node_mask, edge_mask,
              W_e1, b_e1, W_e2, b_e2, W_att, b_att,
              W_n1, b_n1, W_n2, b_n2):
    row = edge_index[0]
    col = edge_index[1]
    source = jnp.take(h, row, axis=0)
    target = jnp.take(h, col, axis=0)
    # edge_model
    out = jnp.concatenate([source, target, edge_attr], axis=1)
    m = jax.nn.silu(out @ W_e1 + b_e1)
    mij = jax.nn.silu(m @ W_e2 + b_e2)
    att_val = jax.nn.sigmoid(mij @ W_att + b_att)
    edge_feat = mij * att_val
    edge_feat = edge_feat * edge_mask
    # node_model: unsorted_segment_sum over row, normalization 'sum' / NORM
    agg = jnp.zeros((h.shape[0], edge_feat.shape[1]), dtype=edge_feat.dtype).at[row].add(edge_feat)
    agg = agg / NORM
    cat = jnp.concatenate([h, agg], axis=1)
    h_out = h + (jax.nn.silu(cat @ W_n1 + b_n1) @ W_n2 + b_n2)
    h_out = h_out * node_mask
    return (h_out, mij)

if __name__ == "__main__":
    import jax
    _d = setup_inputs()
    print(jax.jit(kernel)(*tuple(_d.values())))

</pallas_src>

<mosaic_0001>
#map = affine_map<(d0, d1) -> (0, 0)>
#map1 = affine_map<(d0, d1) -> (0)>
module attributes {stable_mosaic.version = 14 : i64} {
  func.func @gather_kernel(%arg0: i32, %arg1: i32, %arg2: memref<10000x128xf32, #tpu.memory_space<hbm>>, %arg3: memref<10000x128xf32, #tpu.memory_space<hbm>>, %arg4: memref<156160xi32, #tpu.memory_space<hbm>>, %arg5: memref<156160xi32, #tpu.memory_space<hbm>>, %arg6: memref<156160x64xi32, #tpu.memory_space<hbm>>, %arg7: memref<128xi32, #tpu.memory_space<vmem>>, %arg8: memref<128xi32, #tpu.memory_space<vmem>>, %arg9: memref<128xi32, #tpu.memory_space<vmem>>, %arg10: memref<128xi32, #tpu.memory_space<vmem>>, %arg11: memref<128x128xf32, #tpu.memory_space<vmem>>, %arg12: memref<128x128xf32, #tpu.memory_space<vmem>>, %arg13: memref<128x128xf32, #tpu.memory_space<vmem>>, %arg14: memref<128x128xf32, #tpu.memory_space<vmem>>, %arg15: memref<128x64xi32, #tpu.memory_space<vmem>>, %arg16: memref<128x64xi32, #tpu.memory_space<vmem>>, %arg17: memref<16xi32, #tpu.memory_space<vmem>>, %arg18: memref<16xi32, #tpu.memory_space<vmem>>, %arg19: memref<16x128xf32, #tpu.memory_space<vmem>>, %arg20: memref<16x128xf32, #tpu.memory_space<vmem>>, %arg21: memref<16x64xi32, #tpu.memory_space<vmem>>, %arg22: memref<!tpu.dma_semaphore, #tpu.memory_space<semaphore_mem>>, %arg23: memref<!tpu.dma_semaphore, #tpu.memory_space<semaphore_mem>>, %arg24: memref<!tpu.dma_semaphore, #tpu.memory_space<semaphore_mem>>, %arg25: memref<!tpu.dma_semaphore, #tpu.memory_space<semaphore_mem>>, %arg26: memref<!tpu.dma_semaphore, #tpu.memory_space<semaphore_mem>>, %arg27: memref<!tpu.dma_semaphore, #tpu.memory_space<semaphore_mem>>) attributes {dimension_semantics = [#tpu.dimension_semantics<core_parallel>, #tpu.dimension_semantics<subcore_parallel>], iteration_bounds = array<i64: 2, 16>, scalar_prefetch = 0 : i64, scratch_operands = 21 : i64, tpu.core_type = #tpu.core_type<sc_vector_subcore>, window_params = [{transform_indices = #map}, {transform_indices = #map}, {transform_indices = #map1}, {transform_indices = #map1}, {transform_indices = #map}]} {
    %mul3A = arith.constant 2 : i32
    %mul3A_0 = arith.muli %arg1, %mul3A : i32
    %add3A = arith.addi %mul3A_0, %arg0 : i32
    %mul3A_1 = arith.constant 4880 : i32
    %mul3A_2 = arith.muli %add3A, %mul3A_1 : i32
    %add3A_3 = arith.constant 0 : i32
    %add3A_4 = arith.addi %mul3A_2, %add3A_3 : i32
    "tpu.region"() ({
      %run_scoped3A = tpu.sem_alloc : memref<!tpu.dma_semaphore, #tpu.memory_space<semaphore_mem>>
      %dma_start3A_48 = tpu.memref_slice %arg4[%add3A_4] : memref<156160xi32, #tpu.memory_space<hbm>> -> memref<128xi32, #tpu.memory_space<hbm>>
      %dma_start3A_49 = tpu.memref_slice %arg4[%add3A_4] : memref<156160xi32, #tpu.memory_space<hbm>> -> memref<128xi32, #tpu.memory_space<hbm>>
      tpu.enqueue_dma source(%dma_start3A_49 : memref<128xi32, #tpu.memory_space<hbm>>) target(%arg7 : memref<128xi32, #tpu.memory_space<vmem>>) target_semaphore(%run_scoped3A : memref<!tpu.dma_semaphore, #tpu.memory_space<semaphore_mem>>)
      %dma_wait3A_50 = tpu.memref_slice %arg4[%add3A_4] : memref<156160xi32, #tpu.memory_space<hbm>> -> memref<128xi32, #tpu.memory_space<hbm>>
      %dma_wait3A_51 = tpu.memref_slice %arg4[%add3A_4] : memref<156160xi32, #tpu.memory_space<hbm>> -> memref<128xi32, #tpu.memory_space<hbm>>
      tpu.wait_dma2 semaphore(%run_scoped3A : memref<!tpu.dma_semaphore, #tpu.memory_space<semaphore_mem>>) src(%dma_wait3A_51 : memref<128xi32, #tpu.memory_space<hbm>>) dst(%arg7 : memref<128xi32, #tpu.memory_space<vmem>>)
      tpu.yield
    }) : () -> ()
    "tpu.region"() ({
      %run_scoped3A = tpu.sem_alloc : memref<!tpu.dma_semaphore, #tpu.memory_space<semaphore_mem>>
      %dma_start3A_48 = tpu.memref_slice %arg5[%add3A_4] : memref<156160xi32, #tpu.memory_space<hbm>> -> memref<128xi32, #tpu.memory_space<hbm>>
      %dma_start3A_49 = tpu.memref_slice %arg5[%add3A_4] : memref<156160xi32, #tpu.memory_space<hbm>> -> memref<128xi32, #tpu.memory_space<hbm>>
      tpu.enqueue_dma source(%dma_start3A_49 : memref<128xi32, #tpu.memory_space<hbm>>) target(%arg9 : memref<128xi32, #tpu.memory_space<vmem>>) target_semaphore(%run_scoped3A : memref<!tpu.dma_semaphore, #tpu.memory_space<semaphore_mem>>)
      %dma_wait3A_50 = tpu.memref_slice %arg5[%add3A_4] : memref<156160xi32, #tpu.memory_space<hbm>> -> memref<128xi32, #tpu.memory_space<hbm>>
      %dma_wait3A_51 = tpu.memref_slice %arg5[%add3A_4] : memref<156160xi32, #tpu.memory_space<hbm>> -> memref<128xi32, #tpu.memory_space<hbm>>
      tpu.wait_dma2 semaphore(%run_scoped3A : memref<!tpu.dma_semaphore, #tpu.memory_space<semaphore_mem>>) src(%dma_wait3A_51 : memref<128xi32, #tpu.memory_space<hbm>>) dst(%arg9 : memref<128xi32, #tpu.memory_space<vmem>>)
      tpu.yield
    }) : () -> ()
    %dma_start3A = arith.constant 0 : i32
    %dma_start3A_5 = arith.constant 0 : i32
    %dma_start3A_6 = tpu.memref_slice %arg2[%dma_start3A, %dma_start3A_5] : memref<10000x128xf32, #tpu.memory_space<hbm>> -> memref<10000x128xf32, #tpu.memory_space<hbm>>
    tpu.enqueue_indirect_dma source(%dma_start3A_6 : memref<10000x128xf32, #tpu.memory_space<hbm>>) target(%arg11 : memref<128x128xf32, #tpu.memory_space<vmem>>) offsets(%arg7 : memref<128xi32, #tpu.memory_space<vmem>>) semaphore(%arg22 : memref<!tpu.dma_semaphore, #tpu.memory_space<semaphore_mem>>)
    %dma_start3A_7 = arith.constant 0 : i32
    %dma_start3A_8 = arith.constant 0 : i32
    %dma_start3A_9 = tpu.memref_slice %arg3[%dma_start3A_7, %dma_start3A_8] : memref<10000x128xf32, #tpu.memory_space<hbm>> -> memref<10000x128xf32, #tpu.memory_space<hbm>>
    tpu.enqueue_indirect_dma source(%dma_start3A_9 : memref<10000x128xf32, #tpu.memory_space<hbm>>) target(%arg13 : memref<128x128xf32, #tpu.memory_space<vmem>>) offsets(%arg9 : memref<128xi32, #tpu.memory_space<vmem>>) semaphore(%arg24 : memref<!tpu.dma_semaphore, #tpu.memory_space<semaphore_mem>>)
    %scan3A = arith.constant 0 : i32
    %scan3A_10 = arith.constant 0 : i32
    %scan3A_11 = arith.constant 19 : i32
    %scan3A_12 = arith.addi %scan3A_10, %scan3A_11 : i32
    %scan3A_13 = arith.constant 1 : i32
    %scan3A_14 = scf.for %scan3A_48 = %scan3A_10 to %scan3A_12 step %scan3A_13 iter_args(%scan3A_49 = %scan3A) -> (i32)  : i32 {
      %mul3A_50 = arith.constant 2 : i32
      %mul3A_51 = arith.muli %scan3A_48, %mul3A_50 : i32
      %add3A_52 = arith.constant 0 : i32
      %add3A_53 = arith.addi %mul3A_51, %add3A_52 : i32
      %add3A_54 = arith.constant 1 : i32
      %add3A_55 = arith.addi %add3A_53, %add3A_54 : i32
      %lt3A = arith.constant 38 : i32
      %lt3A_56 = arith.cmpi slt, %add3A_55, %lt3A : i32
      %convert_element_type3A = arith.extui %lt3A_56 : i1 to i32
      %cond3A = arith.constant 0 : i32
      %cond3A_57 = arith.cmpi ne, %convert_element_type3A, %cond3A : i32
      scf.if %cond3A_57 {
        %add3A_119 = arith.constant 1 : i32
        %add3A_120 = arith.addi %add3A_53, %add3A_119 : i32
        %mul3A_121 = arith.constant 128 : i32
        %mul3A_122 = arith.muli %add3A_120, %mul3A_121 : i32
        %add3A_123 = arith.addi %mul3A_2, %mul3A_122 : i32
        "tpu.region"() ({
          %run_scoped3A = tpu.sem_alloc : memref<!tpu.dma_semaphore, #tpu.memory_space<semaphore_mem>>
          %dma_start3A_130 = tpu.memref_slice %arg4[%add3A_123] : memref<156160xi32, #tpu.memory_space<hbm>> -> memref<128xi32, #tpu.memory_space<hbm>>
          %dma_start3A_131 = tpu.memref_slice %arg4[%add3A_123] : memref<156160xi32, #tpu.memory_space<hbm>> -> memref<128xi32, #tpu.memory_space<hbm>>
          tpu.enqueue_dma source(%dma_start3A_131 : memref<128xi32, #tpu.memory_space<hbm>>) target(%arg8 : memref<128xi32, #tpu.memory_space<vmem>>) target_semaphore(%run_scoped3A : memref<!tpu.dma_semaphore, #tpu.memory_space<semaphore_mem>>)
          %dma_wait3A_132 = tpu.memref_slice %arg4[%add3A_123] : memref<156160xi32, #tpu.memory_space<hbm>> -> memref<128xi32, #tpu.memory_space<hbm>>
          %dma_wait3A_133 = tpu.memref_slice %arg4[%add3A_123] : memref<156160xi32, #tpu.memory_space<hbm>> -> memref<128xi32, #tpu.memory_space<hbm>>
          tpu.wait_dma2 semaphore(%run_scoped3A : memref<!tpu.dma_semaphore, #tpu.memory_space<semaphore_mem>>) src(%dma_wait3A_133 : memref<128xi32, #tpu.memory_space<hbm>>) dst(%arg8 : memref<128xi32, #tpu.memory_space<vmem>>)
          tpu.yield
        }) : () -> ()
        "tpu.region"() ({
          %run_scoped3A = tpu.sem_alloc : memref<!tpu.dma_semaphore, #tpu.memory_space<semaphore_mem>>
          %dma_start3A_130 = tpu.memref_slice %arg5[%add3A_123] : memref<156160xi32, #tpu.memory_space<hbm>> -> memref<128xi32, #tpu.memory_space<hbm>>
          %dma_start3A_131 = tpu.memref_slice %arg5[%add3A_123] : memref<156160xi32, #tpu.memory_space<hbm>> -> memref<128xi32, #tpu.memory_space<hbm>>
          tpu.enqueue_dma source(%dma_start3A_131 : memref<128xi32, #tpu.memory_space<hbm>>) target(%arg10 : memref<128xi32, #tpu.memory_space<vmem>>) target_semaphore(%run_scoped3A : memref<!tpu.dma_semaphore, #tpu.memory_space<semaphore_mem>>)
          %dma_wait3A_132 = tpu.memref_slice %arg5[%add3A_123] : memref<156160xi32, #tpu.memory_space<hbm>> -> memref<128xi32, #tpu.memory_space<hbm>>
          %dma_wait3A_133 = tpu.memref_slice %arg5[%add3A_123] : memref<156160xi32, #tpu.memory_space<hbm>> -> memref<128xi32, #tpu.memory_space<hbm>>
          tpu.wait_dma2 semaphore(%run_scoped3A : memref<!tpu.dma_semaphore, #tpu.memory_space<semaphore_mem>>) src(%dma_wait3A_133 : memref<128xi32, #tpu.memory_space<hbm>>) dst(%arg10 : memref<128xi32, #tpu.memory_space<vmem>>)
          tpu.yield
        }) : () -> ()
        %dma_start3A_124 = arith.constant 0 : i32
        %dma_start3A_125 = arith.constant 0 : i32
        %dma_start3A_126 = tpu.memref_slice %arg2[%dma_start3A_124, %dma_start3A_125] : memref<10000x128xf32, #tpu.memory_space<hbm>> -> memref<10000x128xf32, #tpu.memory_space<hbm>>
        tpu.enqueue_indirect_dma source(%dma_start3A_126 : memref<10000x128xf32, #tpu.memory_space<hbm>>) target(%arg12 : memref<128x128xf32, #tpu.memory_space<vmem>>) offsets(%arg8 : memref<128xi32, #tpu.memory_space<vmem>>) semaphore(%arg23 : memref<!tpu.dma_semaphore, #tpu.memory_space<semaphore_mem>>)
        %dma_start3A_127 = arith.constant 0 : i32
        %dma_start3A_128 = arith.constant 0 : i32
        %dma_start3A_129 = tpu.memref_slice %arg3[%dma_start3A_127, %dma_start3A_128] : memref<10000x128xf32, #tpu.memory_space<hbm>> -> memref<10000x128xf32, #tpu.memory_space<hbm>>
        tpu.enqueue_indirect_dma source(%dma_start3A_129 : memref<10000x128xf32, #tpu.memory_space<hbm>>) target(%arg14 : memref<128x128xf32, #tpu.memory_space<vmem>>) offsets(%arg10 : memref<128xi32, #tpu.memory_space<vmem>>) semaphore(%arg25 : memref<!tpu.dma_semaphore, #tpu.memory_space<semaphore_mem>>)
      } else {
      }
      %dma_wait3A_58 = arith.constant 0 : i32
      %dma_wait3A_59 = arith.constant 0 : i32
      %dma_wait3A_60 = tpu.memref_slice %arg2[%dma_wait3A_58, %dma_wait3A_59] : memref<10000x128xf32, #tpu.memory_space<hbm>> -> memref<10000x128xf32, #tpu.memory_space<hbm>>
      tpu.wait_indirect_dma semaphore(%arg22 : memref<!tpu.dma_semaphore, #tpu.memory_space<semaphore_mem>>) src(%dma_wait3A_60 : memref<10000x128xf32, #tpu.memory_space<hbm>>) dst(%arg11 : memref<128x128xf32, #tpu.memory_space<vmem>>)
      %dma_wait3A_61 = arith.constant 0 : i32
      %dma_wait3A_62 = arith.constant 0 : i32
      %dma_wait3A_63 = tpu.memref_slice %arg3[%dma_wait3A_61, %dma_wait3A_62] : memref<10000x128xf32, #tpu.memory_space<hbm>> -> memref<10000x128xf32, #tpu.memory_space<hbm>>
      tpu.wait_indirect_dma semaphore(%arg24 : memref<!tpu.dma_semaphore, #tpu.memory_space<semaphore_mem>>) src(%dma_wait3A_63 : memref<10000x128xf32, #tpu.memory_space<hbm>>) dst(%arg13 : memref<128x128xf32, #tpu.memory_space<vmem>>)
      %ge3A = arith.constant 2 : i32
      %ge3A_64 = arith.cmpi sge, %add3A_53, %ge3A : i32
      %convert_element_type3A_65 = arith.extui %ge3A_64 : i1 to i32
      %cond3A_66 = arith.constant 0 : i32
      %cond3A_67 = arith.cmpi ne, %convert_element_type3A_65, %cond3A_66 : i32
      scf.if %cond3A_67 {
        %dma_wait3A_119 = arith.constant 0 : i32
        %dma_wait3A_120 = arith.constant 0 : i32
        %dma_wait3A_121 = tpu.memref_slice %arg6[%dma_wait3A_119, %dma_wait3A_120] : memref<156160x64xi32, #tpu.memory_space<hbm>> -> memref<128x64xi32, #tpu.memory_space<hbm>>
        %dma_wait3A_122 = arith.constant 0 : i32
        %dma_wait3A_123 = arith.constant 0 : i32
        %dma_wait3A_124 = tpu.memref_slice %arg6[%dma_wait3A_122, %dma_wait3A_123] : memref<156160x64xi32, #tpu.memory_space<hbm>> -> memref<128x64xi32, #tpu.memory_space<hbm>>
        tpu.wait_dma2 semaphore(%arg26 : memref<!tpu.dma_semaphore, #tpu.memory_space<semaphore_mem>>) src(%arg15 : memref<128x64xi32, #tpu.memory_space<vmem>>) dst(%dma_wait3A_124 : memref<128x64xi32, #tpu.memory_space<hbm>>)
      } else {
      }
      %scan3A_68 = arith.constant 0 : i32
      %scan3A_69 = arith.constant 0 : i32
      %scan3A_70 = arith.constant 128 : i32
      %scan3A_71 = arith.addi %scan3A_69, %scan3A_70 : i32
      %scan3A_72 = arith.constant 1 : i32
      %scan3A_73 = scf.for %scan3A_119 = %scan3A_69 to %scan3A_71 step %scan3A_72 iter_args(%scan3A_120 = %scan3A_68) -> (i32)  : i32 {
        %get3A = arith.index_cast %scan3A_119 : i32 to index
        %get3A_121 = arith.constant 0 : index
        %get3A_122 = tpu.vector_load %arg11[%get3A, %get3A_121] {strides = array<i32>} : memref<128x128xf32, #tpu.memory_space<vmem>>, vector<1x16xf32>,
        %get3A_123 = vector.shape_cast %get3A_122 : vector<1x16xf32> to vector<16xf32>
        %get3A_124 = arith.index_cast %scan3A_119 : i32 to index
        %get3A_125 = arith.constant 0 : index
        %get3A_126 = tpu.vector_load %arg13[%get3A_124, %get3A_125] {strides = array<i32>} : memref<128x128xf32, #tpu.memory_space<vmem>>, vector<1x16xf32>,
        %get3A_127 = vector.shape_cast %get3A_126 : vector<1x16xf32> to vector<16xf32>
        %add3A_128 = arith.addf %get3A_123, %get3A_127 : vector<16xf32>
        %get3A_129 = arith.index_cast %scan3A_119 : i32 to index
        %get3A_130 = arith.constant 16 : index
        %get3A_131 = tpu.vector_load %arg11[%get3A_129, %get3A_130] {strides = array<i32>} : memref<128x128xf32, #tpu.memory_space<vmem>>, vector<1x16xf32>,
        %get3A_132 = vector.shape_cast %get3A_131 : vector<1x16xf32> to vector<16xf32>
        %get3A_133 = arith.index_cast %scan3A_119 : i32 to index
        %get3A_134 = arith.constant 16 : index
        %get3A_135 = tpu.vector_load %arg13[%get3A_133, %get3A_134] {strides = array<i32>} : memref<128x128xf32, #tpu.memory_space<vmem>>, vector<1x16xf32>,
        %get3A_136 = vector.shape_cast %get3A_135 : vector<1x16xf32> to vector<16xf32>
        %add3A_137 = arith.addf %get3A_132, %get3A_136 : vector<16xf32>
        %bitcast_convert_type3A = tpu.bitcast %add3A_128 : vector<16xf32> -> vector<16xi32>
        %add3A_138 = arith.constant 32768 : i32
        %add3A_139 = vector.broadcast %add3A_138 : i32 to vector<16xi32>
        %add3A_140 = arith.addi %bitcast_convert_type3A, %add3A_139 : vector<16xi32>
        %shift_right_logical3A = arith.constant 16 : i32
        %shift_right_logical3A_141 = vector.broadcast %shift_right_logical3A : i32 to vector<16xi32>
        %shift_right_logical3A_142 = arith.shrui %add3A_140, %shift_right_logical3A_141 : vector<16xi32>
        %bitcast_convert_type3A_143 = tpu.bitcast %add3A_137 : vector<16xf32> -> vector<16xi32>
        %add3A_144 = arith.constant 32768 : i32
        %add3A_145 = vector.broadcast %add3A_144 : i32 to vector<16xi32>
        %add3A_146 = arith.addi %bitcast_convert_type3A_143, %add3A_145 : vector<16xi32>
        %and3A = arith.constant -65536 : i32
        %and3A_147 = vector.broadcast %and3A : i32 to vector<16xi32>
        %and3A_148 = arith.andi %add3A_146, %and3A_147 : vector<16xi32>
        %or3A = arith.ori %and3A_148, %shift_right_logical3A_142 : vector<16xi32>
        %swap3A = arith.index_cast %scan3A_119 : i32 to index
        %swap3A_149 = arith.constant 0 : index
        %swap3A_150 = tpu.vector_load %arg15[%swap3A, %swap3A_149] {strides = array<i32>} : memref<128x64xi32, #tpu.memory_space<vmem>>, vector<1x16xi32>,
        %swap3A_151 = vector.shape_cast %swap3A_150 : vector<1x16xi32> to vector<16xi32>
        %swap3A_152 = vector.shape_cast %or3A : vector<16xi32> to vector<1x16xi32>
        tpu.vector_store %arg15[%swap3A, %swap3A_149], %swap3A_152 {strides = array<i32>} : memref<128x64xi32, #tpu.memory_space<vmem>>, vector<1x16xi32>,
        %get3A_153 = arith.index_cast %scan3A_119 : i32 to index
        %get3A_154 = arith.constant 32 : index
        %get3A_155 = tpu.vector_load %arg11[%get3A_153, %get3A_154] {strides = array<i32>} : memref<128x128xf32, #tpu.memory_space<vmem>>, vector<1x16xf32>,
        %get3A_156 = vector.shape_cast %get3A_155 : vector<1x16xf32> to vector<16xf32>
        %get3A_157 = arith.index_cast %scan3A_119 : i32 to index
        %get3A_158 = arith.constant 32 : index
        %get3A_159 = tpu.vector_load %arg13[%get3A_157, %get3A_158] {strides = array<i32>} : memref<128x128xf32, #tpu.memory_space<vmem>>, vector<1x16xf32>,
        %get3A_160 = vector.shape_cast %get3A_159 : vector<1x16xf32> to vector<16xf32>
        %add3A_161 = arith.addf %get3A_156, %get3A_160 : vector<16xf32>
        %get3A_162 = arith.index_cast %scan3A_119 : i32 to index
        %get3A_163 = arith.constant 48 : index
        %get3A_164 = tpu.vector_load %arg11[%get3A_162, %get3A_163] {strides = array<i32>} : memref<128x128xf32, #tpu.memory_space<vmem>>, vector<1x16xf32>,
        %get3A_165 = vector.shape_cast %get3A_164 : vector<1x16xf32> to vector<16xf32>
        %get3A_166 = arith.index_cast %scan3A_119 : i32 to index
        %get3A_167 = arith.constant 48 : index
        %get3A_168 = tpu.vector_load %arg13[%get3A_166, %get3A_167] {strides = array<i32>} : memref<128x128xf32, #tpu.memory_space<vmem>>, vector<1x16xf32>,
        %get3A_169 = vector.shape_cast %get3A_168 : vector<1x16xf32> to vector<16xf32>
        %add3A_170 = arith.addf %get3A_165, %get3A_169 : vector<16xf32>
        %bitcast_convert_type3A_171 = tpu.bitcast %add3A_161 : vector<16xf32> -> vector<16xi32>
        %add3A_172 = arith.constant 32768 : i32
        %add3A_173 = vector.broadcast %add3A_172 : i32 to vector<16xi32>
        %add3A_174 = arith.addi %bitcast_convert_type3A_171, %add3A_173 : vector<16xi32>
        %shift_right_logical3A_175 = arith.constant 16 : i32
        %shift_right_logical3A_176 = vector.broadcast %shift_right_logical3A_175 : i32 to vector<16xi32>
        %shift_right_logical3A_177 = arith.shrui %add3A_174, %shift_right_logical3A_176 : vector<16xi32>
        %bitcast_convert_type3A_178 = tpu.bitcast %add3A_170 : vector<16xf32> -> vector<16xi32>
        %add3A_179 = arith.constant 32768 : i32
        %add3A_180 = vector.broadcast %add3A_179 : i32 to vector<16xi32>
        %add3A_181 = arith.addi %bitcast_convert_type3A_178, %add3A_180 : vector<16xi32>
        %and3A_182 = arith.constant -65536 : i32
        %and3A_183 = vector.broadcast %and3A_182 : i32 to vector<16xi32>
        %and3A_184 = arith.andi %add3A_181, %and3A_183 : vector<16xi32>
        %or3A_185 = arith.ori %and3A_184, %shift_right_logical3A_177 : vector<16xi32>
        %swap3A_186 = arith.index_cast %scan3A_119 : i32 to index
        %swap3A_187 = arith.constant 16 : index
        %swap3A_188 = tpu.vector_load %arg15[%swap3A_186, %swap3A_187] {strides = array<i32>} : memref<128x64xi32, #tpu.memory_space<vmem>>, vector<1x16xi32>,
        %swap3A_189 = vector.shape_cast %swap3A_188 : vector<1x16xi32> to vector<16xi32>
        %swap3A_190 = vector.shape_cast %or3A_185 : vector<16xi32> to vector<1x16xi32>
        tpu.vector_store %arg15[%swap3A_186, %swap3A_187], %swap3A_190 {strides = array<i32>} : memref<128x64xi32, #tpu.memory_space<vmem>>, vector<1x16xi32>,
        %get3A_191 = arith.index_cast %scan3A_119 : i32 to index
        %get3A_192 = arith.constant 64 : index
        %get3A_193 = tpu.vector_load %arg11[%get3A_191, %get3A_192] {strides = array<i32>} : memref<128x128xf32, #tpu.memory_space<vmem>>, vector<1x16xf32>,
        %get3A_194 = vector.shape_cast %get3A_193 : vector<1x16xf32> to vector<16xf32>
        %get3A_195 = arith.index_cast %scan3A_119 : i32 to index
        %get3A_196 = arith.constant 64 : index
        %get3A_197 = tpu.vector_load %arg13[%get3A_195, %get3A_196] {strides = array<i32>} : memref<128x128xf32, #tpu.memory_space<vmem>>, vector<1x16xf32>,
        %get3A_198 = vector.shape_cast %get3A_197 : vector<1x16xf32> to vector<16xf32>
        %add3A_199 = arith.addf %get3A_194, %get3A_198 : vector<16xf32>
        %get3A_200 = arith.index_cast %scan3A_119 : i32 to index
        %get3A_201 = arith.constant 80 : index
        %get3A_202 = tpu.vector_load %arg11[%get3A_200, %get3A_201] {strides = array<i32>} : memref<128x128xf32, #tpu.memory_space<vmem>>, vector<1x16xf32>,
        %get3A_203 = vector.shape_cast %get3A_202 : vector<1x16xf32> to vector<16xf32>
        %get3A_204 = arith.index_cast %scan3A_119 : i32 to index
        %get3A_205 = arith.constant 80 : index
        %get3A_206 = tpu.vector_load %arg13[%get3A_204, %get3A_205] {strides = array<i32>} : memref<128x128xf32, #tpu.memory_space<vmem>>, vector<1x16xf32>,
        %get3A_207 = vector.shape_cast %get3A_206 : vector<1x16xf32> to vector<16xf32>
        %add3A_208 = arith.addf %get3A_203, %get3A_207 : vector<16xf32>
        %bitcast_convert_type3A_209 = tpu.bitcast %add3A_199 : vector<16xf32> -> vector<16xi32>
        %add3A_210 = arith.constant 32768 : i32
        %add3A_211 = vector.broadcast %add3A_210 : i32 to vector<16xi32>
        %add3A_212 = arith.addi %bitcast_convert_type3A_209, %add3A_211 : vector<16xi32>
        %shift_right_logical3A_213 = arith.constant 16 : i32
        %shift_right_logical3A_214 = vector.broadcast %shift_right_logical3A_213 : i32 to vector<16xi32>
        %shift_right_logical3A_215 = arith.shrui %add3A_212, %shift_right_logical3A_214 : vector<16xi32>
        %bitcast_convert_type3A_216 = tpu.bitcast %add3A_208 : vector<16xf32> -> vector<16xi32>
        %add3A_217 = arith.constant 32768 : i32
        %add3A_218 = vector.broadcast %add3A_217 : i32 to vector<16xi32>
        %add3A_219 = arith.addi %bitcast_convert_type3A_216, %add3A_218 : vector<16xi32>
        %and3A_220 = arith.constant -65536 : i32
        %and3A_221 = vector.broadcast %and3A_220 : i32 to vector<16xi32>
        %and3A_222 = arith.andi %add3A_219, %and3A_221 : vector<16xi32>
        %or3A_223 = arith.ori %and3A_222, %shift_right_logical3A_215 : vector<16xi32>
        %swap3A_224 = arith.index_cast %scan3A_119 : i32 to index
        %swap3A_225 = arith.constant 32 : index
        %swap3A_226 = tpu.vector_load %arg15[%swap3A_224, %swap3A_225] {strides = array<i32>} : memref<128x64xi32, #tpu.memory_space<vmem>>, vector<1x16xi32>,
        %swap3A_227 = vector.shape_cast %swap3A_226 : vector<1x16xi32> to vector<16xi32>
        %swap3A_228 = vector.shape_cast %or3A_223 : vector<16xi32> to vector<1x16xi32>
        tpu.vector_store %arg15[%swap3A_224, %swap3A_225], %swap3A_228 {strides = array<i32>} : memref<128x64xi32, #tpu.memory_space<vmem>>, vector<1x16xi32>,
        %get3A_229 = arith.index_cast %scan3A_119 : i32 to index
        %get3A_230 = arith.constant 96 : index
        %get3A_231 = tpu.vector_load %arg11[%get3A_229, %get3A_230] {strides = array<i32>} : memref<128x128xf32, #tpu.memory_space<vmem>>, vector<1x16xf32>,
        %get3A_232 = vector.shape_cast %get3A_231 : vector<1x16xf32> to vector<16xf32>
        %get3A_233 = arith.index_cast %scan3A_119 : i32 to index
        %get3A_234 = arith.constant 96 : index
        %get3A_235 = tpu.vector_load %arg13[%get3A_233, %get3A_234] {strides = array<i32>} : memref<128x128xf32, #tpu.memory_space<vmem>>, vector<1x16xf32>,
        %get3A_236 = vector.shape_cast %get3A_235 : vector<1x16xf32> to vector<16xf32>
        %add3A_237 = arith.addf %get3A_232, %get3A_236 : vector<16xf32>
        %get3A_238 = arith.index_cast %scan3A_119 : i32 to index
        %get3A_239 = arith.constant 112 : index
        %get3A_240 = tpu.vector_load %arg11[%get3A_238, %get3A_239] {strides = array<i32>} : memref<128x128xf32, #tpu.memory_space<vmem>>, vector<1x16xf32>,
        %get3A_241 = vector.shape_cast %get3A_240 : vector<1x16xf32> to vector<16xf32>
        %get3A_242 = arith.index_cast %scan3A_119 : i32 to index
        %get3A_243 = arith.constant 112 : index
        %get3A_244 = tpu.vector_load %arg13[%get3A_242, %get3A_243] {strides = array<i32>} : memref<128x128xf32, #tpu.memory_space<vmem>>, vector<1x16xf32>,
        %get3A_245 = vector.shape_cast %get3A_244 : vector<1x16xf32> to vector<16xf32>
        %add3A_246 = arith.addf %get3A_241, %get3A_245 : vector<16xf32>
        %bitcast_convert_type3A_247 = tpu.bitcast %add3A_237 : vector<16xf32> -> vector<16xi32>
        %add3A_248 = arith.constant 32768 : i32
        %add3A_249 = vector.broadcast %add3A_248 : i32 to vector<16xi32>
        %add3A_250 = arith.addi %bitcast_convert_type3A_247, %add3A_249 : vector<16xi32>
        %shift_right_logical3A_251 = arith.constant 16 : i32
        %shift_right_logical3A_252 = vector.broadcast %shift_right_logical3A_251 : i32 to vector<16xi32>
        %shift_right_logical3A_253 = arith.shrui %add3A_250, %shift_right_logical3A_252 : vector<16xi32>
        %bitcast_convert_type3A_254 = tpu.bitcast %add3A_246 : vector<16xf32> -> vector<16xi32>
        %add3A_255 = arith.constant 32768 : i32
        %add3A_256 = vector.broadcast %add3A_255 : i32 to vector<16xi32>
        %add3A_257 = arith.addi %bitcast_convert_type3A_254, %add3A_256 : vector<16xi32>
        %and3A_258 = arith.constant -65536 : i32
        %and3A_259 = vector.broadcast %and3A_258 : i32 to vector<16xi32>
        %and3A_260 = arith.andi %add3A_257, %and3A_259 : vector<16xi32>
        %or3A_261 = arith.ori %and3A_260, %shift_right_logical3A_253 : vector<16xi32>
        %swap3A_262 = arith.index_cast %scan3A_119 : i32 to index
        %swap3A_263 = arith.constant 48 : index
        %swap3A_264 = tpu.vector_load %arg15[%swap3A_262, %swap3A_263] {strides = array<i32>} : memref<128x64xi32, #tpu.memory_space<vmem>>, vector<1x16xi32>,
        %swap3A_265 = vector.shape_cast %swap3A_264 : vector<1x16xi32> to vector<16xi32>
        %swap3A_266 = vector.shape_cast %or3A_261 : vector<16xi32> to vector<1x16xi32>
        tpu.vector_store %arg15[%swap3A_262, %swap3A_263], %swap3A_266 {strides = array<i32>} : memref<128x64xi32, #tpu.memory_space<vmem>>, vector<1x16xi32>,
        %scan3A_267 = arith.constant 0 : i32
        scf.yield %scan3A_267 : i32
      }
      %scan3A_74 = arith.constant 128 : i32
      %mul3A_75 = arith.constant 128 : i32
      %mul3A_76 = arith.muli %add3A_53, %mul3A_75 : i32
      %add3A_77 = arith.addi %mul3A_2, %mul3A_76 : i32
      %dma_start3A_78 = arith.constant 0 : i32
      %dma_start3A_79 = tpu.memref_slice %arg6[%add3A_77, %dma_start3A_78] : memref<156160x64xi32, #tpu.memory_space<hbm>> -> memref<128x64xi32, #tpu.memory_space<hbm>>
      %dma_start3A_80 = arith.constant 0 : i32
      %dma_start3A_81 = tpu.memref_slice %arg6[%add3A_77, %dma_start3A_80] : memref<156160x64xi32, #tpu.memory_space<hbm>> -> memref<128x64xi32, #tpu.memory_space<hbm>>
      tpu.enqueue_dma source(%arg15 : memref<128x64xi32, #tpu.memory_space<vmem>>) target(%dma_start3A_81 : memref<128x64xi32, #tpu.memory_space<hbm>>) target_semaphore(%arg26 : memref<!tpu.dma_semaphore, #tpu.memory_space<semaphore_mem>>)
      %mul3A_82 = arith.constant 2 : i32
      %mul3A_83 = arith.muli %scan3A_48, %mul3A_82 : i32
      %add3A_84 = arith.constant 1 : i32
      %add3A_85 = arith.addi %mul3A_83, %add3A_84 : i32
      %add3A_86 = arith.constant 1 : i32
      %add3A_87 = arith.addi %add3A_85, %add3A_86 : i32
      %lt3A_88 = arith.constant 38 : i32
      %lt3A_89 = arith.cmpi slt, %add3A_87, %lt3A_88 : i32
      %convert_element_type3A_90 = arith.extui %lt3A_89 : i1 to i32
      %cond3A_91 = arith.constant 0 : i32
      %cond3A_92 = arith.cmpi ne, %convert_element_type3A_90, %cond3A_91 : i32
      scf.if %cond3A_92 {
        %add3A_119 = arith.constant 1 : i32
        %add3A_120 = arith.addi %add3A_85, %add3A_119 : i32
        %mul3A_121 = arith.constant 128 : i32
        %mul3A_122 = arith.muli %add3A_120, %mul3A_121 : i32
        %add3A_123 = arith.addi %mul3A_2, %mul3A_122 : i32
        "tpu.region"() ({
          %run_scoped3A = tpu.sem_alloc : memref<!tpu.dma_semaphore, #tpu.memory_space<semaphore_mem>>
          %dma_start3A_130 = tpu.memref_slice %arg4[%add3A_123] : memref<156160xi32, #tpu.memory_space<hbm>> -> memref<128xi32, #tpu.memory_space<hbm>>
          %dma_start3A_131 = tpu.memref_slice %arg4[%add3A_123] : memref<156160xi32, #tpu.memory_space<hbm>> -> memref<128xi32, #tpu.memory_space<hbm>>
          tpu.enqueue_dma source(%dma_start3A_131 : memref<128xi32, #tpu.memory_space<hbm>>) target(%arg7 : memref<128xi32, #tpu.memory_space<vmem>>) target_semaphore(%run_scoped3A : memref<!tpu.dma_semaphore, #tpu.memory_space<semaphore_mem>>)
          %dma_wait3A_132 = tpu.memref_slice %arg4[%add3A_123] : memref<156160xi32, #tpu.memory_space<hbm>> -> memref<128xi32, #tpu.memory_space<hbm>>
          %dma_wait3A_133 = tpu.memref_slice %arg4[%add3A_123] : memref<156160xi32, #tpu.memory_space<hbm>> -> memref<128xi32, #tpu.memory_space<hbm>>
          tpu.wait_dma2 semaphore(%run_scoped3A : memref<!tpu.dma_semaphore, #tpu.memory_space<semaphore_mem>>) src(%dma_wait3A_133 : memref<128xi32, #tpu.memory_space<hbm>>) dst(%arg7 : memref<128xi32, #tpu.memory_space<vmem>>)
          tpu.yield
        }) : () -> ()
        "tpu.region"() ({
          %run_scoped3A = tpu.sem_alloc : memref<!tpu.dma_semaphore, #tpu.memory_space<semaphore_mem>>
          %dma_start3A_130 = tpu.memref_slice %arg5[%add3A_123] : memref<156160xi32, #tpu.memory_space<hbm>> -> memref<128xi32, #tpu.memory_space<hbm>>
          %dma_start3A_131 = tpu.memref_slice %arg5[%add3A_123] : memref<156160xi32, #tpu.memory_space<hbm>> -> memref<128xi32, #tpu.memory_space<hbm>>
          tpu.enqueue_dma source(%dma_start3A_131 : memref<128xi32, #tpu.memory_space<hbm>>) target(%arg9 : memref<128xi32, #tpu.memory_space<vmem>>) target_semaphore(%run_scoped3A : memref<!tpu.dma_semaphore, #tpu.memory_space<semaphore_mem>>)
          %dma_wait3A_132 = tpu.memref_slice %arg5[%add3A_123] : memref<156160xi32, #tpu.memory_space<hbm>> -> memref<128xi32, #tpu.memory_space<hbm>>
          %dma_wait3A_133 = tpu.memref_slice %arg5[%add3A_123] : memref<156160xi32, #tpu.memory_space<hbm>> -> memref<128xi32, #tpu.memory_space<hbm>>
          tpu.wait_dma2 semaphore(%run_scoped3A : memref<!tpu.dma_semaphore, #tpu.memory_space<semaphore_mem>>) src(%dma_wait3A_133 : memref<128xi32, #tpu.memory_space<hbm>>) dst(%arg9 : memref<128xi32, #tpu.memory_space<vmem>>)
          tpu.yield
        }) : () -> ()
        %dma_start3A_124 = arith.constant 0 : i32
        %dma_start3A_125 = arith.constant 0 : i32
        %dma_start3A_126 = tpu.memref_slice %arg2[%dma_start3A_124, %dma_start3A_125] : memref<10000x128xf32, #tpu.memory_space<hbm>> -> memref<10000x128xf32, #tpu.memory_space<hbm>>
        tpu.enqueue_indirect_dma source(%dma_start3A_126 : memref<10000x128xf32, #tpu.memory_space<hbm>>) target(%arg11 : memref<128x128xf32, #tpu.memory_space<vmem>>) offsets(%arg7 : memref<128xi32, #tpu.memory_space<vmem>>) semaphore(%arg22 : memref<!tpu.dma_semaphore, #tpu.memory_space<semaphore_mem>>)
        %dma_start3A_127 = arith.constant 0 : i32
        %dma_start3A_128 = arith.constant 0 : i32
        %dma_start3A_129 = tpu.memref_slice %arg3[%dma_start3A_127, %dma_start3A_128] : memref<10000x128xf32, #tpu.memory_space<hbm>> -> memref<10000x128xf32, #tpu.memory_space<hbm>>
        tpu.enqueue_indirect_dma source(%dma_start3A_129 : memref<10000x128xf32, #tpu.memory_space<hbm>>) target(%arg13 : memref<128x128xf32, #tpu.memory_space<vmem>>) offsets(%arg9 : memref<128xi32, #tpu.memory_space<vmem>>) semaphore(%arg24 : memref<!tpu.dma_semaphore, #tpu.memory_space<semaphore_mem>>)
      } else {
      }
      %dma_wait3A_93 = arith.constant 0 : i32
      %dma_wait3A_94 = arith.constant 0 : i32
      %dma_wait3A_95 = tpu.memref_slice %arg2[%dma_wait3A_93, %dma_wait3A_94] : memref<10000x128xf32, #tpu.memory_space<hbm>> -> memref<10000x128xf32, #tpu.memory_space<hbm>>
      tpu.wait_indirect_dma semaphore(%arg23 : memref<!tpu.dma_semaphore, #tpu.memory_space<semaphore_mem>>) src(%dma_wait3A_95 : memref<10000x128xf32, #tpu.memory_space<hbm>>) dst(%arg12 : memref<128x128xf32, #tpu.memory_space<vmem>>)
      %dma_wait3A_96 = arith.constant 0 : i32
      %dma_wait3A_97 = arith.constant 0 : i32
      %dma_wait3A_98 = tpu.memref_slice %arg3[%dma_wait3A_96, %dma_wait3A_97] : memref<10000x128xf32, #tpu.memory_space<hbm>> -> memref<10000x128xf32, #tpu.memory_space<hbm>>
      tpu.wait_indirect_dma semaphore(%arg25 : memref<!tpu.dma_semaphore, #tpu.memory_space<semaphore_mem>>) src(%dma_wait3A_98 : memref<10000x128xf32, #tpu.memory_space<hbm>>) dst(%arg14 : memref<128x128xf32, #tpu.memory_space<vmem>>)
      %ge3A_99 = arith.constant 2 : i32
      %ge3A_100 = arith.cmpi sge, %add3A_85, %ge3A_99 : i32
      %convert_element_type3A_101 = arith.extui %ge3A_100 : i1 to i32
      %cond3A_102 = arith.constant 0 : i32
      %cond3A_103 = arith.cmpi ne, %convert_element_type3A_101, %cond3A_102 : i32
      scf.if %cond3A_103 {
        %dma_wait3A_119 = arith.constant 0 : i32
        %dma_wait3A_120 = arith.constant 0 : i32
        %dma_wait3A_121 = tpu.memref_slice %arg6[%dma_wait3A_119, %dma_wait3A_120] : memref<156160x64xi32, #tpu.memory_space<hbm>> -> memref<128x64xi32, #tpu.memory_space<hbm>>
        %dma_wait3A_122 = arith.constant 0 : i32
        %dma_wait3A_123 = arith.constant 0 : i32
        %dma_wait3A_124 = tpu.memref_slice %arg6[%dma_wait3A_122, %dma_wait3A_123] : memref<156160x64xi32, #tpu.memory_space<hbm>> -> memref<128x64xi32, #tpu.memory_space<hbm>>
        tpu.wait_dma2 semaphore(%arg27 : memref<!tpu.dma_semaphore, #tpu.memory_space<semaphore_mem>>) src(%arg16 : memref<128x64xi32, #tpu.memory_space<vmem>>) dst(%dma_wait3A_124 : memref<128x64xi32, #tpu.memory_space<hbm>>)
      } else {
      }
      %scan3A_104 = arith.constant 0 : i32
      %scan3A_105 = arith.constant 0 : i32
      %scan3A_106 = arith.constant 128 : i32
      %scan3A_107 = arith.addi %scan3A_105, %scan3A_106 : i32
      %scan3A_108 = arith.constant 1 : i32
      %scan3A_109 = scf.for %scan3A_119 = %scan3A_105 to %scan3A_107 step %scan3A_108 iter_args(%scan3A_120 = %scan3A_104) -> (i32)  : i32 {
        %get3A = arith.index_cast %scan3A_119 : i32 to index
        %get3A_121 = arith.constant 0 : index
        %get3A_122 = tpu.vector_load %arg12[%get3A, %get3A_121] {strides = array<i32>} : memref<128x128xf32, #tpu.memory_space<vmem>>, vector<1x16xf32>,
        %get3A_123 = vector.shape_cast %get3A_122 : vector<1x16xf32> to vector<16xf32>
        %get3A_124 = arith.index_cast %scan3A_119 : i32 to index
        %get3A_125 = arith.constant 0 : index
        %get3A_126 = tpu.vector_load %arg14[%get3A_124, %get3A_125] {strides = array<i32>} : memref<128x128xf32, #tpu.memory_space<vmem>>, vector<1x16xf32>,
        %get3A_127 = vector.shape_cast %get3A_126 : vector<1x16xf32> to vector<16xf32>
        %add3A_128 = arith.addf %get3A_123, %get3A_127 : vector<16xf32>
        %get3A_129 = arith.index_cast %scan3A_119 : i32 to index
        %get3A_130 = arith.constant 16 : index
        %get3A_131 = tpu.vector_load %arg12[%get3A_129, %get3A_130] {strides = array<i32>} : memref<128x128xf32, #tpu.memory_space<vmem>>, vector<1x16xf32>,
        %get3A_132 = vector.shape_cast %get3A_131 : vector<1x16xf32> to vector<16xf32>
        %get3A_133 = arith.index_cast %scan3A_119 : i32 to index
        %get3A_134 = arith.constant 16 : index
        %get3A_135 = tpu.vector_load %arg14[%get3A_133, %get3A_134] {strides = array<i32>} : memref<128x128xf32, #tpu.memory_space<vmem>>, vector<1x16xf32>,
        %get3A_136 = vector.shape_cast %get3A_135 : vector<1x16xf32> to vector<16xf32>
        %add3A_137 = arith.addf %get3A_132, %get3A_136 : vector<16xf32>
        %bitcast_convert_type3A = tpu.bitcast %add3A_128 : vector<16xf32> -> vector<16xi32>
        %add3A_138 = arith.constant 32768 : i32
        %add3A_139 = vector.broadcast %add3A_138 : i32 to vector<16xi32>
        %add3A_140 = arith.addi %bitcast_convert_type3A, %add3A_139 : vector<16xi32>
        %shift_right_logical3A = arith.constant 16 : i32
        %shift_right_logical3A_141 = vector.broadcast %shift_right_logical3A : i32 to vector<16xi32>
        %shift_right_logical3A_142 = arith.shrui %add3A_140, %shift_right_logical3A_141 : vector<16xi32>
        %bitcast_convert_type3A_143 = tpu.bitcast %add3A_137 : vector<16xf32> -> vector<16xi32>
        %add3A_144 = arith.constant 32768 : i32
        %add3A_145 = vector.broadcast %add3A_144 : i32 to vector<16xi32>
        %add3A_146 = arith.addi %bitcast_convert_type3A_143, %add3A_145 : vector<16xi32>
        %and3A = arith.constant -65536 : i32
        %and3A_147 = vector.broadcast %and3A : i32 to vector<16xi32>
        %and3A_148 = arith.andi %add3A_146, %and3A_147 : vector<16xi32>
        %or3A = arith.ori %and3A_148, %shift_right_logical3A_142 : vector<16xi32>
        %swap3A = arith.index_cast %scan3A_119 : i32 to index
        %swap3A_149 = arith.constant 0 : index
        %swap3A_150 = tpu.vector_load %arg16[%swap3A, %swap3A_149] {strides = array<i32>} : memref<128x64xi32, #tpu.memory_space<vmem>>, vector<1x16xi32>,
        %swap3A_151 = vector.shape_cast %swap3A_150 : vector<1x16xi32> to vector<16xi32>
        %swap3A_152 = vector.shape_cast %or3A : vector<16xi32> to vector<1x16xi32>
        tpu.vector_store %arg16[%swap3A, %swap3A_149], %swap3A_152 {strides = array<i32>} : memref<128x64xi32, #tpu.memory_space<vmem>>, vector<1x16xi32>,
        %get3A_153 = arith.index_cast %scan3A_119 : i32 to index
        %get3A_154 = arith.constant 32 : index
        %get3A_155 = tpu.vector_load %arg12[%get3A_153, %get3A_154] {strides = array<i32>} : memref<128x128xf32, #tpu.memory_space<vmem>>, vector<1x16xf32>,
        %get3A_156 = vector.shape_cast %get3A_155 : vector<1x16xf32> to vector<16xf32>
        %get3A_157 = arith.index_cast %scan3A_119 : i32 to index
        %get3A_158 = arith.constant 32 : index
        %get3A_159 = tpu.vector_load %arg14[%get3A_157, %get3A_158] {strides = array<i32>} : memref<128x128xf32, #tpu.memory_space<vmem>>, vector<1x16xf32>,
        %get3A_160 = vector.shape_cast %get3A_159 : vector<1x16xf32> to vector<16xf32>
        %add3A_161 = arith.addf %get3A_156, %get3A_160 : vector<16xf32>
        %get3A_162 = arith.index_cast %scan3A_119 : i32 to index
        %get3A_163 = arith.constant 48 : index
        %get3A_164 = tpu.vector_load %arg12[%get3A_162, %get3A_163] {strides = array<i32>} : memref<128x128xf32, #tpu.memory_space<vmem>>, vector<1x16xf32>,
        %get3A_165 = vector.shape_cast %get3A_164 : vector<1x16xf32> to vector<16xf32>
        %get3A_166 = arith.index_cast %scan3A_119 : i32 to index
        %get3A_167 = arith.constant 48 : index
        %get3A_168 = tpu.vector_load %arg14[%get3A_166, %get3A_167] {strides = array<i32>} : memref<128x128xf32, #tpu.memory_space<vmem>>, vector<1x16xf32>,
        %get3A_169 = vector.shape_cast %get3A_168 : vector<1x16xf32> to vector<16xf32>
        %add3A_170 = arith.addf %get3A_165, %get3A_169 : vector<16xf32>
        %bitcast_convert_type3A_171 = tpu.bitcast %add3A_161 : vector<16xf32> -> vector<16xi32>
        %add3A_172 = arith.constant 32768 : i32
        %add3A_173 = vector.broadcast %add3A_172 : i32 to vector<16xi32>
        %add3A_174 = arith.addi %bitcast_convert_type3A_171, %add3A_173 : vector<16xi32>
        %shift_right_logical3A_175 = arith.constant 16 : i32
        %shift_right_logical3A_176 = vector.broadcast %shift_right_logical3A_175 : i32 to vector<16xi32>
        %shift_right_logical3A_177 = arith.shrui %add3A_174, %shift_right_logical3A_176 : vector<16xi32>
        %bitcast_convert_type3A_178 = tpu.bitcast %add3A_170 : vector<16xf32> -> vector<16xi32>
        %add3A_179 = arith.constant 32768 : i32
        %add3A_180 = vector.broadcast %add3A_179 : i32 to vector<16xi32>
        %add3A_181 = arith.addi %bitcast_convert_type3A_178, %add3A_180 : vector<16xi32>
        %and3A_182 = arith.constant -65536 : i32
        %and3A_183 = vector.broadcast %and3A_182 : i32 to vector<16xi32>
        %and3A_184 = arith.andi %add3A_181, %and3A_183 : vector<16xi32>
        %or3A_185 = arith.ori %and3A_184, %shift_right_logical3A_177 : vector<16xi32>
        %swap3A_186 = arith.index_cast %scan3A_119 : i32 to index
        %swap3A_187 = arith.constant 16 : index
        %swap3A_188 = tpu.vector_load %arg16[%swap3A_186, %swap3A_187] {strides = array<i32>} : memref<128x64xi32, #tpu.memory_space<vmem>>, vector<1x16xi32>,
        %swap3A_189 = vector.shape_cast %swap3A_188 : vector<1x16xi32> to vector<16xi32>
        %swap3A_190 = vector.shape_cast %or3A_185 : vector<16xi32> to vector<1x16xi32>
        tpu.vector_store %arg16[%swap3A_186, %swap3A_187], %swap3A_190 {strides = array<i32>} : memref<128x64xi32, #tpu.memory_space<vmem>>, vector<1x16xi32>,
        %get3A_191 = arith.index_cast %scan3A_119 : i32 to index
        %get3A_192 = arith.constant 64 : index
        %get3A_193 = tpu.vector_load %arg12[%get3A_191, %get3A_192] {strides = array<i32>} : memref<128x128xf32, #tpu.memory_space<vmem>>, vector<1x16xf32>,
        %get3A_194 = vector.shape_cast %get3A_193 : vector<1x16xf32> to vector<16xf32>
        %get3A_195 = arith.index_cast %scan3A_119 : i32 to index
        %get3A_196 = arith.constant 64 : index
        %get3A_197 = tpu.vector_load %arg14[%get3A_195, %get3A_196] {strides = array<i32>} : memref<128x128xf32, #tpu.memory_space<vmem>>, vector<1x16xf32>,
        %get3A_198 = vector.shape_cast %get3A_197 : vector<1x16xf32> to vector<16xf32>
        %add3A_199 = arith.addf %get3A_194, %get3A_198 : vector<16xf32>
        %get3A_200 = arith.index_cast %scan3A_119 : i32 to index
        %get3A_201 = arith.constant 80 : index
        %get3A_202 = tpu.vector_load %arg12[%get3A_200, %get3A_201] {strides = array<i32>} : memref<128x128xf32, #tpu.memory_space<vmem>>, vector<1x16xf32>,
        %get3A_203 = vector.shape_cast %get3A_202 : vector<1x16xf32> to vector<16xf32>
        %get3A_204 = arith.index_cast %scan3A_119 : i32 to index
        %get3A_205 = arith.constant 80 : index
        %get3A_206 = tpu.vector_load %arg14[%get3A_204, %get3A_205] {strides = array<i32>} : memref<128x128xf32, #tpu.memory_space<vmem>>, vector<1x16xf32>,
        %get3A_207 = vector.shape_cast %get3A_206 : vector<1x16xf32> to vector<16xf32>
        %add3A_208 = arith.addf %get3A_203, %get3A_207 : vector<16xf32>
        %bitcast_convert_type3A_209 = tpu.bitcast %add3A_199 : vector<16xf32> -> vector<16xi32>
        %add3A_210 = arith.constant 32768 : i32
        %add3A_211 = vector.broadcast %add3A_210 : i32 to vector<16xi32>
        %add3A_212 = arith.addi %bitcast_convert_type3A_209, %add3A_211 : vector<16xi32>
        %shift_right_logical3A_213 = arith.constant 16 : i32
        %shift_right_logical3A_214 = vector.broadcast %shift_right_logical3A_213 : i32 to vector<16xi32>
        %shift_right_logical3A_215 = arith.shrui %add3A_212, %shift_right_logical3A_214 : vector<16xi32>
        %bitcast_convert_type3A_216 = tpu.bitcast %add3A_208 : vector<16xf32> -> vector<16xi32>
        %add3A_217 = arith.constant 32768 : i32
        %add3A_218 = vector.broadcast %add3A_217 : i32 to vector<16xi32>
        %add3A_219 = arith.addi %bitcast_convert_type3A_216, %add3A_218 : vector<16xi32>
        %and3A_220 = arith.constant -65536 : i32
        %and3A_221 = vector.broadcast %and3A_220 : i32 to vector<16xi32>
        %and3A_222 = arith.andi %add3A_219, %and3A_221 : vector<16xi32>
        %or3A_223 = arith.ori %and3A_222, %shift_right_logical3A_215 : vector<16xi32>
        %swap3A_224 = arith.index_cast %scan3A_119 : i32 to index
        %swap3A_225 = arith.constant 32 : index
        %swap3A_226 = tpu.vector_load %arg16[%swap3A_224, %swap3A_225] {strides = array<i32>} : memref<128x64xi32, #tpu.memory_space<vmem>>, vector<1x16xi32>,
        %swap3A_227 = vector.shape_cast %swap3A_226 : vector<1x16xi32> to vector<16xi32>
        %swap3A_228 = vector.shape_cast %or3A_223 : vector<16xi32> to vector<1x16xi32>
        tpu.vector_store %arg16[%swap3A_224, %swap3A_225], %swap3A_228 {strides = array<i32>} : memref<128x64xi32, #tpu.memory_space<vmem>>, vector<1x16xi32>,
        %get3A_229 = arith.index_cast %scan3A_119 : i32 to index
        %get3A_230 = arith.constant 96 : index
        %get3A_231 = tpu.vector_load %arg12[%get3A_229, %get3A_230] {strides = array<i32>} : memref<128x128xf32, #tpu.memory_space<vmem>>, vector<1x16xf32>,
        %get3A_232 = vector.shape_cast %get3A_231 : vector<1x16xf32> to vector<16xf32>
        %get3A_233 = arith.index_cast %scan3A_119 : i32 to index
        %get3A_234 = arith.constant 96 : index
        %get3A_235 = tpu.vector_load %arg14[%get3A_233, %get3A_234] {strides = array<i32>} : memref<128x128xf32, #tpu.memory_space<vmem>>, vector<1x16xf32>,
        %get3A_236 = vector.shape_cast %get3A_235 : vector<1x16xf32> to vector<16xf32>
        %add3A_237 = arith.addf %get3A_232, %get3A_236 : vector<16xf32>
        %get3A_238 = arith.index_cast %scan3A_119 : i32 to index
        %get3A_239 = arith.constant 112 : index
        %get3A_240 = tpu.vector_load %arg12[%get3A_238, %get3A_239] {strides = array<i32>} : memref<128x128xf32, #tpu.memory_space<vmem>>, vector<1x16xf32>,
        %get3A_241 = vector.shape_cast %get3A_240 : vector<1x16xf32> to vector<16xf32>
        %get3A_242 = arith.index_cast %scan3A_119 : i32 to index
        %get3A_243 = arith.constant 112 : index
        %get3A_244 = tpu.vector_load %arg14[%get3A_242, %get3A_243] {strides = array<i32>} : memref<128x128xf32, #tpu.memory_space<vmem>>, vector<1x16xf32>,
        %get3A_245 = vector.shape_cast %get3A_244 : vector<1x16xf32> to vector<16xf32>
        %add3A_246 = arith.addf %get3A_241, %get3A_245 : vector<16xf32>
        %bitcast_convert_type3A_247 = tpu.bitcast %add3A_237 : vector<16xf32> -> vector<16xi32>
        %add3A_248 = arith.constant 32768 : i32
        %add3A_249 = vector.broadcast %add3A_248 : i32 to vector<16xi32>
        %add3A_250 = arith.addi %bitcast_convert_type3A_247, %add3A_249 : vector<16xi32>
        %shift_right_logical3A_251 = arith.constant 16 : i32
        %shift_right_logical3A_252 = vector.broadcast %shift_right_logical3A_251 : i32 to vector<16xi32>
        %shift_right_logical3A_253 = arith.shrui %add3A_250, %shift_right_logical3A_252 : vector<16xi32>
        %bitcast_convert_type3A_254 = tpu.bitcast %add3A_246 : vector<16xf32> -> vector<16xi32>
        %add3A_255 = arith.constant 32768 : i32
        %add3A_256 = vector.broadcast %add3A_255 : i32 to vector<16xi32>
        %add3A_257 = arith.addi %bitcast_convert_type3A_254, %add3A_256 : vector<16xi32>
        %and3A_258 = arith.constant -65536 : i32
        %and3A_259 = vector.broadcast %and3A_258 : i32 to vector<16xi32>
        %and3A_260 = arith.andi %add3A_257, %and3A_259 : vector<16xi32>
        %or3A_261 = arith.ori %and3A_260, %shift_right_logical3A_253 : vector<16xi32>
        %swap3A_262 = arith.index_cast %scan3A_119 : i32 to index
        %swap3A_263 = arith.constant 48 : index
        %swap3A_264 = tpu.vector_load %arg16[%swap3A_262, %swap3A_263] {strides = array<i32>} : memref<128x64xi32, #tpu.memory_space<vmem>>, vector<1x16xi32>,
        %swap3A_265 = vector.shape_cast %swap3A_264 : vector<1x16xi32> to vector<16xi32>
        %swap3A_266 = vector.shape_cast %or3A_261 : vector<16xi32> to vector<1x16xi32>
        tpu.vector_store %arg16[%swap3A_262, %swap3A_263], %swap3A_266 {strides = array<i32>} : memref<128x64xi32, #tpu.memory_space<vmem>>, vector<1x16xi32>,
        %scan3A_267 = arith.constant 0 : i32
        scf.yield %scan3A_267 : i32
      }
      %scan3A_110 = arith.constant 128 : i32
      %mul3A_111 = arith.constant 128 : i32
      %mul3A_112 = arith.muli %add3A_85, %mul3A_111 : i32
      %add3A_113 = arith.addi %mul3A_2, %mul3A_112 : i32
      %dma_start3A_114 = arith.constant 0 : i32
      %dma_start3A_115 = tpu.memref_slice %arg6[%add3A_113, %dma_start3A_114] : memref<156160x64xi32, #tpu.memory_space<hbm>> -> memref<128x64xi32, #tpu.memory_space<hbm>>
      %dma_start3A_116 = arith.constant 0 : i32
      %dma_start3A_117 = tpu.memref_slice %arg6[%add3A_113, %dma_start3A_116] : memref<156160x64xi32, #tpu.memory_space<hbm>> -> memref<128x64xi32, #tpu.memory_space<hbm>>
      tpu.enqueue_dma source(%arg16 : memref<128x64xi32, #tpu.memory_space<vmem>>) target(%dma_start3A_117 : memref<128x64xi32, #tpu.memory_space<hbm>>) target_semaphore(%arg27 : memref<!tpu.dma_semaphore, #tpu.memory_space<semaphore_mem>>)
      %scan3A_118 = arith.constant 0 : i32
      scf.yield %scan3A_118 : i32
    }
    %scan3A_15 = arith.constant 19 : i32
    %dma_wait3A = arith.constant 0 : i32
    %dma_wait3A_16 = arith.constant 0 : i32
    %dma_wait3A_17 = tpu.memref_slice %arg6[%dma_wait3A, %dma_wait3A_16] : memref<156160x64xi32, #tpu.memory_space<hbm>> -> memref<128x64xi32, #tpu.memory_space<hbm>>
    %dma_wait3A_18 = arith.constant 0 : i32
    %dma_wait3A_19 = arith.constant 0 : i32
    %dma_wait3A_20 = tpu.memref_slice %arg6[%dma_wait3A_18, %dma_wait3A_19] : memref<156160x64xi32, #tpu.memory_space<hbm>> -> memref<128x64xi32, #tpu.memory_space<hbm>>
    tpu.wait_dma2 semaphore(%arg26 : memref<!tpu.dma_semaphore, #tpu.memory_space<semaphore_mem>>) src(%arg15 : memref<128x64xi32, #tpu.memory_space<vmem>>) dst(%dma_wait3A_20 : memref<128x64xi32, #tpu.memory_space<hbm>>)
    %dma_wait3A_21 = arith.constant 0 : i32
    %dma_wait3A_22 = arith.constant 0 : i32
    %dma_wait3A_23 = tpu.memref_slice %arg6[%dma_wait3A_21, %dma_wait3A_22] : memref<156160x64xi32, #tpu.memory_space<hbm>> -> memref<128x64xi32, #tpu.memory_space<hbm>>
    %dma_wait3A_24 = arith.constant 0 : i32
    %dma_wait3A_25 = arith.constant 0 : i32
    %dma_wait3A_26 = tpu.memref_slice %arg6[%dma_wait3A_24, %dma_wait3A_25] : memref<156160x64xi32, #tpu.memory_space<hbm>> -> memref<128x64xi32, #tpu.memory_space<hbm>>
    tpu.wait_dma2 semaphore(%arg27 : memref<!tpu.dma_semaphore, #tpu.memory_space<semaphore_mem>>) src(%arg16 : memref<128x64xi32, #tpu.memory_space<vmem>>) dst(%dma_wait3A_26 : memref<128x64xi32, #tpu.memory_space<hbm>>)
    %add3A_27 = arith.constant 4864 : i32
    %add3A_28 = arith.addi %mul3A_2, %add3A_27 : i32
    "tpu.region"() ({
      %run_scoped3A = tpu.sem_alloc : memref<!tpu.dma_semaphore, #tpu.memory_space<semaphore_mem>>
      %dma_start3A_48 = tpu.memref_slice %arg4[%add3A_28] : memref<156160xi32, #tpu.memory_space<hbm>> -> memref<16xi32, #tpu.memory_space<hbm>>
      %dma_start3A_49 = tpu.memref_slice %arg4[%add3A_28] : memref<156160xi32, #tpu.memory_space<hbm>> -> memref<16xi32, #tpu.memory_space<hbm>>
      tpu.enqueue_dma source(%dma_start3A_49 : memref<16xi32, #tpu.memory_space<hbm>>) target(%arg17 : memref<16xi32, #tpu.memory_space<vmem>>) target_semaphore(%run_scoped3A : memref<!tpu.dma_semaphore, #tpu.memory_space<semaphore_mem>>)
      %dma_wait3A_50 = tpu.memref_slice %arg4[%add3A_28] : memref<156160xi32, #tpu.memory_space<hbm>> -> memref<16xi32, #tpu.memory_space<hbm>>
      %dma_wait3A_51 = tpu.memref_slice %arg4[%add3A_28] : memref<156160xi32, #tpu.memory_space<hbm>> -> memref<16xi32, #tpu.memory_space<hbm>>
      tpu.wait_dma2 semaphore(%run_scoped3A : memref<!tpu.dma_semaphore, #tpu.memory_space<semaphore_mem>>) src(%dma_wait3A_51 : memref<16xi32, #tpu.memory_space<hbm>>) dst(%arg17 : memref<16xi32, #tpu.memory_space<vmem>>)
      tpu.yield
    }) : () -> ()
    "tpu.region"() ({
      %run_scoped3A = tpu.sem_alloc : memref<!tpu.dma_semaphore, #tpu.memory_space<semaphore_mem>>
      %dma_start3A_48 = tpu.memref_slice %arg5[%add3A_28] : memref<156160xi32, #tpu.memory_space<hbm>> -> memref<16xi32, #tpu.memory_space<hbm>>
      %dma_start3A_49 = tpu.memref_slice %arg5[%add3A_28] : memref<156160xi32, #tpu.memory_space<hbm>> -> memref<16xi32, #tpu.memory_space<hbm>>
      tpu.enqueue_dma source(%dma_start3A_49 : memref<16xi32, #tpu.memory_space<hbm>>) target(%arg18 : memref<16xi32, #tpu.memory_space<vmem>>) target_semaphore(%run_scoped3A : memref<!tpu.dma_semaphore, #tpu.memory_space<semaphore_mem>>)
      %dma_wait3A_50 = tpu.memref_slice %arg5[%add3A_28] : memref<156160xi32, #tpu.memory_space<hbm>> -> memref<16xi32, #tpu.memory_space<hbm>>
      %dma_wait3A_51 = tpu.memref_slice %arg5[%add3A_28] : memref<156160xi32, #tpu.memory_space<hbm>> -> memref<16xi32, #tpu.memory_space<hbm>>
      tpu.wait_dma2 semaphore(%run_scoped3A : memref<!tpu.dma_semaphore, #tpu.memory_space<semaphore_mem>>) src(%dma_wait3A_51 : memref<16xi32, #tpu.memory_space<hbm>>) dst(%arg18 : memref<16xi32, #tpu.memory_space<vmem>>)
      tpu.yield
    }) : () -> ()
    %dma_start3A_29 = arith.constant 0 : i32
    %dma_start3A_30 = arith.constant 0 : i32
    %dma_start3A_31 = tpu.memref_slice %arg2[%dma_start3A_29, %dma_start3A_30] : memref<10000x128xf32, #tpu.memory_space<hbm>> -> memref<10000x128xf32, #tpu.memory_space<hbm>>
    tpu.enqueue_indirect_dma source(%dma_start3A_31 : memref<10000x128xf32, #tpu.memory_space<hbm>>) target(%arg19 : memref<16x128xf32, #tpu.memory_space<vmem>>) offsets(%arg17 : memref<16xi32, #tpu.memory_space<vmem>>) semaphore(%arg22 : memref<!tpu.dma_semaphore, #tpu.memory_space<semaphore_mem>>)
    %dma_start3A_32 = arith.constant 0 : i32
    %dma_start3A_33 = arith.constant 0 : i32
    %dma_start3A_34 = tpu.memref_slice %arg3[%dma_start3A_32, %dma_start3A_33] : memref<10000x128xf32, #tpu.memory_space<hbm>> -> memref<10000x128xf32, #tpu.memory_space<hbm>>
    tpu.enqueue_indirect_dma source(%dma_start3A_34 : memref<10000x128xf32, #tpu.memory_space<hbm>>) target(%arg20 : memref<16x128xf32, #tpu.memory_space<vmem>>) offsets(%arg18 : memref<16xi32, #tpu.memory_space<vmem>>) semaphore(%arg24 : memref<!tpu.dma_semaphore, #tpu.memory_space<semaphore_mem>>)
    %dma_wait3A_35 = arith.constant 0 : i32
    %dma_wait3A_36 = arith.constant 0 : i32
    %dma_wait3A_37 = tpu.memref_slice %arg2[%dma_wait3A_35, %dma_wait3A_36] : memref<10000x128xf32, #tpu.memory_space<hbm>> -> memref<10000x128xf32, #tpu.memory_space<hbm>>
    tpu.wait_indirect_dma semaphore(%arg22 : memref<!tpu.dma_semaphore, #tpu.memory_space<semaphore_mem>>) src(%dma_wait3A_37 : memref<10000x128xf32, #tpu.memory_space<hbm>>) dst(%arg19 : memref<16x128xf32, #tpu.memory_space<vmem>>)
    %dma_wait3A_38 = arith.constant 0 : i32
    %dma_wait3A_39 = arith.constant 0 : i32
    %dma_wait3A_40 = tpu.memref_slice %arg3[%dma_wait3A_38, %dma_wait3A_39] : memref<10000x128xf32, #tpu.memory_space<hbm>> -> memref<10000x128xf32, #tpu.memory_space<hbm>>
    tpu.wait_indirect_dma semaphore(%arg24 : memref<!tpu.dma_semaphore, #tpu.memory_space<semaphore_mem>>) src(%dma_wait3A_40 : memref<10000x128xf32, #tpu.memory_space<hbm>>) dst(%arg20 : memref<16x128xf32, #tpu.memory_space<vmem>>)
    %scan3A_41 = arith.constant 0 : i32
    %scan3A_42 = arith.constant 0 : i32
    %scan3A_43 = arith.constant 16 : i32
    %scan3A_44 = arith.addi %scan3A_42, %scan3A_43 : i32
    %scan3A_45 = arith.constant 1 : i32
    %scan3A_46 = scf.for %scan3A_48 = %scan3A_42 to %scan3A_44 step %scan3A_45 iter_args(%scan3A_49 = %scan3A_41) -> (i32)  : i32 {
      %get3A = arith.index_cast %scan3A_48 : i32 to index
      %get3A_50 = arith.constant 0 : index
      %get3A_51 = tpu.vector_load %arg19[%get3A, %get3A_50] {strides = array<i32>} : memref<16x128xf32, #tpu.memory_space<vmem>>, vector<1x16xf32>,
      %get3A_52 = vector.shape_cast %get3A_51 : vector<1x16xf32> to vector<16xf32>
      %get3A_53 = arith.index_cast %scan3A_48 : i32 to index
      %get3A_54 = arith.constant 0 : index
      %get3A_55 = tpu.vector_load %arg20[%get3A_53, %get3A_54] {strides = array<i32>} : memref<16x128xf32, #tpu.memory_space<vmem>>, vector<1x16xf32>,
      %get3A_56 = vector.shape_cast %get3A_55 : vector<1x16xf32> to vector<16xf32>
      %add3A_57 = arith.addf %get3A_52, %get3A_56 : vector<16xf32>
      %get3A_58 = arith.index_cast %scan3A_48 : i32 to index
      %get3A_59 = arith.constant 16 : index
      %get3A_60 = tpu.vector_load %arg19[%get3A_58, %get3A_59] {strides = array<i32>} : memref<16x128xf32, #tpu.memory_space<vmem>>, vector<1x16xf32>,
      %get3A_61 = vector.shape_cast %get3A_60 : vector<1x16xf32> to vector<16xf32>
      %get3A_62 = arith.index_cast %scan3A_48 : i32 to index
      %get3A_63 = arith.constant 16 : index
      %get3A_64 = tpu.vector_load %arg20[%get3A_62, %get3A_63] {strides = array<i32>} : memref<16x128xf32, #tpu.memory_space<vmem>>, vector<1x16xf32>,
      %get3A_65 = vector.shape_cast %get3A_64 : vector<1x16xf32> to vector<16xf32>
      %add3A_66 = arith.addf %get3A_61, %get3A_65 : vector<16xf32>
      %bitcast_convert_type3A = tpu.bitcast %add3A_57 : vector<16xf32> -> vector<16xi32>
      %add3A_67 = arith.constant 32768 : i32
      %add3A_68 = vector.broadcast %add3A_67 : i32 to vector<16xi32>
      %add3A_69 = arith.addi %bitcast_convert_type3A, %add3A_68 : vector<16xi32>
      %shift_right_logical3A = arith.constant 16 : i32
      %shift_right_logical3A_70 = vector.broadcast %shift_right_logical3A : i32 to vector<16xi32>
      %shift_right_logical3A_71 = arith.shrui %add3A_69, %shift_right_logical3A_70 : vector<16xi32>
      %bitcast_convert_type3A_72 = tpu.bitcast %add3A_66 : vector<16xf32> -> vector<16xi32>
      %add3A_73 = arith.constant 32768 : i32
      %add3A_74 = vector.broadcast %add3A_73 : i32 to vector<16xi32>
      %add3A_75 = arith.addi %bitcast_convert_type3A_72, %add3A_74 : vector<16xi32>
      %and3A = arith.constant -65536 : i32
      %and3A_76 = vector.broadcast %and3A : i32 to vector<16xi32>
      %and3A_77 = arith.andi %add3A_75, %and3A_76 : vector<16xi32>
      %or3A = arith.ori %and3A_77, %shift_right_logical3A_71 : vector<16xi32>
      %swap3A = arith.index_cast %scan3A_48 : i32 to index
      %swap3A_78 = arith.constant 0 : index
      %swap3A_79 = tpu.vector_load %arg21[%swap3A, %swap3A_78] {strides = array<i32>} : memref<16x64xi32, #tpu.memory_space<vmem>>, vector<1x16xi32>,
      %swap3A_80 = vector.shape_cast %swap3A_79 : vector<1x16xi32> to vector<16xi32>
      %swap3A_81 = vector.shape_cast %or3A : vector<16xi32> to vector<1x16xi32>
      tpu.vector_store %arg21[%swap3A, %swap3A_78], %swap3A_81 {strides = array<i32>} : memref<16x64xi32, #tpu.memory_space<vmem>>, vector<1x16xi32>,
      %get3A_82 = arith.index_cast %scan3A_48 : i32 to index
      %get3A_83 = arith.constant 32 : index
      %get3A_84 = tpu.vector_load %arg19[%get3A_82, %get3A_83] {strides = array<i32>} : memref<16x128xf32, #tpu.memory_space<vmem>>, vector<1x16xf32>,
      %get3A_85 = vector.shape_cast %get3A_84 : vector<1x16xf32> to vector<16xf32>
      %get3A_86 = arith.index_cast %scan3A_48 : i32 to index
      %get3A_87 = arith.constant 32 : index
      %get3A_88 = tpu.vector_load %arg20[%get3A_86, %get3A_87] {strides = array<i32>} : memref<16x128xf32, #tpu.memory_space<vmem>>, vector<1x16xf32>,
      %get3A_89 = vector.shape_cast %get3A_88 : vector<1x16xf32> to vector<16xf32>
      %add3A_90 = arith.addf %get3A_85, %get3A_89 : vector<16xf32>
      %get3A_91 = arith.index_cast %scan3A_48 : i32 to index
      %get3A_92 = arith.constant 48 : index
      %get3A_93 = tpu.vector_load %arg19[%get3A_91, %get3A_92] {strides = array<i32>} : memref<16x128xf32, #tpu.memory_space<vmem>>, vector<1x16xf32>,
      %get3A_94 = vector.shape_cast %get3A_93 : vector<1x16xf32> to vector<16xf32>
      %get3A_95 = arith.index_cast %scan3A_48 : i32 to index
      %get3A_96 = arith.constant 48 : index
      %get3A_97 = tpu.vector_load %arg20[%get3A_95, %get3A_96] {strides = array<i32>} : memref<16x128xf32, #tpu.memory_space<vmem>>, vector<1x16xf32>,
      %get3A_98 = vector.shape_cast %get3A_97 : vector<1x16xf32> to vector<16xf32>
      %add3A_99 = arith.addf %get3A_94, %get3A_98 : vector<16xf32>
      %bitcast_convert_type3A_100 = tpu.bitcast %add3A_90 : vector<16xf32> -> vector<16xi32>
      %add3A_101 = arith.constant 32768 : i32
      %add3A_102 = vector.broadcast %add3A_101 : i32 to vector<16xi32>
      %add3A_103 = arith.addi %bitcast_convert_type3A_100, %add3A_102 : vector<16xi32>
      %shift_right_logical3A_104 = arith.constant 16 : i32
      %shift_right_logical3A_105 = vector.broadcast %shift_right_logical3A_104 : i32 to vector<16xi32>
      %shift_right_logical3A_106 = arith.shrui %add3A_103, %shift_right_logical3A_105 : vector<16xi32>
      %bitcast_convert_type3A_107 = tpu.bitcast %add3A_99 : vector<16xf32> -> vector<16xi32>
      %add3A_108 = arith.constant 32768 : i32
      %add3A_109 = vector.broadcast %add3A_108 : i32 to vector<16xi32>
      %add3A_110 = arith.addi %bitcast_convert_type3A_107, %add3A_109 : vector<16xi32>
      %and3A_111 = arith.constant -65536 : i32
      %and3A_112 = vector.broadcast %and3A_111 : i32 to vector<16xi32>
      %and3A_113 = arith.andi %add3A_110, %and3A_112 : vector<16xi32>
      %or3A_114 = arith.ori %and3A_113, %shift_right_logical3A_106 : vector<16xi32>
      %swap3A_115 = arith.index_cast %scan3A_48 : i32 to index
      %swap3A_116 = arith.constant 16 : index
      %swap3A_117 = tpu.vector_load %arg21[%swap3A_115, %swap3A_116] {strides = array<i32>} : memref<16x64xi32, #tpu.memory_space<vmem>>, vector<1x16xi32>,
      %swap3A_118 = vector.shape_cast %swap3A_117 : vector<1x16xi32> to vector<16xi32>
      %swap3A_119 = vector.shape_cast %or3A_114 : vector<16xi32> to vector<1x16xi32>
      tpu.vector_store %arg21[%swap3A_115, %swap3A_116], %swap3A_119 {strides = array<i32>} : memref<16x64xi32, #tpu.memory_space<vmem>>, vector<1x16xi32>,
      %get3A_120 = arith.index_cast %scan3A_48 : i32 to index
      %get3A_121 = arith.constant 64 : index
      %get3A_122 = tpu.vector_load %arg19[%get3A_120, %get3A_121] {strides = array<i32>} : memref<16x128xf32, #tpu.memory_space<vmem>>, vector<1x16xf32>,
      %get3A_123 = vector.shape_cast %get3A_122 : vector<1x16xf32> to vector<16xf32>
      %get3A_124 = arith.index_cast %scan3A_48 : i32 to index
      %get3A_125 = arith.constant 64 : index
      %get3A_126 = tpu.vector_load %arg20[%get3A_124, %get3A_125] {strides = array<i32>} : memref<16x128xf32, #tpu.memory_space<vmem>>, vector<1x16xf32>,
      %get3A_127 = vector.shape_cast %get3A_126 : vector<1x16xf32> to vector<16xf32>
      %add3A_128 = arith.addf %get3A_123, %get3A_127 : vector<16xf32>
      %get3A_129 = arith.index_cast %scan3A_48 : i32 to index
      %get3A_130 = arith.constant 80 : index
      %get3A_131 = tpu.vector_load %arg19[%get3A_129, %get3A_130] {strides = array<i32>} : memref<16x128xf32, #tpu.memory_space<vmem>>, vector<1x16xf32>,
      %get3A_132 = vector.shape_cast %get3A_131 : vector<1x16xf32> to vector<16xf32>
      %get3A_133 = arith.index_cast %scan3A_48 : i32 to index
      %get3A_134 = arith.constant 80 : index
      %get3A_135 = tpu.vector_load %arg20[%get3A_133, %get3A_134] {strides = array<i32>} : memref<16x128xf32, #tpu.memory_space<vmem>>, vector<1x16xf32>,
      %get3A_136 = vector.shape_cast %get3A_135 : vector<1x16xf32> to vector<16xf32>
      %add3A_137 = arith.addf %get3A_132, %get3A_136 : vector<16xf32>
      %bitcast_convert_type3A_138 = tpu.bitcast %add3A_128 : vector<16xf32> -> vector<16xi32>
      %add3A_139 = arith.constant 32768 : i32
      %add3A_140 = vector.broadcast %add3A_139 : i32 to vector<16xi32>
      %add3A_141 = arith.addi %bitcast_convert_type3A_138, %add3A_140 : vector<16xi32>
      %shift_right_logical3A_142 = arith.constant 16 : i32
      %shift_right_logical3A_143 = vector.broadcast %shift_right_logical3A_142 : i32 to vector<16xi32>
      %shift_right_logical3A_144 = arith.shrui %add3A_141, %shift_right_logical3A_143 : vector<16xi32>
      %bitcast_convert_type3A_145 = tpu.bitcast %add3A_137 : vector<16xf32> -> vector<16xi32>
      %add3A_146 = arith.constant 32768 : i32
      %add3A_147 = vector.broadcast %add3A_146 : i32 to vector<16xi32>
      %add3A_148 = arith.addi %bitcast_convert_type3A_145, %add3A_147 : vector<16xi32>
      %and3A_149 = arith.constant -65536 : i32
      %and3A_150 = vector.broadcast %and3A_149 : i32 to vector<16xi32>
      %and3A_151 = arith.andi %add3A_148, %and3A_150 : vector<16xi32>
      %or3A_152 = arith.ori %and3A_151, %shift_right_logical3A_144 : vector<16xi32>
      %swap3A_153 = arith.index_cast %scan3A_48 : i32 to index
      %swap3A_154 = arith.constant 32 : index
      %swap3A_155 = tpu.vector_load %arg21[%swap3A_153, %swap3A_154] {strides = array<i32>} : memref<16x64xi32, #tpu.memory_space<vmem>>, vector<1x16xi32>,
      %swap3A_156 = vector.shape_cast %swap3A_155 : vector<1x16xi32> to vector<16xi32>
      %swap3A_157 = vector.shape_cast %or3A_152 : vector<16xi32> to vector<1x16xi32>
      tpu.vector_store %arg21[%swap3A_153, %swap3A_154], %swap3A_157 {strides = array<i32>} : memref<16x64xi32, #tpu.memory_space<vmem>>, vector<1x16xi32>,
      %get3A_158 = arith.index_cast %scan3A_48 : i32 to index
      %get3A_159 = arith.constant 96 : index
      %get3A_160 = tpu.vector_load %arg19[%get3A_158, %get3A_159] {strides = array<i32>} : memref<16x128xf32, #tpu.memory_space<vmem>>, vector<1x16xf32>,
      %get3A_161 = vector.shape_cast %get3A_160 : vector<1x16xf32> to vector<16xf32>
      %get3A_162 = arith.index_cast %scan3A_48 : i32 to index
      %get3A_163 = arith.constant 96 : index
      %get3A_164 = tpu.vector_load %arg20[%get3A_162, %get3A_163] {strides = array<i32>} : memref<16x128xf32, #tpu.memory_space<vmem>>, vector<1x16xf32>,
      %get3A_165 = vector.shape_cast %get3A_164 : vector<1x16xf32> to vector<16xf32>
      %add3A_166 = arith.addf %get3A_161, %get3A_165 : vector<16xf32>
      %get3A_167 = arith.index_cast %scan3A_48 : i32 to index
      %get3A_168 = arith.constant 112 : index
      %get3A_169 = tpu.vector_load %arg19[%get3A_167, %get3A_168] {strides = array<i32>} : memref<16x128xf32, #tpu.memory_space<vmem>>, vector<1x16xf32>,
      %get3A_170 = vector.shape_cast %get3A_169 : vector<1x16xf32> to vector<16xf32>
      %get3A_171 = arith.index_cast %scan3A_48 : i32 to index
      %get3A_172 = arith.constant 112 : index
      %get3A_173 = tpu.vector_load %arg20[%get3A_171, %get3A_172] {strides = array<i32>} : memref<16x128xf32, #tpu.memory_space<vmem>>, vector<1x16xf32>,
      %get3A_174 = vector.shape_cast %get3A_173 : vector<1x16xf32> to vector<16xf32>
      %add3A_175 = arith.addf %get3A_170, %get3A_174 : vector<16xf32>
      %bitcast_convert_type3A_176 = tpu.bitcast %add3A_166 : vector<16xf32> -> vector<16xi32>
      %add3A_177 = arith.constant 32768 : i32
      %add3A_178 = vector.broadcast %add3A_177 : i32 to vector<16xi32>
      %add3A_179 = arith.addi %bitcast_convert_type3A_176, %add3A_178 : vector<16xi32>
      %shift_right_logical3A_180 = arith.constant 16 : i32
      %shift_right_logical3A_181 = vector.broadcast %shift_right_logical3A_180 : i32 to vector<16xi32>
      %shift_right_logical3A_182 = arith.shrui %add3A_179, %shift_right_logical3A_181 : vector<16xi32>
      %bitcast_convert_type3A_183 = tpu.bitcast %add3A_175 : vector<16xf32> -> vector<16xi32>
      %add3A_184 = arith.constant 32768 : i32
      %add3A_185 = vector.broadcast %add3A_184 : i32 to vector<16xi32>
      %add3A_186 = arith.addi %bitcast_convert_type3A_183, %add3A_185 : vector<16xi32>
      %and3A_187 = arith.constant -65536 : i32
      %and3A_188 = vector.broadcast %and3A_187 : i32 to vector<16xi32>
      %and3A_189 = arith.andi %add3A_186, %and3A_188 : vector<16xi32>
      %or3A_190 = arith.ori %and3A_189, %shift_right_logical3A_182 : vector<16xi32>
      %swap3A_191 = arith.index_cast %scan3A_48 : i32 to index
      %swap3A_192 = arith.constant 48 : index
      %swap3A_193 = tpu.vector_load %arg21[%swap3A_191, %swap3A_192] {strides = array<i32>} : memref<16x64xi32, #tpu.memory_space<vmem>>, vector<1x16xi32>,
      %swap3A_194 = vector.shape_cast %swap3A_193 : vector<1x16xi32> to vector<16xi32>
      %swap3A_195 = vector.shape_cast %or3A_190 : vector<16xi32> to vector<1x16xi32>
      tpu.vector_store %arg21[%swap3A_191, %swap3A_192], %swap3A_195 {strides = array<i32>} : memref<16x64xi32, #tpu.memory_space<vmem>>, vector<1x16xi32>,
      %scan3A_196 = arith.constant 0 : i32
      scf.yield %scan3A_196 : i32
    }
    %scan3A_47 = arith.constant 16 : i32
    "tpu.region"() ({
      %run_scoped3A = tpu.sem_alloc : memref<!tpu.dma_semaphore, #tpu.memory_space<semaphore_mem>>
      %dma_start3A_48 = arith.constant 0 : i32
      %dma_start3A_49 = tpu.memref_slice %arg6[%add3A_28, %dma_start3A_48] : memref<156160x64xi32, #tpu.memory_space<hbm>> -> memref<16x64xi32, #tpu.memory_space<hbm>>
      %dma_start3A_50 = arith.constant 0 : i32
      %dma_start3A_51 = tpu.memref_slice %arg6[%add3A_28, %dma_start3A_50] : memref<156160x64xi32, #tpu.memory_space<hbm>> -> memref<16x64xi32, #tpu.memory_space<hbm>>
      tpu.enqueue_dma source(%arg21 : memref<16x64xi32, #tpu.memory_space<vmem>>) target(%dma_start3A_51 : memref<16x64xi32, #tpu.memory_space<hbm>>) target_semaphore(%run_scoped3A : memref<!tpu.dma_semaphore, #tpu.memory_space<semaphore_mem>>)
      %dma_wait3A_52 = arith.constant 0 : i32
      %dma_wait3A_53 = tpu.memref_slice %arg6[%add3A_28, %dma_wait3A_52] : memref<156160x64xi32, #tpu.memory_space<hbm>> -> memref<16x64xi32, #tpu.memory_space<hbm>>
      %dma_wait3A_54 = arith.constant 0 : i32
      %dma_wait3A_55 = tpu.memref_slice %arg6[%add3A_28, %dma_wait3A_54] : memref<156160x64xi32, #tpu.memory_space<hbm>> -> memref<16x64xi32, #tpu.memory_space<hbm>>
      tpu.wait_dma2 semaphore(%run_scoped3A : memref<!tpu.dma_semaphore, #tpu.memory_space<semaphore_mem>>) src(%arg21 : memref<16x64xi32, #tpu.memory_space<vmem>>) dst(%dma_wait3A_55 : memref<16x64xi32, #tpu.memory_space<hbm>>)
      tpu.yield
    }) : () -> ()
    return
  }
}

#map = affine_map<(d0, d1) -> (0, 0)>
#map1 = affine_map<(d0, d1) -> (0)>
module attributes {stable_mosaic.version = 14 : i64} {
  func.func @gather_kernel(%arg0: i32, %arg1: i32, %arg2: memref<10000x128xf32, #tpu.memory_space<hbm>>, %arg3: memref<10000x128xf32, #tpu.memory_space<hbm>>, %arg4: memref<163840xi32, #tpu.memory_space<hbm>>, %arg5: memref<163840xi32, #tpu.memory_space<hbm>>, %arg6: memref<163840x64xi32, #tpu.memory_space<hbm>>, %arg7: memref<128xi32, #tpu.memory_space<vmem>>, %arg8: memref<128xi32, #tpu.memory_space<vmem>>, %arg9: memref<128xi32, #tpu.memory_space<vmem>>, %arg10: memref<128xi32, #tpu.memory_space<vmem>>, %arg11: memref<128x128xf32, #tpu.memory_space<vmem>>, %arg12: memref<128x128xf32, #tpu.memory_space<vmem>>, %arg13: memref<128x128xf32, #tpu.memory_space<vmem>>, %arg14: memref<128x128xf32, #tpu.memory_space<vmem>>, %arg15: memref<128x64xi32, #tpu.memory_space<vmem>>, %arg16: memref<128x64xi32, #tpu.memory_space<vmem>>, %arg17: memref<16xi32, #tpu.memory_space<vmem>>, %arg18: memref<16xi32, #tpu.memory_space<vmem>>, %arg19: memref<16x128xf32, #tpu.memory_space<vmem>>, %arg20: memref<16x128xf32, #tpu.memory_space<vmem>>, %arg21: memref<16x64xi32, #tpu.memory_space<vmem>>, %arg22: memref<!tpu.dma_semaphore, #tpu.memory_space<semaphore_mem>>, %arg23: memref<!tpu.dma_semaphore, #tpu.memory_space<semaphore_mem>>, %arg24: memref<!tpu.dma_semaphore, #tpu.memory_space<semaphore_mem>>, %arg25: memref<!tpu.dma_semaphore, #tpu.memory_space<semaphore_mem>>, %arg26: memref<!tpu.dma_semaphore, #tpu.memory_space<semaphore_mem>>, %arg27: memref<!tpu.dma_semaphore, #tpu.memory_space<semaphore_mem>>) attributes {dimension_semantics = [#tpu.dimension_semantics<core_parallel>, #tpu.dimension_semantics<subcore_parallel>], iteration_bounds = array<i64: 2, 16>, scalar_prefetch = 0 : i64, scratch_operands = 21 : i64, tpu.core_type = #tpu.core_type<sc_vector_subcore>, window_params = [{transform_indices = #map}, {transform_indices = #map}, {transform_indices = #map1}, {transform_indices = #map1}, {transform_indices = #map}]} {
    %mul3A = arith.constant 2 : i32
    %mul3A_0 = arith.muli %arg1, %mul3A : i32
    %add3A = arith.addi %mul3A_0, %arg0 : i32
    %mul3A_1 = arith.constant 5120 : i32
    %mul3A_2 = arith.muli %add3A, %mul3A_1 : i32
    %add3A_3 = arith.constant 0 : i32
    %add3A_4 = arith.addi %mul3A_2, %add3A_3 : i32
    "tpu.region"() ({
      %run_scoped3A = tpu.sem_alloc : memref<!tpu.dma_semaphore, #tpu.memory_space<semaphore_mem>>
      %dma_start3A_27 = tpu.memref_slice %arg4[%add3A_4] : memref<163840xi32, #tpu.memory_space<hbm>> -> memref<128xi32, #tpu.memory_space<hbm>>
      %dma_start3A_28 = tpu.memref_slice %arg4[%add3A_4] : memref<163840xi32, #tpu.memory_space<hbm>> -> memref<128xi32, #tpu.memory_space<hbm>>
      tpu.enqueue_dma source(%dma_start3A_28 : memref<128xi32, #tpu.memory_space<hbm>>) target(%arg7 : memref<128xi32, #tpu.memory_space<vmem>>) target_semaphore(%run_scoped3A : memref<!tpu.dma_semaphore, #tpu.memory_space<semaphore_mem>>)
      %dma_wait3A_29 = tpu.memref_slice %arg4[%add3A_4] : memref<163840xi32, #tpu.memory_space<hbm>> -> memref<128xi32, #tpu.memory_space<hbm>>
      %dma_wait3A_30 = tpu.memref_slice %arg4[%add3A_4] : memref<163840xi32, #tpu.memory_space<hbm>> -> memref<128xi32, #tpu.memory_space<hbm>>
      tpu.wait_dma2 semaphore(%run_scoped3A : memref<!tpu.dma_semaphore, #tpu.memory_space<semaphore_mem>>) src(%dma_wait3A_30 : memref<128xi32, #tpu.memory_space<hbm>>) dst(%arg7 : memref<128xi32, #tpu.memory_space<vmem>>)
      tpu.yield
    }) : () -> ()
    "tpu.region"() ({
      %run_scoped3A = tpu.sem_alloc : memref<!tpu.dma_semaphore, #tpu.memory_space<semaphore_mem>>
      %dma_start3A_27 = tpu.memref_slice %arg5[%add3A_4] : memref<163840xi32, #tpu.memory_space<hbm>> -> memref<128xi32, #tpu.memory_space<hbm>>
      %dma_start3A_28 = tpu.memref_slice %arg5[%add3A_4] : memref<163840xi32, #tpu.memory_space<hbm>> -> memref<128xi32, #tpu.memory_space<hbm>>
      tpu.enqueue_dma source(%dma_start3A_28 : memref<128xi32, #tpu.memory_space<hbm>>) target(%arg9 : memref<128xi32, #tpu.memory_space<vmem>>) target_semaphore(%run_scoped3A : memref<!tpu.dma_semaphore, #tpu.memory_space<semaphore_mem>>)
      %dma_wait3A_29 = tpu.memref_slice %arg5[%add3A_4] : memref<163840xi32, #tpu.memory_space<hbm>> -> memref<128xi32, #tpu.memory_space<hbm>>
      %dma_wait3A_30 = tpu.memref_slice %arg5[%add3A_4] : memref<163840xi32, #tpu.memory_space<hbm>> -> memref<128xi32, #tpu.memory_space<hbm>>
      tpu.wait_dma2 semaphore(%run_scoped3A : memref<!tpu.dma_semaphore, #tpu.memory_space<semaphore_mem>>) src(%dma_wait3A_30 : memref<128xi32, #tpu.memory_space<hbm>>) dst(%arg9 : memref<128xi32, #tpu.memory_space<vmem>>)
      tpu.yield
    }) : () -> ()
    %dma_start3A = arith.constant 0 : i32
    %dma_start3A_5 = arith.constant 0 : i32
    %dma_start3A_6 = tpu.memref_slice %arg2[%dma_start3A, %dma_start3A_5] : memref<10000x128xf32, #tpu.memory_space<hbm>> -> memref<10000x128xf32, #tpu.memory_space<hbm>>
    tpu.enqueue_indirect_dma source(%dma_start3A_6 : memref<10000x128xf32, #tpu.memory_space<hbm>>) target(%arg11 : memref<128x128xf32, #tpu.memory_space<vmem>>) offsets(%arg7 : memref<128xi32, #tpu.memory_space<vmem>>) semaphore(%arg22 : memref<!tpu.dma_semaphore, #tpu.memory_space<semaphore_mem>>)
    %dma_start3A_7 = arith.constant 0 : i32
    %dma_start3A_8 = arith.constant 0 : i32
    %dma_start3A_9 = tpu.memref_slice %arg3[%dma_start3A_7, %dma_start3A_8] : memref<10000x128xf32, #tpu.memory_space<hbm>> -> memref<10000x128xf32, #tpu.memory_space<hbm>>
    tpu.enqueue_indirect_dma source(%dma_start3A_9 : memref<10000x128xf32, #tpu.memory_space<hbm>>) target(%arg13 : memref<128x128xf32, #tpu.memory_space<vmem>>) offsets(%arg9 : memref<128xi32, #tpu.memory_space<vmem>>) semaphore(%arg24 : memref<!tpu.dma_semaphore, #tpu.memory_space<semaphore_mem>>)
    %scan3A = arith.constant 0 : i32
    %scan3A_10 = arith.constant 0 : i32
    %scan3A_11 = arith.constant 20 : i32
    %scan3A_12 = arith.addi %scan3A_10, %scan3A_11 : i32
    %scan3A_13 = arith.constant 1 : i32
    %scan3A_14 = scf.for %scan3A_27 = %scan3A_10 to %scan3A_12 step %scan3A_13 iter_args(%scan3A_28 = %scan3A) -> (i32)  : i32 {
      %mul3A_29 = arith.constant 2 : i32
      %mul3A_30 = arith.muli %scan3A_27, %mul3A_29 : i32
      %add3A_31 = arith.constant 0 : i32
      %add3A_32 = arith.addi %mul3A_30, %add3A_31 : i32
      %add3A_33 = arith.constant 1 : i32
      %add3A_34 = arith.addi %add3A_32, %add3A_33 : i32
      %lt3A = arith.constant 40 : i32
      %lt3A_35 = arith.cmpi slt, %add3A_34, %lt3A : i32
      %convert_element_type3A = arith.extui %lt3A_35 : i1 to i32
      %cond3A = arith.constant 0 : i32
      %cond3A_36 = arith.cmpi ne, %convert_element_type3A, %cond3A : i32
      scf.if %cond3A_36 {
        %add3A_98 = arith.constant 1 : i32
        %add3A_99 = arith.addi %add3A_32, %add3A_98 : i32
        %mul3A_100 = arith.constant 128 : i32
        %mul3A_101 = arith.muli %add3A_99, %mul3A_100 : i32
        %add3A_102 = arith.addi %mul3A_2, %mul3A_101 : i32
        "tpu.region"() ({
          %run_scoped3A = tpu.sem_alloc : memref<!tpu.dma_semaphore, #tpu.memory_space<semaphore_mem>>
          %dma_start3A_109 = tpu.memref_slice %arg4[%add3A_102] : memref<163840xi32, #tpu.memory_space<hbm>> -> memref<128xi32, #tpu.memory_space<hbm>>
          %dma_start3A_110 = tpu.memref_slice %arg4[%add3A_102] : memref<163840xi32, #tpu.memory_space<hbm>> -> memref<128xi32, #tpu.memory_space<hbm>>
          tpu.enqueue_dma source(%dma_start3A_110 : memref<128xi32, #tpu.memory_space<hbm>>) target(%arg8 : memref<128xi32, #tpu.memory_space<vmem>>) target_semaphore(%run_scoped3A : memref<!tpu.dma_semaphore, #tpu.memory_space<semaphore_mem>>)
          %dma_wait3A_111 = tpu.memref_slice %arg4[%add3A_102] : memref<163840xi32, #tpu.memory_space<hbm>> -> memref<128xi32, #tpu.memory_space<hbm>>
          %dma_wait3A_112 = tpu.memref_slice %arg4[%add3A_102] : memref<163840xi32, #tpu.memory_space<hbm>> -> memref<128xi32, #tpu.memory_space<hbm>>
          tpu.wait_dma2 semaphore(%run_scoped3A : memref<!tpu.dma_semaphore, #tpu.memory_space<semaphore_mem>>) src(%dma_wait3A_112 : memref<128xi32, #tpu.memory_space<hbm>>) dst(%arg8 : memref<128xi32, #tpu.memory_space<vmem>>)
          tpu.yield
        }) : () -> ()
        "tpu.region"() ({
          %run_scoped3A = tpu.sem_alloc : memref<!tpu.dma_semaphore, #tpu.memory_space<semaphore_mem>>
          %dma_start3A_109 = tpu.memref_slice %arg5[%add3A_102] : memref<163840xi32, #tpu.memory_space<hbm>> -> memref<128xi32, #tpu.memory_space<hbm>>
          %dma_start3A_110 = tpu.memref_slice %arg5[%add3A_102] : memref<163840xi32, #tpu.memory_space<hbm>> -> memref<128xi32, #tpu.memory_space<hbm>>
          tpu.enqueue_dma source(%dma_start3A_110 : memref<128xi32, #tpu.memory_space<hbm>>) target(%arg10 : memref<128xi32, #tpu.memory_space<vmem>>) target_semaphore(%run_scoped3A : memref<!tpu.dma_semaphore, #tpu.memory_space<semaphore_mem>>)
          %dma_wait3A_111 = tpu.memref_slice %arg5[%add3A_102] : memref<163840xi32, #tpu.memory_space<hbm>> -> memref<128xi32, #tpu.memory_space<hbm>>
          %dma_wait3A_112 = tpu.memref_slice %arg5[%add3A_102] : memref<163840xi32, #tpu.memory_space<hbm>> -> memref<128xi32, #tpu.memory_space<hbm>>
          tpu.wait_dma2 semaphore(%run_scoped3A : memref<!tpu.dma_semaphore, #tpu.memory_space<semaphore_mem>>) src(%dma_wait3A_112 : memref<128xi32, #tpu.memory_space<hbm>>) dst(%arg10 : memref<128xi32, #tpu.memory_space<vmem>>)
          tpu.yield
        }) : () -> ()
        %dma_start3A_103 = arith.constant 0 : i32
        %dma_start3A_104 = arith.constant 0 : i32
        %dma_start3A_105 = tpu.memref_slice %arg2[%dma_start3A_103, %dma_start3A_104] : memref<10000x128xf32, #tpu.memory_space<hbm>> -> memref<10000x128xf32, #tpu.memory_space<hbm>>
        tpu.enqueue_indirect_dma source(%dma_start3A_105 : memref<10000x128xf32, #tpu.memory_space<hbm>>) target(%arg12 : memref<128x128xf32, #tpu.memory_space<vmem>>) offsets(%arg8 : memref<128xi32, #tpu.memory_space<vmem>>) semaphore(%arg23 : memref<!tpu.dma_semaphore, #tpu.memory_space<semaphore_mem>>)
        %dma_start3A_106 = arith.constant 0 : i32
        %dma_start3A_107 = arith.constant 0 : i32
        %dma_start3A_108 = tpu.memref_slice %arg3[%dma_start3A_106, %dma_start3A_107] : memref<10000x128xf32, #tpu.memory_space<hbm>> -> memref<10000x128xf32, #tpu.memory_space<hbm>>
        tpu.enqueue_indirect_dma source(%dma_start3A_108 : memref<10000x128xf32, #tpu.memory_space<hbm>>) target(%arg14 : memref<128x128xf32, #tpu.memory_space<vmem>>) offsets(%arg10 : memref<128xi32, #tpu.memory_space<vmem>>) semaphore(%arg25 : memref<!tpu.dma_semaphore, #tpu.memory_space<semaphore_mem>>)
      } else {
      }
      %dma_wait3A_37 = arith.constant 0 : i32
      %dma_wait3A_38 = arith.constant 0 : i32
      %dma_wait3A_39 = tpu.memref_slice %arg2[%dma_wait3A_37, %dma_wait3A_38] : memref<10000x128xf32, #tpu.memory_space<hbm>> -> memref<10000x128xf32, #tpu.memory_space<hbm>>
      tpu.wait_indirect_dma semaphore(%arg22 : memref<!tpu.dma_semaphore, #tpu.memory_space<semaphore_mem>>) src(%dma_wait3A_39 : memref<10000x128xf32, #tpu.memory_space<hbm>>) dst(%arg11 : memref<128x128xf32, #tpu.memory_space<vmem>>)
      %dma_wait3A_40 = arith.constant 0 : i32
      %dma_wait3A_41 = arith.constant 0 : i32
      %dma_wait3A_42 = tpu.memref_slice %arg3[%dma_wait3A_40, %dma_wait3A_41] : memref<10000x128xf32, #tpu.memory_space<hbm>> -> memref<10000x128xf32, #tpu.memory_space<hbm>>
      tpu.wait_indirect_dma semaphore(%arg24 : memref<!tpu.dma_semaphore, #tpu.memory_space<semaphore_mem>>) src(%dma_wait3A_42 : memref<10000x128xf32, #tpu.memory_space<hbm>>) dst(%arg13 : memref<128x128xf32, #tpu.memory_space<vmem>>)
      %ge3A = arith.constant 2 : i32
      %ge3A_43 = arith.cmpi sge, %add3A_32, %ge3A : i32
      %convert_element_type3A_44 = arith.extui %ge3A_43 : i1 to i32
      %cond3A_45 = arith.constant 0 : i32
      %cond3A_46 = arith.cmpi ne, %convert_element_type3A_44, %cond3A_45 : i32
      scf.if %cond3A_46 {
        %dma_wait3A_98 = arith.constant 0 : i32
        %dma_wait3A_99 = arith.constant 0 : i32
        %dma_wait3A_100 = tpu.memref_slice %arg6[%dma_wait3A_98, %dma_wait3A_99] : memref<163840x64xi32, #tpu.memory_space<hbm>> -> memref<128x64xi32, #tpu.memory_space<hbm>>
        %dma_wait3A_101 = arith.constant 0 : i32
        %dma_wait3A_102 = arith.constant 0 : i32
        %dma_wait3A_103 = tpu.memref_slice %arg6[%dma_wait3A_101, %dma_wait3A_102] : memref<163840x64xi32, #tpu.memory_space<hbm>> -> memref<128x64xi32, #tpu.memory_space<hbm>>
        tpu.wait_dma2 semaphore(%arg26 : memref<!tpu.dma_semaphore, #tpu.memory_space<semaphore_mem>>) src(%arg15 : memref<128x64xi32, #tpu.memory_space<vmem>>) dst(%dma_wait3A_103 : memref<128x64xi32, #tpu.memory_space<hbm>>)
      } else {
      }
      %scan3A_47 = arith.constant 0 : i32
      %scan3A_48 = arith.constant 0 : i32
      %scan3A_49 = arith.constant 128 : i32
      %scan3A_50 = arith.addi %scan3A_48, %scan3A_49 : i32
      %scan3A_51 = arith.constant 1 : i32
      %scan3A_52 = scf.for %scan3A_98 = %scan3A_48 to %scan3A_50 step %scan3A_51 iter_args(%scan3A_99 = %scan3A_47) -> (i32)  : i32 {
        %get3A = arith.index_cast %scan3A_98 : i32 to index
        %get3A_100 = arith.constant 0 : index
        %get3A_101 = tpu.vector_load %arg11[%get3A, %get3A_100] {strides = array<i32>} : memref<128x128xf32, #tpu.memory_space<vmem>>, vector<1x16xf32>,
        %get3A_102 = vector.shape_cast %get3A_101 : vector<1x16xf32> to vector<16xf32>
        %get3A_103 = arith.index_cast %scan3A_98 : i32 to index
        %get3A_104 = arith.constant 0 : index
        %get3A_105 = tpu.vector_load %arg13[%get3A_103, %get3A_104] {strides = array<i32>} : memref<128x128xf32, #tpu.memory_space<vmem>>, vector<1x16xf32>,
        %get3A_106 = vector.shape_cast %get3A_105 : vector<1x16xf32> to vector<16xf32>
        %add3A_107 = arith.addf %get3A_102, %get3A_106 : vector<16xf32>
        %get3A_108 = arith.index_cast %scan3A_98 : i32 to index
        %get3A_109 = arith.constant 16 : index
        %get3A_110 = tpu.vector_load %arg11[%get3A_108, %get3A_109] {strides = array<i32>} : memref<128x128xf32, #tpu.memory_space<vmem>>, vector<1x16xf32>,
        %get3A_111 = vector.shape_cast %get3A_110 : vector<1x16xf32> to vector<16xf32>
        %get3A_112 = arith.index_cast %scan3A_98 : i32 to index
        %get3A_113 = arith.constant 16 : index
        %get3A_114 = tpu.vector_load %arg13[%get3A_112, %get3A_113] {strides = array<i32>} : memref<128x128xf32, #tpu.memory_space<vmem>>, vector<1x16xf32>,
        %get3A_115 = vector.shape_cast %get3A_114 : vector<1x16xf32> to vector<16xf32>
        %add3A_116 = arith.addf %get3A_111, %get3A_115 : vector<16xf32>
        %bitcast_convert_type3A = tpu.bitcast %add3A_107 : vector<16xf32> -> vector<16xi32>
        %add3A_117 = arith.constant 32768 : i32
        %add3A_118 = vector.broadcast %add3A_117 : i32 to vector<16xi32>
        %add3A_119 = arith.addi %bitcast_convert_type3A, %add3A_118 : vector<16xi32>
        %shift_right_logical3A = arith.constant 16 : i32
        %shift_right_logical3A_120 = vector.broadcast %shift_right_logical3A : i32 to vector<16xi32>
        %shift_right_logical3A_121 = arith.shrui %add3A_119, %shift_right_logical3A_120 : vector<16xi32>
        %bitcast_convert_type3A_122 = tpu.bitcast %add3A_116 : vector<16xf32> -> vector<16xi32>
        %add3A_123 = arith.constant 32768 : i32
        %add3A_124 = vector.broadcast %add3A_123 : i32 to vector<16xi32>
        %add3A_125 = arith.addi %bitcast_convert_type3A_122, %add3A_124 : vector<16xi32>
        %and3A = arith.constant -65536 : i32
        %and3A_126 = vector.broadcast %and3A : i32 to vector<16xi32>
        %and3A_127 = arith.andi %add3A_125, %and3A_126 : vector<16xi32>
        %or3A = arith.ori %and3A_127, %shift_right_logical3A_121 : vector<16xi32>
        %swap3A = arith.index_cast %scan3A_98 : i32 to index
        %swap3A_128 = arith.constant 0 : index
        %swap3A_129 = tpu.vector_load %arg15[%swap3A, %swap3A_128] {strides = array<i32>} : memref<128x64xi32, #tpu.memory_space<vmem>>, vector<1x16xi32>,
        %swap3A_130 = vector.shape_cast %swap3A_129 : vector<1x16xi32> to vector<16xi32>
        %swap3A_131 = vector.shape_cast %or3A : vector<16xi32> to vector<1x16xi32>
        tpu.vector_store %arg15[%swap3A, %swap3A_128], %swap3A_131 {strides = array<i32>} : memref<128x64xi32, #tpu.memory_space<vmem>>, vector<1x16xi32>,
        %get3A_132 = arith.index_cast %scan3A_98 : i32 to index
        %get3A_133 = arith.constant 32 : index
        %get3A_134 = tpu.vector_load %arg11[%get3A_132, %get3A_133] {strides = array<i32>} : memref<128x128xf32, #tpu.memory_space<vmem>>, vector<1x16xf32>,
        %get3A_135 = vector.shape_cast %get3A_134 : vector<1x16xf32> to vector<16xf32>
        %get3A_136 = arith.index_cast %scan3A_98 : i32 to index
        %get3A_137 = arith.constant 32 : index
        %get3A_138 = tpu.vector_load %arg13[%get3A_136, %get3A_137] {strides = array<i32>} : memref<128x128xf32, #tpu.memory_space<vmem>>, vector<1x16xf32>,
        %get3A_139 = vector.shape_cast %get3A_138 : vector<1x16xf32> to vector<16xf32>
        %add3A_140 = arith.addf %get3A_135, %get3A_139 : vector<16xf32>
        %get3A_141 = arith.index_cast %scan3A_98 : i32 to index
        %get3A_142 = arith.constant 48 : index
        %get3A_143 = tpu.vector_load %arg11[%get3A_141, %get3A_142] {strides = array<i32>} : memref<128x128xf32, #tpu.memory_space<vmem>>, vector<1x16xf32>,
        %get3A_144 = vector.shape_cast %get3A_143 : vector<1x16xf32> to vector<16xf32>
        %get3A_145 = arith.index_cast %scan3A_98 : i32 to index
        %get3A_146 = arith.constant 48 : index
        %get3A_147 = tpu.vector_load %arg13[%get3A_145, %get3A_146] {strides = array<i32>} : memref<128x128xf32, #tpu.memory_space<vmem>>, vector<1x16xf32>,
        %get3A_148 = vector.shape_cast %get3A_147 : vector<1x16xf32> to vector<16xf32>
        %add3A_149 = arith.addf %get3A_144, %get3A_148 : vector<16xf32>
        %bitcast_convert_type3A_150 = tpu.bitcast %add3A_140 : vector<16xf32> -> vector<16xi32>
        %add3A_151 = arith.constant 32768 : i32
        %add3A_152 = vector.broadcast %add3A_151 : i32 to vector<16xi32>
        %add3A_153 = arith.addi %bitcast_convert_type3A_150, %add3A_152 : vector<16xi32>
        %shift_right_logical3A_154 = arith.constant 16 : i32
        %shift_right_logical3A_155 = vector.broadcast %shift_right_logical3A_154 : i32 to vector<16xi32>
        %shift_right_logical3A_156 = arith.shrui %add3A_153, %shift_right_logical3A_155 : vector<16xi32>
        %bitcast_convert_type3A_157 = tpu.bitcast %add3A_149 : vector<16xf32> -> vector<16xi32>
        %add3A_158 = arith.constant 32768 : i32
        %add3A_159 = vector.broadcast %add3A_158 : i32 to vector<16xi32>
        %add3A_160 = arith.addi %bitcast_convert_type3A_157, %add3A_159 : vector<16xi32>
        %and3A_161 = arith.constant -65536 : i32
        %and3A_162 = vector.broadcast %and3A_161 : i32 to vector<16xi32>
        %and3A_163 = arith.andi %add3A_160, %and3A_162 : vector<16xi32>
        %or3A_164 = arith.ori %and3A_163, %shift_right_logical3A_156 : vector<16xi32>
        %swap3A_165 = arith.index_cast %scan3A_98 : i32 to index
        %swap3A_166 = arith.constant 16 : index
        %swap3A_167 = tpu.vector_load %arg15[%swap3A_165, %swap3A_166] {strides = array<i32>} : memref<128x64xi32, #tpu.memory_space<vmem>>, vector<1x16xi32>,
        %swap3A_168 = vector.shape_cast %swap3A_167 : vector<1x16xi32> to vector<16xi32>
        %swap3A_169 = vector.shape_cast %or3A_164 : vector<16xi32> to vector<1x16xi32>
        tpu.vector_store %arg15[%swap3A_165, %swap3A_166], %swap3A_169 {strides = array<i32>} : memref<128x64xi32, #tpu.memory_space<vmem>>, vector<1x16xi32>,
        %get3A_170 = arith.index_cast %scan3A_98 : i32 to index
        %get3A_171 = arith.constant 64 : index
        %get3A_172 = tpu.vector_load %arg11[%get3A_170, %get3A_171] {strides = array<i32>} : memref<128x128xf32, #tpu.memory_space<vmem>>, vector<1x16xf32>,
        %get3A_173 = vector.shape_cast %get3A_172 : vector<1x16xf32> to vector<16xf32>
        %get3A_174 = arith.index_cast %scan3A_98 : i32 to index
        %get3A_175 = arith.constant 64 : index
        %get3A_176 = tpu.vector_load %arg13[%get3A_174, %get3A_175] {strides = array<i32>} : memref<128x128xf32, #tpu.memory_space<vmem>>, vector<1x16xf32>,
        %get3A_177 = vector.shape_cast %get3A_176 : vector<1x16xf32> to vector<16xf32>
        %add3A_178 = arith.addf %get3A_173, %get3A_177 : vector<16xf32>
        %get3A_179 = arith.index_cast %scan3A_98 : i32 to index
        %get3A_180 = arith.constant 80 : index
        %get3A_181 = tpu.vector_load %arg11[%get3A_179, %get3A_180] {strides = array<i32>} : memref<128x128xf32, #tpu.memory_space<vmem>>, vector<1x16xf32>,
        %get3A_182 = vector.shape_cast %get3A_181 : vector<1x16xf32> to vector<16xf32>
        %get3A_183 = arith.index_cast %scan3A_98 : i32 to index
        %get3A_184 = arith.constant 80 : index
        %get3A_185 = tpu.vector_load %arg13[%get3A_183, %get3A_184] {strides = array<i32>} : memref<128x128xf32, #tpu.memory_space<vmem>>, vector<1x16xf32>,
        %get3A_186 = vector.shape_cast %get3A_185 : vector<1x16xf32> to vector<16xf32>
        %add3A_187 = arith.addf %get3A_182, %get3A_186 : vector<16xf32>
        %bitcast_convert_type3A_188 = tpu.bitcast %add3A_178 : vector<16xf32> -> vector<16xi32>
        %add3A_189 = arith.constant 32768 : i32
        %add3A_190 = vector.broadcast %add3A_189 : i32 to vector<16xi32>
        %add3A_191 = arith.addi %bitcast_convert_type3A_188, %add3A_190 : vector<16xi32>
        %shift_right_logical3A_192 = arith.constant 16 : i32
        %shift_right_logical3A_193 = vector.broadcast %shift_right_logical3A_192 : i32 to vector<16xi32>
        %shift_right_logical3A_194 = arith.shrui %add3A_191, %shift_right_logical3A_193 : vector<16xi32>
        %bitcast_convert_type3A_195 = tpu.bitcast %add3A_187 : vector<16xf32> -> vector<16xi32>
        %add3A_196 = arith.constant 32768 : i32
        %add3A_197 = vector.broadcast %add3A_196 : i32 to vector<16xi32>
        %add3A_198 = arith.addi %bitcast_convert_type3A_195, %add3A_197 : vector<16xi32>
        %and3A_199 = arith.constant -65536 : i32
        %and3A_200 = vector.broadcast %and3A_199 : i32 to vector<16xi32>
        %and3A_201 = arith.andi %add3A_198, %and3A_200 : vector<16xi32>
        %or3A_202 = arith.ori %and3A_201, %shift_right_logical3A_194 : vector<16xi32>
        %swap3A_203 = arith.index_cast %scan3A_98 : i32 to index
        %swap3A_204 = arith.constant 32 : index
        %swap3A_205 = tpu.vector_load %arg15[%swap3A_203, %swap3A_204] {strides = array<i32>} : memref<128x64xi32, #tpu.memory_space<vmem>>, vector<1x16xi32>,
        %swap3A_206 = vector.shape_cast %swap3A_205 : vector<1x16xi32> to vector<16xi32>
        %swap3A_207 = vector.shape_cast %or3A_202 : vector<16xi32> to vector<1x16xi32>
        tpu.vector_store %arg15[%swap3A_203, %swap3A_204], %swap3A_207 {strides = array<i32>} : memref<128x64xi32, #tpu.memory_space<vmem>>, vector<1x16xi32>,
        %get3A_208 = arith.index_cast %scan3A_98 : i32 to index
        %get3A_209 = arith.constant 96 : index
        %get3A_210 = tpu.vector_load %arg11[%get3A_208, %get3A_209] {strides = array<i32>} : memref<128x128xf32, #tpu.memory_space<vmem>>, vector<1x16xf32>,
        %get3A_211 = vector.shape_cast %get3A_210 : vector<1x16xf32> to vector<16xf32>
        %get3A_212 = arith.index_cast %scan3A_98 : i32 to index
        %get3A_213 = arith.constant 96 : index
        %get3A_214 = tpu.vector_load %arg13[%get3A_212, %get3A_213] {strides = array<i32>} : memref<128x128xf32, #tpu.memory_space<vmem>>, vector<1x16xf32>,
        %get3A_215 = vector.shape_cast %get3A_214 : vector<1x16xf32> to vector<16xf32>
        %add3A_216 = arith.addf %get3A_211, %get3A_215 : vector<16xf32>
        %get3A_217 = arith.index_cast %scan3A_98 : i32 to index
        %get3A_218 = arith.constant 112 : index
        %get3A_219 = tpu.vector_load %arg11[%get3A_217, %get3A_218] {strides = array<i32>} : memref<128x128xf32, #tpu.memory_space<vmem>>, vector<1x16xf32>,
        %get3A_220 = vector.shape_cast %get3A_219 : vector<1x16xf32> to vector<16xf32>
        %get3A_221 = arith.index_cast %scan3A_98 : i32 to index
        %get3A_222 = arith.constant 112 : index
        %get3A_223 = tpu.vector_load %arg13[%get3A_221, %get3A_222] {strides = array<i32>} : memref<128x128xf32, #tpu.memory_space<vmem>>, vector<1x16xf32>,
        %get3A_224 = vector.shape_cast %get3A_223 : vector<1x16xf32> to vector<16xf32>
        %add3A_225 = arith.addf %get3A_220, %get3A_224 : vector<16xf32>
        %bitcast_convert_type3A_226 = tpu.bitcast %add3A_216 : vector<16xf32> -> vector<16xi32>
        %add3A_227 = arith.constant 32768 : i32
        %add3A_228 = vector.broadcast %add3A_227 : i32 to vector<16xi32>
        %add3A_229 = arith.addi %bitcast_convert_type3A_226, %add3A_228 : vector<16xi32>
        %shift_right_logical3A_230 = arith.constant 16 : i32
        %shift_right_logical3A_231 = vector.broadcast %shift_right_logical3A_230 : i32 to vector<16xi32>
        %shift_right_logical3A_232 = arith.shrui %add3A_229, %shift_right_logical3A_231 : vector<16xi32>
        %bitcast_convert_type3A_233 = tpu.bitcast %add3A_225 : vector<16xf32> -> vector<16xi32>
        %add3A_234 = arith.constant 32768 : i32
        %add3A_235 = vector.broadcast %add3A_234 : i32 to vector<16xi32>
        %add3A_236 = arith.addi %bitcast_convert_type3A_233, %add3A_235 : vector<16xi32>
        %and3A_237 = arith.constant -65536 : i32
        %and3A_238 = vector.broadcast %and3A_237 : i32 to vector<16xi32>
        %and3A_239 = arith.andi %add3A_236, %and3A_238 : vector<16xi32>
        %or3A_240 = arith.ori %and3A_239, %shift_right_logical3A_232 : vector<16xi32>
        %swap3A_241 = arith.index_cast %scan3A_98 : i32 to index
        %swap3A_242 = arith.constant 48 : index
        %swap3A_243 = tpu.vector_load %arg15[%swap3A_241, %swap3A_242] {strides = array<i32>} : memref<128x64xi32, #tpu.memory_space<vmem>>, vector<1x16xi32>,
        %swap3A_244 = vector.shape_cast %swap3A_243 : vector<1x16xi32> to vector<16xi32>
        %swap3A_245 = vector.shape_cast %or3A_240 : vector<16xi32> to vector<1x16xi32>
        tpu.vector_store %arg15[%swap3A_241, %swap3A_242], %swap3A_245 {strides = array<i32>} : memref<128x64xi32, #tpu.memory_space<vmem>>, vector<1x16xi32>,
        %scan3A_246 = arith.constant 0 : i32
        scf.yield %scan3A_246 : i32
      }
      %scan3A_53 = arith.constant 128 : i32
      %mul3A_54 = arith.constant 128 : i32
      %mul3A_55 = arith.muli %add3A_32, %mul3A_54 : i32
      %add3A_56 = arith.addi %mul3A_2, %mul3A_55 : i32
      %dma_start3A_57 = arith.constant 0 : i32
      %dma_start3A_58 = tpu.memref_slice %arg6[%add3A_56, %dma_start3A_57] : memref<163840x64xi32, #tpu.memory_space<hbm>> -> memref<128x64xi32, #tpu.memory_space<hbm>>
      %dma_start3A_59 = arith.constant 0 : i32
      %dma_start3A_60 = tpu.memref_slice %arg6[%add3A_56, %dma_start3A_59] : memref<163840x64xi32, #tpu.memory_space<hbm>> -> memref<128x64xi32, #tpu.memory_space<hbm>>
      tpu.enqueue_dma source(%arg15 : memref<128x64xi32, #tpu.memory_space<vmem>>) target(%dma_start3A_60 : memref<128x64xi32, #tpu.memory_space<hbm>>) target_semaphore(%arg26 : memref<!tpu.dma_semaphore, #tpu.memory_space<semaphore_mem>>)
      %mul3A_61 = arith.constant 2 : i32
      %mul3A_62 = arith.muli %scan3A_27, %mul3A_61 : i32
      %add3A_63 = arith.constant 1 : i32
      %add3A_64 = arith.addi %mul3A_62, %add3A_63 : i32
      %add3A_65 = arith.constant 1 : i32
      %add3A_66 = arith.addi %add3A_64, %add3A_65 : i32
      %lt3A_67 = arith.constant 40 : i32
      %lt3A_68 = arith.cmpi slt, %add3A_66, %lt3A_67 : i32
      %convert_element_type3A_69 = arith.extui %lt3A_68 : i1 to i32
      %cond3A_70 = arith.constant 0 : i32
      %cond3A_71 = arith.cmpi ne, %convert_element_type3A_69, %cond3A_70 : i32
      scf.if %cond3A_71 {
        %add3A_98 = arith.constant 1 : i32
        %add3A_99 = arith.addi %add3A_64, %add3A_98 : i32
        %mul3A_100 = arith.constant 128 : i32
        %mul3A_101 = arith.muli %add3A_99, %mul3A_100 : i32
        %add3A_102 = arith.addi %mul3A_2, %mul3A_101 : i32
        "tpu.region"() ({
          %run_scoped3A = tpu.sem_alloc : memref<!tpu.dma_semaphore, #tpu.memory_space<semaphore_mem>>
          %dma_start3A_109 = tpu.memref_slice %arg4[%add3A_102] : memref<163840xi32, #tpu.memory_space<hbm>> -> memref<128xi32, #tpu.memory_space<hbm>>
          %dma_start3A_110 = tpu.memref_slice %arg4[%add3A_102] : memref<163840xi32, #tpu.memory_space<hbm>> -> memref<128xi32, #tpu.memory_space<hbm>>
          tpu.enqueue_dma source(%dma_start3A_110 : memref<128xi32, #tpu.memory_space<hbm>>) target(%arg7 : memref<128xi32, #tpu.memory_space<vmem>>) target_semaphore(%run_scoped3A : memref<!tpu.dma_semaphore, #tpu.memory_space<semaphore_mem>>)
          %dma_wait3A_111 = tpu.memref_slice %arg4[%add3A_102] : memref<163840xi32, #tpu.memory_space<hbm>> -> memref<128xi32, #tpu.memory_space<hbm>>
          %dma_wait3A_112 = tpu.memref_slice %arg4[%add3A_102] : memref<163840xi32, #tpu.memory_space<hbm>> -> memref<128xi32, #tpu.memory_space<hbm>>
          tpu.wait_dma2 semaphore(%run_scoped3A : memref<!tpu.dma_semaphore, #tpu.memory_space<semaphore_mem>>) src(%dma_wait3A_112 : memref<128xi32, #tpu.memory_space<hbm>>) dst(%arg7 : memref<128xi32, #tpu.memory_space<vmem>>)
          tpu.yield
        }) : () -> ()
        "tpu.region"() ({
          %run_scoped3A = tpu.sem_alloc : memref<!tpu.dma_semaphore, #tpu.memory_space<semaphore_mem>>
          %dma_start3A_109 = tpu.memref_slice %arg5[%add3A_102] : memref<163840xi32, #tpu.memory_space<hbm>> -> memref<128xi32, #tpu.memory_space<hbm>>
          %dma_start3A_110 = tpu.memref_slice %arg5[%add3A_102] : memref<163840xi32, #tpu.memory_space<hbm>> -> memref<128xi32, #tpu.memory_space<hbm>>
          tpu.enqueue_dma source(%dma_start3A_110 : memref<128xi32, #tpu.memory_space<hbm>>) target(%arg9 : memref<128xi32, #tpu.memory_space<vmem>>) target_semaphore(%run_scoped3A : memref<!tpu.dma_semaphore, #tpu.memory_space<semaphore_mem>>)
          %dma_wait3A_111 = tpu.memref_slice %arg5[%add3A_102] : memref<163840xi32, #tpu.memory_space<hbm>> -> memref<128xi32, #tpu.memory_space<hbm>>
          %dma_wait3A_112 = tpu.memref_slice %arg5[%add3A_102] : memref<163840xi32, #tpu.memory_space<hbm>> -> memref<128xi32, #tpu.memory_space<hbm>>
          tpu.wait_dma2 semaphore(%run_scoped3A : memref<!tpu.dma_semaphore, #tpu.memory_space<semaphore_mem>>) src(%dma_wait3A_112 : memref<128xi32, #tpu.memory_space<hbm>>) dst(%arg9 : memref<128xi32, #tpu.memory_space<vmem>>)
          tpu.yield
        }) : () -> ()
        %dma_start3A_103 = arith.constant 0 : i32
        %dma_start3A_104 = arith.constant 0 : i32
        %dma_start3A_105 = tpu.memref_slice %arg2[%dma_start3A_103, %dma_start3A_104] : memref<10000x128xf32, #tpu.memory_space<hbm>> -> memref<10000x128xf32, #tpu.memory_space<hbm>>
        tpu.enqueue_indirect_dma source(%dma_start3A_105 : memref<10000x128xf32, #tpu.memory_space<hbm>>) target(%arg11 : memref<128x128xf32, #tpu.memory_space<vmem>>) offsets(%arg7 : memref<128xi32, #tpu.memory_space<vmem>>) semaphore(%arg22 : memref<!tpu.dma_semaphore, #tpu.memory_space<semaphore_mem>>)
        %dma_start3A_106 = arith.constant 0 : i32
        %dma_start3A_107 = arith.constant 0 : i32
        %dma_start3A_108 = tpu.memref_slice %arg3[%dma_start3A_106, %dma_start3A_107] : memref<10000x128xf32, #tpu.memory_space<hbm>> -> memref<10000x128xf32, #tpu.memory_space<hbm>>
        tpu.enqueue_indirect_dma source(%dma_start3A_108 : memref<10000x128xf32, #tpu.memory_space<hbm>>) target(%arg13 : memref<128x128xf32, #tpu.memory_space<vmem>>) offsets(%arg9 : memref<128xi32, #tpu.memory_space<vmem>>) semaphore(%arg24 : memref<!tpu.dma_semaphore, #tpu.memory_space<semaphore_mem>>)
      } else {
      }
      %dma_wait3A_72 = arith.constant 0 : i32
      %dma_wait3A_73 = arith.constant 0 : i32
      %dma_wait3A_74 = tpu.memref_slice %arg2[%dma_wait3A_72, %dma_wait3A_73] : memref<10000x128xf32, #tpu.memory_space<hbm>> -> memref<10000x128xf32, #tpu.memory_space<hbm>>
      tpu.wait_indirect_dma semaphore(%arg23 : memref<!tpu.dma_semaphore, #tpu.memory_space<semaphore_mem>>) src(%dma_wait3A_74 : memref<10000x128xf32, #tpu.memory_space<hbm>>) dst(%arg12 : memref<128x128xf32, #tpu.memory_space<vmem>>)
      %dma_wait3A_75 = arith.constant 0 : i32
      %dma_wait3A_76 = arith.constant 0 : i32
      %dma_wait3A_77 = tpu.memref_slice %arg3[%dma_wait3A_75, %dma_wait3A_76] : memref<10000x128xf32, #tpu.memory_space<hbm>> -> memref<10000x128xf32, #tpu.memory_space<hbm>>
      tpu.wait_indirect_dma semaphore(%arg25 : memref<!tpu.dma_semaphore, #tpu.memory_space<semaphore_mem>>) src(%dma_wait3A_77 : memref<10000x128xf32, #tpu.memory_space<hbm>>) dst(%arg14 : memref<128x128xf32, #tpu.memory_space<vmem>>)
      %ge3A_78 = arith.constant 2 : i32
      %ge3A_79 = arith.cmpi sge, %add3A_64, %ge3A_78 : i32
      %convert_element_type3A_80 = arith.extui %ge3A_79 : i1 to i32
      %cond3A_81 = arith.constant 0 : i32
      %cond3A_82 = arith.cmpi ne, %convert_element_type3A_80, %cond3A_81 : i32
      scf.if %cond3A_82 {
        %dma_wait3A_98 = arith.constant 0 : i32
        %dma_wait3A_99 = arith.constant 0 : i32
        %dma_wait3A_100 = tpu.memref_slice %arg6[%dma_wait3A_98, %dma_wait3A_99] : memref<163840x64xi32, #tpu.memory_space<hbm>> -> memref<128x64xi32, #tpu.memory_space<hbm>>
        %dma_wait3A_101 = arith.constant 0 : i32
        %dma_wait3A_102 = arith.constant 0 : i32
        %dma_wait3A_103 = tpu.memref_slice %arg6[%dma_wait3A_101, %dma_wait3A_102] : memref<163840x64xi32, #tpu.memory_space<hbm>> -> memref<128x64xi32, #tpu.memory_space<hbm>>
        tpu.wait_dma2 semaphore(%arg27 : memref<!tpu.dma_semaphore, #tpu.memory_space<semaphore_mem>>) src(%arg16 : memref<128x64xi32, #tpu.memory_space<vmem>>) dst(%dma_wait3A_103 : memref<128x64xi32, #tpu.memory_space<hbm>>)
      } else {
      }
      %scan3A_83 = arith.constant 0 : i32
      %scan3A_84 = arith.constant 0 : i32
      %scan3A_85 = arith.constant 128 : i32
      %scan3A_86 = arith.addi %scan3A_84, %scan3A_85 : i32
      %scan3A_87 = arith.constant 1 : i32
      %scan3A_88 = scf.for %scan3A_98 = %scan3A_84 to %scan3A_86 step %scan3A_87 iter_args(%scan3A_99 = %scan3A_83) -> (i32)  : i32 {
        %get3A = arith.index_cast %scan3A_98 : i32 to index
        %get3A_100 = arith.constant 0 : index
        %get3A_101 = tpu.vector_load %arg12[%get3A, %get3A_100] {strides = array<i32>} : memref<128x128xf32, #tpu.memory_space<vmem>>, vector<1x16xf32>,
        %get3A_102 = vector.shape_cast %get3A_101 : vector<1x16xf32> to vector<16xf32>
        %get3A_103 = arith.index_cast %scan3A_98 : i32 to index
        %get3A_104 = arith.constant 0 : index
        %get3A_105 = tpu.vector_load %arg14[%get3A_103, %get3A_104] {strides = array<i32>} : memref<128x128xf32, #tpu.memory_space<vmem>>, vector<1x16xf32>,
        %get3A_106 = vector.shape_cast %get3A_105 : vector<1x16xf32> to vector<16xf32>
        %add3A_107 = arith.addf %get3A_102, %get3A_106 : vector<16xf32>
        %get3A_108 = arith.index_cast %scan3A_98 : i32 to index
        %get3A_109 = arith.constant 16 : index
        %get3A_110 = tpu.vector_load %arg12[%get3A_108, %get3A_109] {strides = array<i32>} : memref<128x128xf32, #tpu.memory_space<vmem>>, vector<1x16xf32>,
        %get3A_111 = vector.shape_cast %get3A_110 : vector<1x16xf32> to vector<16xf32>
        %get3A_112 = arith.index_cast %scan3A_98 : i32 to index
        %get3A_113 = arith.constant 16 : index
        %get3A_114 = tpu.vector_load %arg14[%get3A_112, %get3A_113] {strides = array<i32>} : memref<128x128xf32, #tpu.memory_space<vmem>>, vector<1x16xf32>,
        %get3A_115 = vector.shape_cast %get3A_114 : vector<1x16xf32> to vector<16xf32>
        %add3A_116 = arith.addf %get3A_111, %get3A_115 : vector<16xf32>
        %bitcast_convert_type3A = tpu.bitcast %add3A_107 : vector<16xf32> -> vector<16xi32>
        %add3A_117 = arith.constant 32768 : i32
        %add3A_118 = vector.broadcast %add3A_117 : i32 to vector<16xi32>
        %add3A_119 = arith.addi %bitcast_convert_type3A, %add3A_118 : vector<16xi32>
        %shift_right_logical3A = arith.constant 16 : i32
        %shift_right_logical3A_120 = vector.broadcast %shift_right_logical3A : i32 to vector<16xi32>
        %shift_right_logical3A_121 = arith.shrui %add3A_119, %shift_right_logical3A_120 : vector<16xi32>
        %bitcast_convert_type3A_122 = tpu.bitcast %add3A_116 : vector<16xf32> -> vector<16xi32>
        %add3A_123 = arith.constant 32768 : i32
        %add3A_124 = vector.broadcast %add3A_123 : i32 to vector<16xi32>
        %add3A_125 = arith.addi %bitcast_convert_type3A_122, %add3A_124 : vector<16xi32>
        %and3A = arith.constant -65536 : i32
        %and3A_126 = vector.broadcast %and3A : i32 to vector<16xi32>
        %and3A_127 = arith.andi %add3A_125, %and3A_126 : vector<16xi32>
        %or3A = arith.ori %and3A_127, %shift_right_logical3A_121 : vector<16xi32>
        %swap3A = arith.index_cast %scan3A_98 : i32 to index
        %swap3A_128 = arith.constant 0 : index
        %swap3A_129 = tpu.vector_load %arg16[%swap3A, %swap3A_128] {strides = array<i32>} : memref<128x64xi32, #tpu.memory_space<vmem>>, vector<1x16xi32>,
        %swap3A_130 = vector.shape_cast %swap3A_129 : vector<1x16xi32> to vector<16xi32>
        %swap3A_131 = vector.shape_cast %or3A : vector<16xi32> to vector<1x16xi32>
        tpu.vector_store %arg16[%swap3A, %swap3A_128], %swap3A_131 {strides = array<i32>} : memref<128x64xi32, #tpu.memory_space<vmem>>, vector<1x16xi32>,
        %get3A_132 = arith.index_cast %scan3A_98 : i32 to index
        %get3A_133 = arith.constant 32 : index
        %get3A_134 = tpu.vector_load %arg12[%get3A_132, %get3A_133] {strides = array<i32>} : memref<128x128xf32, #tpu.memory_space<vmem>>, vector<1x16xf32>,
        %get3A_135 = vector.shape_cast %get3A_134 : vector<1x16xf32> to vector<16xf32>
        %get3A_136 = arith.index_cast %scan3A_98 : i32 to index
        %get3A_137 = arith.constant 32 : index
        %get3A_138 = tpu.vector_load %arg14[%get3A_136, %get3A_137] {strides = array<i32>} : memref<128x128xf32, #tpu.memory_space<vmem>>, vector<1x16xf32>,
        %get3A_139 = vector.shape_cast %get3A_138 : vector<1x16xf32> to vector<16xf32>
        %add3A_140 = arith.addf %get3A_135, %get3A_139 : vector<16xf32>
        %get3A_141 = arith.index_cast %scan3A_98 : i32 to index
        %get3A_142 = arith.constant 48 : index
        %get3A_143 = tpu.vector_load %arg12[%get3A_141, %get3A_142] {strides = array<i32>} : memref<128x128xf32, #tpu.memory_space<vmem>>, vector<1x16xf32>,
        %get3A_144 = vector.shape_cast %get3A_143 : vector<1x16xf32> to vector<16xf32>
        %get3A_145 = arith.index_cast %scan3A_98 : i32 to index
        %get3A_146 = arith.constant 48 : index
        %get3A_147 = tpu.vector_load %arg14[%get3A_145, %get3A_146] {strides = array<i32>} : memref<128x128xf32, #tpu.memory_space<vmem>>, vector<1x16xf32>,
        %get3A_148 = vector.shape_cast %get3A_147 : vector<1x16xf32> to vector<16xf32>
        %add3A_149 = arith.addf %get3A_144, %get3A_148 : vector<16xf32>
        %bitcast_convert_type3A_150 = tpu.bitcast %add3A_140 : vector<16xf32> -> vector<16xi32>
        %add3A_151 = arith.constant 32768 : i32
        %add3A_152 = vector.broadcast %add3A_151 : i32 to vector<16xi32>
        %add3A_153 = arith.addi %bitcast_convert_type3A_150, %add3A_152 : vector<16xi32>
        %shift_right_logical3A_154 = arith.constant 16 : i32
        %shift_right_logical3A_155 = vector.broadcast %shift_right_logical3A_154 : i32 to vector<16xi32>
        %shift_right_logical3A_156 = arith.shrui %add3A_153, %shift_right_logical3A_155 : vector<16xi32>
        %bitcast_convert_type3A_157 = tpu.bitcast %add3A_149 : vector<16xf32> -> vector<16xi32>
        %add3A_158 = arith.constant 32768 : i32
        %add3A_159 = vector.broadcast %add3A_158 : i32 to vector<16xi32>
        %add3A_160 = arith.addi %bitcast_convert_type3A_157, %add3A_159 : vector<16xi32>
        %and3A_161 = arith.constant -65536 : i32
        %and3A_162 = vector.broadcast %and3A_161 : i32 to vector<16xi32>
        %and3A_163 = arith.andi %add3A_160, %and3A_162 : vector<16xi32>
        %or3A_164 = arith.ori %and3A_163, %shift_right_logical3A_156 : vector<16xi32>
        %swap3A_165 = arith.index_cast %scan3A_98 : i32 to index
        %swap3A_166 = arith.constant 16 : index
        %swap3A_167 = tpu.vector_load %arg16[%swap3A_165, %swap3A_166] {strides = array<i32>} : memref<128x64xi32, #tpu.memory_space<vmem>>, vector<1x16xi32>,
        %swap3A_168 = vector.shape_cast %swap3A_167 : vector<1x16xi32> to vector<16xi32>
        %swap3A_169 = vector.shape_cast %or3A_164 : vector<16xi32> to vector<1x16xi32>
        tpu.vector_store %arg16[%swap3A_165, %swap3A_166], %swap3A_169 {strides = array<i32>} : memref<128x64xi32, #tpu.memory_space<vmem>>, vector<1x16xi32>,
        %get3A_170 = arith.index_cast %scan3A_98 : i32 to index
        %get3A_171 = arith.constant 64 : index
        %get3A_172 = tpu.vector_load %arg12[%get3A_170, %get3A_171] {strides = array<i32>} : memref<128x128xf32, #tpu.memory_space<vmem>>, vector<1x16xf32>,
        %get3A_173 = vector.shape_cast %get3A_172 : vector<1x16xf32> to vector<16xf32>
        %get3A_174 = arith.index_cast %scan3A_98 : i32 to index
        %get3A_175 = arith.constant 64 : index
        %get3A_176 = tpu.vector_load %arg14[%get3A_174, %get3A_175] {strides = array<i32>} : memref<128x128xf32, #tpu.memory_space<vmem>>, vector<1x16xf32>,
        %get3A_177 = vector.shape_cast %get3A_176 : vector<1x16xf32> to vector<16xf32>
        %add3A_178 = arith.addf %get3A_173, %get3A_177 : vector<16xf32>
        %get3A_179 = arith.index_cast %scan3A_98 : i32 to index
        %get3A_180 = arith.constant 80 : index
        %get3A_181 = tpu.vector_load %arg12[%get3A_179, %get3A_180] {strides = array<i32>} : memref<128x128xf32, #tpu.memory_space<vmem>>, vector<1x16xf32>,
        %get3A_182 = vector.shape_cast %get3A_181 : vector<1x16xf32> to vector<16xf32>
        %get3A_183 = arith.index_cast %scan3A_98 : i32 to index
        %get3A_184 = arith.constant 80 : index
        %get3A_185 = tpu.vector_load %arg14[%get3A_183, %get3A_184] {strides = array<i32>} : memref<128x128xf32, #tpu.memory_space<vmem>>, vector<1x16xf32>,
        %get3A_186 = vector.shape_cast %get3A_185 : vector<1x16xf32> to vector<16xf32>
        %add3A_187 = arith.addf %get3A_182, %get3A_186 : vector<16xf32>
        %bitcast_convert_type3A_188 = tpu.bitcast %add3A_178 : vector<16xf32> -> vector<16xi32>
        %add3A_189 = arith.constant 32768 : i32
        %add3A_190 = vector.broadcast %add3A_189 : i32 to vector<16xi32>
        %add3A_191 = arith.addi %bitcast_convert_type3A_188, %add3A_190 : vector<16xi32>
        %shift_right_logical3A_192 = arith.constant 16 : i32
        %shift_right_logical3A_193 = vector.broadcast %shift_right_logical3A_192 : i32 to vector<16xi32>
        %shift_right_logical3A_194 = arith.shrui %add3A_191, %shift_right_logical3A_193 : vector<16xi32>
        %bitcast_convert_type3A_195 = tpu.bitcast %add3A_187 : vector<16xf32> -> vector<16xi32>
        %add3A_196 = arith.constant 32768 : i32
        %add3A_197 = vector.broadcast %add3A_196 : i32 to vector<16xi32>
        %add3A_198 = arith.addi %bitcast_convert_type3A_195, %add3A_197 : vector<16xi32>
        %and3A_199 = arith.constant -65536 : i32
        %and3A_200 = vector.broadcast %and3A_199 : i32 to vector<16xi32>
        %and3A_201 = arith.andi %add3A_198, %and3A_200 : vector<16xi32>
        %or3A_202 = arith.ori %and3A_201, %shift_right_logical3A_194 : vector<16xi32>
        %swap3A_203 = arith.index_cast %scan3A_98 : i32 to index
        %swap3A_204 = arith.constant 32 : index
        %swap3A_205 = tpu.vector_load %arg16[%swap3A_203, %swap3A_204] {strides = array<i32>} : memref<128x64xi32, #tpu.memory_space<vmem>>, vector<1x16xi32>,
        %swap3A_206 = vector.shape_cast %swap3A_205 : vector<1x16xi32> to vector<16xi32>
        %swap3A_207 = vector.shape_cast %or3A_202 : vector<16xi32> to vector<1x16xi32>
        tpu.vector_store %arg16[%swap3A_203, %swap3A_204], %swap3A_207 {strides = array<i32>} : memref<128x64xi32, #tpu.memory_space<vmem>>, vector<1x16xi32>,
        %get3A_208 = arith.index_cast %scan3A_98 : i32 to index
        %get3A_209 = arith.constant 96 : index
        %get3A_210 = tpu.vector_load %arg12[%get3A_208, %get3A_209] {strides = array<i32>} : memref<128x128xf32, #tpu.memory_space<vmem>>, vector<1x16xf32>,
        %get3A_211 = vector.shape_cast %get3A_210 : vector<1x16xf32> to vector<16xf32>
        %get3A_212 = arith.index_cast %scan3A_98 : i32 to index
        %get3A_213 = arith.constant 96 : index
        %get3A_214 = tpu.vector_load %arg14[%get3A_212, %get3A_213] {strides = array<i32>} : memref<128x128xf32, #tpu.memory_space<vmem>>, vector<1x16xf32>,
        %get3A_215 = vector.shape_cast %get3A_214 : vector<1x16xf32> to vector<16xf32>
        %add3A_216 = arith.addf %get3A_211, %get3A_215 : vector<16xf32>
        %get3A_217 = arith.index_cast %scan3A_98 : i32 to index
        %get3A_218 = arith.constant 112 : index
        %get3A_219 = tpu.vector_load %arg12[%get3A_217, %get3A_218] {strides = array<i32>} : memref<128x128xf32, #tpu.memory_space<vmem>>, vector<1x16xf32>,
        %get3A_220 = vector.shape_cast %get3A_219 : vector<1x16xf32> to vector<16xf32>
        %get3A_221 = arith.index_cast %scan3A_98 : i32 to index
        %get3A_222 = arith.constant 112 : index
        %get3A_223 = tpu.vector_load %arg14[%get3A_221, %get3A_222] {strides = array<i32>} : memref<128x128xf32, #tpu.memory_space<vmem>>, vector<1x16xf32>,
        %get3A_224 = vector.shape_cast %get3A_223 : vector<1x16xf32> to vector<16xf32>
        %add3A_225 = arith.addf %get3A_220, %get3A_224 : vector<16xf32>
        %bitcast_convert_type3A_226 = tpu.bitcast %add3A_216 : vector<16xf32> -> vector<16xi32>
        %add3A_227 = arith.constant 32768 : i32
        %add3A_228 = vector.broadcast %add3A_227 : i32 to vector<16xi32>
        %add3A_229 = arith.addi %bitcast_convert_type3A_226, %add3A_228 : vector<16xi32>
        %shift_right_logical3A_230 = arith.constant 16 : i32
        %shift_right_logical3A_231 = vector.broadcast %shift_right_logical3A_230 : i32 to vector<16xi32>
        %shift_right_logical3A_232 = arith.shrui %add3A_229, %shift_right_logical3A_231 : vector<16xi32>
        %bitcast_convert_type3A_233 = tpu.bitcast %add3A_225 : vector<16xf32> -> vector<16xi32>
        %add3A_234 = arith.constant 32768 : i32
        %add3A_235 = vector.broadcast %add3A_234 : i32 to vector<16xi32>
        %add3A_236 = arith.addi %bitcast_convert_type3A_233, %add3A_235 : vector<16xi32>
        %and3A_237 = arith.constant -65536 : i32
        %and3A_238 = vector.broadcast %and3A_237 : i32 to vector<16xi32>
        %and3A_239 = arith.andi %add3A_236, %and3A_238 : vector<16xi32>
        %or3A_240 = arith.ori %and3A_239, %shift_right_logical3A_232 : vector<16xi32>
        %swap3A_241 = arith.index_cast %scan3A_98 : i32 to index
        %swap3A_242 = arith.constant 48 : index
        %swap3A_243 = tpu.vector_load %arg16[%swap3A_241, %swap3A_242] {strides = array<i32>} : memref<128x64xi32, #tpu.memory_space<vmem>>, vector<1x16xi32>,
        %swap3A_244 = vector.shape_cast %swap3A_243 : vector<1x16xi32> to vector<16xi32>
        %swap3A_245 = vector.shape_cast %or3A_240 : vector<16xi32> to vector<1x16xi32>
        tpu.vector_store %arg16[%swap3A_241, %swap3A_242], %swap3A_245 {strides = array<i32>} : memref<128x64xi32, #tpu.memory_space<vmem>>, vector<1x16xi32>,
        %scan3A_246 = arith.constant 0 : i32
        scf.yield %scan3A_246 : i32
      }
      %scan3A_89 = arith.constant 128 : i32
      %mul3A_90 = arith.constant 128 : i32
      %mul3A_91 = arith.muli %add3A_64, %mul3A_90 : i32
      %add3A_92 = arith.addi %mul3A_2, %mul3A_91 : i32
      %dma_start3A_93 = arith.constant 0 : i32
      %dma_start3A_94 = tpu.memref_slice %arg6[%add3A_92, %dma_start3A_93] : memref<163840x64xi32, #tpu.memory_space<hbm>> -> memref<128x64xi32, #tpu.memory_space<hbm>>
      %dma_start3A_95 = arith.constant 0 : i32
      %dma_start3A_96 = tpu.memref_slice %arg6[%add3A_92, %dma_start3A_95] : memref<163840x64xi32, #tpu.memory_space<hbm>> -> memref<128x64xi32, #tpu.memory_space<hbm>>
      tpu.enqueue_dma source(%arg16 : memref<128x64xi32, #tpu.memory_space<vmem>>) target(%dma_start3A_96 : memref<128x64xi32, #tpu.memory_space<hbm>>) target_semaphore(%arg27 : memref<!tpu.dma_semaphore, #tpu.memory_space<semaphore_mem>>)
      %scan3A_97 = arith.constant 0 : i32
      scf.yield %scan3A_97 : i32
    }
    %scan3A_15 = arith.constant 20 : i32
    %dma_wait3A = arith.constant 0 : i32
    %dma_wait3A_16 = arith.constant 0 : i32
    %dma_wait3A_17 = tpu.memref_slice %arg6[%dma_wait3A, %dma_wait3A_16] : memref<163840x64xi32, #tpu.memory_space<hbm>> -> memref<128x64xi32, #tpu.memory_space<hbm>>
    %dma_wait3A_18 = arith.constant 0 : i32
    %dma_wait3A_19 = arith.constant 0 : i32
    %dma_wait3A_20 = tpu.memref_slice %arg6[%dma_wait3A_18, %dma_wait3A_19] : memref<163840x64xi32, #tpu.memory_space<hbm>> -> memref<128x64xi32, #tpu.memory_space<hbm>>
    tpu.wait_dma2 semaphore(%arg26 : memref<!tpu.dma_semaphore, #tpu.memory_space<semaphore_mem>>) src(%arg15 : memref<128x64xi32, #tpu.memory_space<vmem>>) dst(%dma_wait3A_20 : memref<128x64xi32, #tpu.memory_space<hbm>>)
    %dma_wait3A_21 = arith.constant 0 : i32
    %dma_wait3A_22 = arith.constant 0 : i32
    %dma_wait3A_23 = tpu.memref_slice %arg6[%dma_wait3A_21, %dma_wait3A_22] : memref<163840x64xi32, #tpu.memory_space<hbm>> -> memref<128x64xi32, #tpu.memory_space<hbm>>
    %dma_wait3A_24 = arith.constant 0 : i32
    %dma_wait3A_25 = arith.constant 0 : i32
    %dma_wait3A_26 = tpu.memref_slice %arg6[%dma_wait3A_24, %dma_wait3A_25] : memref<163840x64xi32, #tpu.memory_space<hbm>> -> memref<128x64xi32, #tpu.memory_space<hbm>>
    tpu.wait_dma2 semaphore(%arg27 : memref<!tpu.dma_semaphore, #tpu.memory_space<semaphore_mem>>) src(%arg16 : memref<128x64xi32, #tpu.memory_space<vmem>>) dst(%dma_wait3A_26 : memref<128x64xi32, #tpu.memory_space<hbm>>)
    return
  }
}

#map = affine_map<(d0, d1) -> (0, 0)>
#map1 = affine_map<(d0, d1) -> (0)>
#map2 = affine_map<(d0, d1) -> (0, 0, 0)>
module attributes {stable_mosaic.version = 14 : i64} {
  func.func @scatter_kernel(%arg0: i32, %arg1: i32, %arg2: memref<163840x64xi32, #tpu.memory_space<hbm>>, %arg3: memref<163840xi32, #tpu.memory_space<hbm>>, %arg4: memref<632x128xf32, #tpu.memory_space<hbm>>, %arg5: memref<2x10000x128xf32, #tpu.memory_space<hbm>>, %arg6: memref<64xi32, #tpu.memory_space<vmem>>, %arg7: memref<64xi32, #tpu.memory_space<vmem>>, %arg8: memref<64xi32, #tpu.memory_space<vmem>>, %arg9: memref<64xi32, #tpu.memory_space<vmem>>, %arg10: memref<64x64xi32, #tpu.memory_space<vmem>>, %arg11: memref<64x64xi32, #tpu.memory_space<vmem>>, %arg12: memref<64x128xf32, #tpu.memory_space<vmem>>, %arg13: memref<64x128xf32, #tpu.memory_space<vmem>>, %arg14: memref<16xi32, #tpu.memory_space<vmem>>, %arg15: memref<16x64xi32, #tpu.memory_space<vmem>>, %arg16: memref<16x128xf32, #tpu.memory_space<vmem>>, %arg17: memref<10000x128xf32, #tpu.memory_space<vmem_shared>>, %arg18: memref<!tpu.dma_semaphore, #tpu.memory_space<semaphore_mem>>, %arg19: memref<!tpu.dma_semaphore, #tpu.memory_space<semaphore_mem>>, %arg20: memref<!tpu.dma_semaphore, #tpu.memory_space<semaphore_mem>>, %arg21: memref<!tpu.dma_semaphore, #tpu.memory_space<semaphore_mem>>) attributes {dimension_semantics = [#tpu.dimension_semantics<core_parallel>, #tpu.dimension_semantics<subcore_parallel>], iteration_bounds = array<i64: 2, 16>, scalar_prefetch = 0 : i64, scratch_operands = 16 : i64, tpu.core_type = #tpu.core_type<sc_vector_subcore>, window_params = [{transform_indices = #map}, {transform_indices = #map1}, {transform_indices = #map}, {transform_indices = #map2}]} {
    %mul3A = arith.constant 2 : i32
    %mul3A_0 = arith.muli %arg1, %mul3A : i32
    %add3A = arith.addi %mul3A_0, %arg0 : i32
    %mul3A_1 = arith.constant 5120 : i32
    %mul3A_2 = arith.muli %add3A, %mul3A_1 : i32
    %lt3A = arith.constant 15 : i32
    %lt3A_3 = arith.cmpi slt, %arg1, %lt3A : i32
    %convert_element_type3A = arith.extui %lt3A_3 : i1 to i32
    %cond3A = arith.constant 0 : i32
    %cond3A_4 = arith.cmpi ne, %convert_element_type3A, %cond3A : i32
    scf.if %cond3A_4 {
      %mul3A_36 = arith.constant 632 : i32
      %mul3A_37 = arith.muli %arg1, %mul3A_36 : i32
      "tpu.region"() ({
        %run_scoped3A = tpu.sem_alloc : memref<!tpu.dma_semaphore, #tpu.memory_space<semaphore_mem>>
        %dma_start3A_38 = arith.constant 0 : i32
        %dma_start3A_39 = tpu.memref_slice %arg17[%mul3A_37, %dma_start3A_38] : memref<10000x128xf32, #tpu.memory_space<vmem_shared>> -> memref<632x128xf32, #tpu.memory_space<vmem_shared>>
        tpu.enqueue_dma source(%arg4 : memref<632x128xf32, #tpu.memory_space<hbm>>) target(%dma_start3A_39 : memref<632x128xf32, #tpu.memory_space<vmem_shared>>) target_semaphore(%run_scoped3A : memref<!tpu.dma_semaphore, #tpu.memory_space<semaphore_mem>>)
        %dma_wait3A_40 = arith.constant 0 : i32
        %dma_wait3A_41 = tpu.memref_slice %arg17[%mul3A_37, %dma_wait3A_40] : memref<10000x128xf32, #tpu.memory_space<vmem_shared>> -> memref<632x128xf32, #tpu.memory_space<vmem_shared>>
        tpu.wait_dma2 semaphore(%run_scoped3A : memref<!tpu.dma_semaphore, #tpu.memory_space<semaphore_mem>>) src(%arg4 : memref<632x128xf32, #tpu.memory_space<hbm>>) dst(%dma_wait3A_41 : memref<632x128xf32, #tpu.memory_space<vmem_shared>>)
        tpu.yield
      }) : () -> ()
    } else {
    }
    %eq3A = arith.constant 15 : i32
    %eq3A_5 = arith.cmpi eq, %arg1, %eq3A : i32
    %convert_element_type3A_6 = arith.extui %eq3A_5 : i1 to i32
    %cond3A_7 = arith.constant 0 : i32
    %cond3A_8 = arith.cmpi ne, %convert_element_type3A_6, %cond3A_7 : i32
    scf.if %cond3A_8 {
      %mul3A_36 = arith.constant 632 : i32
      %mul3A_37 = arith.muli %arg1, %mul3A_36 : i32
      "tpu.region"() ({
        %run_scoped3A = tpu.sem_alloc : memref<!tpu.dma_semaphore, #tpu.memory_space<semaphore_mem>>
        %dma_start3A_38 = arith.constant 0 : i32
        %dma_start3A_39 = tpu.memref_slice %arg17[%mul3A_37, %dma_start3A_38] : memref<10000x128xf32, #tpu.memory_space<vmem_shared>> -> memref<520x128xf32, #tpu.memory_space<vmem_shared>>
        %dma_start3A_40 = arith.constant 0 : i32
        %dma_start3A_41 = arith.constant 0 : i32
        %dma_start3A_42 = tpu.memref_slice %arg4[%dma_start3A_40, %dma_start3A_41] : memref<632x128xf32, #tpu.memory_space<hbm>> -> memref<520x128xf32, #tpu.memory_space<hbm>>
        tpu.enqueue_dma source(%dma_start3A_42 : memref<520x128xf32, #tpu.memory_space<hbm>>) target(%dma_start3A_39 : memref<520x128xf32, #tpu.memory_space<vmem_shared>>) target_semaphore(%run_scoped3A : memref<!tpu.dma_semaphore, #tpu.memory_space<semaphore_mem>>)
        %dma_wait3A_43 = arith.constant 0 : i32
        %dma_wait3A_44 = tpu.memref_slice %arg17[%mul3A_37, %dma_wait3A_43] : memref<10000x128xf32, #tpu.memory_space<vmem_shared>> -> memref<520x128xf32, #tpu.memory_space<vmem_shared>>
        %dma_wait3A_45 = arith.constant 0 : i32
        %dma_wait3A_46 = arith.constant 0 : i32
        %dma_wait3A_47 = tpu.memref_slice %arg4[%dma_wait3A_45, %dma_wait3A_46] : memref<632x128xf32, #tpu.memory_space<hbm>> -> memref<520x128xf32, #tpu.memory_space<hbm>>
        tpu.wait_dma2 semaphore(%run_scoped3A : memref<!tpu.dma_semaphore, #tpu.memory_space<semaphore_mem>>) src(%dma_wait3A_47 : memref<520x128xf32, #tpu.memory_space<hbm>>) dst(%dma_wait3A_44 : memref<520x128xf32, #tpu.memory_space<vmem_shared>>)
        tpu.yield
      }) : () -> ()
    } else {
    }
    %barrier3A = arith.constant 0 : index
    tpu.barrier barrier_id(%barrier3A)
    %add3A_9 = arith.constant 0 : i32
    %add3A_10 = arith.addi %mul3A_2, %add3A_9 : i32
    "tpu.region"() ({
      %run_scoped3A = tpu.sem_alloc : memref<!tpu.dma_semaphore, #tpu.memory_space<semaphore_mem>>
      %dma_start3A_36 = tpu.memref_slice %arg3[%add3A_10] : memref<163840xi32, #tpu.memory_space<hbm>> -> memref<64xi32, #tpu.memory_space<hbm>>
      %dma_start3A_37 = tpu.memref_slice %arg3[%add3A_10] : memref<163840xi32, #tpu.memory_space<hbm>> -> memref<64xi32, #tpu.memory_space<hbm>>
      tpu.enqueue_dma source(%dma_start3A_37 : memref<64xi32, #tpu.memory_space<hbm>>) target(%arg6 : memref<64xi32, #tpu.memory_space<vmem>>) target_semaphore(%run_scoped3A : memref<!tpu.dma_semaphore, #tpu.memory_space<semaphore_mem>>)
      %dma_wait3A_38 = tpu.memref_slice %arg3[%add3A_10] : memref<163840xi32, #tpu.memory_space<hbm>> -> memref<64xi32, #tpu.memory_space<hbm>>
      %dma_wait3A_39 = tpu.memref_slice %arg3[%add3A_10] : memref<163840xi32, #tpu.memory_space<hbm>> -> memref<64xi32, #tpu.memory_space<hbm>>
      tpu.wait_dma2 semaphore(%run_scoped3A : memref<!tpu.dma_semaphore, #tpu.memory_space<semaphore_mem>>) src(%dma_wait3A_39 : memref<64xi32, #tpu.memory_space<hbm>>) dst(%arg6 : memref<64xi32, #tpu.memory_space<vmem>>)
      tpu.yield
    }) : () -> ()
    %dma_start3A = arith.constant 0 : i32
    %dma_start3A_11 = tpu.memref_slice %arg2[%add3A_10, %dma_start3A] : memref<163840x64xi32, #tpu.memory_space<hbm>> -> memref<64x64xi32, #tpu.memory_space<hbm>>
    %dma_start3A_12 = arith.constant 0 : i32
    %dma_start3A_13 = tpu.memref_slice %arg2[%add3A_10, %dma_start3A_12] : memref<163840x64xi32, #tpu.memory_space<hbm>> -> memref<64x64xi32, #tpu.memory_space<hbm>>
    tpu.enqueue_dma source(%dma_start3A_13 : memref<64x64xi32, #tpu.memory_space<hbm>>) target(%arg10 : memref<64x64xi32, #tpu.memory_space<vmem>>) target_semaphore(%arg18 : memref<!tpu.dma_semaphore, #tpu.memory_space<semaphore_mem>>)
    %scan3A = arith.constant 0 : i32
    %scan3A_14 = arith.constant 0 : i32
    %scan3A_15 = arith.constant 20 : i32
    %scan3A_16 = arith.addi %scan3A_14, %scan3A_15 : i32
    %scan3A_17 = arith.constant 1 : i32
    %scan3A_18 = scf.for %scan3A_36 = %scan3A_14 to %scan3A_16 step %scan3A_17 iter_args(%scan3A_37 = %scan3A) -> (i32)  : i32 {
      %mul3A_38 = arith.constant 4 : i32
      %mul3A_39 = arith.muli %scan3A_36, %mul3A_38 : i32
      %add3A_40 = arith.constant 0 : i32
      %add3A_41 = arith.addi %mul3A_39, %add3A_40 : i32
      %ge3A = arith.constant 2 : i32
      %ge3A_42 = arith.cmpi sge, %add3A_41, %ge3A : i32
      %convert_element_type3A_43 = arith.extui %ge3A_42 : i1 to i32
      %cond3A_44 = arith.constant 0 : i32
      %cond3A_45 = arith.cmpi ne, %convert_element_type3A_43, %cond3A_44 : i32
      scf.if %cond3A_45 {
        %dma_wait3A_166 = arith.constant 0 : i32
        %dma_wait3A_167 = arith.constant 0 : i32
        %dma_wait3A_168 = tpu.memref_slice %arg17[%dma_wait3A_166, %dma_wait3A_167] : memref<10000x128xf32, #tpu.memory_space<vmem_shared>> -> memref<10000x128xf32, #tpu.memory_space<vmem_shared>>
        tpu.wait_indirect_dma semaphore(%arg20 : memref<!tpu.dma_semaphore, #tpu.memory_space<semaphore_mem>>) src(%arg12 : memref<64x128xf32, #tpu.memory_space<vmem>>) dst(%dma_wait3A_168 : memref<10000x128xf32, #tpu.memory_space<vmem_shared>>)
      } else {
      }
      %add3A_46 = arith.constant 1 : i32
      %add3A_47 = arith.addi %add3A_41, %add3A_46 : i32
      %lt3A_48 = arith.constant 80 : i32
      %lt3A_49 = arith.cmpi slt, %add3A_47, %lt3A_48 : i32
      %convert_element_type3A_50 = arith.extui %lt3A_49 : i1 to i32
      %cond3A_51 = arith.constant 0 : i32
      %cond3A_52 = arith.cmpi ne, %convert_element_type3A_50, %cond3A_51 : i32
      scf.if %cond3A_52 {
        %add3A_166 = arith.constant 1 : i32
        %add3A_167 = arith.addi %add3A_41, %add3A_166 : i32
        %mul3A_168 = arith.constant 64 : i32
        %mul3A_169 = arith.muli %add3A_167, %mul3A_168 : i32
        %add3A_170 = arith.addi %mul3A_2, %mul3A_169 : i32
        "tpu.region"() ({
          %run_scoped3A = tpu.sem_alloc : memref<!tpu.dma_semaphore, #tpu.memory_space<semaphore_mem>>
          %dma_start3A_175 = tpu.memref_slice %arg3[%add3A_170] : memref<163840xi32, #tpu.memory_space<hbm>> -> memref<64xi32, #tpu.memory_space<hbm>>
          %dma_start3A_176 = tpu.memref_slice %arg3[%add3A_170] : memref<163840xi32, #tpu.memory_space<hbm>> -> memref<64xi32, #tpu.memory_space<hbm>>
          tpu.enqueue_dma source(%dma_start3A_176 : memref<64xi32, #tpu.memory_space<hbm>>) target(%arg7 : memref<64xi32, #tpu.memory_space<vmem>>) target_semaphore(%run_scoped3A : memref<!tpu.dma_semaphore, #tpu.memory_space<semaphore_mem>>)
          %dma_wait3A_177 = tpu.memref_slice %arg3[%add3A_170] : memref<163840xi32, #tpu.memory_space<hbm>> -> memref<64xi32, #tpu.memory_space<hbm>>
          %dma_wait3A_178 = tpu.memref_slice %arg3[%add3A_170] : memref<163840xi32, #tpu.memory_space<hbm>> -> memref<64xi32, #tpu.memory_space<hbm>>
          tpu.wait_dma2 semaphore(%run_scoped3A : memref<!tpu.dma_semaphore, #tpu.memory_space<semaphore_mem>>) src(%dma_wait3A_178 : memref<64xi32, #tpu.memory_space<hbm>>) dst(%arg7 : memref<64xi32, #tpu.memory_space<vmem>>)
          tpu.yield
        }) : () -> ()
        %dma_start3A_171 = arith.constant 0 : i32
        %dma_start3A_172 = tpu.memref_slice %arg2[%add3A_170, %dma_start3A_171] : memref<163840x64xi32, #tpu.memory_space<hbm>> -> memref<64x64xi32, #tpu.memory_space<hbm>>
        %dma_start3A_173 = arith.constant 0 : i32
        %dma_start3A_174 = tpu.memref_slice %arg2[%add3A_170, %dma_start3A_173] : memref<163840x64xi32, #tpu.memory_space<hbm>> -> memref<64x64xi32, #tpu.memory_space<hbm>>
        tpu.enqueue_dma source(%dma_start3A_174 : memref<64x64xi32, #tpu.memory_space<hbm>>) target(%arg11 : memref<64x64xi32, #tpu.memory_space<vmem>>) target_semaphore(%arg19 : memref<!tpu.dma_semaphore, #tpu.memory_space<semaphore_mem>>)
      } else {
      }
      %dma_wait3A_53 = arith.constant 0 : i32
      %dma_wait3A_54 = arith.constant 0 : i32
      %dma_wait3A_55 = tpu.memref_slice %arg2[%dma_wait3A_53, %dma_wait3A_54] : memref<163840x64xi32, #tpu.memory_space<hbm>> -> memref<64x64xi32, #tpu.memory_space<hbm>>
      %dma_wait3A_56 = arith.constant 0 : i32
      %dma_wait3A_57 = arith.constant 0 : i32
      %dma_wait3A_58 = tpu.memref_slice %arg2[%dma_wait3A_56, %dma_wait3A_57] : memref<163840x64xi32, #tpu.memory_space<hbm>> -> memref<64x64xi32, #tpu.memory_space<hbm>>
      tpu.wait_dma2 semaphore(%arg18 : memref<!tpu.dma_semaphore, #tpu.memory_space<semaphore_mem>>) src(%dma_wait3A_58 : memref<64x64xi32, #tpu.memory_space<hbm>>) dst(%arg10 : memref<64x64xi32, #tpu.memory_space<vmem>>)
      %scan3A_59 = arith.constant 0 : i32
      %scan3A_60 = arith.constant 0 : i32
      %scan3A_61 = arith.constant 64 : i32
      %scan3A_62 = arith.addi %scan3A_60, %scan3A_61 : i32
      %scan3A_63 = arith.constant 1 : i32
      %scan3A_64 = scf.for %scan3A_166 = %scan3A_60 to %scan3A_62 step %scan3A_63 iter_args(%scan3A_167 = %scan3A_59) -> (i32)  : i32 {
        %get3A = arith.index_cast %scan3A_166 : i32 to index
        %get3A_168 = arith.constant 0 : index
        %get3A_169 = tpu.vector_load %arg10[%get3A, %get3A_168] {strides = array<i32>} : memref<64x64xi32, #tpu.memory_space<vmem>>, vector<1x16xi32>,
        %get3A_170 = vector.shape_cast %get3A_169 : vector<1x16xi32> to vector<16xi32>
        %shift_left3A = arith.constant 16 : i32
        %shift_left3A_171 = vector.broadcast %shift_left3A : i32 to vector<16xi32>
        %shift_left3A_172 = arith.shli %get3A_170, %shift_left3A_171 : vector<16xi32>
        %bitcast_convert_type3A = tpu.bitcast %shift_left3A_172 : vector<16xi32> -> vector<16xf32>
        %swap3A = arith.index_cast %scan3A_166 : i32 to index
        %swap3A_173 = arith.constant 0 : index
        %swap3A_174 = tpu.vector_load %arg12[%swap3A, %swap3A_173] {strides = array<i32>} : memref<64x128xf32, #tpu.memory_space<vmem>>, vector<1x16xf32>,
        %swap3A_175 = vector.shape_cast %swap3A_174 : vector<1x16xf32> to vector<16xf32>
        %swap3A_176 = vector.shape_cast %bitcast_convert_type3A : vector<16xf32> to vector<1x16xf32>
        tpu.vector_store %arg12[%swap3A, %swap3A_173], %swap3A_176 {strides = array<i32>} : memref<64x128xf32, #tpu.memory_space<vmem>>, vector<1x16xf32>,
        %and3A = arith.constant -65536 : i32
        %and3A_177 = vector.broadcast %and3A : i32 to vector<16xi32>
        %and3A_178 = arith.andi %get3A_170, %and3A_177 : vector<16xi32>
        %bitcast_convert_type3A_179 = tpu.bitcast %and3A_178 : vector<16xi32> -> vector<16xf32>
        %swap3A_180 = arith.index_cast %scan3A_166 : i32 to index
        %swap3A_181 = arith.constant 64 : index
        %swap3A_182 = tpu.vector_load %arg12[%swap3A_180, %swap3A_181] {strides = array<i32>} : memref<64x128xf32, #tpu.memory_space<vmem>>, vector<1x16xf32>,
        %swap3A_183 = vector.shape_cast %swap3A_182 : vector<1x16xf32> to vector<16xf32>
        %swap3A_184 = vector.shape_cast %bitcast_convert_type3A_179 : vector<16xf32> to vector<1x16xf32>
        tpu.vector_store %arg12[%swap3A_180, %swap3A_181], %swap3A_184 {strides = array<i32>} : memref<64x128xf32, #tpu.memory_space<vmem>>, vector<1x16xf32>,
        %get3A_185 = arith.index_cast %scan3A_166 : i32 to index
        %get3A_186 = arith.constant 16 : index
        %get3A_187 = tpu.vector_load %arg10[%get3A_185, %get3A_186] {strides = array<i32>} : memref<64x64xi32, #tpu.memory_space<vmem>>, vector<1x16xi32>,
        %get3A_188 = vector.shape_cast %get3A_187 : vector<1x16xi32> to vector<16xi32>
        %shift_left3A_189 = arith.constant 16 : i32
        %shift_left3A_190 = vector.broadcast %shift_left3A_189 : i32 to vector<16xi32>
        %shift_left3A_191 = arith.shli %get3A_188, %shift_left3A_190 : vector<16xi32>
        %bitcast_convert_type3A_192 = tpu.bitcast %shift_left3A_191 : vector<16xi32> -> vector<16xf32>
        %swap3A_193 = arith.index_cast %scan3A_166 : i32 to index
        %swap3A_194 = arith.constant 16 : index
        %swap3A_195 = tpu.vector_load %arg12[%swap3A_193, %swap3A_194] {strides = array<i32>} : memref<64x128xf32, #tpu.memory_space<vmem>>, vector<1x16xf32>,
        %swap3A_196 = vector.shape_cast %swap3A_195 : vector<1x16xf32> to vector<16xf32>
        %swap3A_197 = vector.shape_cast %bitcast_convert_type3A_192 : vector<16xf32> to vector<1x16xf32>
        tpu.vector_store %arg12[%swap3A_193, %swap3A_194], %swap3A_197 {strides = array<i32>} : memref<64x128xf32, #tpu.memory_space<vmem>>, vector<1x16xf32>,
        %and3A_198 = arith.constant -65536 : i32
        %and3A_199 = vector.broadcast %and3A_198 : i32 to vector<16xi32>
        %and3A_200 = arith.andi %get3A_188, %and3A_199 : vector<16xi32>
        %bitcast_convert_type3A_201 = tpu.bitcast %and3A_200 : vector<16xi32> -> vector<16xf32>
        %swap3A_202 = arith.index_cast %scan3A_166 : i32 to index
        %swap3A_203 = arith.constant 80 : index
        %swap3A_204 = tpu.vector_load %arg12[%swap3A_202, %swap3A_203] {strides = array<i32>} : memref<64x128xf32, #tpu.memory_space<vmem>>, vector<1x16xf32>,
        %swap3A_205 = vector.shape_cast %swap3A_204 : vector<1x16xf32> to vector<16xf32>
        %swap3A_206 = vector.shape_cast %bitcast_convert_type3A_201 : vector<16xf32> to vector<1x16xf32>
        tpu.vector_store %arg12[%swap3A_202, %swap3A_203], %swap3A_206 {strides = array<i32>} : memref<64x128xf32, #tpu.memory_space<vmem>>, vector<1x16xf32>,
        %get3A_207 = arith.index_cast %scan3A_166 : i32 to index
        %get3A_208 = arith.constant 32 : index
        %get3A_209 = tpu.vector_load %arg10[%get3A_207, %get3A_208] {strides = array<i32>} : memref<64x64xi32, #tpu.memory_space<vmem>>, vector<1x16xi32>,
        %get3A_210 = vector.shape_cast %get3A_209 : vector<1x16xi32> to vector<16xi32>
        %shift_left3A_211 = arith.constant 16 : i32
        %shift_left3A_212 = vector.broadcast %shift_left3A_211 : i32 to vector<16xi32>
        %shift_left3A_213 = arith.shli %get3A_210, %shift_left3A_212 : vector<16xi32>
        %bitcast_convert_type3A_214 = tpu.bitcast %shift_left3A_213 : vector<16xi32> -> vector<16xf32>
        %swap3A_215 = arith.index_cast %scan3A_166 : i32 to index
        %swap3A_216 = arith.constant 32 : index
        %swap3A_217 = tpu.vector_load %arg12[%swap3A_215, %swap3A_216] {strides = array<i32>} : memref<64x128xf32, #tpu.memory_space<vmem>>, vector<1x16xf32>,
        %swap3A_218 = vector.shape_cast %swap3A_217 : vector<1x16xf32> to vector<16xf32>
        %swap3A_219 = vector.shape_cast %bitcast_convert_type3A_214 : vector<16xf32> to vector<1x16xf32>
        tpu.vector_store %arg12[%swap3A_215, %swap3A_216], %swap3A_219 {strides = array<i32>} : memref<64x128xf32, #tpu.memory_space<vmem>>, vector<1x16xf32>,
        %and3A_220 = arith.constant -65536 : i32
        %and3A_221 = vector.broadcast %and3A_220 : i32 to vector<16xi32>
        %and3A_222 = arith.andi %get3A_210, %and3A_221 : vector<16xi32>
        %bitcast_convert_type3A_223 = tpu.bitcast %and3A_222 : vector<16xi32> -> vector<16xf32>
        %swap3A_224 = arith.index_cast %scan3A_166 : i32 to index
        %swap3A_225 = arith.constant 96 : index
        %swap3A_226 = tpu.vector_load %arg12[%swap3A_224, %swap3A_225] {strides = array<i32>} : memref<64x128xf32, #tpu.memory_space<vmem>>, vector<1x16xf32>,
        %swap3A_227 = vector.shape_cast %swap3A_226 : vector<1x16xf32> to vector<16xf32>
        %swap3A_228 = vector.shape_cast %bitcast_convert_type3A_223 : vector<16xf32> to vector<1x16xf32>
        tpu.vector_store %arg12[%swap3A_224, %swap3A_225], %swap3A_228 {strides = array<i32>} : memref<64x128xf32, #tpu.memory_space<vmem>>, vector<1x16xf32>,
        %get3A_229 = arith.index_cast %scan3A_166 : i32 to index
        %get3A_230 = arith.constant 48 : index
        %get3A_231 = tpu.vector_load %arg10[%get3A_229, %get3A_230] {strides = array<i32>} : memref<64x64xi32, #tpu.memory_space<vmem>>, vector<1x16xi32>,
        %get3A_232 = vector.shape_cast %get3A_231 : vector<1x16xi32> to vector<16xi32>
        %shift_left3A_233 = arith.constant 16 : i32
        %shift_left3A_234 = vector.broadcast %shift_left3A_233 : i32 to vector<16xi32>
        %shift_left3A_235 = arith.shli %get3A_232, %shift_left3A_234 : vector<16xi32>
        %bitcast_convert_type3A_236 = tpu.bitcast %shift_left3A_235 : vector<16xi32> -> vector<16xf32>
        %swap3A_237 = arith.index_cast %scan3A_166 : i32 to index
        %swap3A_238 = arith.constant 48 : index
        %swap3A_239 = tpu.vector_load %arg12[%swap3A_237, %swap3A_238] {strides = array<i32>} : memref<64x128xf32, #tpu.memory_space<vmem>>, vector<1x16xf32>,
        %swap3A_240 = vector.shape_cast %swap3A_239 : vector<1x16xf32> to vector<16xf32>
        %swap3A_241 = vector.shape_cast %bitcast_convert_type3A_236 : vector<16xf32> to vector<1x16xf32>
        tpu.vector_store %arg12[%swap3A_237, %swap3A_238], %swap3A_241 {strides = array<i32>} : memref<64x128xf32, #tpu.memory_space<vmem>>, vector<1x16xf32>,
        %and3A_242 = arith.constant -65536 : i32
        %and3A_243 = vector.broadcast %and3A_242 : i32 to vector<16xi32>
        %and3A_244 = arith.andi %get3A_232, %and3A_243 : vector<16xi32>
        %bitcast_convert_type3A_245 = tpu.bitcast %and3A_244 : vector<16xi32> -> vector<16xf32>
        %swap3A_246 = arith.index_cast %scan3A_166 : i32 to index
        %swap3A_247 = arith.constant 112 : index
        %swap3A_248 = tpu.vector_load %arg12[%swap3A_246, %swap3A_247] {strides = array<i32>} : memref<64x128xf32, #tpu.memory_space<vmem>>, vector<1x16xf32>,
        %swap3A_249 = vector.shape_cast %swap3A_248 : vector<1x16xf32> to vector<16xf32>
        %swap3A_250 = vector.shape_cast %bitcast_convert_type3A_245 : vector<16xf32> to vector<1x16xf32>
        tpu.vector_store %arg12[%swap3A_246, %swap3A_247], %swap3A_250 {strides = array<i32>} : memref<64x128xf32, #tpu.memory_space<vmem>>, vector<1x16xf32>,
        %scan3A_251 = arith.constant 0 : i32
        scf.yield %scan3A_251 : i32
      }
      %scan3A_65 = arith.constant 64 : i32
      %dma_start3A_66 = arith.constant 0 : i32
      %dma_start3A_67 = arith.constant 0 : i32
      %dma_start3A_68 = tpu.memref_slice %arg17[%dma_start3A_66, %dma_start3A_67] : memref<10000x128xf32, #tpu.memory_space<vmem_shared>> -> memref<10000x128xf32, #tpu.memory_space<vmem_shared>>
      tpu.enqueue_indirect_dma source(%arg12 : memref<64x128xf32, #tpu.memory_space<vmem>>) target(%dma_start3A_68 : memref<10000x128xf32, #tpu.memory_space<vmem_shared>>) offsets(%arg6 : memref<64xi32, #tpu.memory_space<vmem>>) semaphore(%arg20 : memref<!tpu.dma_semaphore, #tpu.memory_space<semaphore_mem>>) {add = true}
      %mul3A_69 = arith.constant 4 : i32
      %mul3A_70 = arith.muli %scan3A_36, %mul3A_69 : i32
      %add3A_71 = arith.constant 1 : i32
      %add3A_72 = arith.addi %mul3A_70, %add3A_71 : i32
      %ge3A_73 = arith.constant 2 : i32
      %ge3A_74 = arith.cmpi sge, %add3A_72, %ge3A_73 : i32
      %convert_element_type3A_75 = arith.extui %ge3A_74 : i1 to i32
      %cond3A_76 = arith.constant 0 : i32
      %cond3A_77 = arith.cmpi ne, %convert_element_type3A_75, %cond3A_76 : i32
      scf.if %cond3A_77 {
        %dma_wait3A_166 = arith.constant 0 : i32
        %dma_wait3A_167 = arith.constant 0 : i32
        %dma_wait3A_168 = tpu.memref_slice %arg17[%dma_wait3A_166, %dma_wait3A_167] : memref<10000x128xf32, #tpu.memory_space<vmem_shared>> -> memref<10000x128xf32, #tpu.memory_space<vmem_shared>>
        tpu.wait_indirect_dma semaphore(%arg21 : memref<!tpu.dma_semaphore, #tpu.memory_space<semaphore_mem>>) src(%arg13 : memref<64x128xf32, #tpu.memory_space<vmem>>) dst(%dma_wait3A_168 : memref<10000x128xf32, #tpu.memory_space<vmem_shared>>)
      } else {
      }
      %add3A_78 = arith.constant 1 : i32
      %add3A_79 = arith.addi %add3A_72, %add3A_78 : i32
      %lt3A_80 = arith.constant 80 : i32
      %lt3A_81 = arith.cmpi slt, %add3A_79, %lt3A_80 : i32
      %convert_element_type3A_82 = arith.extui %lt3A_81 : i1 to i32
      %cond3A_83 = arith.constant 0 : i32
      %cond3A_84 = arith.cmpi ne, %convert_element_type3A_82, %cond3A_83 : i32
      scf.if %cond3A_84 {
        %add3A_166 = arith.constant 1 : i32
        %add3A_167 = arith.addi %add3A_72, %add3A_166 : i32
        %mul3A_168 = arith.constant 64 : i32
        %mul3A_169 = arith.muli %add3A_167, %mul3A_168 : i32
        %add3A_170 = arith.addi %mul3A_2, %mul3A_169 : i32
        "tpu.region"() ({
          %run_scoped3A = tpu.sem_alloc : memref<!tpu.dma_semaphore, #tpu.memory_space<semaphore_mem>>
          %dma_start3A_175 = tpu.memref_slice %arg3[%add3A_170] : memref<163840xi32, #tpu.memory_space<hbm>> -> memref<64xi32, #tpu.memory_space<hbm>>
          %dma_start3A_176 = tpu.memref_slice %arg3[%add3A_170] : memref<163840xi32, #tpu.memory_space<hbm>> -> memref<64xi32, #tpu.memory_space<hbm>>
          tpu.enqueue_dma source(%dma_start3A_176 : memref<64xi32, #tpu.memory_space<hbm>>) target(%arg8 : memref<64xi32, #tpu.memory_space<vmem>>) target_semaphore(%run_scoped3A : memref<!tpu.dma_semaphore, #tpu.memory_space<semaphore_mem>>)
          %dma_wait3A_177 = tpu.memref_slice %arg3[%add3A_170] : memref<163840xi32, #tpu.memory_space<hbm>> -> memref<64xi32, #tpu.memory_space<hbm>>
          %dma_wait3A_178 = tpu.memref_slice %arg3[%add3A_170] : memref<163840xi32, #tpu.memory_space<hbm>> -> memref<64xi32, #tpu.memory_space<hbm>>
          tpu.wait_dma2 semaphore(%run_scoped3A : memref<!tpu.dma_semaphore, #tpu.memory_space<semaphore_mem>>) src(%dma_wait3A_178 : memref<64xi32, #tpu.memory_space<hbm>>) dst(%arg8 : memref<64xi32, #tpu.memory_space<vmem>>)
          tpu.yield
        }) : () -> ()
        %dma_start3A_171 = arith.constant 0 : i32
        %dma_start3A_172 = tpu.memref_slice %arg2[%add3A_170, %dma_start3A_171] : memref<163840x64xi32, #tpu.memory_space<hbm>> -> memref<64x64xi32, #tpu.memory_space<hbm>>
        %dma_start3A_173 = arith.constant 0 : i32
        %dma_start3A_174 = tpu.memref_slice %arg2[%add3A_170, %dma_start3A_173] : memref<163840x64xi32, #tpu.memory_space<hbm>> -> memref<64x64xi32, #tpu.memory_space<hbm>>
        tpu.enqueue_dma source(%dma_start3A_174 : memref<64x64xi32, #tpu.memory_space<hbm>>) target(%arg10 : memref<64x64xi32, #tpu.memory_space<vmem>>) target_semaphore(%arg18 : memref<!tpu.dma_semaphore, #tpu.memory_space<semaphore_mem>>)
      } else {
      }
      %dma_wait3A_85 = arith.constant 0 : i32
      %dma_wait3A_86 = arith.constant 0 : i32
      %dma_wait3A_87 = tpu.memref_slice %arg2[%dma_wait3A_85, %dma_wait3A_86] : memref<163840x64xi32, #tpu.memory_space<hbm>> -> memref<64x64xi32, #tpu.memory_space<hbm>>
      %dma_wait3A_88 = arith.constant 0 : i32
      %dma_wait3A_89 = arith.constant 0 : i32
      %dma_wait3A_90 = tpu.memref_slice %arg2[%dma_wait3A_88, %dma_wait3A_89] : memref<163840x64xi32, #tpu.memory_space<hbm>> -> memref<64x64xi32, #tpu.memory_space<hbm>>
      tpu.wait_dma2 semaphore(%arg19 : memref<!tpu.dma_semaphore, #tpu.memory_space<semaphore_mem>>) src(%dma_wait3A_90 : memref<64x64xi32, #tpu.memory_space<hbm>>) dst(%arg11 : memref<64x64xi32, #tpu.memory_space<vmem>>)
      %scan3A_91 = arith.constant 0 : i32
      %scan3A_92 = arith.constant 0 : i32
      %scan3A_93 = arith.constant 64 : i32
      %scan3A_94 = arith.addi %scan3A_92, %scan3A_93 : i32
      %scan3A_95 = arith.constant 1 : i32
      %scan3A_96 = scf.for %scan3A_166 = %scan3A_92 to %scan3A_94 step %scan3A_95 iter_args(%scan3A_167 = %scan3A_91) -> (i32)  : i32 {
        %get3A = arith.index_cast %scan3A_166 : i32 to index
        %get3A_168 = arith.constant 0 : index
        %get3A_169 = tpu.vector_load %arg11[%get3A, %get3A_168] {strides = array<i32>} : memref<64x64xi32, #tpu.memory_space<vmem>>, vector<1x16xi32>,
        %get3A_170 = vector.shape_cast %get3A_169 : vector<1x16xi32> to vector<16xi32>
        %shift_left3A = arith.constant 16 : i32
        %shift_left3A_171 = vector.broadcast %shift_left3A : i32 to vector<16xi32>
        %shift_left3A_172 = arith.shli %get3A_170, %shift_left3A_171 : vector<16xi32>
        %bitcast_convert_type3A = tpu.bitcast %shift_left3A_172 : vector<16xi32> -> vector<16xf32>
        %swap3A = arith.index_cast %scan3A_166 : i32 to index
        %swap3A_173 = arith.constant 0 : index
        %swap3A_174 = tpu.vector_load %arg13[%swap3A, %swap3A_173] {strides = array<i32>} : memref<64x128xf32, #tpu.memory_space<vmem>>, vector<1x16xf32>,
        %swap3A_175 = vector.shape_cast %swap3A_174 : vector<1x16xf32> to vector<16xf32>
        %swap3A_176 = vector.shape_cast %bitcast_convert_type3A : vector<16xf32> to vector<1x16xf32>
        tpu.vector_store %arg13[%swap3A, %swap3A_173], %swap3A_176 {strides = array<i32>} : memref<64x128xf32, #tpu.memory_space<vmem>>, vector<1x16xf32>,
        %and3A = arith.constant -65536 : i32
        %and3A_177 = vector.broadcast %and3A : i32 to vector<16xi32>
        %and3A_178 = arith.andi %get3A_170, %and3A_177 : vector<16xi32>
        %bitcast_convert_type3A_179 = tpu.bitcast %and3A_178 : vector<16xi32> -> vector<16xf32>
        %swap3A_180 = arith.index_cast %scan3A_166 : i32 to index
        %swap3A_181 = arith.constant 64 : index
        %swap3A_182 = tpu.vector_load %arg13[%swap3A_180, %swap3A_181] {strides = array<i32>} : memref<64x128xf32, #tpu.memory_space<vmem>>, vector<1x16xf32>,
        %swap3A_183 = vector.shape_cast %swap3A_182 : vector<1x16xf32> to vector<16xf32>
        %swap3A_184 = vector.shape_cast %bitcast_convert_type3A_179 : vector<16xf32> to vector<1x16xf32>
        tpu.vector_store %arg13[%swap3A_180, %swap3A_181], %swap3A_184 {strides = array<i32>} : memref<64x128xf32, #tpu.memory_space<vmem>>, vector<1x16xf32>,
        %get3A_185 = arith.index_cast %scan3A_166 : i32 to index
        %get3A_186 = arith.constant 16 : index
        %get3A_187 = tpu.vector_load %arg11[%get3A_185, %get3A_186] {strides = array<i32>} : memref<64x64xi32, #tpu.memory_space<vmem>>, vector<1x16xi32>,
        %get3A_188 = vector.shape_cast %get3A_187 : vector<1x16xi32> to vector<16xi32>
        %shift_left3A_189 = arith.constant 16 : i32
        %shift_left3A_190 = vector.broadcast %shift_left3A_189 : i32 to vector<16xi32>
        %shift_left3A_191 = arith.shli %get3A_188, %shift_left3A_190 : vector<16xi32>
        %bitcast_convert_type3A_192 = tpu.bitcast %shift_left3A_191 : vector<16xi32> -> vector<16xf32>
        %swap3A_193 = arith.index_cast %scan3A_166 : i32 to index
        %swap3A_194 = arith.constant 16 : index
        %swap3A_195 = tpu.vector_load %arg13[%swap3A_193, %swap3A_194] {strides = array<i32>} : memref<64x128xf32, #tpu.memory_space<vmem>>, vector<1x16xf32>,
        %swap3A_196 = vector.shape_cast %swap3A_195 : vector<1x16xf32> to vector<16xf32>
        %swap3A_197 = vector.shape_cast %bitcast_convert_type3A_192 : vector<16xf32> to vector<1x16xf32>
        tpu.vector_store %arg13[%swap3A_193, %swap3A_194], %swap3A_197 {strides = array<i32>} : memref<64x128xf32, #tpu.memory_space<vmem>>, vector<1x16xf32>,
        %and3A_198 = arith.constant -65536 : i32
        %and3A_199 = vector.broadcast %and3A_198 : i32 to vector<16xi32>
        %and3A_200 = arith.andi %get3A_188, %and3A_199 : vector<16xi32>
        %bitcast_convert_type3A_201 = tpu.bitcast %and3A_200 : vector<16xi32> -> vector<16xf32>
        %swap3A_202 = arith.index_cast %scan3A_166 : i32 to index
        %swap3A_203 = arith.constant 80 : index
        %swap3A_204 = tpu.vector_load %arg13[%swap3A_202, %swap3A_203] {strides = array<i32>} : memref<64x128xf32, #tpu.memory_space<vmem>>, vector<1x16xf32>,
        %swap3A_205 = vector.shape_cast %swap3A_204 : vector<1x16xf32> to vector<16xf32>
        %swap3A_206 = vector.shape_cast %bitcast_convert_type3A_201 : vector<16xf32> to vector<1x16xf32>
        tpu.vector_store %arg13[%swap3A_202, %swap3A_203], %swap3A_206 {strides = array<i32>} : memref<64x128xf32, #tpu.memory_space<vmem>>, vector<1x16xf32>,
        %get3A_207 = arith.index_cast %scan3A_166 : i32 to index
        %get3A_208 = arith.constant 32 : index
        %get3A_209 = tpu.vector_load %arg11[%get3A_207, %get3A_208] {strides = array<i32>} : memref<64x64xi32, #tpu.memory_space<vmem>>, vector<1x16xi32>,
        %get3A_210 = vector.shape_cast %get3A_209 : vector<1x16xi32> to vector<16xi32>
        %shift_left3A_211 = arith.constant 16 : i32
        %shift_left3A_212 = vector.broadcast %shift_left3A_211 : i32 to vector<16xi32>
        %shift_left3A_213 = arith.shli %get3A_210, %shift_left3A_212 : vector<16xi32>
        %bitcast_convert_type3A_214 = tpu.bitcast %shift_left3A_213 : vector<16xi32> -> vector<16xf32>
        %swap3A_215 = arith.index_cast %scan3A_166 : i32 to index
        %swap3A_216 = arith.constant 32 : index
        %swap3A_217 = tpu.vector_load %arg13[%swap3A_215, %swap3A_216] {strides = array<i32>} : memref<64x128xf32, #tpu.memory_space<vmem>>, vector<1x16xf32>,
        %swap3A_218 = vector.shape_cast %swap3A_217 : vector<1x16xf32> to vector<16xf32>
        %swap3A_219 = vector.shape_cast %bitcast_convert_type3A_214 : vector<16xf32> to vector<1x16xf32>
        tpu.vector_store %arg13[%swap3A_215, %swap3A_216], %swap3A_219 {strides = array<i32>} : memref<64x128xf32, #tpu.memory_space<vmem>>, vector<1x16xf32>,
        %and3A_220 = arith.constant -65536 : i32
        %and3A_221 = vector.broadcast %and3A_220 : i32 to vector<16xi32>
        %and3A_222 = arith.andi %get3A_210, %and3A_221 : vector<16xi32>
        %bitcast_convert_type3A_223 = tpu.bitcast %and3A_222 : vector<16xi32> -> vector<16xf32>
        %swap3A_224 = arith.index_cast %scan3A_166 : i32 to index
        %swap3A_225 = arith.constant 96 : index
        %swap3A_226 = tpu.vector_load %arg13[%swap3A_224, %swap3A_225] {strides = array<i32>} : memref<64x128xf32, #tpu.memory_space<vmem>>, vector<1x16xf32>,
        %swap3A_227 = vector.shape_cast %swap3A_226 : vector<1x16xf32> to vector<16xf32>
        %swap3A_228 = vector.shape_cast %bitcast_convert_type3A_223 : vector<16xf32> to vector<1x16xf32>
        tpu.vector_store %arg13[%swap3A_224, %swap3A_225], %swap3A_228 {strides = array<i32>} : memref<64x128xf32, #tpu.memory_space<vmem>>, vector<1x16xf32>,
        %get3A_229 = arith.index_cast %scan3A_166 : i32 to index
        %get3A_230 = arith.constant 48 : index
        %get3A_231 = tpu.vector_load %arg11[%get3A_229, %get3A_230] {strides = array<i32>} : memref<64x64xi32, #tpu.memory_space<vmem>>, vector<1x16xi32>,
        %get3A_232 = vector.shape_cast %get3A_231 : vector<1x16xi32> to vector<16xi32>
        %shift_left3A_233 = arith.constant 16 : i32
        %shift_left3A_234 = vector.broadcast %shift_left3A_233 : i32 to vector<16xi32>
        %shift_left3A_235 = arith.shli %get3A_232, %shift_left3A_234 : vector<16xi32>
        %bitcast_convert_type3A_236 = tpu.bitcast %shift_left3A_235 : vector<16xi32> -> vector<16xf32>
        %swap3A_237 = arith.index_cast %scan3A_166 : i32 to index
        %swap3A_238 = arith.constant 48 : index
        %swap3A_239 = tpu.vector_load %arg13[%swap3A_237, %swap3A_238] {strides = array<i32>} : memref<64x128xf32, #tpu.memory_space<vmem>>, vector<1x16xf32>,
        %swap3A_240 = vector.shape_cast %swap3A_239 : vector<1x16xf32> to vector<16xf32>
        %swap3A_241 = vector.shape_cast %bitcast_convert_type3A_236 : vector<16xf32> to vector<1x16xf32>
        tpu.vector_store %arg13[%swap3A_237, %swap3A_238], %swap3A_241 {strides = array<i32>} : memref<64x128xf32, #tpu.memory_space<vmem>>, vector<1x16xf32>,
        %and3A_242 = arith.constant -65536 : i32
        %and3A_243 = vector.broadcast %and3A_242 : i32 to vector<16xi32>
        %and3A_244 = arith.andi %get3A_232, %and3A_243 : vector<16xi32>
        %bitcast_convert_type3A_245 = tpu.bitcast %and3A_244 : vector<16xi32> -> vector<16xf32>
        %swap3A_246 = arith.index_cast %scan3A_166 : i32 to index
        %swap3A_247 = arith.constant 112 : index
        %swap3A_248 = tpu.vector_load %arg13[%swap3A_246, %swap3A_247] {strides = array<i32>} : memref<64x128xf32, #tpu.memory_space<vmem>>, vector<1x16xf32>,
        %swap3A_249 = vector.shape_cast %swap3A_248 : vector<1x16xf32> to vector<16xf32>
        %swap3A_250 = vector.shape_cast %bitcast_convert_type3A_245 : vector<16xf32> to vector<1x16xf32>
        tpu.vector_store %arg13[%swap3A_246, %swap3A_247], %swap3A_250 {strides = array<i32>} : memref<64x128xf32, #tpu.memory_space<vmem>>, vector<1x16xf32>,
        %scan3A_251 = arith.constant 0 : i32
        scf.yield %scan3A_251 : i32
      }
      %scan3A_97 = arith.constant 64 : i32
      %dma_start3A_98 = arith.constant 0 : i32
      %dma_start3A_99 = arith.constant 0 : i32
      %dma_start3A_100 = tpu.memref_slice %arg17[%dma_start3A_98, %dma_start3A_99] : memref<10000x128xf32, #tpu.memory_space<vmem_shared>> -> memref<10000x128xf32, #tpu.memory_space<vmem_shared>>
      tpu.enqueue_indirect_dma source(%arg13 : memref<64x128xf32, #tpu.memory_space<vmem>>) target(%dma_start3A_100 : memref<10000x128xf32, #tpu.memory_space<vmem_shared>>) offsets(%arg7 : memref<64xi32, #tpu.memory_space<vmem>>) semaphore(%arg21 : memref<!tpu.dma_semaphore, #tpu.memory_space<semaphore_mem>>) {add = true}
      %mul3A_101 = arith.constant 4 : i32
      %mul3A_102 = arith.muli %scan3A_36, %mul3A_101 : i32
      %add3A_103 = arith.constant 2 : i32
      %add3A_104 = arith.addi %mul3A_102, %add3A_103 : i32
      %ge3A_105 = arith.constant 2 : i32
      %ge3A_106 = arith.cmpi sge, %add3A_104, %ge3A_105 : i32
      %convert_element_type3A_107 = arith.extui %ge3A_106 : i1 to i32
      %cond3A_108 = arith.constant 0 : i32
      %cond3A_109 = arith.cmpi ne, %convert_element_type3A_107, %cond3A_108 : i32
      scf.if %cond3A_109 {
        %dma_wait3A_166 = arith.constant 0 : i32
        %dma_wait3A_167 = arith.constant 0 : i32
        %dma_wait3A_168 = tpu.memref_slice %arg17[%dma_wait3A_166, %dma_wait3A_167] : memref<10000x128xf32, #tpu.memory_space<vmem_shared>> -> memref<10000x128xf32, #tpu.memory_space<vmem_shared>>
        tpu.wait_indirect_dma semaphore(%arg20 : memref<!tpu.dma_semaphore, #tpu.memory_space<semaphore_mem>>) src(%arg12 : memref<64x128xf32, #tpu.memory_space<vmem>>) dst(%dma_wait3A_168 : memref<10000x128xf32, #tpu.memory_space<vmem_shared>>)
      } else {
      }
      %add3A_110 = arith.constant 1 : i32
      %add3A_111 = arith.addi %add3A_104, %add3A_110 : i32
      %lt3A_112 = arith.constant 80 : i32
      %lt3A_113 = arith.cmpi slt, %add3A_111, %lt3A_112 : i32
      %convert_element_type3A_114 = arith.extui %lt3A_113 : i1 to i32
      %cond3A_115 = arith.constant 0 : i32
      %cond3A_116 = arith.cmpi ne, %convert_element_type3A_114, %cond3A_115 : i32
      scf.if %cond3A_116 {
        %add3A_166 = arith.constant 1 : i32
        %add3A_167 = arith.addi %add3A_104, %add3A_166 : i32
        %mul3A_168 = arith.constant 64 : i32
        %mul3A_169 = arith.muli %add3A_167, %mul3A_168 : i32
        %add3A_170 = arith.addi %mul3A_2, %mul3A_169 : i32
        "tpu.region"() ({
          %run_scoped3A = tpu.sem_alloc : memref<!tpu.dma_semaphore, #tpu.memory_space<semaphore_mem>>
          %dma_start3A_175 = tpu.memref_slice %arg3[%add3A_170] : memref<163840xi32, #tpu.memory_space<hbm>> -> memref<64xi32, #tpu.memory_space<hbm>>
          %dma_start3A_176 = tpu.memref_slice %arg3[%add3A_170] : memref<163840xi32, #tpu.memory_space<hbm>> -> memref<64xi32, #tpu.memory_space<hbm>>
          tpu.enqueue_dma source(%dma_start3A_176 : memref<64xi32, #tpu.memory_space<hbm>>) target(%arg9 : memref<64xi32, #tpu.memory_space<vmem>>) target_semaphore(%run_scoped3A : memref<!tpu.dma_semaphore, #tpu.memory_space<semaphore_mem>>)
          %dma_wait3A_177 = tpu.memref_slice %arg3[%add3A_170] : memref<163840xi32, #tpu.memory_space<hbm>> -> memref<64xi32, #tpu.memory_space<hbm>>
          %dma_wait3A_178 = tpu.memref_slice %arg3[%add3A_170] : memref<163840xi32, #tpu.memory_space<hbm>> -> memref<64xi32, #tpu.memory_space<hbm>>
          tpu.wait_dma2 semaphore(%run_scoped3A : memref<!tpu.dma_semaphore, #tpu.memory_space<semaphore_mem>>) src(%dma_wait3A_178 : memref<64xi32, #tpu.memory_space<hbm>>) dst(%arg9 : memref<64xi32, #tpu.memory_space<vmem>>)
          tpu.yield
        }) : () -> ()
        %dma_start3A_171 = arith.constant 0 : i32
        %dma_start3A_172 = tpu.memref_slice %arg2[%add3A_170, %dma_start3A_171] : memref<163840x64xi32, #tpu.memory_space<hbm>> -> memref<64x64xi32, #tpu.memory_space<hbm>>
        %dma_start3A_173 = arith.constant 0 : i32
        %dma_start3A_174 = tpu.memref_slice %arg2[%add3A_170, %dma_start3A_173] : memref<163840x64xi32, #tpu.memory_space<hbm>> -> memref<64x64xi32, #tpu.memory_space<hbm>>
        tpu.enqueue_dma source(%dma_start3A_174 : memref<64x64xi32, #tpu.memory_space<hbm>>) target(%arg11 : memref<64x64xi32, #tpu.memory_space<vmem>>) target_semaphore(%arg19 : memref<!tpu.dma_semaphore, #tpu.memory_space<semaphore_mem>>)
      } else {
      }
      %dma_wait3A_117 = arith.constant 0 : i32
      %dma_wait3A_118 = arith.constant 0 : i32
      %dma_wait3A_119 = tpu.memref_slice %arg2[%dma_wait3A_117, %dma_wait3A_118] : memref<163840x64xi32, #tpu.memory_space<hbm>> -> memref<64x64xi32, #tpu.memory_space<hbm>>
      %dma_wait3A_120 = arith.constant 0 : i32
      %dma_wait3A_121 = arith.constant 0 : i32
      %dma_wait3A_122 = tpu.memref_slice %arg2[%dma_wait3A_120, %dma_wait3A_121] : memref<163840x64xi32, #tpu.memory_space<hbm>> -> memref<64x64xi32, #tpu.memory_space<hbm>>
      tpu.wait_dma2 semaphore(%arg18 : memref<!tpu.dma_semaphore, #tpu.memory_space<semaphore_mem>>) src(%dma_wait3A_122 : memref<64x64xi32, #tpu.memory_space<hbm>>) dst(%arg10 : memref<64x64xi32, #tpu.memory_space<vmem>>)
      %scan3A_123 = arith.constant 0 : i32
      %scan3A_124 = arith.constant 0 : i32
      %scan3A_125 = arith.constant 64 : i32
      %scan3A_126 = arith.addi %scan3A_124, %scan3A_125 : i32
      %scan3A_127 = arith.constant 1 : i32
      %scan3A_128 = scf.for %scan3A_166 = %scan3A_124 to %scan3A_126 step %scan3A_127 iter_args(%scan3A_167 = %scan3A_123) -> (i32)  : i32 {
        %get3A = arith.index_cast %scan3A_166 : i32 to index
        %get3A_168 = arith.constant 0 : index
        %get3A_169 = tpu.vector_load %arg10[%get3A, %get3A_168] {strides = array<i32>} : memref<64x64xi32, #tpu.memory_space<vmem>>, vector<1x16xi32>,
        %get3A_170 = vector.shape_cast %get3A_169 : vector<1x16xi32> to vector<16xi32>
        %shift_left3A = arith.constant 16 : i32
        %shift_left3A_171 = vector.broadcast %shift_left3A : i32 to vector<16xi32>
        %shift_left3A_172 = arith.shli %get3A_170, %shift_left3A_171 : vector<16xi32>
        %bitcast_convert_type3A = tpu.bitcast %shift_left3A_172 : vector<16xi32> -> vector<16xf32>
        %swap3A = arith.index_cast %scan3A_166 : i32 to index
        %swap3A_173 = arith.constant 0 : index
        %swap3A_174 = tpu.vector_load %arg12[%swap3A, %swap3A_173] {strides = array<i32>} : memref<64x128xf32, #tpu.memory_space<vmem>>, vector<1x16xf32>,
        %swap3A_175 = vector.shape_cast %swap3A_174 : vector<1x16xf32> to vector<16xf32>
        %swap3A_176 = vector.shape_cast %bitcast_convert_type3A : vector<16xf32> to vector<1x16xf32>
        tpu.vector_store %arg12[%swap3A, %swap3A_173], %swap3A_176 {strides = array<i32>} : memref<64x128xf32, #tpu.memory_space<vmem>>, vector<1x16xf32>,
        %and3A = arith.constant -65536 : i32
        %and3A_177 = vector.broadcast %and3A : i32 to vector<16xi32>
        %and3A_178 = arith.andi %get3A_170, %and3A_177 : vector<16xi32>
        %bitcast_convert_type3A_179 = tpu.bitcast %and3A_178 : vector<16xi32> -> vector<16xf32>
        %swap3A_180 = arith.index_cast %scan3A_166 : i32 to index
        %swap3A_181 = arith.constant 64 : index
        %swap3A_182 = tpu.vector_load %arg12[%swap3A_180, %swap3A_181] {strides = array<i32>} : memref<64x128xf32, #tpu.memory_space<vmem>>, vector<1x16xf32>,
        %swap3A_183 = vector.shape_cast %swap3A_182 : vector<1x16xf32> to vector<16xf32>
        %swap3A_184 = vector.shape_cast %bitcast_convert_type3A_179 : vector<16xf32> to vector<1x16xf32>
        tpu.vector_store %arg12[%swap3A_180, %swap3A_181], %swap3A_184 {strides = array<i32>} : memref<64x128xf32, #tpu.memory_space<vmem>>, vector<1x16xf32>,
        %get3A_185 = arith.index_cast %scan3A_166 : i32 to index
        %get3A_186 = arith.constant 16 : index
        %get3A_187 = tpu.vector_load %arg10[%get3A_185, %get3A_186] {strides = array<i32>} : memref<64x64xi32, #tpu.memory_space<vmem>>, vector<1x16xi32>,
        %get3A_188 = vector.shape_cast %get3A_187 : vector<1x16xi32> to vector<16xi32>
        %shift_left3A_189 = arith.constant 16 : i32
        %shift_left3A_190 = vector.broadcast %shift_left3A_189 : i32 to vector<16xi32>
        %shift_left3A_191 = arith.shli %get3A_188, %shift_left3A_190 : vector<16xi32>
        %bitcast_convert_type3A_192 = tpu.bitcast %shift_left3A_191 : vector<16xi32> -> vector<16xf32>
        %swap3A_193 = arith.index_cast %scan3A_166 : i32 to index
        %swap3A_194 = arith.constant 16 : index
        %swap3A_195 = tpu.vector_load %arg12[%swap3A_193, %swap3A_194] {strides = array<i32>} : memref<64x128xf32, #tpu.memory_space<vmem>>, vector<1x16xf32>,
        %swap3A_196 = vector.shape_cast %swap3A_195 : vector<1x16xf32> to vector<16xf32>
        %swap3A_197 = vector.shape_cast %bitcast_convert_type3A_192 : vector<16xf32> to vector<1x16xf32>
        tpu.vector_store %arg12[%swap3A_193, %swap3A_194], %swap3A_197 {strides = array<i32>} : memref<64x128xf32, #tpu.memory_space<vmem>>, vector<1x16xf32>,
        %and3A_198 = arith.constant -65536 : i32
        %and3A_199 = vector.broadcast %and3A_198 : i32 to vector<16xi32>
        %and3A_200 = arith.andi %get3A_188, %and3A_199 : vector<16xi32>
        %bitcast_convert_type3A_201 = tpu.bitcast %and3A_200 : vector<16xi32> -> vector<16xf32>
        %swap3A_202 = arith.index_cast %scan3A_166 : i32 to index
        %swap3A_203 = arith.constant 80 : index
        %swap3A_204 = tpu.vector_load %arg12[%swap3A_202, %swap3A_203] {strides = array<i32>} : memref<64x128xf32, #tpu.memory_space<vmem>>, vector<1x16xf32>,
        %swap3A_205 = vector.shape_cast %swap3A_204 : vector<1x16xf32> to vector<16xf32>
        %swap3A_206 = vector.shape_cast %bitcast_convert_type3A_201 : vector<16xf32> to vector<1x16xf32>
        tpu.vector_store %arg12[%swap3A_202, %swap3A_203], %swap3A_206 {strides = array<i32>} : memref<64x128xf32, #tpu.memory_space<vmem>>, vector<1x16xf32>,
        %get3A_207 = arith.index_cast %scan3A_166 : i32 to index
        %get3A_208 = arith.constant 32 : index
        %get3A_209 = tpu.vector_load %arg10[%get3A_207, %get3A_208] {strides = array<i32>} : memref<64x64xi32, #tpu.memory_space<vmem>>, vector<1x16xi32>,
        %get3A_210 = vector.shape_cast %get3A_209 : vector<1x16xi32> to vector<16xi32>
        %shift_left3A_211 = arith.constant 16 : i32
        %shift_left3A_212 = vector.broadcast %shift_left3A_211 : i32 to vector<16xi32>
        %shift_left3A_213 = arith.shli %get3A_210, %shift_left3A_212 : vector<16xi32>
        %bitcast_convert_type3A_214 = tpu.bitcast %shift_left3A_213 : vector<16xi32> -> vector<16xf32>
        %swap3A_215 = arith.index_cast %scan3A_166 : i32 to index
        %swap3A_216 = arith.constant 32 : index
        %swap3A_217 = tpu.vector_load %arg12[%swap3A_215, %swap3A_216] {strides = array<i32>} : memref<64x128xf32, #tpu.memory_space<vmem>>, vector<1x16xf32>,
        %swap3A_218 = vector.shape_cast %swap3A_217 : vector<1x16xf32> to vector<16xf32>
        %swap3A_219 = vector.shape_cast %bitcast_convert_type3A_214 : vector<16xf32> to vector<1x16xf32>
        tpu.vector_store %arg12[%swap3A_215, %swap3A_216], %swap3A_219 {strides = array<i32>} : memref<64x128xf32, #tpu.memory_space<vmem>>, vector<1x16xf32>,
        %and3A_220 = arith.constant -65536 : i32
        %and3A_221 = vector.broadcast %and3A_220 : i32 to vector<16xi32>
        %and3A_222 = arith.andi %get3A_210, %and3A_221 : vector<16xi32>
        %bitcast_convert_type3A_223 = tpu.bitcast %and3A_222 : vector<16xi32> -> vector<16xf32>
        %swap3A_224 = arith.index_cast %scan3A_166 : i32 to index
        %swap3A_225 = arith.constant 96 : index
        %swap3A_226 = tpu.vector_load %arg12[%swap3A_224, %swap3A_225] {strides = array<i32>} : memref<64x128xf32, #tpu.memory_space<vmem>>, vector<1x16xf32>,
        %swap3A_227 = vector.shape_cast %swap3A_226 : vector<1x16xf32> to vector<16xf32>
        %swap3A_228 = vector.shape_cast %bitcast_convert_type3A_223 : vector<16xf32> to vector<1x16xf32>
        tpu.vector_store %arg12[%swap3A_224, %swap3A_225], %swap3A_228 {strides = array<i32>} : memref<64x128xf32, #tpu.memory_space<vmem>>, vector<1x16xf32>,
        %get3A_229 = arith.index_cast %scan3A_166 : i32 to index
        %get3A_230 = arith.constant 48 : index
        %get3A_231 = tpu.vector_load %arg10[%get3A_229, %get3A_230] {strides = array<i32>} : memref<64x64xi32, #tpu.memory_space<vmem>>, vector<1x16xi32>,
        %get3A_232 = vector.shape_cast %get3A_231 : vector<1x16xi32> to vector<16xi32>
        %shift_left3A_233 = arith.constant 16 : i32
        %shift_left3A_234 = vector.broadcast %shift_left3A_233 : i32 to vector<16xi32>
        %shift_left3A_235 = arith.shli %get3A_232, %shift_left3A_234 : vector<16xi32>
        %bitcast_convert_type3A_236 = tpu.bitcast %shift_left3A_235 : vector<16xi32> -> vector<16xf32>
        %swap3A_237 = arith.index_cast %scan3A_166 : i32 to index
        %swap3A_238 = arith.constant 48 : index
        %swap3A_239 = tpu.vector_load %arg12[%swap3A_237, %swap3A_238] {strides = array<i32>} : memref<64x128xf32, #tpu.memory_space<vmem>>, vector<1x16xf32>,
        %swap3A_240 = vector.shape_cast %swap3A_239 : vector<1x16xf32> to vector<16xf32>
        %swap3A_241 = vector.shape_cast %bitcast_convert_type3A_236 : vector<16xf32> to vector<1x16xf32>
        tpu.vector_store %arg12[%swap3A_237, %swap3A_238], %swap3A_241 {strides = array<i32>} : memref<64x128xf32, #tpu.memory_space<vmem>>, vector<1x16xf32>,
        %and3A_242 = arith.constant -65536 : i32
        %and3A_243 = vector.broadcast %and3A_242 : i32 to vector<16xi32>
        %and3A_244 = arith.andi %get3A_232, %and3A_243 : vector<16xi32>
        %bitcast_convert_type3A_245 = tpu.bitcast %and3A_244 : vector<16xi32> -> vector<16xf32>
        %swap3A_246 = arith.index_cast %scan3A_166 : i32 to index
        %swap3A_247 = arith.constant 112 : index
        %swap3A_248 = tpu.vector_load %arg12[%swap3A_246, %swap3A_247] {strides = array<i32>} : memref<64x128xf32, #tpu.memory_space<vmem>>, vector<1x16xf32>,
        %swap3A_249 = vector.shape_cast %swap3A_248 : vector<1x16xf32> to vector<16xf32>
        %swap3A_250 = vector.shape_cast %bitcast_convert_type3A_245 : vector<16xf32> to vector<1x16xf32>
        tpu.vector_store %arg12[%swap3A_246, %swap3A_247], %swap3A_250 {strides = array<i32>} : memref<64x128xf32, #tpu.memory_space<vmem>>, vector<1x16xf32>,
        %scan3A_251 = arith.constant 0 : i32
        scf.yield %scan3A_251 : i32
      }
      %scan3A_129 = arith.constant 64 : i32
      %dma_start3A_130 = arith.constant 0 : i32
      %dma_start3A_131 = arith.constant 0 : i32
      %dma_start3A_132 = tpu.memref_slice %arg17[%dma_start3A_130, %dma_start3A_131] : memref<10000x128xf32, #tpu.memory_space<vmem_shared>> -> memref<10000x128xf32, #tpu.memory_space<vmem_shared>>
      tpu.enqueue_indirect_dma source(%arg12 : memref<64x128xf32, #tpu.memory_space<vmem>>) target(%dma_start3A_132 : memref<10000x128xf32, #tpu.memory_space<vmem_shared>>) offsets(%arg8 : memref<64xi32, #tpu.memory_space<vmem>>) semaphore(%arg20 : memref<!tpu.dma_semaphore, #tpu.memory_space<semaphore_mem>>) {add = true}
      %mul3A_133 = arith.constant 4 : i32
      %mul3A_134 = arith.muli %scan3A_36, %mul3A_133 : i32
      %add3A_135 = arith.constant 3 : i32
      %add3A_136 = arith.addi %mul3A_134, %add3A_135 : i32
      %ge3A_137 = arith.constant 2 : i32
      %ge3A_138 = arith.cmpi sge, %add3A_136, %ge3A_137 : i32
      %convert_element_type3A_139 = arith.extui %ge3A_138 : i1 to i32
      %cond3A_140 = arith.constant 0 : i32
      %cond3A_141 = arith.cmpi ne, %convert_element_type3A_139, %cond3A_140 : i32
      scf.if %cond3A_141 {
        %dma_wait3A_166 = arith.constant 0 : i32
        %dma_wait3A_167 = arith.constant 0 : i32
        %dma_wait3A_168 = tpu.memref_slice %arg17[%dma_wait3A_166, %dma_wait3A_167] : memref<10000x128xf32, #tpu.memory_space<vmem_shared>> -> memref<10000x128xf32, #tpu.memory_space<vmem_shared>>
        tpu.wait_indirect_dma semaphore(%arg21 : memref<!tpu.dma_semaphore, #tpu.memory_space<semaphore_mem>>) src(%arg13 : memref<64x128xf32, #tpu.memory_space<vmem>>) dst(%dma_wait3A_168 : memref<10000x128xf32, #tpu.memory_space<vmem_shared>>)
      } else {
      }
      %add3A_142 = arith.constant 1 : i32
      %add3A_143 = arith.addi %add3A_136, %add3A_142 : i32
      %lt3A_144 = arith.constant 80 : i32
      %lt3A_145 = arith.cmpi slt, %add3A_143, %lt3A_144 : i32
      %convert_element_type3A_146 = arith.extui %lt3A_145 : i1 to i32
      %cond3A_147 = arith.constant 0 : i32
      %cond3A_148 = arith.cmpi ne, %convert_element_type3A_146, %cond3A_147 : i32
      scf.if %cond3A_148 {
        %add3A_166 = arith.constant 1 : i32
        %add3A_167 = arith.addi %add3A_136, %add3A_166 : i32
        %mul3A_168 = arith.constant 64 : i32
        %mul3A_169 = arith.muli %add3A_167, %mul3A_168 : i32
        %add3A_170 = arith.addi %mul3A_2, %mul3A_169 : i32
        "tpu.region"() ({
          %run_scoped3A = tpu.sem_alloc : memref<!tpu.dma_semaphore, #tpu.memory_space<semaphore_mem>>
          %dma_start3A_175 = tpu.memref_slice %arg3[%add3A_170] : memref<163840xi32, #tpu.memory_space<hbm>> -> memref<64xi32, #tpu.memory_space<hbm>>
          %dma_start3A_176 = tpu.memref_slice %arg3[%add3A_170] : memref<163840xi32, #tpu.memory_space<hbm>> -> memref<64xi32, #tpu.memory_space<hbm>>
          tpu.enqueue_dma source(%dma_start3A_176 : memref<64xi32, #tpu.memory_space<hbm>>) target(%arg6 : memref<64xi32, #tpu.memory_space<vmem>>) target_semaphore(%run_scoped3A : memref<!tpu.dma_semaphore, #tpu.memory_space<semaphore_mem>>)
          %dma_wait3A_177 = tpu.memref_slice %arg3[%add3A_170] : memref<163840xi32, #tpu.memory_space<hbm>> -> memref<64xi32, #tpu.memory_space<hbm>>
          %dma_wait3A_178 = tpu.memref_slice %arg3[%add3A_170] : memref<163840xi32, #tpu.memory_space<hbm>> -> memref<64xi32, #tpu.memory_space<hbm>>
          tpu.wait_dma2 semaphore(%run_scoped3A : memref<!tpu.dma_semaphore, #tpu.memory_space<semaphore_mem>>) src(%dma_wait3A_178 : memref<64xi32, #tpu.memory_space<hbm>>) dst(%arg6 : memref<64xi32, #tpu.memory_space<vmem>>)
          tpu.yield
        }) : () -> ()
        %dma_start3A_171 = arith.constant 0 : i32
        %dma_start3A_172 = tpu.memref_slice %arg2[%add3A_170, %dma_start3A_171] : memref<163840x64xi32, #tpu.memory_space<hbm>> -> memref<64x64xi32, #tpu.memory_space<hbm>>
        %dma_start3A_173 = arith.constant 0 : i32
        %dma_start3A_174 = tpu.memref_slice %arg2[%add3A_170, %dma_start3A_173] : memref<163840x64xi32, #tpu.memory_space<hbm>> -> memref<64x64xi32, #tpu.memory_space<hbm>>
        tpu.enqueue_dma source(%dma_start3A_174 : memref<64x64xi32, #tpu.memory_space<hbm>>) target(%arg10 : memref<64x64xi32, #tpu.memory_space<vmem>>) target_semaphore(%arg18 : memref<!tpu.dma_semaphore, #tpu.memory_space<semaphore_mem>>)
      } else {
      }
      %dma_wait3A_149 = arith.constant 0 : i32
      %dma_wait3A_150 = arith.constant 0 : i32
      %dma_wait3A_151 = tpu.memref_slice %arg2[%dma_wait3A_149, %dma_wait3A_150] : memref<163840x64xi32, #tpu.memory_space<hbm>> -> memref<64x64xi32, #tpu.memory_space<hbm>>
      %dma_wait3A_152 = arith.constant 0 : i32
      %dma_wait3A_153 = arith.constant 0 : i32
      %dma_wait3A_154 = tpu.memref_slice %arg2[%dma_wait3A_152, %dma_wait3A_153] : memref<163840x64xi32, #tpu.memory_space<hbm>> -> memref<64x64xi32, #tpu.memory_space<hbm>>
      tpu.wait_dma2 semaphore(%arg19 : memref<!tpu.dma_semaphore, #tpu.memory_space<semaphore_mem>>) src(%dma_wait3A_154 : memref<64x64xi32, #tpu.memory_space<hbm>>) dst(%arg11 : memref<64x64xi32, #tpu.memory_space<vmem>>)
      %scan3A_155 = arith.constant 0 : i32
      %scan3A_156 = arith.constant 0 : i32
      %scan3A_157 = arith.constant 64 : i32
      %scan3A_158 = arith.addi %scan3A_156, %scan3A_157 : i32
      %scan3A_159 = arith.constant 1 : i32
      %scan3A_160 = scf.for %scan3A_166 = %scan3A_156 to %scan3A_158 step %scan3A_159 iter_args(%scan3A_167 = %scan3A_155) -> (i32)  : i32 {
        %get3A = arith.index_cast %scan3A_166 : i32 to index
        %get3A_168 = arith.constant 0 : index
        %get3A_169 = tpu.vector_load %arg11[%get3A, %get3A_168] {strides = array<i32>} : memref<64x64xi32, #tpu.memory_space<vmem>>, vector<1x16xi32>,
        %get3A_170 = vector.shape_cast %get3A_169 : vector<1x16xi32> to vector<16xi32>
        %shift_left3A = arith.constant 16 : i32
        %shift_left3A_171 = vector.broadcast %shift_left3A : i32 to vector<16xi32>
        %shift_left3A_172 = arith.shli %get3A_170, %shift_left3A_171 : vector<16xi32>
        %bitcast_convert_type3A = tpu.bitcast %shift_left3A_172 : vector<16xi32> -> vector<16xf32>
        %swap3A = arith.index_cast %scan3A_166 : i32 to index
        %swap3A_173 = arith.constant 0 : index
        %swap3A_174 = tpu.vector_load %arg13[%swap3A, %swap3A_173] {strides = array<i32>} : memref<64x128xf32, #tpu.memory_space<vmem>>, vector<1x16xf32>,
        %swap3A_175 = vector.shape_cast %swap3A_174 : vector<1x16xf32> to vector<16xf32>
        %swap3A_176 = vector.shape_cast %bitcast_convert_type3A : vector<16xf32> to vector<1x16xf32>
        tpu.vector_store %arg13[%swap3A, %swap3A_173], %swap3A_176 {strides = array<i32>} : memref<64x128xf32, #tpu.memory_space<vmem>>, vector<1x16xf32>,
        %and3A = arith.constant -65536 : i32
        %and3A_177 = vector.broadcast %and3A : i32 to vector<16xi32>
        %and3A_178 = arith.andi %get3A_170, %and3A_177 : vector<16xi32>
        %bitcast_convert_type3A_179 = tpu.bitcast %and3A_178 : vector<16xi32> -> vector<16xf32>
        %swap3A_180 = arith.index_cast %scan3A_166 : i32 to index
        %swap3A_181 = arith.constant 64 : index
        %swap3A_182 = tpu.vector_load %arg13[%swap3A_180, %swap3A_181] {strides = array<i32>} : memref<64x128xf32, #tpu.memory_space<vmem>>, vector<1x16xf32>,
        %swap3A_183 = vector.shape_cast %swap3A_182 : vector<1x16xf32> to vector<16xf32>
        %swap3A_184 = vector.shape_cast %bitcast_convert_type3A_179 : vector<16xf32> to vector<1x16xf32>
        tpu.vector_store %arg13[%swap3A_180, %swap3A_181], %swap3A_184 {strides = array<i32>} : memref<64x128xf32, #tpu.memory_space<vmem>>, vector<1x16xf32>,
        %get3A_185 = arith.index_cast %scan3A_166 : i32 to index
        %get3A_186 = arith.constant 16 : index
        %get3A_187 = tpu.vector_load %arg11[%get3A_185, %get3A_186] {strides = array<i32>} : memref<64x64xi32, #tpu.memory_space<vmem>>, vector<1x16xi32>,
        %get3A_188 = vector.shape_cast %get3A_187 : vector<1x16xi32> to vector<16xi32>
        %shift_left3A_189 = arith.constant 16 : i32
        %shift_left3A_190 = vector.broadcast %shift_left3A_189 : i32 to vector<16xi32>
        %shift_left3A_191 = arith.shli %get3A_188, %shift_left3A_190 : vector<16xi32>
        %bitcast_convert_type3A_192 = tpu.bitcast %shift_left3A_191 : vector<16xi32> -> vector<16xf32>
        %swap3A_193 = arith.index_cast %scan3A_166 : i32 to index
        %swap3A_194 = arith.constant 16 : index
        %swap3A_195 = tpu.vector_load %arg13[%swap3A_193, %swap3A_194] {strides = array<i32>} : memref<64x128xf32, #tpu.memory_space<vmem>>, vector<1x16xf32>,
        %swap3A_196 = vector.shape_cast %swap3A_195 : vector<1x16xf32> to vector<16xf32>
        %swap3A_197 = vector.shape_cast %bitcast_convert_type3A_192 : vector<16xf32> to vector<1x16xf32>
        tpu.vector_store %arg13[%swap3A_193, %swap3A_194], %swap3A_197 {strides = array<i32>} : memref<64x128xf32, #tpu.memory_space<vmem>>, vector<1x16xf32>,
        %and3A_198 = arith.constant -65536 : i32
        %and3A_199 = vector.broadcast %and3A_198 : i32 to vector<16xi32>
        %and3A_200 = arith.andi %get3A_188, %and3A_199 : vector<16xi32>
        %bitcast_convert_type3A_201 = tpu.bitcast %and3A_200 : vector<16xi32> -> vector<16xf32>
        %swap3A_202 = arith.index_cast %scan3A_166 : i32 to index
        %swap3A_203 = arith.constant 80 : index
        %swap3A_204 = tpu.vector_load %arg13[%swap3A_202, %swap3A_203] {strides = array<i32>} : memref<64x128xf32, #tpu.memory_space<vmem>>, vector<1x16xf32>,
        %swap3A_205 = vector.shape_cast %swap3A_204 : vector<1x16xf32> to vector<16xf32>
        %swap3A_206 = vector.shape_cast %bitcast_convert_type3A_201 : vector<16xf32> to vector<1x16xf32>
        tpu.vector_store %arg13[%swap3A_202, %swap3A_203], %swap3A_206 {strides = array<i32>} : memref<64x128xf32, #tpu.memory_space<vmem>>, vector<1x16xf32>,
        %get3A_207 = arith.index_cast %scan3A_166 : i32 to index
        %get3A_208 = arith.constant 32 : index
        %get3A_209 = tpu.vector_load %arg11[%get3A_207, %get3A_208] {strides = array<i32>} : memref<64x64xi32, #tpu.memory_space<vmem>>, vector<1x16xi32>,
        %get3A_210 = vector.shape_cast %get3A_209 : vector<1x16xi32> to vector<16xi32>
        %shift_left3A_211 = arith.constant 16 : i32
        %shift_left3A_212 = vector.broadcast %shift_left3A_211 : i32 to vector<16xi32>
        %shift_left3A_213 = arith.shli %get3A_210, %shift_left3A_212 : vector<16xi32>
        %bitcast_convert_type3A_214 = tpu.bitcast %shift_left3A_213 : vector<16xi32> -> vector<16xf32>
        %swap3A_215 = arith.index_cast %scan3A_166 : i32 to index
        %swap3A_216 = arith.constant 32 : index
        %swap3A_217 = tpu.vector_load %arg13[%swap3A_215, %swap3A_216] {strides = array<i32>} : memref<64x128xf32, #tpu.memory_space<vmem>>, vector<1x16xf32>,
        %swap3A_218 = vector.shape_cast %swap3A_217 : vector<1x16xf32> to vector<16xf32>
        %swap3A_219 = vector.shape_cast %bitcast_convert_type3A_214 : vector<16xf32> to vector<1x16xf32>
        tpu.vector_store %arg13[%swap3A_215, %swap3A_216], %swap3A_219 {strides = array<i32>} : memref<64x128xf32, #tpu.memory_space<vmem>>, vector<1x16xf32>,
        %and3A_220 = arith.constant -65536 : i32
        %and3A_221 = vector.broadcast %and3A_220 : i32 to vector<16xi32>
        %and3A_222 = arith.andi %get3A_210, %and3A_221 : vector<16xi32>
        %bitcast_convert_type3A_223 = tpu.bitcast %and3A_222 : vector<16xi32> -> vector<16xf32>
        %swap3A_224 = arith.index_cast %scan3A_166 : i32 to index
        %swap3A_225 = arith.constant 96 : index
        %swap3A_226 = tpu.vector_load %arg13[%swap3A_224, %swap3A_225] {strides = array<i32>} : memref<64x128xf32, #tpu.memory_space<vmem>>, vector<1x16xf32>,
        %swap3A_227 = vector.shape_cast %swap3A_226 : vector<1x16xf32> to vector<16xf32>
        %swap3A_228 = vector.shape_cast %bitcast_convert_type3A_223 : vector<16xf32> to vector<1x16xf32>
        tpu.vector_store %arg13[%swap3A_224, %swap3A_225], %swap3A_228 {strides = array<i32>} : memref<64x128xf32, #tpu.memory_space<vmem>>, vector<1x16xf32>,
        %get3A_229 = arith.index_cast %scan3A_166 : i32 to index
        %get3A_230 = arith.constant 48 : index
        %get3A_231 = tpu.vector_load %arg11[%get3A_229, %get3A_230] {strides = array<i32>} : memref<64x64xi32, #tpu.memory_space<vmem>>, vector<1x16xi32>,
        %get3A_232 = vector.shape_cast %get3A_231 : vector<1x16xi32> to vector<16xi32>
        %shift_left3A_233 = arith.constant 16 : i32
        %shift_left3A_234 = vector.broadcast %shift_left3A_233 : i32 to vector<16xi32>
        %shift_left3A_235 = arith.shli %get3A_232, %shift_left3A_234 : vector<16xi32>
        %bitcast_convert_type3A_236 = tpu.bitcast %shift_left3A_235 : vector<16xi32> -> vector<16xf32>
        %swap3A_237 = arith.index_cast %scan3A_166 : i32 to index
        %swap3A_238 = arith.constant 48 : index
        %swap3A_239 = tpu.vector_load %arg13[%swap3A_237, %swap3A_238] {strides = array<i32>} : memref<64x128xf32, #tpu.memory_space<vmem>>, vector<1x16xf32>,
        %swap3A_240 = vector.shape_cast %swap3A_239 : vector<1x16xf32> to vector<16xf32>
        %swap3A_241 = vector.shape_cast %bitcast_convert_type3A_236 : vector<16xf32> to vector<1x16xf32>
        tpu.vector_store %arg13[%swap3A_237, %swap3A_238], %swap3A_241 {strides = array<i32>} : memref<64x128xf32, #tpu.memory_space<vmem>>, vector<1x16xf32>,
        %and3A_242 = arith.constant -65536 : i32
        %and3A_243 = vector.broadcast %and3A_242 : i32 to vector<16xi32>
        %and3A_244 = arith.andi %get3A_232, %and3A_243 : vector<16xi32>
        %bitcast_convert_type3A_245 = tpu.bitcast %and3A_244 : vector<16xi32> -> vector<16xf32>
        %swap3A_246 = arith.index_cast %scan3A_166 : i32 to index
        %swap3A_247 = arith.constant 112 : index
        %swap3A_248 = tpu.vector_load %arg13[%swap3A_246, %swap3A_247] {strides = array<i32>} : memref<64x128xf32, #tpu.memory_space<vmem>>, vector<1x16xf32>,
        %swap3A_249 = vector.shape_cast %swap3A_248 : vector<1x16xf32> to vector<16xf32>
        %swap3A_250 = vector.shape_cast %bitcast_convert_type3A_245 : vector<16xf32> to vector<1x16xf32>
        tpu.vector_store %arg13[%swap3A_246, %swap3A_247], %swap3A_250 {strides = array<i32>} : memref<64x128xf32, #tpu.memory_space<vmem>>, vector<1x16xf32>,
        %scan3A_251 = arith.constant 0 : i32
        scf.yield %scan3A_251 : i32
      }
      %scan3A_161 = arith.constant 64 : i32
      %dma_start3A_162 = arith.constant 0 : i32
      %dma_start3A_163 = arith.constant 0 : i32
      %dma_start3A_164 = tpu.memref_slice %arg17[%dma_start3A_162, %dma_start3A_163] : memref<10000x128xf32, #tpu.memory_space<vmem_shared>> -> memref<10000x128xf32, #tpu.memory_space<vmem_shared>>
      tpu.enqueue_indirect_dma source(%arg13 : memref<64x128xf32, #tpu.memory_space<vmem>>) target(%dma_start3A_164 : memref<10000x128xf32, #tpu.memory_space<vmem_shared>>) offsets(%arg9 : memref<64xi32, #tpu.memory_space<vmem>>) semaphore(%arg21 : memref<!tpu.dma_semaphore, #tpu.memory_space<semaphore_mem>>) {add = true}
      %scan3A_165 = arith.constant 0 : i32
      scf.yield %scan3A_165 : i32
    }
    %scan3A_19 = arith.constant 20 : i32
    %dma_wait3A = arith.constant 0 : i32
    %dma_wait3A_20 = arith.constant 0 : i32
    %dma_wait3A_21 = tpu.memref_slice %arg17[%dma_wait3A, %dma_wait3A_20] : memref<10000x128xf32, #tpu.memory_space<vmem_shared>> -> memref<10000x128xf32, #tpu.memory_space<vmem_shared>>
    tpu.wait_indirect_dma semaphore(%arg20 : memref<!tpu.dma_semaphore, #tpu.memory_space<semaphore_mem>>) src(%arg12 : memref<64x128xf32, #tpu.memory_space<vmem>>) dst(%dma_wait3A_21 : memref<10000x128xf32, #tpu.memory_space<vmem_shared>>)
    %dma_wait3A_22 = arith.constant 0 : i32
    %dma_wait3A_23 = arith.constant 0 : i32
    %dma_wait3A_24 = tpu.memref_slice %arg17[%dma_wait3A_22, %dma_wait3A_23] : memref<10000x128xf32, #tpu.memory_space<vmem_shared>> -> memref<10000x128xf32, #tpu.memory_space<vmem_shared>>
    tpu.wait_indirect_dma semaphore(%arg21 : memref<!tpu.dma_semaphore, #tpu.memory_space<semaphore_mem>>) src(%arg13 : memref<64x128xf32, #tpu.memory_space<vmem>>) dst(%dma_wait3A_24 : memref<10000x128xf32, #tpu.memory_space<vmem_shared>>)
    %barrier3A_25 = arith.constant 0 : index
    tpu.barrier barrier_id(%barrier3A_25)
    %lt3A_26 = arith.constant 15 : i32
    %lt3A_27 = arith.cmpi slt, %arg1, %lt3A_26 : i32
    %convert_element_type3A_28 = arith.extui %lt3A_27 : i1 to i32
    %cond3A_29 = arith.constant 0 : i32
    %cond3A_30 = arith.cmpi ne, %convert_element_type3A_28, %cond3A_29 : i32
    scf.if %cond3A_30 {
      %mul3A_36 = arith.constant 632 : i32
      %mul3A_37 = arith.muli %arg1, %mul3A_36 : i32
      %mul3A_38 = arith.constant 632 : i32
      %mul3A_39 = arith.muli %arg1, %mul3A_38 : i32
      "tpu.region"() ({
        %run_scoped3A = tpu.sem_alloc : memref<!tpu.dma_semaphore, #tpu.memory_space<semaphore_mem>>
        %dma_start3A_40 = arith.constant 0 : i32
        %dma_start3A_41 = tpu.memref_slice %arg5[%arg0, %mul3A_39, %dma_start3A_40] : memref<2x10000x128xf32, #tpu.memory_space<hbm>> -> memref<1x632x128xf32, #tpu.memory_space<hbm>>
        %dma_start3A_42 = tpu.memref_squeeze %dma_start3A_41 : memref<1x632x128xf32, #tpu.memory_space<hbm>> -> memref<632x128xf32, #tpu.memory_space<hbm>>
        %dma_start3A_43 = arith.constant 0 : i32
        %dma_start3A_44 = tpu.memref_slice %arg17[%mul3A_37, %dma_start3A_43] : memref<10000x128xf32, #tpu.memory_space<vmem_shared>> -> memref<632x128xf32, #tpu.memory_space<vmem_shared>>
        tpu.enqueue_dma source(%dma_start3A_44 : memref<632x128xf32, #tpu.memory_space<vmem_shared>>) target(%dma_start3A_42 : memref<632x128xf32, #tpu.memory_space<hbm>>) target_semaphore(%run_scoped3A : memref<!tpu.dma_semaphore, #tpu.memory_space<semaphore_mem>>)
        %dma_wait3A_45 = arith.constant 0 : i32
        %dma_wait3A_46 = tpu.memref_slice %arg5[%arg0, %mul3A_39, %dma_wait3A_45] : memref<2x10000x128xf32, #tpu.memory_space<hbm>> -> memref<1x632x128xf32, #tpu.memory_space<hbm>>
        %dma_wait3A_47 = tpu.memref_squeeze %dma_wait3A_46 : memref<1x632x128xf32, #tpu.memory_space<hbm>> -> memref<632x128xf32, #tpu.memory_space<hbm>>
        %dma_wait3A_48 = arith.constant 0 : i32
        %dma_wait3A_49 = tpu.memref_slice %arg17[%mul3A_37, %dma_wait3A_48] : memref<10000x128xf32, #tpu.memory_space<vmem_shared>> -> memref<632x128xf32, #tpu.memory_space<vmem_shared>>
        tpu.wait_dma2 semaphore(%run_scoped3A : memref<!tpu.dma_semaphore, #tpu.memory_space<semaphore_mem>>) src(%dma_wait3A_49 : memref<632x128xf32, #tpu.memory_space<vmem_shared>>) dst(%dma_wait3A_47 : memref<632x128xf32, #tpu.memory_space<hbm>>)
        tpu.yield
      }) : () -> ()
    } else {
    }
    %eq3A_31 = arith.constant 15 : i32
    %eq3A_32 = arith.cmpi eq, %arg1, %eq3A_31 : i32
    %convert_element_type3A_33 = arith.extui %eq3A_32 : i1 to i32
    %cond3A_34 = arith.constant 0 : i32
    %cond3A_35 = arith.cmpi ne, %convert_element_type3A_33, %cond3A_34 : i32
    scf.if %cond3A_35 {
      %mul3A_36 = arith.constant 632 : i32
      %mul3A_37 = arith.muli %arg1, %mul3A_36 : i32
      %mul3A_38 = arith.constant 632 : i32
      %mul3A_39 = arith.muli %arg1, %mul3A_38 : i32
      "tpu.region"() ({
        %run_scoped3A = tpu.sem_alloc : memref<!tpu.dma_semaphore, #tpu.memory_space<semaphore_mem>>
        %dma_start3A_40 = arith.constant 0 : i32
        %dma_start3A_41 = tpu.memref_slice %arg5[%arg0, %mul3A_39, %dma_start3A_40] : memref<2x10000x128xf32, #tpu.memory_space<hbm>> -> memref<1x520x128xf32, #tpu.memory_space<hbm>>
        %dma_start3A_42 = tpu.memref_squeeze %dma_start3A_41 : memref<1x520x128xf32, #tpu.memory_space<hbm>> -> memref<520x128xf32, #tpu.memory_space<hbm>>
        %dma_start3A_43 = arith.constant 0 : i32
        %dma_start3A_44 = tpu.memref_slice %arg17[%mul3A_37, %dma_start3A_43] : memref<10000x128xf32, #tpu.memory_space<vmem_shared>> -> memref<520x128xf32, #tpu.memory_space<vmem_shared>>
        tpu.enqueue_dma source(%dma_start3A_44 : memref<520x128xf32, #tpu.memory_space<vmem_shared>>) target(%dma_start3A_42 : memref<520x128xf32, #tpu.memory_space<hbm>>) target_semaphore(%run_scoped3A : memref<!tpu.dma_semaphore, #tpu.memory_space<semaphore_mem>>)
        %dma_wait3A_45 = arith.constant 0 : i32
        %dma_wait3A_46 = tpu.memref_slice %arg5[%arg0, %mul3A_39, %dma_wait3A_45] : memref<2x10000x128xf32, #tpu.memory_space<hbm>> -> memref<1x520x128xf32, #tpu.memory_space<hbm>>
        %dma_wait3A_47 = tpu.memref_squeeze %dma_wait3A_46 : memref<1x520x128xf32, #tpu.memory_space<hbm>> -> memref<520x128xf32, #tpu.memory_space<hbm>>
        %dma_wait3A_48 = arith.constant 0 : i32
        %dma_wait3A_49 = tpu.memref_slice %arg17[%mul3A_37, %dma_wait3A_48] : memref<10000x128xf32, #tpu.memory_space<vmem_shared>> -> memref<520x128xf32, #tpu.memory_space<vmem_shared>>
        tpu.wait_dma2 semaphore(%run_scoped3A : memref<!tpu.dma_semaphore, #tpu.memory_space<semaphore_mem>>) src(%dma_wait3A_49 : memref<520x128xf32, #tpu.memory_space<vmem_shared>>) dst(%dma_wait3A_47 : memref<520x128xf32, #tpu.memory_space<hbm>>)
        tpu.yield
      }) : () -> ()
    } else {
    }
    return
  }
}

#map = affine_map<(d0, d1) -> (0, 0)>
#map1 = affine_map<(d0, d1) -> (0)>
#map2 = affine_map<(d0, d1) -> (0, 0, 0)>
module attributes {stable_mosaic.version = 14 : i64} {
  func.func @scatter_kernel(%arg0: i32, %arg1: i32, %arg2: memref<156160x64xi32, #tpu.memory_space<hbm>>, %arg3: memref<156160xi32, #tpu.memory_space<hbm>>, %arg4: memref<632x128xf32, #tpu.memory_space<hbm>>, %arg5: memref<2x10000x128xf32, #tpu.memory_space<hbm>>, %arg6: memref<64xi32, #tpu.memory_space<vmem>>, %arg7: memref<64xi32, #tpu.memory_space<vmem>>, %arg8: memref<64xi32, #tpu.memory_space<vmem>>, %arg9: memref<64xi32, #tpu.memory_space<vmem>>, %arg10: memref<64x64xi32, #tpu.memory_space<vmem>>, %arg11: memref<64x64xi32, #tpu.memory_space<vmem>>, %arg12: memref<64x128xf32, #tpu.memory_space<vmem>>, %arg13: memref<64x128xf32, #tpu.memory_space<vmem>>, %arg14: memref<16xi32, #tpu.memory_space<vmem>>, %arg15: memref<16x64xi32, #tpu.memory_space<vmem>>, %arg16: memref<16x128xf32, #tpu.memory_space<vmem>>, %arg17: memref<10000x128xf32, #tpu.memory_space<vmem_shared>>, %arg18: memref<!tpu.dma_semaphore, #tpu.memory_space<semaphore_mem>>, %arg19: memref<!tpu.dma_semaphore, #tpu.memory_space<semaphore_mem>>, %arg20: memref<!tpu.dma_semaphore, #tpu.memory_space<semaphore_mem>>, %arg21: memref<!tpu.dma_semaphore, #tpu.memory_space<semaphore_mem>>) attributes {dimension_semantics = [#tpu.dimension_semantics<core_parallel>, #tpu.dimension_semantics<subcore_parallel>], iteration_bounds = array<i64: 2, 16>, scalar_prefetch = 0 : i64, scratch_operands = 16 : i64, tpu.core_type = #tpu.core_type<sc_vector_subcore>, window_params = [{transform_indices = #map}, {transform_indices = #map1}, {transform_indices = #map}, {transform_indices = #map2}]} {
    %mul3A = arith.constant 2 : i32
    %mul3A_0 = arith.muli %arg1, %mul3A : i32
    %add3A = arith.addi %mul3A_0, %arg0 : i32
    %mul3A_1 = arith.constant 4880 : i32
    %mul3A_2 = arith.muli %add3A, %mul3A_1 : i32
    %lt3A = arith.constant 15 : i32
    %lt3A_3 = arith.cmpi slt, %arg1, %lt3A : i32
    %convert_element_type3A = arith.extui %lt3A_3 : i1 to i32
    %cond3A = arith.constant 0 : i32
    %cond3A_4 = arith.cmpi ne, %convert_element_type3A, %cond3A : i32
    scf.if %cond3A_4 {
      %mul3A_45 = arith.constant 632 : i32
      %mul3A_46 = arith.muli %arg1, %mul3A_45 : i32
      "tpu.region"() ({
        %run_scoped3A = tpu.sem_alloc : memref<!tpu.dma_semaphore, #tpu.memory_space<semaphore_mem>>
        %dma_start3A_47 = arith.constant 0 : i32
        %dma_start3A_48 = tpu.memref_slice %arg17[%mul3A_46, %dma_start3A_47] : memref<10000x128xf32, #tpu.memory_space<vmem_shared>> -> memref<632x128xf32, #tpu.memory_space<vmem_shared>>
        tpu.enqueue_dma source(%arg4 : memref<632x128xf32, #tpu.memory_space<hbm>>) target(%dma_start3A_48 : memref<632x128xf32, #tpu.memory_space<vmem_shared>>) target_semaphore(%run_scoped3A : memref<!tpu.dma_semaphore, #tpu.memory_space<semaphore_mem>>)
        %dma_wait3A_49 = arith.constant 0 : i32
        %dma_wait3A_50 = tpu.memref_slice %arg17[%mul3A_46, %dma_wait3A_49] : memref<10000x128xf32, #tpu.memory_space<vmem_shared>> -> memref<632x128xf32, #tpu.memory_space<vmem_shared>>
        tpu.wait_dma2 semaphore(%run_scoped3A : memref<!tpu.dma_semaphore, #tpu.memory_space<semaphore_mem>>) src(%arg4 : memref<632x128xf32, #tpu.memory_space<hbm>>) dst(%dma_wait3A_50 : memref<632x128xf32, #tpu.memory_space<vmem_shared>>)
        tpu.yield
      }) : () -> ()
    } else {
    }
    %eq3A = arith.constant 15 : i32
    %eq3A_5 = arith.cmpi eq, %arg1, %eq3A : i32
    %convert_element_type3A_6 = arith.extui %eq3A_5 : i1 to i32
    %cond3A_7 = arith.constant 0 : i32
    %cond3A_8 = arith.cmpi ne, %convert_element_type3A_6, %cond3A_7 : i32
    scf.if %cond3A_8 {
      %mul3A_45 = arith.constant 632 : i32
      %mul3A_46 = arith.muli %arg1, %mul3A_45 : i32
      "tpu.region"() ({
        %run_scoped3A = tpu.sem_alloc : memref<!tpu.dma_semaphore, #tpu.memory_space<semaphore_mem>>
        %dma_start3A_47 = arith.constant 0 : i32
        %dma_start3A_48 = tpu.memref_slice %arg17[%mul3A_46, %dma_start3A_47] : memref<10000x128xf32, #tpu.memory_space<vmem_shared>> -> memref<520x128xf32, #tpu.memory_space<vmem_shared>>
        %dma_start3A_49 = arith.constant 0 : i32
        %dma_start3A_50 = arith.constant 0 : i32
        %dma_start3A_51 = tpu.memref_slice %arg4[%dma_start3A_49, %dma_start3A_50] : memref<632x128xf32, #tpu.memory_space<hbm>> -> memref<520x128xf32, #tpu.memory_space<hbm>>
        tpu.enqueue_dma source(%dma_start3A_51 : memref<520x128xf32, #tpu.memory_space<hbm>>) target(%dma_start3A_48 : memref<520x128xf32, #tpu.memory_space<vmem_shared>>) target_semaphore(%run_scoped3A : memref<!tpu.dma_semaphore, #tpu.memory_space<semaphore_mem>>)
        %dma_wait3A_52 = arith.constant 0 : i32
        %dma_wait3A_53 = tpu.memref_slice %arg17[%mul3A_46, %dma_wait3A_52] : memref<10000x128xf32, #tpu.memory_space<vmem_shared>> -> memref<520x128xf32, #tpu.memory_space<vmem_shared>>
        %dma_wait3A_54 = arith.constant 0 : i32
        %dma_wait3A_55 = arith.constant 0 : i32
        %dma_wait3A_56 = tpu.memref_slice %arg4[%dma_wait3A_54, %dma_wait3A_55] : memref<632x128xf32, #tpu.memory_space<hbm>> -> memref<520x128xf32, #tpu.memory_space<hbm>>
        tpu.wait_dma2 semaphore(%run_scoped3A : memref<!tpu.dma_semaphore, #tpu.memory_space<semaphore_mem>>) src(%dma_wait3A_56 : memref<520x128xf32, #tpu.memory_space<hbm>>) dst(%dma_wait3A_53 : memref<520x128xf32, #tpu.memory_space<vmem_shared>>)
        tpu.yield
      }) : () -> ()
    } else {
    }
    %barrier3A = arith.constant 0 : index
    tpu.barrier barrier_id(%barrier3A)
    %add3A_9 = arith.constant 0 : i32
    %add3A_10 = arith.addi %mul3A_2, %add3A_9 : i32
    "tpu.region"() ({
      %run_scoped3A = tpu.sem_alloc : memref<!tpu.dma_semaphore, #tpu.memory_space<semaphore_mem>>
      %dma_start3A_45 = tpu.memref_slice %arg3[%add3A_10] : memref<156160xi32, #tpu.memory_space<hbm>> -> memref<64xi32, #tpu.memory_space<hbm>>
      %dma_start3A_46 = tpu.memref_slice %arg3[%add3A_10] : memref<156160xi32, #tpu.memory_space<hbm>> -> memref<64xi32, #tpu.memory_space<hbm>>
      tpu.enqueue_dma source(%dma_start3A_46 : memref<64xi32, #tpu.memory_space<hbm>>) target(%arg6 : memref<64xi32, #tpu.memory_space<vmem>>) target_semaphore(%run_scoped3A : memref<!tpu.dma_semaphore, #tpu.memory_space<semaphore_mem>>)
      %dma_wait3A_47 = tpu.memref_slice %arg3[%add3A_10] : memref<156160xi32, #tpu.memory_space<hbm>> -> memref<64xi32, #tpu.memory_space<hbm>>
      %dma_wait3A_48 = tpu.memref_slice %arg3[%add3A_10] : memref<156160xi32, #tpu.memory_space<hbm>> -> memref<64xi32, #tpu.memory_space<hbm>>
      tpu.wait_dma2 semaphore(%run_scoped3A : memref<!tpu.dma_semaphore, #tpu.memory_space<semaphore_mem>>) src(%dma_wait3A_48 : memref<64xi32, #tpu.memory_space<hbm>>) dst(%arg6 : memref<64xi32, #tpu.memory_space<vmem>>)
      tpu.yield
    }) : () -> ()
    %dma_start3A = arith.constant 0 : i32
    %dma_start3A_11 = tpu.memref_slice %arg2[%add3A_10, %dma_start3A] : memref<156160x64xi32, #tpu.memory_space<hbm>> -> memref<64x64xi32, #tpu.memory_space<hbm>>
    %dma_start3A_12 = arith.constant 0 : i32
    %dma_start3A_13 = tpu.memref_slice %arg2[%add3A_10, %dma_start3A_12] : memref<156160x64xi32, #tpu.memory_space<hbm>> -> memref<64x64xi32, #tpu.memory_space<hbm>>
    tpu.enqueue_dma source(%dma_start3A_13 : memref<64x64xi32, #tpu.memory_space<hbm>>) target(%arg10 : memref<64x64xi32, #tpu.memory_space<vmem>>) target_semaphore(%arg18 : memref<!tpu.dma_semaphore, #tpu.memory_space<semaphore_mem>>)
    %scan3A = arith.constant 0 : i32
    %scan3A_14 = arith.constant 0 : i32
    %scan3A_15 = arith.constant 19 : i32
    %scan3A_16 = arith.addi %scan3A_14, %scan3A_15 : i32
    %scan3A_17 = arith.constant 1 : i32
    %scan3A_18 = scf.for %scan3A_45 = %scan3A_14 to %scan3A_16 step %scan3A_17 iter_args(%scan3A_46 = %scan3A) -> (i32)  : i32 {
      %mul3A_47 = arith.constant 4 : i32
      %mul3A_48 = arith.muli %scan3A_45, %mul3A_47 : i32
      %add3A_49 = arith.constant 0 : i32
      %add3A_50 = arith.addi %mul3A_48, %add3A_49 : i32
      %ge3A = arith.constant 2 : i32
      %ge3A_51 = arith.cmpi sge, %add3A_50, %ge3A : i32
      %convert_element_type3A_52 = arith.extui %ge3A_51 : i1 to i32
      %cond3A_53 = arith.constant 0 : i32
      %cond3A_54 = arith.cmpi ne, %convert_element_type3A_52, %cond3A_53 : i32
      scf.if %cond3A_54 {
        %dma_wait3A_175 = arith.constant 0 : i32
        %dma_wait3A_176 = arith.constant 0 : i32
        %dma_wait3A_177 = tpu.memref_slice %arg17[%dma_wait3A_175, %dma_wait3A_176] : memref<10000x128xf32, #tpu.memory_space<vmem_shared>> -> memref<10000x128xf32, #tpu.memory_space<vmem_shared>>
        tpu.wait_indirect_dma semaphore(%arg20 : memref<!tpu.dma_semaphore, #tpu.memory_space<semaphore_mem>>) src(%arg12 : memref<64x128xf32, #tpu.memory_space<vmem>>) dst(%dma_wait3A_177 : memref<10000x128xf32, #tpu.memory_space<vmem_shared>>)
      } else {
      }
      %add3A_55 = arith.constant 1 : i32
      %add3A_56 = arith.addi %add3A_50, %add3A_55 : i32
      %lt3A_57 = arith.constant 76 : i32
      %lt3A_58 = arith.cmpi slt, %add3A_56, %lt3A_57 : i32
      %convert_element_type3A_59 = arith.extui %lt3A_58 : i1 to i32
      %cond3A_60 = arith.constant 0 : i32
      %cond3A_61 = arith.cmpi ne, %convert_element_type3A_59, %cond3A_60 : i32
      scf.if %cond3A_61 {
        %add3A_175 = arith.constant 1 : i32
        %add3A_176 = arith.addi %add3A_50, %add3A_175 : i32
        %mul3A_177 = arith.constant 64 : i32
        %mul3A_178 = arith.muli %add3A_176, %mul3A_177 : i32
        %add3A_179 = arith.addi %mul3A_2, %mul3A_178 : i32
        "tpu.region"() ({
          %run_scoped3A = tpu.sem_alloc : memref<!tpu.dma_semaphore, #tpu.memory_space<semaphore_mem>>
          %dma_start3A_184 = tpu.memref_slice %arg3[%add3A_179] : memref<156160xi32, #tpu.memory_space<hbm>> -> memref<64xi32, #tpu.memory_space<hbm>>
          %dma_start3A_185 = tpu.memref_slice %arg3[%add3A_179] : memref<156160xi32, #tpu.memory_space<hbm>> -> memref<64xi32, #tpu.memory_space<hbm>>
          tpu.enqueue_dma source(%dma_start3A_185 : memref<64xi32, #tpu.memory_space<hbm>>) target(%arg7 : memref<64xi32, #tpu.memory_space<vmem>>) target_semaphore(%run_scoped3A : memref<!tpu.dma_semaphore, #tpu.memory_space<semaphore_mem>>)
          %dma_wait3A_186 = tpu.memref_slice %arg3[%add3A_179] : memref<156160xi32, #tpu.memory_space<hbm>> -> memref<64xi32, #tpu.memory_space<hbm>>
          %dma_wait3A_187 = tpu.memref_slice %arg3[%add3A_179] : memref<156160xi32, #tpu.memory_space<hbm>> -> memref<64xi32, #tpu.memory_space<hbm>>
          tpu.wait_dma2 semaphore(%run_scoped3A : memref<!tpu.dma_semaphore, #tpu.memory_space<semaphore_mem>>) src(%dma_wait3A_187 : memref<64xi32, #tpu.memory_space<hbm>>) dst(%arg7 : memref<64xi32, #tpu.memory_space<vmem>>)
          tpu.yield
        }) : () -> ()
        %dma_start3A_180 = arith.constant 0 : i32
        %dma_start3A_181 = tpu.memref_slice %arg2[%add3A_179, %dma_start3A_180] : memref<156160x64xi32, #tpu.memory_space<hbm>> -> memref<64x64xi32, #tpu.memory_space<hbm>>
        %dma_start3A_182 = arith.constant 0 : i32
        %dma_start3A_183 = tpu.memref_slice %arg2[%add3A_179, %dma_start3A_182] : memref<156160x64xi32, #tpu.memory_space<hbm>> -> memref<64x64xi32, #tpu.memory_space<hbm>>
        tpu.enqueue_dma source(%dma_start3A_183 : memref<64x64xi32, #tpu.memory_space<hbm>>) target(%arg11 : memref<64x64xi32, #tpu.memory_space<vmem>>) target_semaphore(%arg19 : memref<!tpu.dma_semaphore, #tpu.memory_space<semaphore_mem>>)
      } else {
      }
      %dma_wait3A_62 = arith.constant 0 : i32
      %dma_wait3A_63 = arith.constant 0 : i32
      %dma_wait3A_64 = tpu.memref_slice %arg2[%dma_wait3A_62, %dma_wait3A_63] : memref<156160x64xi32, #tpu.memory_space<hbm>> -> memref<64x64xi32, #tpu.memory_space<hbm>>
      %dma_wait3A_65 = arith.constant 0 : i32
      %dma_wait3A_66 = arith.constant 0 : i32
      %dma_wait3A_67 = tpu.memref_slice %arg2[%dma_wait3A_65, %dma_wait3A_66] : memref<156160x64xi32, #tpu.memory_space<hbm>> -> memref<64x64xi32, #tpu.memory_space<hbm>>
      tpu.wait_dma2 semaphore(%arg18 : memref<!tpu.dma_semaphore, #tpu.memory_space<semaphore_mem>>) src(%dma_wait3A_67 : memref<64x64xi32, #tpu.memory_space<hbm>>) dst(%arg10 : memref<64x64xi32, #tpu.memory_space<vmem>>)
      %scan3A_68 = arith.constant 0 : i32
      %scan3A_69 = arith.constant 0 : i32
      %scan3A_70 = arith.constant 64 : i32
      %scan3A_71 = arith.addi %scan3A_69, %scan3A_70 : i32
      %scan3A_72 = arith.constant 1 : i32
      %scan3A_73 = scf.for %scan3A_175 = %scan3A_69 to %scan3A_71 step %scan3A_72 iter_args(%scan3A_176 = %scan3A_68) -> (i32)  : i32 {
        %get3A = arith.index_cast %scan3A_175 : i32 to index
        %get3A_177 = arith.constant 0 : index
        %get3A_178 = tpu.vector_load %arg10[%get3A, %get3A_177] {strides = array<i32>} : memref<64x64xi32, #tpu.memory_space<vmem>>, vector<1x16xi32>,
        %get3A_179 = vector.shape_cast %get3A_178 : vector<1x16xi32> to vector<16xi32>
        %shift_left3A = arith.constant 16 : i32
        %shift_left3A_180 = vector.broadcast %shift_left3A : i32 to vector<16xi32>
        %shift_left3A_181 = arith.shli %get3A_179, %shift_left3A_180 : vector<16xi32>
        %bitcast_convert_type3A = tpu.bitcast %shift_left3A_181 : vector<16xi32> -> vector<16xf32>
        %swap3A = arith.index_cast %scan3A_175 : i32 to index
        %swap3A_182 = arith.constant 0 : index
        %swap3A_183 = tpu.vector_load %arg12[%swap3A, %swap3A_182] {strides = array<i32>} : memref<64x128xf32, #tpu.memory_space<vmem>>, vector<1x16xf32>,
        %swap3A_184 = vector.shape_cast %swap3A_183 : vector<1x16xf32> to vector<16xf32>
        %swap3A_185 = vector.shape_cast %bitcast_convert_type3A : vector<16xf32> to vector<1x16xf32>
        tpu.vector_store %arg12[%swap3A, %swap3A_182], %swap3A_185 {strides = array<i32>} : memref<64x128xf32, #tpu.memory_space<vmem>>, vector<1x16xf32>,
        %and3A = arith.constant -65536 : i32
        %and3A_186 = vector.broadcast %and3A : i32 to vector<16xi32>
        %and3A_187 = arith.andi %get3A_179, %and3A_186 : vector<16xi32>
        %bitcast_convert_type3A_188 = tpu.bitcast %and3A_187 : vector<16xi32> -> vector<16xf32>
        %swap3A_189 = arith.index_cast %scan3A_175 : i32 to index
        %swap3A_190 = arith.constant 64 : index
        %swap3A_191 = tpu.vector_load %arg12[%swap3A_189, %swap3A_190] {strides = array<i32>} : memref<64x128xf32, #tpu.memory_space<vmem>>, vector<1x16xf32>,
        %swap3A_192 = vector.shape_cast %swap3A_191 : vector<1x16xf32> to vector<16xf32>
        %swap3A_193 = vector.shape_cast %bitcast_convert_type3A_188 : vector<16xf32> to vector<1x16xf32>
        tpu.vector_store %arg12[%swap3A_189, %swap3A_190], %swap3A_193 {strides = array<i32>} : memref<64x128xf32, #tpu.memory_space<vmem>>, vector<1x16xf32>,
        %get3A_194 = arith.index_cast %scan3A_175 : i32 to index
        %get3A_195 = arith.constant 16 : index
        %get3A_196 = tpu.vector_load %arg10[%get3A_194, %get3A_195] {strides = array<i32>} : memref<64x64xi32, #tpu.memory_space<vmem>>, vector<1x16xi32>,
        %get3A_197 = vector.shape_cast %get3A_196 : vector<1x16xi32> to vector<16xi32>
        %shift_left3A_198 = arith.constant 16 : i32
        %shift_left3A_199 = vector.broadcast %shift_left3A_198 : i32 to vector<16xi32>
        %shift_left3A_200 = arith.shli %get3A_197, %shift_left3A_199 : vector<16xi32>
        %bitcast_convert_type3A_201 = tpu.bitcast %shift_left3A_200 : vector<16xi32> -> vector<16xf32>
        %swap3A_202 = arith.index_cast %scan3A_175 : i32 to index
        %swap3A_203 = arith.constant 16 : index
        %swap3A_204 = tpu.vector_load %arg12[%swap3A_202, %swap3A_203] {strides = array<i32>} : memref<64x128xf32, #tpu.memory_space<vmem>>, vector<1x16xf32>,
        %swap3A_205 = vector.shape_cast %swap3A_204 : vector<1x16xf32> to vector<16xf32>
        %swap3A_206 = vector.shape_cast %bitcast_convert_type3A_201 : vector<16xf32> to vector<1x16xf32>
        tpu.vector_store %arg12[%swap3A_202, %swap3A_203], %swap3A_206 {strides = array<i32>} : memref<64x128xf32, #tpu.memory_space<vmem>>, vector<1x16xf32>,
        %and3A_207 = arith.constant -65536 : i32
        %and3A_208 = vector.broadcast %and3A_207 : i32 to vector<16xi32>
        %and3A_209 = arith.andi %get3A_197, %and3A_208 : vector<16xi32>
        %bitcast_convert_type3A_210 = tpu.bitcast %and3A_209 : vector<16xi32> -> vector<16xf32>
        %swap3A_211 = arith.index_cast %scan3A_175 : i32 to index
        %swap3A_212 = arith.constant 80 : index
        %swap3A_213 = tpu.vector_load %arg12[%swap3A_211, %swap3A_212] {strides = array<i32>} : memref<64x128xf32, #tpu.memory_space<vmem>>, vector<1x16xf32>,
        %swap3A_214 = vector.shape_cast %swap3A_213 : vector<1x16xf32> to vector<16xf32>
        %swap3A_215 = vector.shape_cast %bitcast_convert_type3A_210 : vector<16xf32> to vector<1x16xf32>
        tpu.vector_store %arg12[%swap3A_211, %swap3A_212], %swap3A_215 {strides = array<i32>} : memref<64x128xf32, #tpu.memory_space<vmem>>, vector<1x16xf32>,
        %get3A_216 = arith.index_cast %scan3A_175 : i32 to index
        %get3A_217 = arith.constant 32 : index
        %get3A_218 = tpu.vector_load %arg10[%get3A_216, %get3A_217] {strides = array<i32>} : memref<64x64xi32, #tpu.memory_space<vmem>>, vector<1x16xi32>,
        %get3A_219 = vector.shape_cast %get3A_218 : vector<1x16xi32> to vector<16xi32>
        %shift_left3A_220 = arith.constant 16 : i32
        %shift_left3A_221 = vector.broadcast %shift_left3A_220 : i32 to vector<16xi32>
        %shift_left3A_222 = arith.shli %get3A_219, %shift_left3A_221 : vector<16xi32>
        %bitcast_convert_type3A_223 = tpu.bitcast %shift_left3A_222 : vector<16xi32> -> vector<16xf32>
        %swap3A_224 = arith.index_cast %scan3A_175 : i32 to index
        %swap3A_225 = arith.constant 32 : index
        %swap3A_226 = tpu.vector_load %arg12[%swap3A_224, %swap3A_225] {strides = array<i32>} : memref<64x128xf32, #tpu.memory_space<vmem>>, vector<1x16xf32>,
        %swap3A_227 = vector.shape_cast %swap3A_226 : vector<1x16xf32> to vector<16xf32>
        %swap3A_228 = vector.shape_cast %bitcast_convert_type3A_223 : vector<16xf32> to vector<1x16xf32>
        tpu.vector_store %arg12[%swap3A_224, %swap3A_225], %swap3A_228 {strides = array<i32>} : memref<64x128xf32, #tpu.memory_space<vmem>>, vector<1x16xf32>,
        %and3A_229 = arith.constant -65536 : i32
        %and3A_230 = vector.broadcast %and3A_229 : i32 to vector<16xi32>
        %and3A_231 = arith.andi %get3A_219, %and3A_230 : vector<16xi32>
        %bitcast_convert_type3A_232 = tpu.bitcast %and3A_231 : vector<16xi32> -> vector<16xf32>
        %swap3A_233 = arith.index_cast %scan3A_175 : i32 to index
        %swap3A_234 = arith.constant 96 : index
        %swap3A_235 = tpu.vector_load %arg12[%swap3A_233, %swap3A_234] {strides = array<i32>} : memref<64x128xf32, #tpu.memory_space<vmem>>, vector<1x16xf32>,
        %swap3A_236 = vector.shape_cast %swap3A_235 : vector<1x16xf32> to vector<16xf32>
        %swap3A_237 = vector.shape_cast %bitcast_convert_type3A_232 : vector<16xf32> to vector<1x16xf32>
        tpu.vector_store %arg12[%swap3A_233, %swap3A_234], %swap3A_237 {strides = array<i32>} : memref<64x128xf32, #tpu.memory_space<vmem>>, vector<1x16xf32>,
        %get3A_238 = arith.index_cast %scan3A_175 : i32 to index
        %get3A_239 = arith.constant 48 : index
        %get3A_240 = tpu.vector_load %arg10[%get3A_238, %get3A_239] {strides = array<i32>} : memref<64x64xi32, #tpu.memory_space<vmem>>, vector<1x16xi32>,
        %get3A_241 = vector.shape_cast %get3A_240 : vector<1x16xi32> to vector<16xi32>
        %shift_left3A_242 = arith.constant 16 : i32
        %shift_left3A_243 = vector.broadcast %shift_left3A_242 : i32 to vector<16xi32>
        %shift_left3A_244 = arith.shli %get3A_241, %shift_left3A_243 : vector<16xi32>
        %bitcast_convert_type3A_245 = tpu.bitcast %shift_left3A_244 : vector<16xi32> -> vector<16xf32>
        %swap3A_246 = arith.index_cast %scan3A_175 : i32 to index
        %swap3A_247 = arith.constant 48 : index
        %swap3A_248 = tpu.vector_load %arg12[%swap3A_246, %swap3A_247] {strides = array<i32>} : memref<64x128xf32, #tpu.memory_space<vmem>>, vector<1x16xf32>,
        %swap3A_249 = vector.shape_cast %swap3A_248 : vector<1x16xf32> to vector<16xf32>
        %swap3A_250 = vector.shape_cast %bitcast_convert_type3A_245 : vector<16xf32> to vector<1x16xf32>
        tpu.vector_store %arg12[%swap3A_246, %swap3A_247], %swap3A_250 {strides = array<i32>} : memref<64x128xf32, #tpu.memory_space<vmem>>, vector<1x16xf32>,
        %and3A_251 = arith.constant -65536 : i32
        %and3A_252 = vector.broadcast %and3A_251 : i32 to vector<16xi32>
        %and3A_253 = arith.andi %get3A_241, %and3A_252 : vector<16xi32>
        %bitcast_convert_type3A_254 = tpu.bitcast %and3A_253 : vector<16xi32> -> vector<16xf32>
        %swap3A_255 = arith.index_cast %scan3A_175 : i32 to index
        %swap3A_256 = arith.constant 112 : index
        %swap3A_257 = tpu.vector_load %arg12[%swap3A_255, %swap3A_256] {strides = array<i32>} : memref<64x128xf32, #tpu.memory_space<vmem>>, vector<1x16xf32>,
        %swap3A_258 = vector.shape_cast %swap3A_257 : vector<1x16xf32> to vector<16xf32>
        %swap3A_259 = vector.shape_cast %bitcast_convert_type3A_254 : vector<16xf32> to vector<1x16xf32>
        tpu.vector_store %arg12[%swap3A_255, %swap3A_256], %swap3A_259 {strides = array<i32>} : memref<64x128xf32, #tpu.memory_space<vmem>>, vector<1x16xf32>,
        %scan3A_260 = arith.constant 0 : i32
        scf.yield %scan3A_260 : i32
      }
      %scan3A_74 = arith.constant 64 : i32
      %dma_start3A_75 = arith.constant 0 : i32
      %dma_start3A_76 = arith.constant 0 : i32
      %dma_start3A_77 = tpu.memref_slice %arg17[%dma_start3A_75, %dma_start3A_76] : memref<10000x128xf32, #tpu.memory_space<vmem_shared>> -> memref<10000x128xf32, #tpu.memory_space<vmem_shared>>
      tpu.enqueue_indirect_dma source(%arg12 : memref<64x128xf32, #tpu.memory_space<vmem>>) target(%dma_start3A_77 : memref<10000x128xf32, #tpu.memory_space<vmem_shared>>) offsets(%arg6 : memref<64xi32, #tpu.memory_space<vmem>>) semaphore(%arg20 : memref<!tpu.dma_semaphore, #tpu.memory_space<semaphore_mem>>) {add = true}
      %mul3A_78 = arith.constant 4 : i32
      %mul3A_79 = arith.muli %scan3A_45, %mul3A_78 : i32
      %add3A_80 = arith.constant 1 : i32
      %add3A_81 = arith.addi %mul3A_79, %add3A_80 : i32
      %ge3A_82 = arith.constant 2 : i32
      %ge3A_83 = arith.cmpi sge, %add3A_81, %ge3A_82 : i32
      %convert_element_type3A_84 = arith.extui %ge3A_83 : i1 to i32
      %cond3A_85 = arith.constant 0 : i32
      %cond3A_86 = arith.cmpi ne, %convert_element_type3A_84, %cond3A_85 : i32
      scf.if %cond3A_86 {
        %dma_wait3A_175 = arith.constant 0 : i32
        %dma_wait3A_176 = arith.constant 0 : i32
        %dma_wait3A_177 = tpu.memref_slice %arg17[%dma_wait3A_175, %dma_wait3A_176] : memref<10000x128xf32, #tpu.memory_space<vmem_shared>> -> memref<10000x128xf32, #tpu.memory_space<vmem_shared>>
        tpu.wait_indirect_dma semaphore(%arg21 : memref<!tpu.dma_semaphore, #tpu.memory_space<semaphore_mem>>) src(%arg13 : memref<64x128xf32, #tpu.memory_space<vmem>>) dst(%dma_wait3A_177 : memref<10000x128xf32, #tpu.memory_space<vmem_shared>>)
      } else {
      }
      %add3A_87 = arith.constant 1 : i32
      %add3A_88 = arith.addi %add3A_81, %add3A_87 : i32
      %lt3A_89 = arith.constant 76 : i32
      %lt3A_90 = arith.cmpi slt, %add3A_88, %lt3A_89 : i32
      %convert_element_type3A_91 = arith.extui %lt3A_90 : i1 to i32
      %cond3A_92 = arith.constant 0 : i32
      %cond3A_93 = arith.cmpi ne, %convert_element_type3A_91, %cond3A_92 : i32
      scf.if %cond3A_93 {
        %add3A_175 = arith.constant 1 : i32
        %add3A_176 = arith.addi %add3A_81, %add3A_175 : i32
        %mul3A_177 = arith.constant 64 : i32
        %mul3A_178 = arith.muli %add3A_176, %mul3A_177 : i32
        %add3A_179 = arith.addi %mul3A_2, %mul3A_178 : i32
        "tpu.region"() ({
          %run_scoped3A = tpu.sem_alloc : memref<!tpu.dma_semaphore, #tpu.memory_space<semaphore_mem>>
          %dma_start3A_184 = tpu.memref_slice %arg3[%add3A_179] : memref<156160xi32, #tpu.memory_space<hbm>> -> memref<64xi32, #tpu.memory_space<hbm>>
          %dma_start3A_185 = tpu.memref_slice %arg3[%add3A_179] : memref<156160xi32, #tpu.memory_space<hbm>> -> memref<64xi32, #tpu.memory_space<hbm>>
          tpu.enqueue_dma source(%dma_start3A_185 : memref<64xi32, #tpu.memory_space<hbm>>) target(%arg8 : memref<64xi32, #tpu.memory_space<vmem>>) target_semaphore(%run_scoped3A : memref<!tpu.dma_semaphore, #tpu.memory_space<semaphore_mem>>)
          %dma_wait3A_186 = tpu.memref_slice %arg3[%add3A_179] : memref<156160xi32, #tpu.memory_space<hbm>> -> memref<64xi32, #tpu.memory_space<hbm>>
          %dma_wait3A_187 = tpu.memref_slice %arg3[%add3A_179] : memref<156160xi32, #tpu.memory_space<hbm>> -> memref<64xi32, #tpu.memory_space<hbm>>
          tpu.wait_dma2 semaphore(%run_scoped3A : memref<!tpu.dma_semaphore, #tpu.memory_space<semaphore_mem>>) src(%dma_wait3A_187 : memref<64xi32, #tpu.memory_space<hbm>>) dst(%arg8 : memref<64xi32, #tpu.memory_space<vmem>>)
          tpu.yield
        }) : () -> ()
        %dma_start3A_180 = arith.constant 0 : i32
        %dma_start3A_181 = tpu.memref_slice %arg2[%add3A_179, %dma_start3A_180] : memref<156160x64xi32, #tpu.memory_space<hbm>> -> memref<64x64xi32, #tpu.memory_space<hbm>>
        %dma_start3A_182 = arith.constant 0 : i32
        %dma_start3A_183 = tpu.memref_slice %arg2[%add3A_179, %dma_start3A_182] : memref<156160x64xi32, #tpu.memory_space<hbm>> -> memref<64x64xi32, #tpu.memory_space<hbm>>
        tpu.enqueue_dma source(%dma_start3A_183 : memref<64x64xi32, #tpu.memory_space<hbm>>) target(%arg10 : memref<64x64xi32, #tpu.memory_space<vmem>>) target_semaphore(%arg18 : memref<!tpu.dma_semaphore, #tpu.memory_space<semaphore_mem>>)
      } else {
      }
      %dma_wait3A_94 = arith.constant 0 : i32
      %dma_wait3A_95 = arith.constant 0 : i32
      %dma_wait3A_96 = tpu.memref_slice %arg2[%dma_wait3A_94, %dma_wait3A_95] : memref<156160x64xi32, #tpu.memory_space<hbm>> -> memref<64x64xi32, #tpu.memory_space<hbm>>
      %dma_wait3A_97 = arith.constant 0 : i32
      %dma_wait3A_98 = arith.constant 0 : i32
      %dma_wait3A_99 = tpu.memref_slice %arg2[%dma_wait3A_97, %dma_wait3A_98] : memref<156160x64xi32, #tpu.memory_space<hbm>> -> memref<64x64xi32, #tpu.memory_space<hbm>>
      tpu.wait_dma2 semaphore(%arg19 : memref<!tpu.dma_semaphore, #tpu.memory_space<semaphore_mem>>) src(%dma_wait3A_99 : memref<64x64xi32, #tpu.memory_space<hbm>>) dst(%arg11 : memref<64x64xi32, #tpu.memory_space<vmem>>)
      %scan3A_100 = arith.constant 0 : i32
      %scan3A_101 = arith.constant 0 : i32
      %scan3A_102 = arith.constant 64 : i32
      %scan3A_103 = arith.addi %scan3A_101, %scan3A_102 : i32
      %scan3A_104 = arith.constant 1 : i32
      %scan3A_105 = scf.for %scan3A_175 = %scan3A_101 to %scan3A_103 step %scan3A_104 iter_args(%scan3A_176 = %scan3A_100) -> (i32)  : i32 {
        %get3A = arith.index_cast %scan3A_175 : i32 to index
        %get3A_177 = arith.constant 0 : index
        %get3A_178 = tpu.vector_load %arg11[%get3A, %get3A_177] {strides = array<i32>} : memref<64x64xi32, #tpu.memory_space<vmem>>, vector<1x16xi32>,
        %get3A_179 = vector.shape_cast %get3A_178 : vector<1x16xi32> to vector<16xi32>
        %shift_left3A = arith.constant 16 : i32
        %shift_left3A_180 = vector.broadcast %shift_left3A : i32 to vector<16xi32>
        %shift_left3A_181 = arith.shli %get3A_179, %shift_left3A_180 : vector<16xi32>
        %bitcast_convert_type3A = tpu.bitcast %shift_left3A_181 : vector<16xi32> -> vector<16xf32>
        %swap3A = arith.index_cast %scan3A_175 : i32 to index
        %swap3A_182 = arith.constant 0 : index
        %swap3A_183 = tpu.vector_load %arg13[%swap3A, %swap3A_182] {strides = array<i32>} : memref<64x128xf32, #tpu.memory_space<vmem>>, vector<1x16xf32>,
        %swap3A_184 = vector.shape_cast %swap3A_183 : vector<1x16xf32> to vector<16xf32>
        %swap3A_185 = vector.shape_cast %bitcast_convert_type3A : vector<16xf32> to vector<1x16xf32>
        tpu.vector_store %arg13[%swap3A, %swap3A_182], %swap3A_185 {strides = array<i32>} : memref<64x128xf32, #tpu.memory_space<vmem>>, vector<1x16xf32>,
        %and3A = arith.constant -65536 : i32
        %and3A_186 = vector.broadcast %and3A : i32 to vector<16xi32>
        %and3A_187 = arith.andi %get3A_179, %and3A_186 : vector<16xi32>
        %bitcast_convert_type3A_188 = tpu.bitcast %and3A_187 : vector<16xi32> -> vector<16xf32>
        %swap3A_189 = arith.index_cast %scan3A_175 : i32 to index
        %swap3A_190 = arith.constant 64 : index
        %swap3A_191 = tpu.vector_load %arg13[%swap3A_189, %swap3A_190] {strides = array<i32>} : memref<64x128xf32, #tpu.memory_space<vmem>>, vector<1x16xf32>,
        %swap3A_192 = vector.shape_cast %swap3A_191 : vector<1x16xf32> to vector<16xf32>
        %swap3A_193 = vector.shape_cast %bitcast_convert_type3A_188 : vector<16xf32> to vector<1x16xf32>
        tpu.vector_store %arg13[%swap3A_189, %swap3A_190], %swap3A_193 {strides = array<i32>} : memref<64x128xf32, #tpu.memory_space<vmem>>, vector<1x16xf32>,
        %get3A_194 = arith.index_cast %scan3A_175 : i32 to index
        %get3A_195 = arith.constant 16 : index
        %get3A_196 = tpu.vector_load %arg11[%get3A_194, %get3A_195] {strides = array<i32>} : memref<64x64xi32, #tpu.memory_space<vmem>>, vector<1x16xi32>,
        %get3A_197 = vector.shape_cast %get3A_196 : vector<1x16xi32> to vector<16xi32>
        %shift_left3A_198 = arith.constant 16 : i32
        %shift_left3A_199 = vector.broadcast %shift_left3A_198 : i32 to vector<16xi32>
        %shift_left3A_200 = arith.shli %get3A_197, %shift_left3A_199 : vector<16xi32>
        %bitcast_convert_type3A_201 = tpu.bitcast %shift_left3A_200 : vector<16xi32> -> vector<16xf32>
        %swap3A_202 = arith.index_cast %scan3A_175 : i32 to index
        %swap3A_203 = arith.constant 16 : index
        %swap3A_204 = tpu.vector_load %arg13[%swap3A_202, %swap3A_203] {strides = array<i32>} : memref<64x128xf32, #tpu.memory_space<vmem>>, vector<1x16xf32>,
        %swap3A_205 = vector.shape_cast %swap3A_204 : vector<1x16xf32> to vector<16xf32>
        %swap3A_206 = vector.shape_cast %bitcast_convert_type3A_201 : vector<16xf32> to vector<1x16xf32>
        tpu.vector_store %arg13[%swap3A_202, %swap3A_203], %swap3A_206 {strides = array<i32>} : memref<64x128xf32, #tpu.memory_space<vmem>>, vector<1x16xf32>,
        %and3A_207 = arith.constant -65536 : i32
        %and3A_208 = vector.broadcast %and3A_207 : i32 to vector<16xi32>
        %and3A_209 = arith.andi %get3A_197, %and3A_208 : vector<16xi32>
        %bitcast_convert_type3A_210 = tpu.bitcast %and3A_209 : vector<16xi32> -> vector<16xf32>
        %swap3A_211 = arith.index_cast %scan3A_175 : i32 to index
        %swap3A_212 = arith.constant 80 : index
        %swap3A_213 = tpu.vector_load %arg13[%swap3A_211, %swap3A_212] {strides = array<i32>} : memref<64x128xf32, #tpu.memory_space<vmem>>, vector<1x16xf32>,
        %swap3A_214 = vector.shape_cast %swap3A_213 : vector<1x16xf32> to vector<16xf32>
        %swap3A_215 = vector.shape_cast %bitcast_convert_type3A_210 : vector<16xf32> to vector<1x16xf32>
        tpu.vector_store %arg13[%swap3A_211, %swap3A_212], %swap3A_215 {strides = array<i32>} : memref<64x128xf32, #tpu.memory_space<vmem>>, vector<1x16xf32>,
        %get3A_216 = arith.index_cast %scan3A_175 : i32 to index
        %get3A_217 = arith.constant 32 : index
        %get3A_218 = tpu.vector_load %arg11[%get3A_216, %get3A_217] {strides = array<i32>} : memref<64x64xi32, #tpu.memory_space<vmem>>, vector<1x16xi32>,
        %get3A_219 = vector.shape_cast %get3A_218 : vector<1x16xi32> to vector<16xi32>
        %shift_left3A_220 = arith.constant 16 : i32
        %shift_left3A_221 = vector.broadcast %shift_left3A_220 : i32 to vector<16xi32>
        %shift_left3A_222 = arith.shli %get3A_219, %shift_left3A_221 : vector<16xi32>
        %bitcast_convert_type3A_223 = tpu.bitcast %shift_left3A_222 : vector<16xi32> -> vector<16xf32>
        %swap3A_224 = arith.index_cast %scan3A_175 : i32 to index
        %swap3A_225 = arith.constant 32 : index
        %swap3A_226 = tpu.vector_load %arg13[%swap3A_224, %swap3A_225] {strides = array<i32>} : memref<64x128xf32, #tpu.memory_space<vmem>>, vector<1x16xf32>,
        %swap3A_227 = vector.shape_cast %swap3A_226 : vector<1x16xf32> to vector<16xf32>
        %swap3A_228 = vector.shape_cast %bitcast_convert_type3A_223 : vector<16xf32> to vector<1x16xf32>
        tpu.vector_store %arg13[%swap3A_224, %swap3A_225], %swap3A_228 {strides = array<i32>} : memref<64x128xf32, #tpu.memory_space<vmem>>, vector<1x16xf32>,
        %and3A_229 = arith.constant -65536 : i32
        %and3A_230 = vector.broadcast %and3A_229 : i32 to vector<16xi32>
        %and3A_231 = arith.andi %get3A_219, %and3A_230 : vector<16xi32>
        %bitcast_convert_type3A_232 = tpu.bitcast %and3A_231 : vector<16xi32> -> vector<16xf32>
        %swap3A_233 = arith.index_cast %scan3A_175 : i32 to index
        %swap3A_234 = arith.constant 96 : index
        %swap3A_235 = tpu.vector_load %arg13[%swap3A_233, %swap3A_234] {strides = array<i32>} : memref<64x128xf32, #tpu.memory_space<vmem>>, vector<1x16xf32>,
        %swap3A_236 = vector.shape_cast %swap3A_235 : vector<1x16xf32> to vector<16xf32>
        %swap3A_237 = vector.shape_cast %bitcast_convert_type3A_232 : vector<16xf32> to vector<1x16xf32>
        tpu.vector_store %arg13[%swap3A_233, %swap3A_234], %swap3A_237 {strides = array<i32>} : memref<64x128xf32, #tpu.memory_space<vmem>>, vector<1x16xf32>,
        %get3A_238 = arith.index_cast %scan3A_175 : i32 to index
        %get3A_239 = arith.constant 48 : index
        %get3A_240 = tpu.vector_load %arg11[%get3A_238, %get3A_239] {strides = array<i32>} : memref<64x64xi32, #tpu.memory_space<vmem>>, vector<1x16xi32>,
        %get3A_241 = vector.shape_cast %get3A_240 : vector<1x16xi32> to vector<16xi32>
        %shift_left3A_242 = arith.constant 16 : i32
        %shift_left3A_243 = vector.broadcast %shift_left3A_242 : i32 to vector<16xi32>
        %shift_left3A_244 = arith.shli %get3A_241, %shift_left3A_243 : vector<16xi32>
        %bitcast_convert_type3A_245 = tpu.bitcast %shift_left3A_244 : vector<16xi32> -> vector<16xf32>
        %swap3A_246 = arith.index_cast %scan3A_175 : i32 to index
        %swap3A_247 = arith.constant 48 : index
        %swap3A_248 = tpu.vector_load %arg13[%swap3A_246, %swap3A_247] {strides = array<i32>} : memref<64x128xf32, #tpu.memory_space<vmem>>, vector<1x16xf32>,
        %swap3A_249 = vector.shape_cast %swap3A_248 : vector<1x16xf32> to vector<16xf32>
        %swap3A_250 = vector.shape_cast %bitcast_convert_type3A_245 : vector<16xf32> to vector<1x16xf32>
        tpu.vector_store %arg13[%swap3A_246, %swap3A_247], %swap3A_250 {strides = array<i32>} : memref<64x128xf32, #tpu.memory_space<vmem>>, vector<1x16xf32>,
        %and3A_251 = arith.constant -65536 : i32
        %and3A_252 = vector.broadcast %and3A_251 : i32 to vector<16xi32>
        %and3A_253 = arith.andi %get3A_241, %and3A_252 : vector<16xi32>
        %bitcast_convert_type3A_254 = tpu.bitcast %and3A_253 : vector<16xi32> -> vector<16xf32>
        %swap3A_255 = arith.index_cast %scan3A_175 : i32 to index
        %swap3A_256 = arith.constant 112 : index
        %swap3A_257 = tpu.vector_load %arg13[%swap3A_255, %swap3A_256] {strides = array<i32>} : memref<64x128xf32, #tpu.memory_space<vmem>>, vector<1x16xf32>,
        %swap3A_258 = vector.shape_cast %swap3A_257 : vector<1x16xf32> to vector<16xf32>
        %swap3A_259 = vector.shape_cast %bitcast_convert_type3A_254 : vector<16xf32> to vector<1x16xf32>
        tpu.vector_store %arg13[%swap3A_255, %swap3A_256], %swap3A_259 {strides = array<i32>} : memref<64x128xf32, #tpu.memory_space<vmem>>, vector<1x16xf32>,
        %scan3A_260 = arith.constant 0 : i32
        scf.yield %scan3A_260 : i32
      }
      %scan3A_106 = arith.constant 64 : i32
      %dma_start3A_107 = arith.constant 0 : i32
      %dma_start3A_108 = arith.constant 0 : i32
      %dma_start3A_109 = tpu.memref_slice %arg17[%dma_start3A_107, %dma_start3A_108] : memref<10000x128xf32, #tpu.memory_space<vmem_shared>> -> memref<10000x128xf32, #tpu.memory_space<vmem_shared>>
      tpu.enqueue_indirect_dma source(%arg13 : memref<64x128xf32, #tpu.memory_space<vmem>>) target(%dma_start3A_109 : memref<10000x128xf32, #tpu.memory_space<vmem_shared>>) offsets(%arg7 : memref<64xi32, #tpu.memory_space<vmem>>) semaphore(%arg21 : memref<!tpu.dma_semaphore, #tpu.memory_space<semaphore_mem>>) {add = true}
      %mul3A_110 = arith.constant 4 : i32
      %mul3A_111 = arith.muli %scan3A_45, %mul3A_110 : i32
      %add3A_112 = arith.constant 2 : i32
      %add3A_113 = arith.addi %mul3A_111, %add3A_112 : i32
      %ge3A_114 = arith.constant 2 : i32
      %ge3A_115 = arith.cmpi sge, %add3A_113, %ge3A_114 : i32
      %convert_element_type3A_116 = arith.extui %ge3A_115 : i1 to i32
      %cond3A_117 = arith.constant 0 : i32
      %cond3A_118 = arith.cmpi ne, %convert_element_type3A_116, %cond3A_117 : i32
      scf.if %cond3A_118 {
        %dma_wait3A_175 = arith.constant 0 : i32
        %dma_wait3A_176 = arith.constant 0 : i32
        %dma_wait3A_177 = tpu.memref_slice %arg17[%dma_wait3A_175, %dma_wait3A_176] : memref<10000x128xf32, #tpu.memory_space<vmem_shared>> -> memref<10000x128xf32, #tpu.memory_space<vmem_shared>>
        tpu.wait_indirect_dma semaphore(%arg20 : memref<!tpu.dma_semaphore, #tpu.memory_space<semaphore_mem>>) src(%arg12 : memref<64x128xf32, #tpu.memory_space<vmem>>) dst(%dma_wait3A_177 : memref<10000x128xf32, #tpu.memory_space<vmem_shared>>)
      } else {
      }
      %add3A_119 = arith.constant 1 : i32
      %add3A_120 = arith.addi %add3A_113, %add3A_119 : i32
      %lt3A_121 = arith.constant 76 : i32
      %lt3A_122 = arith.cmpi slt, %add3A_120, %lt3A_121 : i32
      %convert_element_type3A_123 = arith.extui %lt3A_122 : i1 to i32
      %cond3A_124 = arith.constant 0 : i32
      %cond3A_125 = arith.cmpi ne, %convert_element_type3A_123, %cond3A_124 : i32
      scf.if %cond3A_125 {
        %add3A_175 = arith.constant 1 : i32
        %add3A_176 = arith.addi %add3A_113, %add3A_175 : i32
        %mul3A_177 = arith.constant 64 : i32
        %mul3A_178 = arith.muli %add3A_176, %mul3A_177 : i32
        %add3A_179 = arith.addi %mul3A_2, %mul3A_178 : i32
        "tpu.region"() ({
          %run_scoped3A = tpu.sem_alloc : memref<!tpu.dma_semaphore, #tpu.memory_space<semaphore_mem>>
          %dma_start3A_184 = tpu.memref_slice %arg3[%add3A_179] : memref<156160xi32, #tpu.memory_space<hbm>> -> memref<64xi32, #tpu.memory_space<hbm>>
          %dma_start3A_185 = tpu.memref_slice %arg3[%add3A_179] : memref<156160xi32, #tpu.memory_space<hbm>> -> memref<64xi32, #tpu.memory_space<hbm>>
          tpu.enqueue_dma source(%dma_start3A_185 : memref<64xi32, #tpu.memory_space<hbm>>) target(%arg9 : memref<64xi32, #tpu.memory_space<vmem>>) target_semaphore(%run_scoped3A : memref<!tpu.dma_semaphore, #tpu.memory_space<semaphore_mem>>)
          %dma_wait3A_186 = tpu.memref_slice %arg3[%add3A_179] : memref<156160xi32, #tpu.memory_space<hbm>> -> memref<64xi32, #tpu.memory_space<hbm>>
          %dma_wait3A_187 = tpu.memref_slice %arg3[%add3A_179] : memref<156160xi32, #tpu.memory_space<hbm>> -> memref<64xi32, #tpu.memory_space<hbm>>
          tpu.wait_dma2 semaphore(%run_scoped3A : memref<!tpu.dma_semaphore, #tpu.memory_space<semaphore_mem>>) src(%dma_wait3A_187 : memref<64xi32, #tpu.memory_space<hbm>>) dst(%arg9 : memref<64xi32, #tpu.memory_space<vmem>>)
          tpu.yield
        }) : () -> ()
        %dma_start3A_180 = arith.constant 0 : i32
        %dma_start3A_181 = tpu.memref_slice %arg2[%add3A_179, %dma_start3A_180] : memref<156160x64xi32, #tpu.memory_space<hbm>> -> memref<64x64xi32, #tpu.memory_space<hbm>>
        %dma_start3A_182 = arith.constant 0 : i32
        %dma_start3A_183 = tpu.memref_slice %arg2[%add3A_179, %dma_start3A_182] : memref<156160x64xi32, #tpu.memory_space<hbm>> -> memref<64x64xi32, #tpu.memory_space<hbm>>
        tpu.enqueue_dma source(%dma_start3A_183 : memref<64x64xi32, #tpu.memory_space<hbm>>) target(%arg11 : memref<64x64xi32, #tpu.memory_space<vmem>>) target_semaphore(%arg19 : memref<!tpu.dma_semaphore, #tpu.memory_space<semaphore_mem>>)
      } else {
      }
      %dma_wait3A_126 = arith.constant 0 : i32
      %dma_wait3A_127 = arith.constant 0 : i32
      %dma_wait3A_128 = tpu.memref_slice %arg2[%dma_wait3A_126, %dma_wait3A_127] : memref<156160x64xi32, #tpu.memory_space<hbm>> -> memref<64x64xi32, #tpu.memory_space<hbm>>
      %dma_wait3A_129 = arith.constant 0 : i32
      %dma_wait3A_130 = arith.constant 0 : i32
      %dma_wait3A_131 = tpu.memref_slice %arg2[%dma_wait3A_129, %dma_wait3A_130] : memref<156160x64xi32, #tpu.memory_space<hbm>> -> memref<64x64xi32, #tpu.memory_space<hbm>>
      tpu.wait_dma2 semaphore(%arg18 : memref<!tpu.dma_semaphore, #tpu.memory_space<semaphore_mem>>) src(%dma_wait3A_131 : memref<64x64xi32, #tpu.memory_space<hbm>>) dst(%arg10 : memref<64x64xi32, #tpu.memory_space<vmem>>)
      %scan3A_132 = arith.constant 0 : i32
      %scan3A_133 = arith.constant 0 : i32
      %scan3A_134 = arith.constant 64 : i32
      %scan3A_135 = arith.addi %scan3A_133, %scan3A_134 : i32
      %scan3A_136 = arith.constant 1 : i32
      %scan3A_137 = scf.for %scan3A_175 = %scan3A_133 to %scan3A_135 step %scan3A_136 iter_args(%scan3A_176 = %scan3A_132) -> (i32)  : i32 {
        %get3A = arith.index_cast %scan3A_175 : i32 to index
        %get3A_177 = arith.constant 0 : index
        %get3A_178 = tpu.vector_load %arg10[%get3A, %get3A_177] {strides = array<i32>} : memref<64x64xi32, #tpu.memory_space<vmem>>, vector<1x16xi32>,
        %get3A_179 = vector.shape_cast %get3A_178 : vector<1x16xi32> to vector<16xi32>
        %shift_left3A = arith.constant 16 : i32
        %shift_left3A_180 = vector.broadcast %shift_left3A : i32 to vector<16xi32>
        %shift_left3A_181 = arith.shli %get3A_179, %shift_left3A_180 : vector<16xi32>
        %bitcast_convert_type3A = tpu.bitcast %shift_left3A_181 : vector<16xi32> -> vector<16xf32>
        %swap3A = arith.index_cast %scan3A_175 : i32 to index
        %swap3A_182 = arith.constant 0 : index
        %swap3A_183 = tpu.vector_load %arg12[%swap3A, %swap3A_182] {strides = array<i32>} : memref<64x128xf32, #tpu.memory_space<vmem>>, vector<1x16xf32>,
        %swap3A_184 = vector.shape_cast %swap3A_183 : vector<1x16xf32> to vector<16xf32>
        %swap3A_185 = vector.shape_cast %bitcast_convert_type3A : vector<16xf32> to vector<1x16xf32>
        tpu.vector_store %arg12[%swap3A, %swap3A_182], %swap3A_185 {strides = array<i32>} : memref<64x128xf32, #tpu.memory_space<vmem>>, vector<1x16xf32>,
        %and3A = arith.constant -65536 : i32
        %and3A_186 = vector.broadcast %and3A : i32 to vector<16xi32>
        %and3A_187 = arith.andi %get3A_179, %and3A_186 : vector<16xi32>
        %bitcast_convert_type3A_188 = tpu.bitcast %and3A_187 : vector<16xi32> -> vector<16xf32>
        %swap3A_189 = arith.index_cast %scan3A_175 : i32 to index
        %swap3A_190 = arith.constant 64 : index
        %swap3A_191 = tpu.vector_load %arg12[%swap3A_189, %swap3A_190] {strides = array<i32>} : memref<64x128xf32, #tpu.memory_space<vmem>>, vector<1x16xf32>,
        %swap3A_192 = vector.shape_cast %swap3A_191 : vector<1x16xf32> to vector<16xf32>
        %swap3A_193 = vector.shape_cast %bitcast_convert_type3A_188 : vector<16xf32> to vector<1x16xf32>
        tpu.vector_store %arg12[%swap3A_189, %swap3A_190], %swap3A_193 {strides = array<i32>} : memref<64x128xf32, #tpu.memory_space<vmem>>, vector<1x16xf32>,
        %get3A_194 = arith.index_cast %scan3A_175 : i32 to index
        %get3A_195 = arith.constant 16 : index
        %get3A_196 = tpu.vector_load %arg10[%get3A_194, %get3A_195] {strides = array<i32>} : memref<64x64xi32, #tpu.memory_space<vmem>>, vector<1x16xi32>,
        %get3A_197 = vector.shape_cast %get3A_196 : vector<1x16xi32> to vector<16xi32>
        %shift_left3A_198 = arith.constant 16 : i32
        %shift_left3A_199 = vector.broadcast %shift_left3A_198 : i32 to vector<16xi32>
        %shift_left3A_200 = arith.shli %get3A_197, %shift_left3A_199 : vector<16xi32>
        %bitcast_convert_type3A_201 = tpu.bitcast %shift_left3A_200 : vector<16xi32> -> vector<16xf32>
        %swap3A_202 = arith.index_cast %scan3A_175 : i32 to index
        %swap3A_203 = arith.constant 16 : index
        %swap3A_204 = tpu.vector_load %arg12[%swap3A_202, %swap3A_203] {strides = array<i32>} : memref<64x128xf32, #tpu.memory_space<vmem>>, vector<1x16xf32>,
        %swap3A_205 = vector.shape_cast %swap3A_204 : vector<1x16xf32> to vector<16xf32>
        %swap3A_206 = vector.shape_cast %bitcast_convert_type3A_201 : vector<16xf32> to vector<1x16xf32>
        tpu.vector_store %arg12[%swap3A_202, %swap3A_203], %swap3A_206 {strides = array<i32>} : memref<64x128xf32, #tpu.memory_space<vmem>>, vector<1x16xf32>,
        %and3A_207 = arith.constant -65536 : i32
        %and3A_208 = vector.broadcast %and3A_207 : i32 to vector<16xi32>
        %and3A_209 = arith.andi %get3A_197, %and3A_208 : vector<16xi32>
        %bitcast_convert_type3A_210 = tpu.bitcast %and3A_209 : vector<16xi32> -> vector<16xf32>
        %swap3A_211 = arith.index_cast %scan3A_175 : i32 to index
        %swap3A_212 = arith.constant 80 : index
        %swap3A_213 = tpu.vector_load %arg12[%swap3A_211, %swap3A_212] {strides = array<i32>} : memref<64x128xf32, #tpu.memory_space<vmem>>, vector<1x16xf32>,
        %swap3A_214 = vector.shape_cast %swap3A_213 : vector<1x16xf32> to vector<16xf32>
        %swap3A_215 = vector.shape_cast %bitcast_convert_type3A_210 : vector<16xf32> to vector<1x16xf32>
        tpu.vector_store %arg12[%swap3A_211, %swap3A_212], %swap3A_215 {strides = array<i32>} : memref<64x128xf32, #tpu.memory_space<vmem>>, vector<1x16xf32>,
        %get3A_216 = arith.index_cast %scan3A_175 : i32 to index
        %get3A_217 = arith.constant 32 : index
        %get3A_218 = tpu.vector_load %arg10[%get3A_216, %get3A_217] {strides = array<i32>} : memref<64x64xi32, #tpu.memory_space<vmem>>, vector<1x16xi32>,
        %get3A_219 = vector.shape_cast %get3A_218 : vector<1x16xi32> to vector<16xi32>
        %shift_left3A_220 = arith.constant 16 : i32
        %shift_left3A_221 = vector.broadcast %shift_left3A_220 : i32 to vector<16xi32>
        %shift_left3A_222 = arith.shli %get3A_219, %shift_left3A_221 : vector<16xi32>
        %bitcast_convert_type3A_223 = tpu.bitcast %shift_left3A_222 : vector<16xi32> -> vector<16xf32>
        %swap3A_224 = arith.index_cast %scan3A_175 : i32 to index
        %swap3A_225 = arith.constant 32 : index
        %swap3A_226 = tpu.vector_load %arg12[%swap3A_224, %swap3A_225] {strides = array<i32>} : memref<64x128xf32, #tpu.memory_space<vmem>>, vector<1x16xf32>,
        %swap3A_227 = vector.shape_cast %swap3A_226 : vector<1x16xf32> to vector<16xf32>
        %swap3A_228 = vector.shape_cast %bitcast_convert_type3A_223 : vector<16xf32> to vector<1x16xf32>
        tpu.vector_store %arg12[%swap3A_224, %swap3A_225], %swap3A_228 {strides = array<i32>} : memref<64x128xf32, #tpu.memory_space<vmem>>, vector<1x16xf32>,
        %and3A_229 = arith.constant -65536 : i32
        %and3A_230 = vector.broadcast %and3A_229 : i32 to vector<16xi32>
        %and3A_231 = arith.andi %get3A_219, %and3A_230 : vector<16xi32>
        %bitcast_convert_type3A_232 = tpu.bitcast %and3A_231 : vector<16xi32> -> vector<16xf32>
        %swap3A_233 = arith.index_cast %scan3A_175 : i32 to index
        %swap3A_234 = arith.constant 96 : index
        %swap3A_235 = tpu.vector_load %arg12[%swap3A_233, %swap3A_234] {strides = array<i32>} : memref<64x128xf32, #tpu.memory_space<vmem>>, vector<1x16xf32>,
        %swap3A_236 = vector.shape_cast %swap3A_235 : vector<1x16xf32> to vector<16xf32>
        %swap3A_237 = vector.shape_cast %bitcast_convert_type3A_232 : vector<16xf32> to vector<1x16xf32>
        tpu.vector_store %arg12[%swap3A_233, %swap3A_234], %swap3A_237 {strides = array<i32>} : memref<64x128xf32, #tpu.memory_space<vmem>>, vector<1x16xf32>,
        %get3A_238 = arith.index_cast %scan3A_175 : i32 to index
        %get3A_239 = arith.constant 48 : index
        %get3A_240 = tpu.vector_load %arg10[%get3A_238, %get3A_239] {strides = array<i32>} : memref<64x64xi32, #tpu.memory_space<vmem>>, vector<1x16xi32>,
        %get3A_241 = vector.shape_cast %get3A_240 : vector<1x16xi32> to vector<16xi32>
        %shift_left3A_242 = arith.constant 16 : i32
        %shift_left3A_243 = vector.broadcast %shift_left3A_242 : i32 to vector<16xi32>
        %shift_left3A_244 = arith.shli %get3A_241, %shift_left3A_243 : vector<16xi32>
        %bitcast_convert_type3A_245 = tpu.bitcast %shift_left3A_244 : vector<16xi32> -> vector<16xf32>
        %swap3A_246 = arith.index_cast %scan3A_175 : i32 to index
        %swap3A_247 = arith.constant 48 : index
        %swap3A_248 = tpu.vector_load %arg12[%swap3A_246, %swap3A_247] {strides = array<i32>} : memref<64x128xf32, #tpu.memory_space<vmem>>, vector<1x16xf32>,
        %swap3A_249 = vector.shape_cast %swap3A_248 : vector<1x16xf32> to vector<16xf32>
        %swap3A_250 = vector.shape_cast %bitcast_convert_type3A_245 : vector<16xf32> to vector<1x16xf32>
        tpu.vector_store %arg12[%swap3A_246, %swap3A_247], %swap3A_250 {strides = array<i32>} : memref<64x128xf32, #tpu.memory_space<vmem>>, vector<1x16xf32>,
        %and3A_251 = arith.constant -65536 : i32
        %and3A_252 = vector.broadcast %and3A_251 : i32 to vector<16xi32>
        %and3A_253 = arith.andi %get3A_241, %and3A_252 : vector<16xi32>
        %bitcast_convert_type3A_254 = tpu.bitcast %and3A_253 : vector<16xi32> -> vector<16xf32>
        %swap3A_255 = arith.index_cast %scan3A_175 : i32 to index
        %swap3A_256 = arith.constant 112 : index
        %swap3A_257 = tpu.vector_load %arg12[%swap3A_255, %swap3A_256] {strides = array<i32>} : memref<64x128xf32, #tpu.memory_space<vmem>>, vector<1x16xf32>,
        %swap3A_258 = vector.shape_cast %swap3A_257 : vector<1x16xf32> to vector<16xf32>
        %swap3A_259 = vector.shape_cast %bitcast_convert_type3A_254 : vector<16xf32> to vector<1x16xf32>
        tpu.vector_store %arg12[%swap3A_255, %swap3A_256], %swap3A_259 {strides = array<i32>} : memref<64x128xf32, #tpu.memory_space<vmem>>, vector<1x16xf32>,
        %scan3A_260 = arith.constant 0 : i32
        scf.yield %scan3A_260 : i32
      }
      %scan3A_138 = arith.constant 64 : i32
      %dma_start3A_139 = arith.constant 0 : i32
      %dma_start3A_140 = arith.constant 0 : i32
      %dma_start3A_141 = tpu.memref_slice %arg17[%dma_start3A_139, %dma_start3A_140] : memref<10000x128xf32, #tpu.memory_space<vmem_shared>> -> memref<10000x128xf32, #tpu.memory_space<vmem_shared>>
      tpu.enqueue_indirect_dma source(%arg12 : memref<64x128xf32, #tpu.memory_space<vmem>>) target(%dma_start3A_141 : memref<10000x128xf32, #tpu.memory_space<vmem_shared>>) offsets(%arg8 : memref<64xi32, #tpu.memory_space<vmem>>) semaphore(%arg20 : memref<!tpu.dma_semaphore, #tpu.memory_space<semaphore_mem>>) {add = true}
      %mul3A_142 = arith.constant 4 : i32
      %mul3A_143 = arith.muli %scan3A_45, %mul3A_142 : i32
      %add3A_144 = arith.constant 3 : i32
      %add3A_145 = arith.addi %mul3A_143, %add3A_144 : i32
      %ge3A_146 = arith.constant 2 : i32
      %ge3A_147 = arith.cmpi sge, %add3A_145, %ge3A_146 : i32
      %convert_element_type3A_148 = arith.extui %ge3A_147 : i1 to i32
      %cond3A_149 = arith.constant 0 : i32
      %cond3A_150 = arith.cmpi ne, %convert_element_type3A_148, %cond3A_149 : i32
      scf.if %cond3A_150 {
        %dma_wait3A_175 = arith.constant 0 : i32
        %dma_wait3A_176 = arith.constant 0 : i32
        %dma_wait3A_177 = tpu.memref_slice %arg17[%dma_wait3A_175, %dma_wait3A_176] : memref<10000x128xf32, #tpu.memory_space<vmem_shared>> -> memref<10000x128xf32, #tpu.memory_space<vmem_shared>>
        tpu.wait_indirect_dma semaphore(%arg21 : memref<!tpu.dma_semaphore, #tpu.memory_space<semaphore_mem>>) src(%arg13 : memref<64x128xf32, #tpu.memory_space<vmem>>) dst(%dma_wait3A_177 : memref<10000x128xf32, #tpu.memory_space<vmem_shared>>)
      } else {
      }
      %add3A_151 = arith.constant 1 : i32
      %add3A_152 = arith.addi %add3A_145, %add3A_151 : i32
      %lt3A_153 = arith.constant 76 : i32
      %lt3A_154 = arith.cmpi slt, %add3A_152, %lt3A_153 : i32
      %convert_element_type3A_155 = arith.extui %lt3A_154 : i1 to i32
      %cond3A_156 = arith.constant 0 : i32
      %cond3A_157 = arith.cmpi ne, %convert_element_type3A_155, %cond3A_156 : i32
      scf.if %cond3A_157 {
        %add3A_175 = arith.constant 1 : i32
        %add3A_176 = arith.addi %add3A_145, %add3A_175 : i32
        %mul3A_177 = arith.constant 64 : i32
        %mul3A_178 = arith.muli %add3A_176, %mul3A_177 : i32
        %add3A_179 = arith.addi %mul3A_2, %mul3A_178 : i32
        "tpu.region"() ({
          %run_scoped3A = tpu.sem_alloc : memref<!tpu.dma_semaphore, #tpu.memory_space<semaphore_mem>>
          %dma_start3A_184 = tpu.memref_slice %arg3[%add3A_179] : memref<156160xi32, #tpu.memory_space<hbm>> -> memref<64xi32, #tpu.memory_space<hbm>>
          %dma_start3A_185 = tpu.memref_slice %arg3[%add3A_179] : memref<156160xi32, #tpu.memory_space<hbm>> -> memref<64xi32, #tpu.memory_space<hbm>>
          tpu.enqueue_dma source(%dma_start3A_185 : memref<64xi32, #tpu.memory_space<hbm>>) target(%arg6 : memref<64xi32, #tpu.memory_space<vmem>>) target_semaphore(%run_scoped3A : memref<!tpu.dma_semaphore, #tpu.memory_space<semaphore_mem>>)
          %dma_wait3A_186 = tpu.memref_slice %arg3[%add3A_179] : memref<156160xi32, #tpu.memory_space<hbm>> -> memref<64xi32, #tpu.memory_space<hbm>>
          %dma_wait3A_187 = tpu.memref_slice %arg3[%add3A_179] : memref<156160xi32, #tpu.memory_space<hbm>> -> memref<64xi32, #tpu.memory_space<hbm>>
          tpu.wait_dma2 semaphore(%run_scoped3A : memref<!tpu.dma_semaphore, #tpu.memory_space<semaphore_mem>>) src(%dma_wait3A_187 : memref<64xi32, #tpu.memory_space<hbm>>) dst(%arg6 : memref<64xi32, #tpu.memory_space<vmem>>)
          tpu.yield
        }) : () -> ()
        %dma_start3A_180 = arith.constant 0 : i32
        %dma_start3A_181 = tpu.memref_slice %arg2[%add3A_179, %dma_start3A_180] : memref<156160x64xi32, #tpu.memory_space<hbm>> -> memref<64x64xi32, #tpu.memory_space<hbm>>
        %dma_start3A_182 = arith.constant 0 : i32
        %dma_start3A_183 = tpu.memref_slice %arg2[%add3A_179, %dma_start3A_182] : memref<156160x64xi32, #tpu.memory_space<hbm>> -> memref<64x64xi32, #tpu.memory_space<hbm>>
        tpu.enqueue_dma source(%dma_start3A_183 : memref<64x64xi32, #tpu.memory_space<hbm>>) target(%arg10 : memref<64x64xi32, #tpu.memory_space<vmem>>) target_semaphore(%arg18 : memref<!tpu.dma_semaphore, #tpu.memory_space<semaphore_mem>>)
      } else {
      }
      %dma_wait3A_158 = arith.constant 0 : i32
      %dma_wait3A_159 = arith.constant 0 : i32
      %dma_wait3A_160 = tpu.memref_slice %arg2[%dma_wait3A_158, %dma_wait3A_159] : memref<156160x64xi32, #tpu.memory_space<hbm>> -> memref<64x64xi32, #tpu.memory_space<hbm>>
      %dma_wait3A_161 = arith.constant 0 : i32
      %dma_wait3A_162 = arith.constant 0 : i32
      %dma_wait3A_163 = tpu.memref_slice %arg2[%dma_wait3A_161, %dma_wait3A_162] : memref<156160x64xi32, #tpu.memory_space<hbm>> -> memref<64x64xi32, #tpu.memory_space<hbm>>
      tpu.wait_dma2 semaphore(%arg19 : memref<!tpu.dma_semaphore, #tpu.memory_space<semaphore_mem>>) src(%dma_wait3A_163 : memref<64x64xi32, #tpu.memory_space<hbm>>) dst(%arg11 : memref<64x64xi32, #tpu.memory_space<vmem>>)
      %scan3A_164 = arith.constant 0 : i32
      %scan3A_165 = arith.constant 0 : i32
      %scan3A_166 = arith.constant 64 : i32
      %scan3A_167 = arith.addi %scan3A_165, %scan3A_166 : i32
      %scan3A_168 = arith.constant 1 : i32
      %scan3A_169 = scf.for %scan3A_175 = %scan3A_165 to %scan3A_167 step %scan3A_168 iter_args(%scan3A_176 = %scan3A_164) -> (i32)  : i32 {
        %get3A = arith.index_cast %scan3A_175 : i32 to index
        %get3A_177 = arith.constant 0 : index
        %get3A_178 = tpu.vector_load %arg11[%get3A, %get3A_177] {strides = array<i32>} : memref<64x64xi32, #tpu.memory_space<vmem>>, vector<1x16xi32>,
        %get3A_179 = vector.shape_cast %get3A_178 : vector<1x16xi32> to vector<16xi32>
        %shift_left3A = arith.constant 16 : i32
        %shift_left3A_180 = vector.broadcast %shift_left3A : i32 to vector<16xi32>
        %shift_left3A_181 = arith.shli %get3A_179, %shift_left3A_180 : vector<16xi32>
        %bitcast_convert_type3A = tpu.bitcast %shift_left3A_181 : vector<16xi32> -> vector<16xf32>
        %swap3A = arith.index_cast %scan3A_175 : i32 to index
        %swap3A_182 = arith.constant 0 : index
        %swap3A_183 = tpu.vector_load %arg13[%swap3A, %swap3A_182] {strides = array<i32>} : memref<64x128xf32, #tpu.memory_space<vmem>>, vector<1x16xf32>,
        %swap3A_184 = vector.shape_cast %swap3A_183 : vector<1x16xf32> to vector<16xf32>
        %swap3A_185 = vector.shape_cast %bitcast_convert_type3A : vector<16xf32> to vector<1x16xf32>
        tpu.vector_store %arg13[%swap3A, %swap3A_182], %swap3A_185 {strides = array<i32>} : memref<64x128xf32, #tpu.memory_space<vmem>>, vector<1x16xf32>,
        %and3A = arith.constant -65536 : i32
        %and3A_186 = vector.broadcast %and3A : i32 to vector<16xi32>
        %and3A_187 = arith.andi %get3A_179, %and3A_186 : vector<16xi32>
        %bitcast_convert_type3A_188 = tpu.bitcast %and3A_187 : vector<16xi32> -> vector<16xf32>
        %swap3A_189 = arith.index_cast %scan3A_175 : i32 to index
        %swap3A_190 = arith.constant 64 : index
        %swap3A_191 = tpu.vector_load %arg13[%swap3A_189, %swap3A_190] {strides = array<i32>} : memref<64x128xf32, #tpu.memory_space<vmem>>, vector<1x16xf32>,
        %swap3A_192 = vector.shape_cast %swap3A_191 : vector<1x16xf32> to vector<16xf32>
        %swap3A_193 = vector.shape_cast %bitcast_convert_type3A_188 : vector<16xf32> to vector<1x16xf32>
        tpu.vector_store %arg13[%swap3A_189, %swap3A_190], %swap3A_193 {strides = array<i32>} : memref<64x128xf32, #tpu.memory_space<vmem>>, vector<1x16xf32>,
        %get3A_194 = arith.index_cast %scan3A_175 : i32 to index
        %get3A_195 = arith.constant 16 : index
        %get3A_196 = tpu.vector_load %arg11[%get3A_194, %get3A_195] {strides = array<i32>} : memref<64x64xi32, #tpu.memory_space<vmem>>, vector<1x16xi32>,
        %get3A_197 = vector.shape_cast %get3A_196 : vector<1x16xi32> to vector<16xi32>
        %shift_left3A_198 = arith.constant 16 : i32
        %shift_left3A_199 = vector.broadcast %shift_left3A_198 : i32 to vector<16xi32>
        %shift_left3A_200 = arith.shli %get3A_197, %shift_left3A_199 : vector<16xi32>
        %bitcast_convert_type3A_201 = tpu.bitcast %shift_left3A_200 : vector<16xi32> -> vector<16xf32>
        %swap3A_202 = arith.index_cast %scan3A_175 : i32 to index
        %swap3A_203 = arith.constant 16 : index
        %swap3A_204 = tpu.vector_load %arg13[%swap3A_202, %swap3A_203] {strides = array<i32>} : memref<64x128xf32, #tpu.memory_space<vmem>>, vector<1x16xf32>,
        %swap3A_205 = vector.shape_cast %swap3A_204 : vector<1x16xf32> to vector<16xf32>
        %swap3A_206 = vector.shape_cast %bitcast_convert_type3A_201 : vector<16xf32> to vector<1x16xf32>
        tpu.vector_store %arg13[%swap3A_202, %swap3A_203], %swap3A_206 {strides = array<i32>} : memref<64x128xf32, #tpu.memory_space<vmem>>, vector<1x16xf32>,
        %and3A_207 = arith.constant -65536 : i32
        %and3A_208 = vector.broadcast %and3A_207 : i32 to vector<16xi32>
        %and3A_209 = arith.andi %get3A_197, %and3A_208 : vector<16xi32>
        %bitcast_convert_type3A_210 = tpu.bitcast %and3A_209 : vector<16xi32> -> vector<16xf32>
        %swap3A_211 = arith.index_cast %scan3A_175 : i32 to index
        %swap3A_212 = arith.constant 80 : index
        %swap3A_213 = tpu.vector_load %arg13[%swap3A_211, %swap3A_212] {strides = array<i32>} : memref<64x128xf32, #tpu.memory_space<vmem>>, vector<1x16xf32>,
        %swap3A_214 = vector.shape_cast %swap3A_213 : vector<1x16xf32> to vector<16xf32>
        %swap3A_215 = vector.shape_cast %bitcast_convert_type3A_210 : vector<16xf32> to vector<1x16xf32>
        tpu.vector_store %arg13[%swap3A_211, %swap3A_212], %swap3A_215 {strides = array<i32>} : memref<64x128xf32, #tpu.memory_space<vmem>>, vector<1x16xf32>,
        %get3A_216 = arith.index_cast %scan3A_175 : i32 to index
        %get3A_217 = arith.constant 32 : index
        %get3A_218 = tpu.vector_load %arg11[%get3A_216, %get3A_217] {strides = array<i32>} : memref<64x64xi32, #tpu.memory_space<vmem>>, vector<1x16xi32>,
        %get3A_219 = vector.shape_cast %get3A_218 : vector<1x16xi32> to vector<16xi32>
        %shift_left3A_220 = arith.constant 16 : i32
        %shift_left3A_221 = vector.broadcast %shift_left3A_220 : i32 to vector<16xi32>
        %shift_left3A_222 = arith.shli %get3A_219, %shift_left3A_221 : vector<16xi32>
        %bitcast_convert_type3A_223 = tpu.bitcast %shift_left3A_222 : vector<16xi32> -> vector<16xf32>
        %swap3A_224 = arith.index_cast %scan3A_175 : i32 to index
        %swap3A_225 = arith.constant 32 : index
        %swap3A_226 = tpu.vector_load %arg13[%swap3A_224, %swap3A_225] {strides = array<i32>} : memref<64x128xf32, #tpu.memory_space<vmem>>, vector<1x16xf32>,
        %swap3A_227 = vector.shape_cast %swap3A_226 : vector<1x16xf32> to vector<16xf32>
        %swap3A_228 = vector.shape_cast %bitcast_convert_type3A_223 : vector<16xf32> to vector<1x16xf32>
        tpu.vector_store %arg13[%swap3A_224, %swap3A_225], %swap3A_228 {strides = array<i32>} : memref<64x128xf32, #tpu.memory_space<vmem>>, vector<1x16xf32>,
        %and3A_229 = arith.constant -65536 : i32
        %and3A_230 = vector.broadcast %and3A_229 : i32 to vector<16xi32>
        %and3A_231 = arith.andi %get3A_219, %and3A_230 : vector<16xi32>
        %bitcast_convert_type3A_232 = tpu.bitcast %and3A_231 : vector<16xi32> -> vector<16xf32>
        %swap3A_233 = arith.index_cast %scan3A_175 : i32 to index
        %swap3A_234 = arith.constant 96 : index
        %swap3A_235 = tpu.vector_load %arg13[%swap3A_233, %swap3A_234] {strides = array<i32>} : memref<64x128xf32, #tpu.memory_space<vmem>>, vector<1x16xf32>,
        %swap3A_236 = vector.shape_cast %swap3A_235 : vector<1x16xf32> to vector<16xf32>
        %swap3A_237 = vector.shape_cast %bitcast_convert_type3A_232 : vector<16xf32> to vector<1x16xf32>
        tpu.vector_store %arg13[%swap3A_233, %swap3A_234], %swap3A_237 {strides = array<i32>} : memref<64x128xf32, #tpu.memory_space<vmem>>, vector<1x16xf32>,
        %get3A_238 = arith.index_cast %scan3A_175 : i32 to index
        %get3A_239 = arith.constant 48 : index
        %get3A_240 = tpu.vector_load %arg11[%get3A_238, %get3A_239] {strides = array<i32>} : memref<64x64xi32, #tpu.memory_space<vmem>>, vector<1x16xi32>,
        %get3A_241 = vector.shape_cast %get3A_240 : vector<1x16xi32> to vector<16xi32>
        %shift_left3A_242 = arith.constant 16 : i32
        %shift_left3A_243 = vector.broadcast %shift_left3A_242 : i32 to vector<16xi32>
        %shift_left3A_244 = arith.shli %get3A_241, %shift_left3A_243 : vector<16xi32>
        %bitcast_convert_type3A_245 = tpu.bitcast %shift_left3A_244 : vector<16xi32> -> vector<16xf32>
        %swap3A_246 = arith.index_cast %scan3A_175 : i32 to index
        %swap3A_247 = arith.constant 48 : index
        %swap3A_248 = tpu.vector_load %arg13[%swap3A_246, %swap3A_247] {strides = array<i32>} : memref<64x128xf32, #tpu.memory_space<vmem>>, vector<1x16xf32>,
        %swap3A_249 = vector.shape_cast %swap3A_248 : vector<1x16xf32> to vector<16xf32>
        %swap3A_250 = vector.shape_cast %bitcast_convert_type3A_245 : vector<16xf32> to vector<1x16xf32>
        tpu.vector_store %arg13[%swap3A_246, %swap3A_247], %swap3A_250 {strides = array<i32>} : memref<64x128xf32, #tpu.memory_space<vmem>>, vector<1x16xf32>,
        %and3A_251 = arith.constant -65536 : i32
        %and3A_252 = vector.broadcast %and3A_251 : i32 to vector<16xi32>
        %and3A_253 = arith.andi %get3A_241, %and3A_252 : vector<16xi32>
        %bitcast_convert_type3A_254 = tpu.bitcast %and3A_253 : vector<16xi32> -> vector<16xf32>
        %swap3A_255 = arith.index_cast %scan3A_175 : i32 to index
        %swap3A_256 = arith.constant 112 : index
        %swap3A_257 = tpu.vector_load %arg13[%swap3A_255, %swap3A_256] {strides = array<i32>} : memref<64x128xf32, #tpu.memory_space<vmem>>, vector<1x16xf32>,
        %swap3A_258 = vector.shape_cast %swap3A_257 : vector<1x16xf32> to vector<16xf32>
        %swap3A_259 = vector.shape_cast %bitcast_convert_type3A_254 : vector<16xf32> to vector<1x16xf32>
        tpu.vector_store %arg13[%swap3A_255, %swap3A_256], %swap3A_259 {strides = array<i32>} : memref<64x128xf32, #tpu.memory_space<vmem>>, vector<1x16xf32>,
        %scan3A_260 = arith.constant 0 : i32
        scf.yield %scan3A_260 : i32
      }
      %scan3A_170 = arith.constant 64 : i32
      %dma_start3A_171 = arith.constant 0 : i32
      %dma_start3A_172 = arith.constant 0 : i32
      %dma_start3A_173 = tpu.memref_slice %arg17[%dma_start3A_171, %dma_start3A_172] : memref<10000x128xf32, #tpu.memory_space<vmem_shared>> -> memref<10000x128xf32, #tpu.memory_space<vmem_shared>>
      tpu.enqueue_indirect_dma source(%arg13 : memref<64x128xf32, #tpu.memory_space<vmem>>) target(%dma_start3A_173 : memref<10000x128xf32, #tpu.memory_space<vmem_shared>>) offsets(%arg9 : memref<64xi32, #tpu.memory_space<vmem>>) semaphore(%arg21 : memref<!tpu.dma_semaphore, #tpu.memory_space<semaphore_mem>>) {add = true}
      %scan3A_174 = arith.constant 0 : i32
      scf.yield %scan3A_174 : i32
    }
    %scan3A_19 = arith.constant 19 : i32
    %dma_wait3A = arith.constant 0 : i32
    %dma_wait3A_20 = arith.constant 0 : i32
    %dma_wait3A_21 = tpu.memref_slice %arg17[%dma_wait3A, %dma_wait3A_20] : memref<10000x128xf32, #tpu.memory_space<vmem_shared>> -> memref<10000x128xf32, #tpu.memory_space<vmem_shared>>
    tpu.wait_indirect_dma semaphore(%arg20 : memref<!tpu.dma_semaphore, #tpu.memory_space<semaphore_mem>>) src(%arg12 : memref<64x128xf32, #tpu.memory_space<vmem>>) dst(%dma_wait3A_21 : memref<10000x128xf32, #tpu.memory_space<vmem_shared>>)
    %dma_wait3A_22 = arith.constant 0 : i32
    %dma_wait3A_23 = arith.constant 0 : i32
    %dma_wait3A_24 = tpu.memref_slice %arg17[%dma_wait3A_22, %dma_wait3A_23] : memref<10000x128xf32, #tpu.memory_space<vmem_shared>> -> memref<10000x128xf32, #tpu.memory_space<vmem_shared>>
    tpu.wait_indirect_dma semaphore(%arg21 : memref<!tpu.dma_semaphore, #tpu.memory_space<semaphore_mem>>) src(%arg13 : memref<64x128xf32, #tpu.memory_space<vmem>>) dst(%dma_wait3A_24 : memref<10000x128xf32, #tpu.memory_space<vmem_shared>>)
    %add3A_25 = arith.constant 4864 : i32
    %add3A_26 = arith.addi %mul3A_2, %add3A_25 : i32
    "tpu.region"() ({
      %run_scoped3A = tpu.sem_alloc : memref<!tpu.dma_semaphore, #tpu.memory_space<semaphore_mem>>
      %dma_start3A_45 = tpu.memref_slice %arg3[%add3A_26] : memref<156160xi32, #tpu.memory_space<hbm>> -> memref<16xi32, #tpu.memory_space<hbm>>
      %dma_start3A_46 = tpu.memref_slice %arg3[%add3A_26] : memref<156160xi32, #tpu.memory_space<hbm>> -> memref<16xi32, #tpu.memory_space<hbm>>
      tpu.enqueue_dma source(%dma_start3A_46 : memref<16xi32, #tpu.memory_space<hbm>>) target(%arg14 : memref<16xi32, #tpu.memory_space<vmem>>) target_semaphore(%run_scoped3A : memref<!tpu.dma_semaphore, #tpu.memory_space<semaphore_mem>>)
      %dma_wait3A_47 = tpu.memref_slice %arg3[%add3A_26] : memref<156160xi32, #tpu.memory_space<hbm>> -> memref<16xi32, #tpu.memory_space<hbm>>
      %dma_wait3A_48 = tpu.memref_slice %arg3[%add3A_26] : memref<156160xi32, #tpu.memory_space<hbm>> -> memref<16xi32, #tpu.memory_space<hbm>>
      tpu.wait_dma2 semaphore(%run_scoped3A : memref<!tpu.dma_semaphore, #tpu.memory_space<semaphore_mem>>) src(%dma_wait3A_48 : memref<16xi32, #tpu.memory_space<hbm>>) dst(%arg14 : memref<16xi32, #tpu.memory_space<vmem>>)
      tpu.yield
    }) : () -> ()
    "tpu.region"() ({
      %run_scoped3A = tpu.sem_alloc : memref<!tpu.dma_semaphore, #tpu.memory_space<semaphore_mem>>
      %dma_start3A_45 = arith.constant 0 : i32
      %dma_start3A_46 = tpu.memref_slice %arg2[%add3A_26, %dma_start3A_45] : memref<156160x64xi32, #tpu.memory_space<hbm>> -> memref<16x64xi32, #tpu.memory_space<hbm>>
      %dma_start3A_47 = arith.constant 0 : i32
      %dma_start3A_48 = tpu.memref_slice %arg2[%add3A_26, %dma_start3A_47] : memref<156160x64xi32, #tpu.memory_space<hbm>> -> memref<16x64xi32, #tpu.memory_space<hbm>>
      tpu.enqueue_dma source(%dma_start3A_48 : memref<16x64xi32, #tpu.memory_space<hbm>>) target(%arg15 : memref<16x64xi32, #tpu.memory_space<vmem>>) target_semaphore(%run_scoped3A : memref<!tpu.dma_semaphore, #tpu.memory_space<semaphore_mem>>)
      %dma_wait3A_49 = arith.constant 0 : i32
      %dma_wait3A_50 = tpu.memref_slice %arg2[%add3A_26, %dma_wait3A_49] : memref<156160x64xi32, #tpu.memory_space<hbm>> -> memref<16x64xi32, #tpu.memory_space<hbm>>
      %dma_wait3A_51 = arith.constant 0 : i32
      %dma_wait3A_52 = tpu.memref_slice %arg2[%add3A_26, %dma_wait3A_51] : memref<156160x64xi32, #tpu.memory_space<hbm>> -> memref<16x64xi32, #tpu.memory_space<hbm>>
      tpu.wait_dma2 semaphore(%run_scoped3A : memref<!tpu.dma_semaphore, #tpu.memory_space<semaphore_mem>>) src(%dma_wait3A_52 : memref<16x64xi32, #tpu.memory_space<hbm>>) dst(%arg15 : memref<16x64xi32, #tpu.memory_space<vmem>>)
      tpu.yield
    }) : () -> ()
    %scan3A_27 = arith.constant 0 : i32
    %scan3A_28 = arith.constant 0 : i32
    %scan3A_29 = arith.constant 16 : i32
    %scan3A_30 = arith.addi %scan3A_28, %scan3A_29 : i32
    %scan3A_31 = arith.constant 1 : i32
    %scan3A_32 = scf.for %scan3A_45 = %scan3A_28 to %scan3A_30 step %scan3A_31 iter_args(%scan3A_46 = %scan3A_27) -> (i32)  : i32 {
      %get3A = arith.index_cast %scan3A_45 : i32 to index
      %get3A_47 = arith.constant 0 : index
      %get3A_48 = tpu.vector_load %arg15[%get3A, %get3A_47] {strides = array<i32>} : memref<16x64xi32, #tpu.memory_space<vmem>>, vector<1x16xi32>,
      %get3A_49 = vector.shape_cast %get3A_48 : vector<1x16xi32> to vector<16xi32>
      %shift_left3A = arith.constant 16 : i32
      %shift_left3A_50 = vector.broadcast %shift_left3A : i32 to vector<16xi32>
      %shift_left3A_51 = arith.shli %get3A_49, %shift_left3A_50 : vector<16xi32>
      %bitcast_convert_type3A = tpu.bitcast %shift_left3A_51 : vector<16xi32> -> vector<16xf32>
      %swap3A = arith.index_cast %scan3A_45 : i32 to index
      %swap3A_52 = arith.constant 0 : index
      %swap3A_53 = tpu.vector_load %arg16[%swap3A, %swap3A_52] {strides = array<i32>} : memref<16x128xf32, #tpu.memory_space<vmem>>, vector<1x16xf32>,
      %swap3A_54 = vector.shape_cast %swap3A_53 : vector<1x16xf32> to vector<16xf32>
      %swap3A_55 = vector.shape_cast %bitcast_convert_type3A : vector<16xf32> to vector<1x16xf32>
      tpu.vector_store %arg16[%swap3A, %swap3A_52], %swap3A_55 {strides = array<i32>} : memref<16x128xf32, #tpu.memory_space<vmem>>, vector<1x16xf32>,
      %and3A = arith.constant -65536 : i32
      %and3A_56 = vector.broadcast %and3A : i32 to vector<16xi32>
      %and3A_57 = arith.andi %get3A_49, %and3A_56 : vector<16xi32>
      %bitcast_convert_type3A_58 = tpu.bitcast %and3A_57 : vector<16xi32> -> vector<16xf32>
      %swap3A_59 = arith.index_cast %scan3A_45 : i32 to index
      %swap3A_60 = arith.constant 64 : index
      %swap3A_61 = tpu.vector_load %arg16[%swap3A_59, %swap3A_60] {strides = array<i32>} : memref<16x128xf32, #tpu.memory_space<vmem>>, vector<1x16xf32>,
      %swap3A_62 = vector.shape_cast %swap3A_61 : vector<1x16xf32> to vector<16xf32>
      %swap3A_63 = vector.shape_cast %bitcast_convert_type3A_58 : vector<16xf32> to vector<1x16xf32>
      tpu.vector_store %arg16[%swap3A_59, %swap3A_60], %swap3A_63 {strides = array<i32>} : memref<16x128xf32, #tpu.memory_space<vmem>>, vector<1x16xf32>,
      %get3A_64 = arith.index_cast %scan3A_45 : i32 to index
      %get3A_65 = arith.constant 16 : index
      %get3A_66 = tpu.vector_load %arg15[%get3A_64, %get3A_65] {strides = array<i32>} : memref<16x64xi32, #tpu.memory_space<vmem>>, vector<1x16xi32>,
      %get3A_67 = vector.shape_cast %get3A_66 : vector<1x16xi32> to vector<16xi32>
      %shift_left3A_68 = arith.constant 16 : i32
      %shift_left3A_69 = vector.broadcast %shift_left3A_68 : i32 to vector<16xi32>
      %shift_left3A_70 = arith.shli %get3A_67, %shift_left3A_69 : vector<16xi32>
      %bitcast_convert_type3A_71 = tpu.bitcast %shift_left3A_70 : vector<16xi32> -> vector<16xf32>
      %swap3A_72 = arith.index_cast %scan3A_45 : i32 to index
      %swap3A_73 = arith.constant 16 : index
      %swap3A_74 = tpu.vector_load %arg16[%swap3A_72, %swap3A_73] {strides = array<i32>} : memref<16x128xf32, #tpu.memory_space<vmem>>, vector<1x16xf32>,
      %swap3A_75 = vector.shape_cast %swap3A_74 : vector<1x16xf32> to vector<16xf32>
      %swap3A_76 = vector.shape_cast %bitcast_convert_type3A_71 : vector<16xf32> to vector<1x16xf32>
      tpu.vector_store %arg16[%swap3A_72, %swap3A_73], %swap3A_76 {strides = array<i32>} : memref<16x128xf32, #tpu.memory_space<vmem>>, vector<1x16xf32>,
      %and3A_77 = arith.constant -65536 : i32
      %and3A_78 = vector.broadcast %and3A_77 : i32 to vector<16xi32>
      %and3A_79 = arith.andi %get3A_67, %and3A_78 : vector<16xi32>
      %bitcast_convert_type3A_80 = tpu.bitcast %and3A_79 : vector<16xi32> -> vector<16xf32>
      %swap3A_81 = arith.index_cast %scan3A_45 : i32 to index
      %swap3A_82 = arith.constant 80 : index
      %swap3A_83 = tpu.vector_load %arg16[%swap3A_81, %swap3A_82] {strides = array<i32>} : memref<16x128xf32, #tpu.memory_space<vmem>>, vector<1x16xf32>,
      %swap3A_84 = vector.shape_cast %swap3A_83 : vector<1x16xf32> to vector<16xf32>
      %swap3A_85 = vector.shape_cast %bitcast_convert_type3A_80 : vector<16xf32> to vector<1x16xf32>
      tpu.vector_store %arg16[%swap3A_81, %swap3A_82], %swap3A_85 {strides = array<i32>} : memref<16x128xf32, #tpu.memory_space<vmem>>, vector<1x16xf32>,
      %get3A_86 = arith.index_cast %scan3A_45 : i32 to index
      %get3A_87 = arith.constant 32 : index
      %get3A_88 = tpu.vector_load %arg15[%get3A_86, %get3A_87] {strides = array<i32>} : memref<16x64xi32, #tpu.memory_space<vmem>>, vector<1x16xi32>,
      %get3A_89 = vector.shape_cast %get3A_88 : vector<1x16xi32> to vector<16xi32>
      %shift_left3A_90 = arith.constant 16 : i32
      %shift_left3A_91 = vector.broadcast %shift_left3A_90 : i32 to vector<16xi32>
      %shift_left3A_92 = arith.shli %get3A_89, %shift_left3A_91 : vector<16xi32>
      %bitcast_convert_type3A_93 = tpu.bitcast %shift_left3A_92 : vector<16xi32> -> vector<16xf32>
      %swap3A_94 = arith.index_cast %scan3A_45 : i32 to index
      %swap3A_95 = arith.constant 32 : index
      %swap3A_96 = tpu.vector_load %arg16[%swap3A_94, %swap3A_95] {strides = array<i32>} : memref<16x128xf32, #tpu.memory_space<vmem>>, vector<1x16xf32>,
      %swap3A_97 = vector.shape_cast %swap3A_96 : vector<1x16xf32> to vector<16xf32>
      %swap3A_98 = vector.shape_cast %bitcast_convert_type3A_93 : vector<16xf32> to vector<1x16xf32>
      tpu.vector_store %arg16[%swap3A_94, %swap3A_95], %swap3A_98 {strides = array<i32>} : memref<16x128xf32, #tpu.memory_space<vmem>>, vector<1x16xf32>,
      %and3A_99 = arith.constant -65536 : i32
      %and3A_100 = vector.broadcast %and3A_99 : i32 to vector<16xi32>
      %and3A_101 = arith.andi %get3A_89, %and3A_100 : vector<16xi32>
      %bitcast_convert_type3A_102 = tpu.bitcast %and3A_101 : vector<16xi32> -> vector<16xf32>
      %swap3A_103 = arith.index_cast %scan3A_45 : i32 to index
      %swap3A_104 = arith.constant 96 : index
      %swap3A_105 = tpu.vector_load %arg16[%swap3A_103, %swap3A_104] {strides = array<i32>} : memref<16x128xf32, #tpu.memory_space<vmem>>, vector<1x16xf32>,
      %swap3A_106 = vector.shape_cast %swap3A_105 : vector<1x16xf32> to vector<16xf32>
      %swap3A_107 = vector.shape_cast %bitcast_convert_type3A_102 : vector<16xf32> to vector<1x16xf32>
      tpu.vector_store %arg16[%swap3A_103, %swap3A_104], %swap3A_107 {strides = array<i32>} : memref<16x128xf32, #tpu.memory_space<vmem>>, vector<1x16xf32>,
      %get3A_108 = arith.index_cast %scan3A_45 : i32 to index
      %get3A_109 = arith.constant 48 : index
      %get3A_110 = tpu.vector_load %arg15[%get3A_108, %get3A_109] {strides = array<i32>} : memref<16x64xi32, #tpu.memory_space<vmem>>, vector<1x16xi32>,
      %get3A_111 = vector.shape_cast %get3A_110 : vector<1x16xi32> to vector<16xi32>
      %shift_left3A_112 = arith.constant 16 : i32
      %shift_left3A_113 = vector.broadcast %shift_left3A_112 : i32 to vector<16xi32>
      %shift_left3A_114 = arith.shli %get3A_111, %shift_left3A_113 : vector<16xi32>
      %bitcast_convert_type3A_115 = tpu.bitcast %shift_left3A_114 : vector<16xi32> -> vector<16xf32>
      %swap3A_116 = arith.index_cast %scan3A_45 : i32 to index
      %swap3A_117 = arith.constant 48 : index
      %swap3A_118 = tpu.vector_load %arg16[%swap3A_116, %swap3A_117] {strides = array<i32>} : memref<16x128xf32, #tpu.memory_space<vmem>>, vector<1x16xf32>,
      %swap3A_119 = vector.shape_cast %swap3A_118 : vector<1x16xf32> to vector<16xf32>
      %swap3A_120 = vector.shape_cast %bitcast_convert_type3A_115 : vector<16xf32> to vector<1x16xf32>
      tpu.vector_store %arg16[%swap3A_116, %swap3A_117], %swap3A_120 {strides = array<i32>} : memref<16x128xf32, #tpu.memory_space<vmem>>, vector<1x16xf32>,
      %and3A_121 = arith.constant -65536 : i32
      %and3A_122 = vector.broadcast %and3A_121 : i32 to vector<16xi32>
      %and3A_123 = arith.andi %get3A_111, %and3A_122 : vector<16xi32>
      %bitcast_convert_type3A_124 = tpu.bitcast %and3A_123 : vector<16xi32> -> vector<16xf32>
      %swap3A_125 = arith.index_cast %scan3A_45 : i32 to index
      %swap3A_126 = arith.constant 112 : index
      %swap3A_127 = tpu.vector_load %arg16[%swap3A_125, %swap3A_126] {strides = array<i32>} : memref<16x128xf32, #tpu.memory_space<vmem>>, vector<1x16xf32>,
      %swap3A_128 = vector.shape_cast %swap3A_127 : vector<1x16xf32> to vector<16xf32>
      %swap3A_129 = vector.shape_cast %bitcast_convert_type3A_124 : vector<16xf32> to vector<1x16xf32>
      tpu.vector_store %arg16[%swap3A_125, %swap3A_126], %swap3A_129 {strides = array<i32>} : memref<16x128xf32, #tpu.memory_space<vmem>>, vector<1x16xf32>,
      %scan3A_130 = arith.constant 0 : i32
      scf.yield %scan3A_130 : i32
    }
    %scan3A_33 = arith.constant 16 : i32
    "tpu.region"() ({
      %run_scoped3A = tpu.sem_alloc : memref<!tpu.dma_semaphore, #tpu.memory_space<semaphore_mem>>
      %dma_start3A_45 = arith.constant 0 : i32
      %dma_start3A_46 = arith.constant 0 : i32
      %dma_start3A_47 = tpu.memref_slice %arg17[%dma_start3A_45, %dma_start3A_46] : memref<10000x128xf32, #tpu.memory_space<vmem_shared>> -> memref<10000x128xf32, #tpu.memory_space<vmem_shared>>
      tpu.enqueue_indirect_dma source(%arg16 : memref<16x128xf32, #tpu.memory_space<vmem>>) target(%dma_start3A_47 : memref<10000x128xf32, #tpu.memory_space<vmem_shared>>) offsets(%arg14 : memref<16xi32, #tpu.memory_space<vmem>>) semaphore(%run_scoped3A : memref<!tpu.dma_semaphore, #tpu.memory_space<semaphore_mem>>) {add = true}
      %dma_wait3A_48 = arith.constant 0 : i32
      %dma_wait3A_49 = arith.constant 0 : i32
      %dma_wait3A_50 = tpu.memref_slice %arg17[%dma_wait3A_48, %dma_wait3A_49] : memref<10000x128xf32, #tpu.memory_space<vmem_shared>> -> memref<10000x128xf32, #tpu.memory_space<vmem_shared>>
      tpu.wait_indirect_dma semaphore(%run_scoped3A : memref<!tpu.dma_semaphore, #tpu.memory_space<semaphore_mem>>) src(%arg16 : memref<16x128xf32, #tpu.memory_space<vmem>>) dst(%dma_wait3A_50 : memref<10000x128xf32, #tpu.memory_space<vmem_shared>>)
      tpu.yield
    }) : () -> ()
    %barrier3A_34 = arith.constant 0 : index
    tpu.barrier barrier_id(%barrier3A_34)
    %lt3A_35 = arith.constant 15 : i32
    %lt3A_36 = arith.cmpi slt, %arg1, %lt3A_35 : i32
    %convert_element_type3A_37 = arith.extui %lt3A_36 : i1 to i32
    %cond3A_38 = arith.constant 0 : i32
    %cond3A_39 = arith.cmpi ne, %convert_element_type3A_37, %cond3A_38 : i32
    scf.if %cond3A_39 {
      %mul3A_45 = arith.constant 632 : i32
      %mul3A_46 = arith.muli %arg1, %mul3A_45 : i32
      %mul3A_47 = arith.constant 632 : i32
      %mul3A_48 = arith.muli %arg1, %mul3A_47 : i32
      "tpu.region"() ({
        %run_scoped3A = tpu.sem_alloc : memref<!tpu.dma_semaphore, #tpu.memory_space<semaphore_mem>>
        %dma_start3A_49 = arith.constant 0 : i32
        %dma_start3A_50 = tpu.memref_slice %arg5[%arg0, %mul3A_48, %dma_start3A_49] : memref<2x10000x128xf32, #tpu.memory_space<hbm>> -> memref<1x632x128xf32, #tpu.memory_space<hbm>>
        %dma_start3A_51 = tpu.memref_squeeze %dma_start3A_50 : memref<1x632x128xf32, #tpu.memory_space<hbm>> -> memref<632x128xf32, #tpu.memory_space<hbm>>
        %dma_start3A_52 = arith.constant 0 : i32
        %dma_start3A_53 = tpu.memref_slice %arg17[%mul3A_46, %dma_start3A_52] : memref<10000x128xf32, #tpu.memory_space<vmem_shared>> -> memref<632x128xf32, #tpu.memory_space<vmem_shared>>
        tpu.enqueue_dma source(%dma_start3A_53 : memref<632x128xf32, #tpu.memory_space<vmem_shared>>) target(%dma_start3A_51 : memref<632x128xf32, #tpu.memory_space<hbm>>) target_semaphore(%run_scoped3A : memref<!tpu.dma_semaphore, #tpu.memory_space<semaphore_mem>>)
        %dma_wait3A_54 = arith.constant 0 : i32
        %dma_wait3A_55 = tpu.memref_slice %arg5[%arg0, %mul3A_48, %dma_wait3A_54] : memref<2x10000x128xf32, #tpu.memory_space<hbm>> -> memref<1x632x128xf32, #tpu.memory_space<hbm>>
        %dma_wait3A_56 = tpu.memref_squeeze %dma_wait3A_55 : memref<1x632x128xf32, #tpu.memory_space<hbm>> -> memref<632x128xf32, #tpu.memory_space<hbm>>
        %dma_wait3A_57 = arith.constant 0 : i32
        %dma_wait3A_58 = tpu.memref_slice %arg17[%mul3A_46, %dma_wait3A_57] : memref<10000x128xf32, #tpu.memory_space<vmem_shared>> -> memref<632x128xf32, #tpu.memory_space<vmem_shared>>
        tpu.wait_dma2 semaphore(%run_scoped3A : memref<!tpu.dma_semaphore, #tpu.memory_space<semaphore_mem>>) src(%dma_wait3A_58 : memref<632x128xf32, #tpu.memory_space<vmem_shared>>) dst(%dma_wait3A_56 : memref<632x128xf32, #tpu.memory_space<hbm>>)
        tpu.yield
      }) : () -> ()
    } else {
    }
    %eq3A_40 = arith.constant 15 : i32
    %eq3A_41 = arith.cmpi eq, %arg1, %eq3A_40 : i32
    %convert_element_type3A_42 = arith.extui %eq3A_41 : i1 to i32
    %cond3A_43 = arith.constant 0 : i32
    %cond3A_44 = arith.cmpi ne, %convert_element_type3A_42, %cond3A_43 : i32
    scf.if %cond3A_44 {
      %mul3A_45 = arith.constant 632 : i32
      %mul3A_46 = arith.muli %arg1, %mul3A_45 : i32
      %mul3A_47 = arith.constant 632 : i32
      %mul3A_48 = arith.muli %arg1, %mul3A_47 : i32
      "tpu.region"() ({
        %run_scoped3A = tpu.sem_alloc : memref<!tpu.dma_semaphore, #tpu.memory_space<semaphore_mem>>
        %dma_start3A_49 = arith.constant 0 : i32
        %dma_start3A_50 = tpu.memref_slice %arg5[%arg0, %mul3A_48, %dma_start3A_49] : memref<2x10000x128xf32, #tpu.memory_space<hbm>> -> memref<1x520x128xf32, #tpu.memory_space<hbm>>
        %dma_start3A_51 = tpu.memref_squeeze %dma_start3A_50 : memref<1x520x128xf32, #tpu.memory_space<hbm>> -> memref<520x128xf32, #tpu.memory_space<hbm>>
        %dma_start3A_52 = arith.constant 0 : i32
        %dma_start3A_53 = tpu.memref_slice %arg17[%mul3A_46, %dma_start3A_52] : memref<10000x128xf32, #tpu.memory_space<vmem_shared>> -> memref<520x128xf32, #tpu.memory_space<vmem_shared>>
        tpu.enqueue_dma source(%dma_start3A_53 : memref<520x128xf32, #tpu.memory_space<vmem_shared>>) target(%dma_start3A_51 : memref<520x128xf32, #tpu.memory_space<hbm>>) target_semaphore(%run_scoped3A : memref<!tpu.dma_semaphore, #tpu.memory_space<semaphore_mem>>)
        %dma_wait3A_54 = arith.constant 0 : i32
        %dma_wait3A_55 = tpu.memref_slice %arg5[%arg0, %mul3A_48, %dma_wait3A_54] : memref<2x10000x128xf32, #tpu.memory_space<hbm>> -> memref<1x520x128xf32, #tpu.memory_space<hbm>>
        %dma_wait3A_56 = tpu.memref_squeeze %dma_wait3A_55 : memref<1x520x128xf32, #tpu.memory_space<hbm>> -> memref<520x128xf32, #tpu.memory_space<hbm>>
        %dma_wait3A_57 = arith.constant 0 : i32
        %dma_wait3A_58 = tpu.memref_slice %arg17[%mul3A_46, %dma_wait3A_57] : memref<10000x128xf32, #tpu.memory_space<vmem_shared>> -> memref<520x128xf32, #tpu.memory_space<vmem_shared>>
        tpu.wait_dma2 semaphore(%run_scoped3A : memref<!tpu.dma_semaphore, #tpu.memory_space<semaphore_mem>>) src(%dma_wait3A_58 : memref<520x128xf32, #tpu.memory_space<vmem_shared>>) dst(%dma_wait3A_56 : memref<520x128xf32, #tpu.memory_space<hbm>>)
        tpu.yield
      }) : () -> ()
    } else {
    }
    return
  }
}

module attributes {stable_mosaic.version = 14 : i64} {
  func.func @_pre_body(%arg0: i32, %arg1: memref<2000x128xf32, #tpu.memory_space<vmem>>, %arg2: memref<128x128xf32, #tpu.memory_space<vmem>>, %arg3: memref<128x128xf32, #tpu.memory_space<vmem>>, %arg4: memref<2000x128xf32, #tpu.memory_space<vmem>>, %arg5: memref<2000x128xf32, #tpu.memory_space<vmem>>) attributes {dimension_semantics = [#tpu.dimension_semantics<arbitrary>], iteration_bounds = array<i64: 5>, scalar_prefetch = 0 : i64, scratch_operands = 0 : i64, tpu.core_type = #tpu.core_type<tc>, window_params = [{transform_indices = @transform_0, window_bounds = array<i64: 2000, 128>}, {pipeline_mode = #tpu.pipeline_mode<synchronous>, transform_indices = @transform_1, window_bounds = array<i64: 128, 128>}, {pipeline_mode = #tpu.pipeline_mode<synchronous>, transform_indices = @transform_2, window_bounds = array<i64: 128, 128>}, {transform_indices = @transform_3, window_bounds = array<i64: 2000, 128>}, {transform_indices = @transform_4, window_bounds = array<i64: 2000, 128>}]} {
    %get3A = arith.constant 0 : index
    %get3A_0 = arith.constant 0 : index
    %get3A_1 = vector.load %arg1[%get3A, %get3A_0] : memref<2000x128xf32, #tpu.memory_space<vmem>>, vector<2000x128xf32>
    %get3A_2 = arith.constant 0 : index
    %get3A_3 = arith.constant 0 : index
    %get3A_4 = vector.load %arg2[%get3A_2, %get3A_3] : memref<128x128xf32, #tpu.memory_space<vmem>>, vector<128x128xf32>
    %dot_general3A = arith.constant dense<0.000000e+00> : vector<2000x128xf32>
    %dot_general3A_5 = tpu.matmul %get3A_1, %get3A_4, %dot_general3A {dimension_numbers = #tpu.dot_dimension_numbers<[1], [0], [0], [1], [0, 0, 1, 1], [], []>, transpose_lhs_hint = false} : vector<2000x128xf32>, vector<128x128xf32>, vector<2000x128xf32> -> vector<2000x128xf32>
    %swap3A = arith.constant 0 : index
    %swap3A_6 = arith.constant 0 : index
    %swap3A_7 = vector.load %arg4[%swap3A, %swap3A_6] : memref<2000x128xf32, #tpu.memory_space<vmem>>, vector<2000x128xf32>
    tpu.vector_store %arg4[%swap3A, %swap3A_6], %dot_general3A_5 {strides = array<i32>} : memref<2000x128xf32, #tpu.memory_space<vmem>>, vector<2000x128xf32>,
    %get3A_8 = arith.constant 0 : index
    %get3A_9 = arith.constant 0 : index
    %get3A_10 = vector.load %arg3[%get3A_8, %get3A_9] : memref<128x128xf32, #tpu.memory_space<vmem>>, vector<128x128xf32>
    %dot_general3A_11 = arith.constant dense<0.000000e+00> : vector<2000x128xf32>
    %dot_general3A_12 = tpu.matmul %get3A_1, %get3A_10, %dot_general3A_11 {dimension_numbers = #tpu.dot_dimension_numbers<[1], [0], [0], [1], [0, 0, 1, 1], [], []>, transpose_lhs_hint = false} : vector<2000x128xf32>, vector<128x128xf32>, vector<2000x128xf32> -> vector<2000x128xf32>
    %swap3A_13 = arith.constant 0 : index
    %swap3A_14 = arith.constant 0 : index
    %swap3A_15 = vector.load %arg5[%swap3A_13, %swap3A_14] : memref<2000x128xf32, #tpu.memory_space<vmem>>, vector<2000x128xf32>
    tpu.vector_store %arg5[%swap3A_13, %swap3A_14], %dot_general3A_12 {strides = array<i32>} : memref<2000x128xf32, #tpu.memory_space<vmem>>, vector<2000x128xf32>,
    return
  }
  func.func @transform_0(%arg0: i32) -> (i32, i32) {
    %c0_i32 = arith.constant 0 : i32
    %c0_i32_0 = arith.constant 0 : i32
    return %arg0, %c0_i32 : i32, i32
  }
  func.func @transform_1(%arg0: i32) -> (i32, i32) {
    %c0_i32 = arith.constant 0 : i32
    %c0_i32_0 = arith.constant 0 : i32
    %c0_i32_1 = arith.constant 0 : i32
    return %c0_i32, %c0_i32_0 : i32, i32
  }
  func.func @transform_2(%arg0: i32) -> (i32, i32) {
    %c0_i32 = arith.constant 0 : i32
    %c0_i32_0 = arith.constant 0 : i32
    %c0_i32_1 = arith.constant 0 : i32
    return %c0_i32, %c0_i32_0 : i32, i32
  }
  func.func @transform_3(%arg0: i32) -> (i32, i32) {
    %c0_i32 = arith.constant 0 : i32
    %c0_i32_0 = arith.constant 0 : i32
    return %arg0, %c0_i32 : i32, i32
  }
  func.func @transform_4(%arg0: i32) -> (i32, i32) {
    %c0_i32 = arith.constant 0 : i32
    %c0_i32_0 = arith.constant 0 : i32
    return %arg0, %c0_i32 : i32, i32
  }
}

module attributes {stable_mosaic.version = 14 : i64} {
  func.func @_edge_body(%arg0: i32, %arg1: memref<2560x64xi32, #tpu.memory_space<vmem>>, %arg2: memref<16x2560xf32, #tpu.memory_space<vmem>>, %arg3: memref<16x128xf32, #tpu.memory_space<vmem>>, %arg4: memref<1x128xf32, #tpu.memory_space<vmem>>, %arg5: memref<128x128xf32, #tpu.memory_space<vmem>>, %arg6: memref<1x128xf32, #tpu.memory_space<vmem>>, %arg7: memref<1x128xf32, #tpu.memory_space<vmem>>, %arg8: memref<1x1xf32, #tpu.memory_space<vmem>>, %arg9: memref<2560x128xf32, #tpu.memory_space<vmem>>, %arg10: memref<2560x64xi32, #tpu.memory_space<vmem>>) attributes {dimension_semantics = [#tpu.dimension_semantics<arbitrary>], iteration_bounds = array<i64: 64>, scalar_prefetch = 0 : i64, scratch_operands = 0 : i64, tpu.core_type = #tpu.core_type<tc>, window_params = [{transform_indices = @transform_0, window_bounds = array<i64: 2560, 64>}, {transform_indices = @transform_1, window_bounds = array<i64: 16, 2560>}, {pipeline_mode = #tpu.pipeline_mode<synchronous>, transform_indices = @transform_2, window_bounds = array<i64: 16, 128>}, {pipeline_mode = #tpu.pipeline_mode<synchronous>, transform_indices = @transform_3, window_bounds = array<i64: 1, 128>}, {pipeline_mode = #tpu.pipeline_mode<synchronous>, transform_indices = @transform_4, window_bounds = array<i64: 128, 128>}, {pipeline_mode = #tpu.pipeline_mode<synchronous>, transform_indices = @transform_5, window_bounds = array<i64: 1, 128>}, {pipeline_mode = #tpu.pipeline_mode<synchronous>, transform_indices = @transform_6, window_bounds = array<i64: 1, 128>}, {pipeline_mode = #tpu.pipeline_mode<synchronous>, transform_indices = @transform_7, window_bounds = array<i64: 1, 1>}, {transform_indices = @transform_8, window_bounds = array<i64: 2560, 128>}, {transform_indices = @transform_9, window_bounds = array<i64: 2560, 64>}]} {
    %get3A = arith.constant 0 : index
    %get3A_0 = arith.constant 0 : index
    %get3A_1 = vector.load %arg1[%get3A, %get3A_0] : memref<2560x64xi32, #tpu.memory_space<vmem>>, vector<2560x64xi32>
    %shift_left3A = arith.constant 16 : i32
    %shift_left3A_2 = vector.broadcast %shift_left3A : i32 to vector<2560x64xi32>
    %shift_left3A_3 = arith.shli %get3A_1, %shift_left3A_2 : vector<2560x64xi32>
    %bitcast_convert_type3A = tpu.bitcast %shift_left3A_3 : vector<2560x64xi32> -> vector<2560x64xf32>
    %and3A = arith.constant -65536 : i32
    %and3A_4 = vector.broadcast %and3A : i32 to vector<2560x64xi32>
    %and3A_5 = arith.andi %get3A_1, %and3A_4 : vector<2560x64xi32>
    %bitcast_convert_type3A_6 = tpu.bitcast %and3A_5 : vector<2560x64xi32> -> vector<2560x64xf32>
    %get3A_7 = arith.constant 0 : index
    %get3A_8 = arith.constant 0 : index
    %get3A_9 = vector.load %arg2[%get3A_7, %get3A_8] : memref<16x2560xf32, #tpu.memory_space<vmem>>, vector<16x2560xf32>
    %get3A_10 = arith.constant 0 : index
    %get3A_11 = arith.constant 0 : index
    %get3A_12 = vector.load %arg3[%get3A_10, %get3A_11] : memref<16x128xf32, #tpu.memory_space<vmem>>, vector<16x128xf32>
    %dot_general3A = arith.constant dense<0.000000e+00> : vector<2560x128xf32>
    %dot_general3A_13 = tpu.matmul %get3A_9, %get3A_12, %dot_general3A {dimension_numbers = #tpu.dot_dimension_numbers<[0], [0], [1], [1], [0, 1, 1, 1], [], []>, transpose_lhs_hint = false} : vector<16x2560xf32>, vector<16x128xf32>, vector<2560x128xf32> -> vector<2560x128xf32>
    %concatenate3A = tpu.concatenate %bitcast_convert_type3A, %bitcast_convert_type3A_6 in 1 : vector<2560x64xf32>, vector<2560x64xf32> -> vector<2560x128xf32>
    %add3A = arith.addf %concatenate3A, %dot_general3A_13 : vector<2560x128xf32>
    %get3A_14 = arith.constant 0 : index
    %get3A_15 = arith.constant 0 : index
    %get3A_16 = vector.load %arg4[%get3A_14, %get3A_15] : memref<1x128xf32, #tpu.memory_space<vmem>>, vector<1x128xf32>
    %add3A_17 = vector.broadcast %get3A_16 : vector<1x128xf32> to vector<2560x128xf32>
    %add3A_18 = arith.addf %add3A, %add3A_17 : vector<2560x128xf32>
    %logistic3A = arith.negf %add3A_18 : vector<2560x128xf32>
    %logistic3A_19 = math.exp %logistic3A : vector<2560x128xf32>
    %logistic3A_20 = arith.constant 1.000000e+00 : f32
    %logistic3A_21 = vector.broadcast %logistic3A_20 : f32 to vector<2560x128xf32>
    %logistic3A_22 = arith.addf %logistic3A_21, %logistic3A_19 : vector<2560x128xf32>
    %logistic3A_23 = arith.divf %logistic3A_21, %logistic3A_22 : vector<2560x128xf32>
    %mul3A = arith.mulf %add3A_18, %logistic3A_23 : vector<2560x128xf32>
    %get3A_24 = arith.constant 0 : index
    %get3A_25 = arith.constant 0 : index
    %get3A_26 = vector.load %arg5[%get3A_24, %get3A_25] : memref<128x128xf32, #tpu.memory_space<vmem>>, vector<128x128xf32>
    %dot_general3A_27 = arith.constant dense<0.000000e+00> : vector<2560x128xf32>
    %dot_general3A_28 = tpu.matmul %mul3A, %get3A_26, %dot_general3A_27 {dimension_numbers = #tpu.dot_dimension_numbers<[1], [0], [0], [1], [0, 0, 1, 1], [], []>, transpose_lhs_hint = false} : vector<2560x128xf32>, vector<128x128xf32>, vector<2560x128xf32> -> vector<2560x128xf32>
    %get3A_29 = arith.constant 0 : index
    %get3A_30 = arith.constant 0 : index
    %get3A_31 = vector.load %arg6[%get3A_29, %get3A_30] : memref<1x128xf32, #tpu.memory_space<vmem>>, vector<1x128xf32>
    %add3A_32 = vector.broadcast %get3A_31 : vector<1x128xf32> to vector<2560x128xf32>
    %add3A_33 = arith.addf %dot_general3A_28, %add3A_32 : vector<2560x128xf32>
    %logistic3A_34 = arith.negf %add3A_33 : vector<2560x128xf32>
    %logistic3A_35 = math.exp %logistic3A_34 : vector<2560x128xf32>
    %logistic3A_36 = arith.constant 1.000000e+00 : f32
    %logistic3A_37 = vector.broadcast %logistic3A_36 : f32 to vector<2560x128xf32>
    %logistic3A_38 = arith.addf %logistic3A_37, %logistic3A_35 : vector<2560x128xf32>
    %logistic3A_39 = arith.divf %logistic3A_37, %logistic3A_38 : vector<2560x128xf32>
    %mul3A_40 = arith.mulf %add3A_33, %logistic3A_39 : vector<2560x128xf32>
    %get3A_41 = arith.constant 0 : index
    %get3A_42 = arith.constant 0 : index
    %get3A_43 = vector.load %arg7[%get3A_41, %get3A_42] : memref<1x128xf32, #tpu.memory_space<vmem>>, vector<1x128xf32>
    %mul3A_44 = vector.broadcast %get3A_43 : vector<1x128xf32> to vector<2560x128xf32>
    %mul3A_45 = arith.mulf %mul3A_40, %mul3A_44 : vector<2560x128xf32>
    %reduce_sum3A = arith.constant dense<0.000000e+00> : vector<2560xf32>
    %reduce_sum3A_46 = vector.multi_reduction <add>, %mul3A_45, %reduce_sum3A [1] : vector<2560x128xf32> to vector<2560xf32>
    %broadcast_in_dim3A = vector.shape_cast %reduce_sum3A_46 : vector<2560xf32> to vector<2560x1xf32>
    %get3A_47 = arith.constant 0 : index
    %get3A_48 = arith.constant 0 : index
    %get3A_49 = vector.load %arg8[%get3A_47, %get3A_48] : memref<1x1xf32, #tpu.memory_space<vmem>>, vector<1x1xf32>
    %get3A_50 = vector.extract %get3A_49[0, 0] : f32 from vector<1x1xf32>
    %add3A_51 = vector.broadcast %get3A_50 : f32 to vector<2560x1xf32>
    %add3A_52 = arith.addf %broadcast_in_dim3A, %add3A_51 : vector<2560x1xf32>
    %logistic3A_53 = arith.negf %add3A_52 : vector<2560x1xf32>
    %logistic3A_54 = math.exp %logistic3A_53 : vector<2560x1xf32>
    %logistic3A_55 = arith.constant 1.000000e+00 : f32
    %logistic3A_56 = vector.broadcast %logistic3A_55 : f32 to vector<2560x1xf32>
    %logistic3A_57 = arith.addf %logistic3A_56, %logistic3A_54 : vector<2560x1xf32>
    %logistic3A_58 = arith.divf %logistic3A_56, %logistic3A_57 : vector<2560x1xf32>
    %swap3A = arith.constant 0 : index
    %swap3A_59 = arith.constant 0 : index
    %swap3A_60 = vector.load %arg9[%swap3A, %swap3A_59] : memref<2560x128xf32, #tpu.memory_space<vmem>>, vector<2560x128xf32>
    tpu.vector_store %arg9[%swap3A, %swap3A_59], %mul3A_40 {strides = array<i32>} : memref<2560x128xf32, #tpu.memory_space<vmem>>, vector<2560x128xf32>,
    %mul3A_61 = vector.broadcast %logistic3A_58 : vector<2560x1xf32> to vector<2560x128xf32>
    %mul3A_62 = arith.mulf %mul3A_40, %mul3A_61 : vector<2560x128xf32>
    %slice3A = vector.extract_strided_slice %mul3A_62 {offsets = [0, 0], sizes = [2560, 64], strides = [1, 1]} : vector<2560x128xf32> to vector<2560x64xf32>
    %bitcast_convert_type3A_63 = tpu.bitcast %slice3A : vector<2560x64xf32> -> vector<2560x64xi32>
    %add3A_64 = arith.constant 32768 : i32
    %add3A_65 = vector.broadcast %add3A_64 : i32 to vector<2560x64xi32>
    %add3A_66 = arith.addi %bitcast_convert_type3A_63, %add3A_65 : vector<2560x64xi32>
    %shift_right_logical3A = arith.constant 16 : i32
    %shift_right_logical3A_67 = vector.broadcast %shift_right_logical3A : i32 to vector<2560x64xi32>
    %shift_right_logical3A_68 = arith.shrui %add3A_66, %shift_right_logical3A_67 : vector<2560x64xi32>
    %slice3A_69 = vector.extract_strided_slice %mul3A_62 {offsets = [0, 64], sizes = [2560, 64], strides = [1, 1]} : vector<2560x128xf32> to vector<2560x64xf32>
    %bitcast_convert_type3A_70 = tpu.bitcast %slice3A_69 : vector<2560x64xf32> -> vector<2560x64xi32>
    %add3A_71 = arith.constant 32768 : i32
    %add3A_72 = vector.broadcast %add3A_71 : i32 to vector<2560x64xi32>
    %add3A_73 = arith.addi %bitcast_convert_type3A_70, %add3A_72 : vector<2560x64xi32>
    %and3A_74 = arith.constant -65536 : i32
    %and3A_75 = vector.broadcast %and3A_74 : i32 to vector<2560x64xi32>
    %and3A_76 = arith.andi %add3A_73, %and3A_75 : vector<2560x64xi32>
    %or3A = arith.ori %and3A_76, %shift_right_logical3A_68 : vector<2560x64xi32>
    %swap3A_77 = arith.constant 0 : index
    %swap3A_78 = arith.constant 0 : index
    %swap3A_79 = vector.load %arg10[%swap3A_77, %swap3A_78] : memref<2560x64xi32, #tpu.memory_space<vmem>>, vector<2560x64xi32>
    tpu.vector_store %arg10[%swap3A_77, %swap3A_78], %or3A {strides = array<i32>} : memref<2560x64xi32, #tpu.memory_space<vmem>>, vector<2560x64xi32>,
    return
  }
  func.func @transform_0(%arg0: i32) -> (i32, i32) {
    %c0_i32 = arith.constant 0 : i32
    %c0_i32_0 = arith.constant 0 : i32
    return %arg0, %c0_i32 : i32, i32
  }
  func.func @transform_1(%arg0: i32) -> (i32, i32) {
    %c0_i32 = arith.constant 0 : i32
    %c0_i32_0 = arith.constant 0 : i32
    return %c0_i32, %arg0 : i32, i32
  }
  func.func @transform_2(%arg0: i32) -> (i32, i32) {
    %c0_i32 = arith.constant 0 : i32
    %c0_i32_0 = arith.constant 0 : i32
    %c0_i32_1 = arith.constant 0 : i32
    return %c0_i32, %c0_i32_0 : i32, i32
  }
  func.func @transform_3(%arg0: i32) -> (i32, i32) {
    %c0_i32 = arith.constant 0 : i32
    %c0_i32_0 = arith.constant 0 : i32
    %c0_i32_1 = arith.constant 0 : i32
    return %c0_i32, %c0_i32_0 : i32, i32
  }
  func.func @transform_4(%arg0: i32) -> (i32, i32) {
    %c0_i32 = arith.constant 0 : i32
    %c0_i32_0 = arith.constant 0 : i32
    %c0_i32_1 = arith.constant 0 : i32
    return %c0_i32, %c0_i32_0 : i32, i32
  }
  func.func @transform_5(%arg0: i32) -> (i32, i32) {
    %c0_i32 = arith.constant 0 : i32
    %c0_i32_0 = arith.constant 0 : i32
    %c0_i32_1 = arith.constant 0 : i32
    return %c0_i32, %c0_i32_0 : i32, i32
  }
  func.func @transform_6(%arg0: i32) -> (i32, i32) {
    %c0_i32 = arith.constant 0 : i32
    %c0_i32_0 = arith.constant 0 : i32
    %c0_i32_1 = arith.constant 0 : i32
    return %c0_i32, %c0_i32_0 : i32, i32
  }
  func.func @transform_7(%arg0: i32) -> (i32, i32) {
    %c0_i32 = arith.constant 0 : i32
    %c0_i32_0 = arith.constant 0 : i32
    %c0_i32_1 = arith.constant 0 : i32
    return %c0_i32, %c0_i32_0 : i32, i32
  }
  func.func @transform_8(%arg0: i32) -> (i32, i32) {
    %c0_i32 = arith.constant 0 : i32
    %c0_i32_0 = arith.constant 0 : i32
    return %arg0, %c0_i32 : i32, i32
  }
  func.func @transform_9(%arg0: i32) -> (i32, i32) {
    %c0_i32 = arith.constant 0 : i32
    %c0_i32_0 = arith.constant 0 : i32
    return %arg0, %c0_i32 : i32, i32
  }
}

module attributes {stable_mosaic.version = 14 : i64} {
  func.func @_edge_body(%arg0: i32, %arg1: memref<2560x64xi32, #tpu.memory_space<vmem>>, %arg2: memref<16x2560xf32, #tpu.memory_space<vmem>>, %arg3: memref<16x128xf32, #tpu.memory_space<vmem>>, %arg4: memref<1x128xf32, #tpu.memory_space<vmem>>, %arg5: memref<128x128xf32, #tpu.memory_space<vmem>>, %arg6: memref<1x128xf32, #tpu.memory_space<vmem>>, %arg7: memref<1x128xf32, #tpu.memory_space<vmem>>, %arg8: memref<1x1xf32, #tpu.memory_space<vmem>>, %arg9: memref<2560x128xf32, #tpu.memory_space<vmem>>, %arg10: memref<2560x64xi32, #tpu.memory_space<vmem>>) attributes {dimension_semantics = [#tpu.dimension_semantics<arbitrary>], iteration_bounds = array<i64: 61>, scalar_prefetch = 0 : i64, scratch_operands = 0 : i64, tpu.core_type = #tpu.core_type<tc>, window_params = [{transform_indices = @transform_0, window_bounds = array<i64: 2560, 64>}, {transform_indices = @transform_1, window_bounds = array<i64: 16, 2560>}, {pipeline_mode = #tpu.pipeline_mode<synchronous>, transform_indices = @transform_2, window_bounds = array<i64: 16, 128>}, {pipeline_mode = #tpu.pipeline_mode<synchronous>, transform_indices = @transform_3, window_bounds = array<i64: 1, 128>}, {pipeline_mode = #tpu.pipeline_mode<synchronous>, transform_indices = @transform_4, window_bounds = array<i64: 128, 128>}, {pipeline_mode = #tpu.pipeline_mode<synchronous>, transform_indices = @transform_5, window_bounds = array<i64: 1, 128>}, {pipeline_mode = #tpu.pipeline_mode<synchronous>, transform_indices = @transform_6, window_bounds = array<i64: 1, 128>}, {pipeline_mode = #tpu.pipeline_mode<synchronous>, transform_indices = @transform_7, window_bounds = array<i64: 1, 1>}, {transform_indices = @transform_8, window_bounds = array<i64: 2560, 128>}, {transform_indices = @transform_9, window_bounds = array<i64: 2560, 64>}]} {
    %get3A = arith.constant 0 : index
    %get3A_0 = arith.constant 0 : index
    %get3A_1 = vector.load %arg1[%get3A, %get3A_0] : memref<2560x64xi32, #tpu.memory_space<vmem>>, vector<2560x64xi32>
    %shift_left3A = arith.constant 16 : i32
    %shift_left3A_2 = vector.broadcast %shift_left3A : i32 to vector<2560x64xi32>
    %shift_left3A_3 = arith.shli %get3A_1, %shift_left3A_2 : vector<2560x64xi32>
    %bitcast_convert_type3A = tpu.bitcast %shift_left3A_3 : vector<2560x64xi32> -> vector<2560x64xf32>
    %and3A = arith.constant -65536 : i32
    %and3A_4 = vector.broadcast %and3A : i32 to vector<2560x64xi32>
    %and3A_5 = arith.andi %get3A_1, %and3A_4 : vector<2560x64xi32>
    %bitcast_convert_type3A_6 = tpu.bitcast %and3A_5 : vector<2560x64xi32> -> vector<2560x64xf32>
    %get3A_7 = arith.constant 0 : index
    %get3A_8 = arith.constant 0 : index
    %get3A_9 = vector.load %arg2[%get3A_7, %get3A_8] : memref<16x2560xf32, #tpu.memory_space<vmem>>, vector<16x2560xf32>
    %get3A_10 = arith.constant 0 : index
    %get3A_11 = arith.constant 0 : index
    %get3A_12 = vector.load %arg3[%get3A_10, %get3A_11] : memref<16x128xf32, #tpu.memory_space<vmem>>, vector<16x128xf32>
    %dot_general3A = arith.constant dense<0.000000e+00> : vector<2560x128xf32>
    %dot_general3A_13 = tpu.matmul %get3A_9, %get3A_12, %dot_general3A {dimension_numbers = #tpu.dot_dimension_numbers<[0], [0], [1], [1], [0, 1, 1, 1], [], []>, transpose_lhs_hint = false} : vector<16x2560xf32>, vector<16x128xf32>, vector<2560x128xf32> -> vector<2560x128xf32>
    %concatenate3A = tpu.concatenate %bitcast_convert_type3A, %bitcast_convert_type3A_6 in 1 : vector<2560x64xf32>, vector<2560x64xf32> -> vector<2560x128xf32>
    %add3A = arith.addf %concatenate3A, %dot_general3A_13 : vector<2560x128xf32>
    %get3A_14 = arith.constant 0 : index
    %get3A_15 = arith.constant 0 : index
    %get3A_16 = vector.load %arg4[%get3A_14, %get3A_15] : memref<1x128xf32, #tpu.memory_space<vmem>>, vector<1x128xf32>
    %add3A_17 = vector.broadcast %get3A_16 : vector<1x128xf32> to vector<2560x128xf32>
    %add3A_18 = arith.addf %add3A, %add3A_17 : vector<2560x128xf32>
    %logistic3A = arith.negf %add3A_18 : vector<2560x128xf32>
    %logistic3A_19 = math.exp %logistic3A : vector<2560x128xf32>
    %logistic3A_20 = arith.constant 1.000000e+00 : f32
    %logistic3A_21 = vector.broadcast %logistic3A_20 : f32 to vector<2560x128xf32>
    %logistic3A_22 = arith.addf %logistic3A_21, %logistic3A_19 : vector<2560x128xf32>
    %logistic3A_23 = arith.divf %logistic3A_21, %logistic3A_22 : vector<2560x128xf32>
    %mul3A = arith.mulf %add3A_18, %logistic3A_23 : vector<2560x128xf32>
    %get3A_24 = arith.constant 0 : index
    %get3A_25 = arith.constant 0 : index
    %get3A_26 = vector.load %arg5[%get3A_24, %get3A_25] : memref<128x128xf32, #tpu.memory_space<vmem>>, vector<128x128xf32>
    %dot_general3A_27 = arith.constant dense<0.000000e+00> : vector<2560x128xf32>
    %dot_general3A_28 = tpu.matmul %mul3A, %get3A_26, %dot_general3A_27 {dimension_numbers = #tpu.dot_dimension_numbers<[1], [0], [0], [1], [0, 0, 1, 1], [], []>, transpose_lhs_hint = false} : vector<2560x128xf32>, vector<128x128xf32>, vector<2560x128xf32> -> vector<2560x128xf32>
    %get3A_29 = arith.constant 0 : index
    %get3A_30 = arith.constant 0 : index
    %get3A_31 = vector.load %arg6[%get3A_29, %get3A_30] : memref<1x128xf32, #tpu.memory_space<vmem>>, vector<1x128xf32>
    %add3A_32 = vector.broadcast %get3A_31 : vector<1x128xf32> to vector<2560x128xf32>
    %add3A_33 = arith.addf %dot_general3A_28, %add3A_32 : vector<2560x128xf32>
    %logistic3A_34 = arith.negf %add3A_33 : vector<2560x128xf32>
    %logistic3A_35 = math.exp %logistic3A_34 : vector<2560x128xf32>
    %logistic3A_36 = arith.constant 1.000000e+00 : f32
    %logistic3A_37 = vector.broadcast %logistic3A_36 : f32 to vector<2560x128xf32>
    %logistic3A_38 = arith.addf %logistic3A_37, %logistic3A_35 : vector<2560x128xf32>
    %logistic3A_39 = arith.divf %logistic3A_37, %logistic3A_38 : vector<2560x128xf32>
    %mul3A_40 = arith.mulf %add3A_33, %logistic3A_39 : vector<2560x128xf32>
    %get3A_41 = arith.constant 0 : index
    %get3A_42 = arith.constant 0 : index
    %get3A_43 = vector.load %arg7[%get3A_41, %get3A_42] : memref<1x128xf32, #tpu.memory_space<vmem>>, vector<1x128xf32>
    %mul3A_44 = vector.broadcast %get3A_43 : vector<1x128xf32> to vector<2560x128xf32>
    %mul3A_45 = arith.mulf %mul3A_40, %mul3A_44 : vector<2560x128xf32>
    %reduce_sum3A = arith.constant dense<0.000000e+00> : vector<2560xf32>
    %reduce_sum3A_46 = vector.multi_reduction <add>, %mul3A_45, %reduce_sum3A [1] : vector<2560x128xf32> to vector<2560xf32>
    %broadcast_in_dim3A = vector.shape_cast %reduce_sum3A_46 : vector<2560xf32> to vector<2560x1xf32>
    %get3A_47 = arith.constant 0 : index
    %get3A_48 = arith.constant 0 : index
    %get3A_49 = vector.load %arg8[%get3A_47, %get3A_48] : memref<1x1xf32, #tpu.memory_space<vmem>>, vector<1x1xf32>
    %get3A_50 = vector.extract %get3A_49[0, 0] : f32 from vector<1x1xf32>
    %add3A_51 = vector.broadcast %get3A_50 : f32 to vector<2560x1xf32>
    %add3A_52 = arith.addf %broadcast_in_dim3A, %add3A_51 : vector<2560x1xf32>
    %logistic3A_53 = arith.negf %add3A_52 : vector<2560x1xf32>
    %logistic3A_54 = math.exp %logistic3A_53 : vector<2560x1xf32>
    %logistic3A_55 = arith.constant 1.000000e+00 : f32
    %logistic3A_56 = vector.broadcast %logistic3A_55 : f32 to vector<2560x1xf32>
    %logistic3A_57 = arith.addf %logistic3A_56, %logistic3A_54 : vector<2560x1xf32>
    %logistic3A_58 = arith.divf %logistic3A_56, %logistic3A_57 : vector<2560x1xf32>
    %swap3A = arith.constant 0 : index
    %swap3A_59 = arith.constant 0 : index
    %swap3A_60 = vector.load %arg9[%swap3A, %swap3A_59] : memref<2560x128xf32, #tpu.memory_space<vmem>>, vector<2560x128xf32>
    tpu.vector_store %arg9[%swap3A, %swap3A_59], %mul3A_40 {strides = array<i32>} : memref<2560x128xf32, #tpu.memory_space<vmem>>, vector<2560x128xf32>,
    %mul3A_61 = vector.broadcast %logistic3A_58 : vector<2560x1xf32> to vector<2560x128xf32>
    %mul3A_62 = arith.mulf %mul3A_40, %mul3A_61 : vector<2560x128xf32>
    %slice3A = vector.extract_strided_slice %mul3A_62 {offsets = [0, 0], sizes = [2560, 64], strides = [1, 1]} : vector<2560x128xf32> to vector<2560x64xf32>
    %bitcast_convert_type3A_63 = tpu.bitcast %slice3A : vector<2560x64xf32> -> vector<2560x64xi32>
    %add3A_64 = arith.constant 32768 : i32
    %add3A_65 = vector.broadcast %add3A_64 : i32 to vector<2560x64xi32>
    %add3A_66 = arith.addi %bitcast_convert_type3A_63, %add3A_65 : vector<2560x64xi32>
    %shift_right_logical3A = arith.constant 16 : i32
    %shift_right_logical3A_67 = vector.broadcast %shift_right_logical3A : i32 to vector<2560x64xi32>
    %shift_right_logical3A_68 = arith.shrui %add3A_66, %shift_right_logical3A_67 : vector<2560x64xi32>
    %slice3A_69 = vector.extract_strided_slice %mul3A_62 {offsets = [0, 64], sizes = [2560, 64], strides = [1, 1]} : vector<2560x128xf32> to vector<2560x64xf32>
    %bitcast_convert_type3A_70 = tpu.bitcast %slice3A_69 : vector<2560x64xf32> -> vector<2560x64xi32>
    %add3A_71 = arith.constant 32768 : i32
    %add3A_72 = vector.broadcast %add3A_71 : i32 to vector<2560x64xi32>
    %add3A_73 = arith.addi %bitcast_convert_type3A_70, %add3A_72 : vector<2560x64xi32>
    %and3A_74 = arith.constant -65536 : i32
    %and3A_75 = vector.broadcast %and3A_74 : i32 to vector<2560x64xi32>
    %and3A_76 = arith.andi %add3A_73, %and3A_75 : vector<2560x64xi32>
    %or3A = arith.ori %and3A_76, %shift_right_logical3A_68 : vector<2560x64xi32>
    %swap3A_77 = arith.constant 0 : index
    %swap3A_78 = arith.constant 0 : index
    %swap3A_79 = vector.load %arg10[%swap3A_77, %swap3A_78] : memref<2560x64xi32, #tpu.memory_space<vmem>>, vector<2560x64xi32>
    tpu.vector_store %arg10[%swap3A_77, %swap3A_78], %or3A {strides = array<i32>} : memref<2560x64xi32, #tpu.memory_space<vmem>>, vector<2560x64xi32>,
    return
  }
  func.func @transform_0(%arg0: i32) -> (i32, i32) {
    %c0_i32 = arith.constant 0 : i32
    %c0_i32_0 = arith.constant 0 : i32
    return %arg0, %c0_i32 : i32, i32
  }
  func.func @transform_1(%arg0: i32) -> (i32, i32) {
    %c0_i32 = arith.constant 0 : i32
    %c0_i32_0 = arith.constant 0 : i32
    return %c0_i32, %arg0 : i32, i32
  }
  func.func @transform_2(%arg0: i32) -> (i32, i32) {
    %c0_i32 = arith.constant 0 : i32
    %c0_i32_0 = arith.constant 0 : i32
    %c0_i32_1 = arith.constant 0 : i32
    return %c0_i32, %c0_i32_0 : i32, i32
  }
  func.func @transform_3(%arg0: i32) -> (i32, i32) {
    %c0_i32 = arith.constant 0 : i32
    %c0_i32_0 = arith.constant 0 : i32
    %c0_i32_1 = arith.constant 0 : i32
    return %c0_i32, %c0_i32_0 : i32, i32
  }
  func.func @transform_4(%arg0: i32) -> (i32, i32) {
    %c0_i32 = arith.constant 0 : i32
    %c0_i32_0 = arith.constant 0 : i32
    %c0_i32_1 = arith.constant 0 : i32
    return %c0_i32, %c0_i32_0 : i32, i32
  }
  func.func @transform_5(%arg0: i32) -> (i32, i32) {
    %c0_i32 = arith.constant 0 : i32
    %c0_i32_0 = arith.constant 0 : i32
    %c0_i32_1 = arith.constant 0 : i32
    return %c0_i32, %c0_i32_0 : i32, i32
  }
  func.func @transform_6(%arg0: i32) -> (i32, i32) {
    %c0_i32 = arith.constant 0 : i32
    %c0_i32_0 = arith.constant 0 : i32
    %c0_i32_1 = arith.constant 0 : i32
    return %c0_i32, %c0_i32_0 : i32, i32
  }
  func.func @transform_7(%arg0: i32) -> (i32, i32) {
    %c0_i32 = arith.constant 0 : i32
    %c0_i32_0 = arith.constant 0 : i32
    %c0_i32_1 = arith.constant 0 : i32
    return %c0_i32, %c0_i32_0 : i32, i32
  }
  func.func @transform_8(%arg0: i32) -> (i32, i32) {
    %c0_i32 = arith.constant 0 : i32
    %c0_i32_0 = arith.constant 0 : i32
    return %arg0, %c0_i32 : i32, i32
  }
  func.func @transform_9(%arg0: i32) -> (i32, i32) {
    %c0_i32 = arith.constant 0 : i32
    %c0_i32_0 = arith.constant 0 : i32
    return %arg0, %c0_i32 : i32, i32
  }
}

module attributes {stable_mosaic.version = 14 : i64} {
  func.func @_node_body(%arg0: i32, %arg1: memref<2000x128xf32, #tpu.memory_space<vmem>>, %arg2: memref<2000x128xf32, #tpu.memory_space<vmem>>, %arg3: memref<2000x128xf32, #tpu.memory_space<vmem>>, %arg4: memref<2000x128xf32, #tpu.memory_space<vmem>>, %arg5: memref<2000x128xf32, #tpu.memory_space<vmem>>, %arg6: memref<2000x1xf32, #tpu.memory_space<vmem>>, %arg7: memref<128x128xf32, #tpu.memory_space<vmem>>, %arg8: memref<128x128xf32, #tpu.memory_space<vmem>>, %arg9: memref<1x128xf32, #tpu.memory_space<vmem>>, %arg10: memref<128x128xf32, #tpu.memory_space<vmem>>, %arg11: memref<1x128xf32, #tpu.memory_space<vmem>>, %arg12: memref<1x1xf32, #tpu.memory_space<vmem>>, %arg13: memref<2000x128xf32, #tpu.memory_space<vmem>>) attributes {dimension_semantics = [#tpu.dimension_semantics<arbitrary>], iteration_bounds = array<i64: 5>, scalar_prefetch = 0 : i64, scratch_operands = 0 : i64, tpu.core_type = #tpu.core_type<tc>, window_params = [{transform_indices = @transform_0, window_bounds = array<i64: 2000, 128>}, {transform_indices = @transform_1, window_bounds = array<i64: 2000, 128>}, {transform_indices = @transform_2, window_bounds = array<i64: 2000, 128>}, {transform_indices = @transform_3, window_bounds = array<i64: 2000, 128>}, {transform_indices = @transform_4, window_bounds = array<i64: 2000, 128>}, {transform_indices = @transform_5, window_bounds = array<i64: 2000, 1>}, {pipeline_mode = #tpu.pipeline_mode<synchronous>, transform_indices = @transform_6, window_bounds = array<i64: 128, 128>}, {pipeline_mode = #tpu.pipeline_mode<synchronous>, transform_indices = @transform_7, window_bounds = array<i64: 128, 128>}, {pipeline_mode = #tpu.pipeline_mode<synchronous>, transform_indices = @transform_8, window_bounds = array<i64: 1, 128>}, {pipeline_mode = #tpu.pipeline_mode<synchronous>, transform_indices = @transform_9, window_bounds = array<i64: 128, 128>}, {pipeline_mode = #tpu.pipeline_mode<synchronous>, transform_indices = @transform_10, window_bounds = array<i64: 1, 128>}, {pipeline_mode = #tpu.pipeline_mode<synchronous>, transform_indices = @transform_11, window_bounds = array<i64: 1, 1>}, {transform_indices = @transform_12, window_bounds = array<i64: 2000, 128>}]} {
    %get3A = arith.constant 0 : index
    %get3A_0 = arith.constant 0 : index
    %get3A_1 = vector.load %arg1[%get3A, %get3A_0] : memref<2000x128xf32, #tpu.memory_space<vmem>>, vector<2000x128xf32>
    %get3A_2 = arith.constant 0 : index
    %get3A_3 = arith.constant 0 : index
    %get3A_4 = vector.load %arg2[%get3A_2, %get3A_3] : memref<2000x128xf32, #tpu.memory_space<vmem>>, vector<2000x128xf32>
    %get3A_5 = arith.constant 0 : index
    %get3A_6 = arith.constant 0 : index
    %get3A_7 = vector.load %arg3[%get3A_5, %get3A_6] : memref<2000x128xf32, #tpu.memory_space<vmem>>, vector<2000x128xf32>
    %add3A = arith.addf %get3A_4, %get3A_7 : vector<2000x128xf32>
    %get3A_8 = arith.constant 0 : index
    %get3A_9 = arith.constant 0 : index
    %get3A_10 = vector.load %arg4[%get3A_8, %get3A_9] : memref<2000x128xf32, #tpu.memory_space<vmem>>, vector<2000x128xf32>
    %get3A_11 = arith.constant 0 : index
    %get3A_12 = arith.constant 0 : index
    %get3A_13 = vector.load %arg5[%get3A_11, %get3A_12] : memref<2000x128xf32, #tpu.memory_space<vmem>>, vector<2000x128xf32>
    %add3A_14 = arith.addf %get3A_10, %get3A_13 : vector<2000x128xf32>
    %add3A_15 = arith.addf %add3A, %add3A_14 : vector<2000x128xf32>
    %get3A_16 = arith.constant 0 : index
    %get3A_17 = arith.constant 0 : index
    %get3A_18 = vector.load %arg12[%get3A_16, %get3A_17] : memref<1x1xf32, #tpu.memory_space<vmem>>, vector<1x1xf32>
    %get3A_19 = vector.extract %get3A_18[0, 0] : f32 from vector<1x1xf32>
    %mul3A = vector.broadcast %get3A_19 : f32 to vector<2000x128xf32>
    %mul3A_20 = arith.mulf %add3A_15, %mul3A : vector<2000x128xf32>
    %get3A_21 = arith.constant 0 : index
    %get3A_22 = arith.constant 0 : index
    %get3A_23 = vector.load %arg7[%get3A_21, %get3A_22] : memref<128x128xf32, #tpu.memory_space<vmem>>, vector<128x128xf32>
    %dot_general3A = arith.constant dense<0.000000e+00> : vector<2000x128xf32>
    %dot_general3A_24 = tpu.matmul %get3A_1, %get3A_23, %dot_general3A {dimension_numbers = #tpu.dot_dimension_numbers<[1], [0], [0], [1], [0, 0, 1, 1], [], []>, transpose_lhs_hint = false} : vector<2000x128xf32>, vector<128x128xf32>, vector<2000x128xf32> -> vector<2000x128xf32>
    %get3A_25 = arith.constant 0 : index
    %get3A_26 = arith.constant 0 : index
    %get3A_27 = vector.load %arg8[%get3A_25, %get3A_26] : memref<128x128xf32, #tpu.memory_space<vmem>>, vector<128x128xf32>
    %dot_general3A_28 = arith.constant dense<0.000000e+00> : vector<2000x128xf32>
    %dot_general3A_29 = tpu.matmul %mul3A_20, %get3A_27, %dot_general3A_28 {dimension_numbers = #tpu.dot_dimension_numbers<[1], [0], [0], [1], [0, 0, 1, 1], [], []>, transpose_lhs_hint = false} : vector<2000x128xf32>, vector<128x128xf32>, vector<2000x128xf32> -> vector<2000x128xf32>
    %add3A_30 = arith.addf %dot_general3A_24, %dot_general3A_29 : vector<2000x128xf32>
    %get3A_31 = arith.constant 0 : index
    %get3A_32 = arith.constant 0 : index
    %get3A_33 = vector.load %arg9[%get3A_31, %get3A_32] : memref<1x128xf32, #tpu.memory_space<vmem>>, vector<1x128xf32>
    %add3A_34 = vector.broadcast %get3A_33 : vector<1x128xf32> to vector<2000x128xf32>
    %add3A_35 = arith.addf %add3A_30, %add3A_34 : vector<2000x128xf32>
    %logistic3A = arith.negf %add3A_35 : vector<2000x128xf32>
    %logistic3A_36 = math.exp %logistic3A : vector<2000x128xf32>
    %logistic3A_37 = arith.constant 1.000000e+00 : f32
    %logistic3A_38 = vector.broadcast %logistic3A_37 : f32 to vector<2000x128xf32>
    %logistic3A_39 = arith.addf %logistic3A_38, %logistic3A_36 : vector<2000x128xf32>
    %logistic3A_40 = arith.divf %logistic3A_38, %logistic3A_39 : vector<2000x128xf32>
    %mul3A_41 = arith.mulf %add3A_35, %logistic3A_40 : vector<2000x128xf32>
    %get3A_42 = arith.constant 0 : index
    %get3A_43 = arith.constant 0 : index
    %get3A_44 = vector.load %arg10[%get3A_42, %get3A_43] : memref<128x128xf32, #tpu.memory_space<vmem>>, vector<128x128xf32>
    %dot_general3A_45 = arith.constant dense<0.000000e+00> : vector<2000x128xf32>
    %dot_general3A_46 = tpu.matmul %mul3A_41, %get3A_44, %dot_general3A_45 {dimension_numbers = #tpu.dot_dimension_numbers<[1], [0], [0], [1], [0, 0, 1, 1], [], []>, transpose_lhs_hint = false} : vector<2000x128xf32>, vector<128x128xf32>, vector<2000x128xf32> -> vector<2000x128xf32>
    %add3A_47 = arith.addf %get3A_1, %dot_general3A_46 : vector<2000x128xf32>
    %get3A_48 = arith.constant 0 : index
    %get3A_49 = arith.constant 0 : index
    %get3A_50 = vector.load %arg11[%get3A_48, %get3A_49] : memref<1x128xf32, #tpu.memory_space<vmem>>, vector<1x128xf32>
    %add3A_51 = vector.broadcast %get3A_50 : vector<1x128xf32> to vector<2000x128xf32>
    %add3A_52 = arith.addf %add3A_47, %add3A_51 : vector<2000x128xf32>
    %get3A_53 = arith.constant 0 : index
    %get3A_54 = arith.constant 0 : index
    %get3A_55 = vector.load %arg6[%get3A_53, %get3A_54] : memref<2000x1xf32, #tpu.memory_space<vmem>>, vector<2000x1xf32>
    %mul3A_56 = vector.broadcast %get3A_55 : vector<2000x1xf32> to vector<2000x128xf32>
    %mul3A_57 = arith.mulf %add3A_52, %mul3A_56 : vector<2000x128xf32>
    %swap3A = arith.constant 0 : index
    %swap3A_58 = arith.constant 0 : index
    %swap3A_59 = vector.load %arg13[%swap3A, %swap3A_58] : memref<2000x128xf32, #tpu.memory_space<vmem>>, vector<2000x128xf32>
    tpu.vector_store %arg13[%swap3A, %swap3A_58], %mul3A_57 {strides = array<i32>} : memref<2000x128xf32, #tpu.memory_space<vmem>>, vector<2000x128xf32>,
    return
  }
  func.func @transform_0(%arg0: i32) -> (i32, i32) {
    %c0_i32 = arith.constant 0 : i32
    %c0_i32_0 = arith.constant 0 : i32
    return %arg0, %c0_i32 : i32, i32
  }
  func.func @transform_1(%arg0: i32) -> (i32, i32) {
    %c0_i32 = arith.constant 0 : i32
    %c0_i32_0 = arith.constant 0 : i32
    return %arg0, %c0_i32 : i32, i32
  }
  func.func @transform_2(%arg0: i32) -> (i32, i32) {
    %c0_i32 = arith.constant 0 : i32
    %c0_i32_0 = arith.constant 0 : i32
    return %arg0, %c0_i32 : i32, i32
  }
  func.func @transform_3(%arg0: i32) -> (i32, i32) {
    %c0_i32 = arith.constant 0 : i32
    %c0_i32_0 = arith.constant 0 : i32
    return %arg0, %c0_i32 : i32, i32
  }
  func.func @transform_4(%arg0: i32) -> (i32, i32) {
    %c0_i32 = arith.constant 0 : i32
    %c0_i32_0 = arith.constant 0 : i32
    return %arg0, %c0_i32 : i32, i32
  }
  func.func @transform_5(%arg0: i32) -> (i32, i32) {
    %c0_i32 = arith.constant 0 : i32
    %c0_i32_0 = arith.constant 0 : i32
    return %arg0, %c0_i32 : i32, i32
  }
  func.func @transform_6(%arg0: i32) -> (i32, i32) {
    %c0_i32 = arith.constant 0 : i32
    %c0_i32_0 = arith.constant 0 : i32
    %c0_i32_1 = arith.constant 0 : i32
    return %c0_i32, %c0_i32_0 : i32, i32
  }
  func.func @transform_7(%arg0: i32) -> (i32, i32) {
    %c0_i32 = arith.constant 0 : i32
    %c0_i32_0 = arith.constant 0 : i32
    %c0_i32_1 = arith.constant 0 : i32
    return %c0_i32, %c0_i32_0 : i32, i32
  }
  func.func @transform_8(%arg0: i32) -> (i32, i32) {
    %c0_i32 = arith.constant 0 : i32
    %c0_i32_0 = arith.constant 0 : i32
    %c0_i32_1 = arith.constant 0 : i32
    return %c0_i32, %c0_i32_0 : i32, i32
  }
  func.func @transform_9(%arg0: i32) -> (i32, i32) {
    %c0_i32 = arith.constant 0 : i32
    %c0_i32_0 = arith.constant 0 : i32
    %c0_i32_1 = arith.constant 0 : i32
    return %c0_i32, %c0_i32_0 : i32, i32
  }
  func.func @transform_10(%arg0: i32) -> (i32, i32) {
    %c0_i32 = arith.constant 0 : i32
    %c0_i32_0 = arith.constant 0 : i32
    %c0_i32_1 = arith.constant 0 : i32
    return %c0_i32, %c0_i32_0 : i32, i32
  }
  func.func @transform_11(%arg0: i32) -> (i32, i32) {
    %c0_i32 = arith.constant 0 : i32
    %c0_i32_0 = arith.constant 0 : i32
    %c0_i32_1 = arith.constant 0 : i32
    return %c0_i32, %c0_i32_0 : i32, i32
  }
  func.func @transform_12(%arg0: i32) -> (i32, i32) {
    %c0_i32 = arith.constant 0 : i32
    %c0_i32_0 = arith.constant 0 : i32
    return %arg0, %c0_i32 : i32, i32
  }
}

</mosaic_0001>

<sc_bundles>
// kernel: kernel.10.cloned.1.call-start
scs
__scs_entry_jumppad:
0x0: {  	(pc) =	sbr.rel $0x88, $3  }
0x1: {  	(tag) =	ssettag $0x0;
	lr =	simm.s32 $0x1  }
0x2: {  	[smem:$0x3F93] =	sst lr;
	_ =	strace $0xD0000000  }
0x3: {  	_ = 	snop  }
0x4: {  	_ = 	snop  }
0x5: {  	_ = 	snop  }
0x6: {  	_ = 	snop  }
0x7: {  	_ = 	snop  }
__scs_overlays_trampoline_lowered:
0x8: {  	[smem:$0x3FA2] =	sst s0  }
0x9: {  	[smem:$0x3FA3] =	sst s1  }
0xa: {  	[smem:$0x3FA4] =	sst s2  }
0xb: {  	[smem:$0x3FA5] =	sst s3  }
0xc: {  	[smem:$0x3FA6] =	sst s4  }
0xd: {  	[smem:$0x3FA7] =	sst s5  }
0xe: {  	[smem:$0x3FA8] =	sst s6  }
0xf: {  	[smem:$0x3FA9] =	sst s7  }
0x10: {  	[smem:$0x3FAA] =	sst s8  }
0x11: {  	[smem:$0x3FAB] =	sst s9;
	s0 =	simm.s32 @!p0 $0x0  }
0x12: {  	s1 =	sld [smem:$0x3F91];
	s0 =	simm.s32 @p0 $0x1  }
0x13: {  	[smem:$0x3FAC] =	sst s0;
	s0 =	simm.s32 @!p1 $0x0  }
0x14: {  	s2 =	sld [smem:$0x3F90];
	s0 =	simm.s32 @p1 $0x1  }
0x15: {  	[smem:$0x3FAD] =	sst s0;
	s0 =	simm.s32 @!p2 $0x0  }
0x16: {  	s3 =	sld [smem:$0x3FDB];
	s0 =	simm.s32 @p2 $0x1  }
0x17: {  	s4 =	simm.s32 $0x1BF5;
	[smem:$0x3FAF] =	sst s0  }
0x18: {  	s0 =	sld [smem:$0x3F92];
	_ =	swait.ge [sflag:s4], $0x0  }
0x19: {  	s7 =	sld [smem:$0x3F93]  }
0x1a: {  	s8 =	sadd.s32 $0xFFFFE003, lr  }
0x1b: {  	s9 =	sadd.s32 $0xFFFFFEF7, lr;
	s5 =	simm.s32 $0xFFFFFFFF;
	p2 =	slt.u32 s8, $0xFFFFF086  }
0x1c: {  	p1 =	slt.u32 s9, $0xF7A;
	s5 =	simm.s32 @!p2 $0x0  }
0x1d: {  	s5 =	simm.s32 @p1 $0x1;
	p0 =	seq.s32 s7, s2  }
0x1e: {  	s7 =	smul.u32 @!p0 $0xF7A, s2;
	p2 =	seq.s32 @!p0 s5, $0x0  }
0x1f: {  	s9 =	smul.u32 $0xF7A, s1;
	s8 =	simm.s32 @!p0 $0x1BF5;
	p2 =	por !p2, p0  }
0x20: {  	[sflag:s8] =	ssyncset.s32 @!p0 $0xFFFFF086;
	s6 =	sadd.s32 @!p0 s3, s7;
	s7 =	simm.s32 @!p0 $0x108  }
0x21: {  	s3 =	sadd.s32 s3, s9;
	s6 =	sadd.s32 @!p0 $0x88, s6;
	s7 =	simm.s32 @p2 $0x1082  }
0x22: {  	[simem:s7], [sflag:s8] =	dma.local @!p0 [hbm:s6], $0xF7A  }
0x23: {  	s9 =	sor.u32 $0xD0000000, s2;
	s6 =	simm.s32 $0x108;
	_ =	swait.ge @!p0 [sflag:s8], $0x0  }
0x24: {  	s3 =	sadd.s32 $0x88, s3;
	s6 =	simm.s32 @!p1 $0x1082;
	[sflag:s4] =	ssyncset.s32 $0xFFFFF086  }
0x25: {  	[simem:s6], [sflag:s4] =	dma.local [hbm:s3], $0xF7A  }
0x26: {  	[smem:$0x3F93] =	sst s1;
	(tag) =	ssettag s2;
	_ =	strace s9  }
0x27: {  	s1 =	sld [smem:$0x3FA3]  }
0x28: {  	s2 =	sld [smem:$0x3FA4]  }
0x29: {  	s4 =	sld [smem:$0x3FA6]  }
0x2a: {  	p0 =	seq.s32 s5, $0x0;
	s5 =	sld [smem:$0x3FA7]  }
0x2b: {  	s6 =	sld [smem:$0x3FA8]  }
0x2c: {  	s7 =	sld [smem:$0x3FA9]  }
0x2d: {  	s3 =	simm.s32 $0x108;
	s8 =	sld [smem:$0x3FAA]  }
0x2e: {  	s3 =	simm.s32 @!p0 $0x1082;
	s9 =	sld [smem:$0x3FAB]  }
0x2f: {  	lr =	sadd.s32 s0, s3;
	s0 =	sld [smem:$0x3FA2]  }
0x30: {  	s3 =	sld [smem:$0x3FA5]  }
0x31: {  	[smem:$0x3FAE] =	sst s10  }
0x32: {  	s10 =	sld [smem:$0x3FAC];
	_ =	sdelay $0x3  }
0x33: {  	p0 =	seq.s32 s10, $0x1;
	s10 =	sld [smem:$0x3FAE];
	_ =	sdelay $0x3  }
0x34: {  	[smem:$0x3FAE] =	sst s10  }
0x35: {  	s10 =	sld [smem:$0x3FAD];
	_ =	sdelay $0x3  }
0x36: {  	p1 =	seq.s32 s10, $0x1;
	s10 =	sld [smem:$0x3FAE];
	_ =	sdelay $0x3  }
0x37: {  	[smem:$0x3FAE] =	sst s10  }
0x38: {  	s10 =	sld [smem:$0x3FAF]  }
0x39: {  	_ = 	snop;
	(pc) =	sbr.ind lr, $3  }
0x3a: {  	_ = 	snop  }
0x3b: {  	_ = 	snop  }
0x3c: {  	p2 =	seq.s32 s10, $0x1;
	s10 =	sld [smem:$0x3FAE]  }
0x3d: {  	_ =	shalt  }
0x3e: {  	_ =	shalt  }
0x3f: {  	_ =	shalt  }
0x40: {  	_ =	shalt  }
0x41: {  	_ =	shalt  }
0x42: {  	_ =	shalt  }
0x43: {  	_ =	shalt  }
0x44: {  	_ =	shalt  }
0x45: {  	_ =	shalt  }
0x46: {  	_ =	shalt  }
0x47: {  	_ =	shalt  }
0x48: {  	_ =	shalt  }
0x49: {  	_ =	shalt  }
0x4a: {  	_ =	shalt  }
0x4b: {  	_ =	shalt  }
0x4c: {  	_ =	shalt  }
0x4d: {  	_ =	shalt  }
0x4e: {  	_ =	shalt  }
0x4f: {  	_ =	shalt  }
0x50: {  	_ =	shalt  }
0x51: {  	_ =	shalt  }
0x52: {  	_ =	shalt  }
0x53: {  	_ =	shalt  }
0x54: {  	_ =	shalt  }
0x55: {  	_ =	shalt  }
0x56: {  	_ =	shalt  }
0x57: {  	_ =	shalt  }
0x58: {  	_ =	shalt  }
0x59: {  	_ =	shalt  }
0x5a: {  	_ =	shalt  }
0x5b: {  	_ =	shalt  }
0x5c: {  	_ =	shalt  }
0x5d: {  	_ =	shalt  }
0x5e: {  	_ =	shalt  }
0x5f: {  	_ =	shalt  }
0x60: {  	_ =	shalt  }
0x61: {  	_ =	shalt  }
0x62: {  	_ =	shalt  }
0x63: {  	_ =	shalt  }
0x64: {  	_ =	shalt  }
0x65: {  	_ =	shalt  }
0x66: {  	_ =	shalt  }
0x67: {  	_ =	shalt  }
0x68: {  	_ =	shalt  }
0x69: {  	_ =	shalt  }
0x6a: {  	_ =	shalt  }
0x6b: {  	_ =	shalt  }
0x6c: {  	_ =	shalt  }
0x6d: {  	_ =	shalt  }
0x6e: {  	_ =	shalt  }
0x6f: {  	_ =	shalt  }
0x70: {  	_ =	shalt  }
0x71: {  	_ =	shalt  }
0x72: {  	_ =	shalt  }
0x73: {  	_ =	shalt  }
0x74: {  	_ =	shalt  }
0x75: {  	_ =	shalt  }
0x76: {  	_ =	shalt  }
0x77: {  	_ =	shalt  }
0x78: {  	_ =	shalt  }
0x79: {  	_ =	shalt  }
0x7a: {  	_ =	shalt  }
0x7b: {  	_ =	shalt  }
0x7c: {  	_ =	shalt  }
0x7d: {  	_ =	shalt  }
0x7e: {  	_ =	shalt  }
0x7f: {  	_ =	shalt  }
0x80: {  	_ =	shalt  }
0x81: {  	_ =	shalt  }
0x82: {  	_ =	shalt  }
0x83: {  	_ =	shalt  }
0x84: {  	_ =	shalt  }
0x85: {  	_ =	shalt  }
0x86: {  	_ =	shalt  }
0x87: {  	_ =	shalt  }
.Lfunc_end0:
.L_simem_size_0:
called_computation_lowered:
.L_overlay_start_0:
0x88: {  	s2 =	sld [smem:$0x3FD9]  }
0x89: {  	s3 =	sld [smem:$0x3FFE];
	_ =	sdelay $0x1  }
0x8a: {  	s1 =	srdreg.scid  }
0x8b: {  	s0 =	sand.u32 $0x1, s1  }
0x8c: {  	s14 =	sshll.u32 s0, $0xA;
	s2 =	sadd.s32 s3, s2  }
0x8d: {  	s2 =	sadd.s32 s2, s14  }
0x8e: {  	[smem:$0x3FBA] =	sst s2  }
0x8f: {  	_ = 	snop  }
0x90: {  	s2 =	sld [smem:$0x3FD0];
	_ =	sdelay $0x2  }
0x91: {  	s15 =	simm.s32 $0xB;
	s4 =	simm.s32 $0x10  }
0x92: {  	[smem:s4], [sflag:s15] =	dma.local [hbm:s2], $0x1  }
0x93: {  	_ =	swait.eq [sflag:s15], $0x1  }
0x94: {  	[sflag:s15] =	ssyncset.done $0x0  }
0x95: {  	s16 =	sld [smem:$0x10];
	[sflag:s15] =	ssyncadd.s32 $0xFFFFFFFF  }
0x96: {  	s17 =	sld [smem:$0x11];
	(tm) =	ssettm $0x1  }
0x97: {  	s18 =	sld [smem:$0x3FFB];
	_ =	sdelay $0x3  }
0x98: {  	_ =	strace s18  }
0x99: {  	s4 =	sld [smem:$0x3FFC];
	_ =	sdelay $0x3  }
0x9a: {  	_ =	strace s4  }
0x9b: {  	s4 =	sld [smem:$0x3FFD];
	_ =	sdelay $0x3  }
0x9c: {  	_ =	strace s4  }
0x9d: {  	_ =	strace $0x8FFFFFFF  }
0x9e: {  	s19 =	sld [smem:$0x3FDB];
	_ =	sdelay $0x1  }
0x9f: {  	s5 =	simm.s32 $_scs_section_size  }
0xa0: {  	s6 =	simm.s32 $_size__tile_overlayer_lowered;
	s7 =	simm.s32 $_tile_overlayer_lowered  }
0xa1: {  	s22 =	simm.s32 $0x1BFF;
	s21 =	sshll.u32 s7, $0x1;
	s4 =	sadd.s32 s5, s19  }
0xa2: {  	s8 =	simm.s32 $0x0;
	s20 =	sshll.u32 s6, $0x1;
	s6 =	sadd.s32 s21, s4  }
0xa3: {  	[timem:s8], [sflag:s22] =	dma.local [hbm:s6], s20  }
0xa4: {  	_ =	swait.ge [sflag:s22], s20  }
0xa5: {  	s5 =	ssub.s32 $0x0, s20;
	[sflag:s22] =	ssyncset.done $0x0  }
0xa6: {  	[sflag:s22] =	ssyncadd.s32 s5;
	_ =	sdelay $0x1  }
0xa7: {  	s23 =	simm.s32 $0x1B8B  }
0xa8: {  	_ =	swait.ge [sflag:s23], $0x1  }
0xa9: {  	[sflag:s23] =	ssyncset.done $0x0  }
0xaa: {  	s25 =	simm.s32 $0x1B8E;
	s24 =	sld [smem:$0x3FFE];
	[sflag:s23] =	ssyncadd.s32 $0xFFFFFFFF  }
0xab: {  	s26 =	simm.s32 $execute0_lowered;
	[smem:$0x3FD2] =	sst s25  }
0xac: {  	s6 =	sshll.u32 s26, $0x1;
	_ =	strace $0x80000046;
	[dreg:$0x1] =	wrdreg $0xFFFFFFFF  }
0xad: {  	s28 =	simm.s32 $_size_execute0_lowered;
	s4 =	sadd.s32 s4, s6;
	[dreg:$0x0] =	wrdreg $0x0  }
0xae: {  	s6 =	sshll.u32 s28, $0x1;
	[dreg:$0x2] =	wrdreg s4  }
0xaf: {  	[dreg:$0x3] =	wrdreg s6  }
0xb0: {  	[dreg:$0x4] =	wrdreg $0xC0  }
0xb1: {  	_ =	task [dreg:s8], $0x5FFFF  }
0xb2: {  	[dreg:$0x1] =	wrdreg $0xFFFFFFFF  }
0xb3: {  	[dreg:$0x0] =	wrdreg $0x60  }
0xb4: {  	[dreg:$0x2] =	wrdreg s16  }
0xb5: {  	[dreg:$0x3] =	wrdreg s24  }
0xb6: {  	[dreg:$0x4] =	wrdreg s17  }
0xb7: {  	[dreg:$0x5] =	wrdreg $0xA  }
0xb8: {  	_ =	task.clear_ibuf [dreg:s8], $0x6FFFF;
	_ =	strace $0x90000046  }
0xb9: {  	s29 =	simm.s32 $0xA;
	_ =	strace $0x80000048  }
0xba: {  	_ =	swait.ge [sflag:s29], $0x1  }
0xbb: {  	[sflag:s29] =	ssyncadd.s32 $0xFFFFFFFF  }
0xbc: {  	_ =	strace $0x90000048  }
0xbd: {  	_ =	sfence  }
0xbe: {  	s30 =	sld [smem:$0x0];
	_ =	sdelay $0x2  }
0xbf: {  	s31 =	sshll.u32 s1, $0xD;
	s1 =	sshrl.u32 s1, $0x2  }
0xc0: {  	s3 =	sand.u32 $0x4000, s31;
	s1 =	sadd.s32 s1, s30  }
0xc1: {  	s0 =	sor.u32 s3, s0;
	s1 =	sshll.u32 s1, $0x11  }
0xc2: {  	s0 =	sor.u32 s1, s0  }
0xc3: {  	s0 =	sadd.s32 $0x8F2B, s0  }
0xc4: {  	[sflag:s0] =	ssyncadd.remote.s32 $0x1  }
0xc5: {  	_ =	sfence.sel $0xFFFF  }
0xc6: {  	[dreg:$0x0] =	wrdreg $0xFFFFFFFF;
	(pc) =	sbr.abs _section_cstart, $3  }
0xc7: {  	[dreg:$0x1] =	wrdreg $0xFFFFFFFF  }
0xc8: {  	_ =	task.clear_ibuf [dreg:s8], $0x2FFFF;
	_ =	strace $0x9FFFFFFF  }
0xc9: {  	(tm) =	ssettm $0x7FFFFFFF  }
tec
execute0_lowered:
.L_overlay_start_1:
0x0: {  	(tag) =	ssettag $0x1  }
0x1: {  	s1 =	rddreg [dreg:$0x0]  }
0x2: {  	s0 =	rddreg [dreg:$0x1];
	s2 =	srdreg.scid  }
0x3: {  	s4 =	stileid.u32;
	s3 =	rddreg [dreg:$0x2];
	s14 =	simm.s32 $0x7  }
0x4: {  	s16 =	simm.s32 $0x80;
	s19 =	simm.s32 $0x180;
	s20 =	simm.s32 $0x4200  }
0x5: {  	s21 =	simm.s32 $0xC200;
	s22 =	simm.s32 $0x1;
	s23 =	simm.s32 $0x3  }
0x6: {  	s24 =	simm.s32 $0x10200;
	s28 =	simm.s32 $0x14200;
	s29 =	simm.s32 $0x5  }
0x7: {  	s30 =	simm.s32 $0x6;
	s31 =	simm.s32 $0x0;
	s2 =	sand.u32 $0x1, s2  }
0x8: {  	s5 =	sshll.u32 s4, $0x1;
	s4 =	simm.s32 $0x0;
	s6 =	sadd.s32 $0xF400, s0  }
0x9: {  	s7 =	sadd.s32 $0xA400, s0;
	s8 =	sadd.s32 $0x5400, s0;
	s11 =	sor.u32 s2, s5  }
0xa: {  	[smem:$0x7FF] =	sst s4;
	s2 =	ssub.s32 $0x2, s2;
	s5 =	smul.u32 $0x1400, s11  }
0xb: {  	_ =	strace $0x80000047;
	s9 =	sshrl.u32 s2, $0x1;
	s11 =	smul.u32 $0xA0000, s11  }
0xc: {  	s25 =	ssub.s32 s2, s9;
	s10 =	sshrl.u32 s5, $0x3;
	s12 =	sor.u32 $0x100, s5  }
0xd: {  	s13 =	smax.u32 s25, $0x1;
	s25 =	simm.s32 $0x2;
	s26 =	sadd.s32 s7, s10  }
0xe: {  	s10 =	sadd.s32 s8, s10;
	[dreg:$0x4] =	wrdreg s26;
	s26 =	simm.s32 $0x4  }
.LBB2_1:
0xf: {  	s0 =	rddreg [dreg:$0x4]  }
0x10: {  	[tilespmem:s4], [sflag:$0x7] =	stream.linear.gather [hbm4b:s0+s4], $0x80, $0x38;
	[tilespmem:$0x18200] =	vst v63  }
0x11: {  	_ =	swait.ge [sflag:s14], $0x80  }
0x12: {  	[sflag:s14] =	ssyncset.done $0x0  }
0x13: {  	s17 =	simm.s32 $0x100;
	[sflag:s14] =	ssyncadd.s32 $0xFFFFFF80  }
0x14: {  	[tilespmem:s17], [sflag:$0x7] =	stream.linear.gather [hbm4b:s10+s4], $0x80, $0x38;
	[tilespmem:$0x18200] =	vst v63  }
0x15: {  	_ =	swait.ge [sflag:s14], $0x80  }
0x16: {  	[sflag:s14] =	ssyncset.done $0x0  }
0x17: {  	s2 =	simm.s32 $0x200;
	[sflag:s14] =	ssyncadd.s32 $0xFFFFFF80  }
0x18: {  	[tilespmem:s2], [sflag:$0x1] =	stream.indirect.gather [hbm4b:s1+s16], $0x80, s4, s16, $0xb8;
	[tilespmem:$0x18200] =	vst v63  }
0x19: {  	s18 =	simm.s32 $0x8200;
	s2 =	simm.s32 $0x0  }
0x1a: {  	[tilespmem:s18], [sflag:$0x3] =	stream.indirect.gather [hbm4b:s6+s16], $0x80, s17, s16, $0xb8;
	[tilespmem:$0x18200] =	vst v63  }
.LBB2_2:
0x1b: {  	s0 =	sshllo.u32 s2, $0x1  }
0x1c: {  	s15 =	sshll.u32 s0, $0x7  }
0x1d: {  	s15 =	sadd.s32 s5, s15  }
0x1e: {  	s15 =	sshrl.u32 s15, $0x3  }
0x1f: {  	s17 =	sadd.s32 s7, s15  }
0x20: {  	[tilespmem:s16], [sflag:$0x7] =	stream.linear.gather [hbm4b:s17+s4], $0x80, $0x38;
	[tilespmem:$0x18200] =	vst v63  }
0x21: {  	_ =	swait.ge [sflag:s14], $0x80  }
0x22: {  	[sflag:s14] =	ssyncset.done $0x0  }
0x23: {  	s15 =	sadd.s32 s8, s15;
	[sflag:s14] =	ssyncadd.s32 $0xFFFFFF80  }
0x24: {  	[tilespmem:s19], [sflag:$0x7] =	stream.linear.gather [hbm4b:s15+s4], $0x80, $0x38;
	[tilespmem:$0x18200] =	vst v63  }
0x25: {  	_ =	swait.ge [sflag:s14], $0x80  }
0x26: {  	[sflag:s14] =	ssyncset.done $0x0  }
0x27: {  	[sflag:s14] =	ssyncadd.s32 $0xFFFFFF80  }
0x28: {  	[tilespmem:s20], [sflag:$0x2] =	stream.indirect.gather [hbm4b:s1+s16], $0x80, s16, s16, $0xb8;
	[tilespmem:$0x18200] =	vst v63  }
0x29: {  	_ = 	snop  }
0x2a: {  	[tilespmem:s21], [sflag:$0x4] =	stream.indirect.gather [hbm4b:s6+s16], $0x80, s19, s16, $0xb8;
	[tilespmem:$0x18200] =	vst v63  }
0x2b: {  	_ =	swait.ge [sflag:s22], $0x4000  }
0x2c: {  	[sflag:s22] =	ssyncset.done $0x0  }
0x2d: {  	[sflag:s22] =	ssyncadd.s32 $0xFFFFC000  }
0x2e: {  	_ =	swait.ge [sflag:s23], $0x4000  }
0x2f: {  	p0 =	seq.s32 s2, $0x0;
	[sflag:s23] =	ssyncset.done $0x0  }
0x30: {  	s15 =	simm.s32 @!p0 $0x5;
	[sflag:s23] =	ssyncadd.s32 $0xFFFFC000  }
0x31: {  	_ =	swait.ge @!p0 [sflag:s15], $0x4000  }
0x32: {  	[sflag:s15] =	ssyncset.done @!p0 $0x0  }
0x33: {  	s17 =	simm.s32 $0x0;
	[sflag:s15] =	ssyncadd.s32 @!p0 $0xFFFFC000  }
0x34: {  	v0 =	vld [tilespmem:s17+$0x260]  }
0x35: {  	v1 =	vld [tilespmem:s17+$0x8260]  }
0x36: {  	v2 =	vld [tilespmem:s17+$0x270]  }
0x37: {  	v3 =	vld [tilespmem:s17+$0x8270]  }
0x38: {  	v4 =	vld [tilespmem:s17+$0x200]  }
0x39: {  	v5 =	vld [tilespmem:s17+$0x8200]  }
0x3a: {  	v6 =	vld [tilespmem:s17+$0x210]  }
0x3b: {  	v7 =	vld [tilespmem:s17+$0x8210]  }
0x3c: {  	v8 =	vld [tilespmem:s17+$0x220];
	v0 =	vadd.f32 v1, v0;
	v1 =	vadd.f32 v3, v2  }
0x3d: {  	v9 =	vld [tilespmem:s17+$0x230]  }
0x3e: {  	v3 =	vld [tilespmem:s17+$0x8220];
	v0 =	vadd.s32 $0x8000, v0;
	v1 =	vadd.s32 $0x8000, v1  }
0x3f: {  	v10 =	vld [tilespmem:s17+$0x8230];
	v0 =	vshrl.u32 v0, $0x10;
	v1 =	vand.u32 $0xFFFF0000, v1  }
0x40: {  	v11 =	vld [tilespmem:s17+$0x240];
	v0 =	vor.u32 v0, v1;
	v1 =	vadd.f32 v5, v4;
	v4 =	vadd.f32 v7, v6  }
0x41: {  	v12 =	vld [tilespmem:s17+$0x8240]  }
0x42: {  	v2 =	vld [tilespmem:s17+$0x250];
	[tilespmem:s17+$0x10230] =	vst v0;
	v0 =	vadd.s32 $0x8000, v1;
	v1 =	vadd.s32 $0x8000, v4  }
0x43: {  	s18 =	simm.s32 $0x80;
	v3 =	vadd.f32 v3, v8;
	v4 =	vld [tilespmem:s17+$0x8250];
	v5 =	vshrl.u32 v0, $0x10;
	v1 =	vand.u32 $0xFFFF0000, v1  }
0x44: {  	v6 =	vadd.f32 v10, v9;
	v0 =	vld [tilespmem:s18+$0x260];
	v5 =	vor.u32 v5, v1  }
0x45: {  	v3 =	vadd.s32 $0x8000, v3;
	v1 =	vld [tilespmem:s18+$0x8260];
	[tilespmem:s17+$0x10200] =	vst v5  }
0x46: {  	s15 =	simm.s32 $0x400;
	v7 =	vadd.s32 $0x8000, v6;
	v6 =	vadd.f32 v12, v11;
	v5 =	vshrl.u32 v3, $0x10;
	v3 =	vld [tilespmem:s18+$0x270]  }
.LBB2_3:
0x47: {  	p1 =	sne.s32 s15, $0xFE00;
	v8 =	vld [tilespmem:s18+$0x8270];
	v7 =	vand.u32 $0xFFFF0000, v7  }
0x48: {  	v9 =	vld [tilespmem:s18+$0x200];
	v5 =	vor.u32 v5, v7;
	v2 =	vadd.f32 v4, v2;
	v4 =	vadd.s32 $0x8000, v6  }
0x49: {  	v6 =	vld [tilespmem:s18+$0x8200];
	[tilespmem:s17+$0x10210] =	vst v5;
	v4 =	vshrl.u32 v4, $0x10  }
0x4a: {  	v5 =	vld [tilespmem:s18+$0x210];
	v2 =	vadd.s32 $0x8000, v2  }
0x4b: {  	v7 =	vld [tilespmem:s18+$0x8210];
	v2 =	vand.u32 $0xFFFF0000, v2  }
0x4c: {  	v0 =	vadd.f32 v1, v0;
	v10 =	vld [tilespmem:s18+$0x220];
	v1 =	vadd.f32 v8, v3;
	v2 =	vor.u32 v4, v2  }
0x4d: {  	v3 =	vld [tilespmem:s18+$0x8220];
	[tilespmem:s17+$0x10220] =	vst v2;
	s17 =	smov.u32 s18  }
0x4e: {  	v0 =	vadd.s32 $0x8000, v0;
	v2 =	vadd.f32 v6, v9;
	v6 =	vld [tilespmem:s17+$0x230];
	v1 =	vadd.s32 $0x8000, v1  }
0x4f: {  	v0 =	vshrl.u32 v0, $0x10;
	v8 =	vld [tilespmem:s17+$0x8230];
	v1 =	vand.u32 $0xFFFF0000, v1  }
0x50: {  	v4 =	vadd.f32 v7, v5;
	v2 =	vadd.s32 $0x8000, v2;
	v9 =	vld [tilespmem:s17+$0x240];
	v0 =	vor.u32 v0, v1  }
0x51: {  	v1 =	vshrl.u32 v2, $0x10;
	v11 =	vld [tilespmem:s17+$0x8240];
	[tilespmem:s17+$0x10230] =	vst v0  }
.Ltmp0:
0x52: {  	v0 =	vadd.s32 $0x8000, v4;
	v3 =	vadd.f32 v3, v10;
	v2 =	vld [tilespmem:s17+$0x250];
	(pc) =	sbr.rel @p1 .LBB2_3-.Ltmp0, $4  }
0x53: {  	s18 =	sshra.s32 s15, $0x2;
	v5 =	vand.u32 $0xFFFF0000, v0;
	v4 =	vld [tilespmem:s17+$0x8250]  }
0x54: {  	v0 =	vld [tilespmem:s18+$0x260];
	v5 =	vor.u32 v1, v5;
	v6 =	vadd.f32 v8, v6;
	v3 =	vadd.s32 $0x8000, v3  }
0x55: {  	v1 =	vld [tilespmem:s18+$0x8260];
	[tilespmem:s17+$0x10200] =	vst v5;
	v5 =	vshrl.u32 v3, $0x10  }
0x56: {  	s15 =	sadd.s32 $0x200, s15;
	v3 =	vld [tilespmem:s18+$0x270];
	v7 =	vadd.s32 $0x8000, v6;
	v6 =	vadd.f32 v11, v9  }
0x57: {  	v8 =	vld [tilespmem:s18+$0x8270];
	v7 =	vand.u32 $0xFFFF0000, v7  }
0x58: {  	v9 =	vld [tilespmem:s18+$0x200];
	v5 =	vor.u32 v5, v7;
	v2 =	vadd.f32 v4, v2  }
0x59: {  	v7 =	vld [tilespmem:s18+$0x8200];
	[tilespmem:s17+$0x10210] =	vst v5  }
0x5a: {  	v5 =	vadd.s32 $0x8000, v6;
	v4 =	vld [tilespmem:s18+$0x210];
	v2 =	vadd.s32 $0x8000, v2  }
0x5b: {  	v6 =	vld [tilespmem:s18+$0x8210];
	v5 =	vshrl.u32 v5, $0x10;
	v2 =	vand.u32 $0xFFFF0000, v2  }
0x5c: {  	v10 =	vld [tilespmem:s18+$0x220];
	v2 =	vor.u32 v5, v2  }
0x5d: {  	v5 =	vld [tilespmem:s18+$0x8220];
	[tilespmem:s17+$0x10220] =	vst v2  }
0x5e: {  	v0 =	vadd.f32 v1, v0;
	v1 =	vadd.f32 v8, v3;
	v2 =	vld [tilespmem:s18+$0x230]  }
0x5f: {  	v3 =	vld [tilespmem:s18+$0x8230]  }
0x60: {  	v0 =	vadd.s32 $0x8000, v0;
	v1 =	vadd.s32 $0x8000, v1;
	v8 =	vld [tilespmem:s18+$0x240]  }
0x61: {  	v0 =	vshrl.u32 v0, $0x10;
	v11 =	vld [tilespmem:s18+$0x8250];
	v1 =	vand.u32 $0xFFFF0000, v1  }
0x62: {  	v0 =	vor.u32 v0, v1;
	v1 =	vld [tilespmem:s18+$0x8240]  }
0x63: {  	[tilespmem:s18+$0x10230] =	vst v0;
	v0 =	vld [tilespmem:s18+$0x250]  }
0x64: {  	v7 =	vadd.f32 v7, v9;
	v4 =	vadd.f32 v6, v4;
	_ =	sdelay $0x1  }
0x65: {  	v6 =	vadd.s32 $0x8000, v7;
	v4 =	vadd.s32 $0x8000, v4;
	v5 =	vadd.f32 v5, v10  }
0x66: {  	v6 =	vshrl.u32 v6, $0x10;
	v4 =	vand.u32 $0xFFFF0000, v4;
	v2 =	vadd.f32 v3, v2  }
0x67: {  	v3 =	vadd.s32 $0x8000, v5;
	v1 =	vadd.f32 v1, v8;
	v0 =	vadd.f32 v11, v0  }
0x68: {  	v4 =	vor.u32 v6, v4;
	v3 =	vshrl.u32 v3, $0x10;
	v2 =	vadd.s32 $0x8000, v2  }
0x69: {  	s15 =	sshll.u32 s2, $0xF;
	v2 =	vand.u32 $0xFFFF0000, v2;
	v1 =	vadd.s32 $0x8000, v1;
	v0 =	vadd.s32 $0x8000, v0  }
0x6a: {  	s15 =	sadd.s32 s11, s15;
	[tilespmem:s18+$0x10200] =	vst v4;
	v2 =	vor.u32 v3, v2;
	v1 =	vshrl.u32 v1, $0x10;
	v0 =	vand.u32 $0xFFFF0000, v0  }
0x6b: {  	s15 =	sshrl.u32 s15, $0x3;
	[tilespmem:s18+$0x10210] =	vst v2;
	v0 =	vor.u32 v1, v0  }
0x6c: {  	p1 =	seq.s32 s2, $0x13;
	s15 =	sadd.s32 s3, s15;
	[tilespmem:s18+$0x10220] =	vst v0  }
0x6d: {  	[hbm4b:s15+s4] =	stream.linear.scatter [tilespmem:s24], [sflag:$0x5], $0x4000, $0x38;
	[tilespmem:$0x18200] =	vst v63  }
0x6e: {  	s15 =	sshll.u32 @!p1 s2, $0x8  }
0x6f: {  	s15 =	sadd.s32 @!p1 s15, s12  }
0x70: {  	s15 =	sshrl.u32 @!p1 s15, $0x3  }
0x71: {  	s18 =	simm.s32 @!p1 $0x0;
	s17 =	sadd.s32 @!p1 s7, s15  }
0x72: {  	[tilespmem:s18], [sflag:$0x7] =	stream.linear.gather @!p1 [hbm4b:s17+s18], $0x80, $0x38;
	[tilespmem:$0x18200] =	vst v63  }
0x73: {  	s17 =	simm.s32 @!p1 $0x7  }
0x74: {  	_ =	swait.ge @!p1 [sflag:s17], $0x80  }
0x75: {  	[sflag:s17] =	ssyncset.done @!p1 $0x0  }
0x76: {  	s9 =	simm.s32 @!p1 $0x100;
	s15 =	sadd.s32 @!p1 s8, s15;
	[sflag:s17] =	ssyncadd.s32 @!p1 $0xFFFFFF80  }
0x77: {  	[tilespmem:s9], [sflag:$0x7] =	stream.linear.gather @!p1 [hbm4b:s15+s18], $0x80, $0x38;
	[tilespmem:$0x18200] =	vst v63  }
0x78: {  	_ =	swait.ge @!p1 [sflag:s17], $0x80  }
0x79: {  	[sflag:s17] =	ssyncset.done @!p1 $0x0  }
0x7a: {  	s15 =	simm.s32 @!p1 $0x80;
	[sflag:s17] =	ssyncadd.s32 @!p1 $0xFFFFFF80;
	s17 =	simm.s32 @!p1 $0x200  }
0x7b: {  	[tilespmem:s17], [sflag:$0x1] =	stream.indirect.gather @!p1 [hbm4b:s1+s15], $0x80, s18, s15, $0xb8;
	[tilespmem:$0x18200] =	vst v63  }
0x7c: {  	s17 =	simm.s32 @!p1 $0x8200  }
0x7d: {  	[tilespmem:s17], [sflag:$0x3] =	stream.indirect.gather @!p1 [hbm4b:s6+s15], $0x80, s9, s15, $0xb8;
	[tilespmem:$0x18200] =	vst v63  }
0x7e: {  	_ =	swait.ge [sflag:s25], $0x4000  }
0x7f: {  	[sflag:s25] =	ssyncset.done $0x0  }
0x80: {  	[sflag:s25] =	ssyncadd.s32 $0xFFFFC000  }
0x81: {  	_ =	swait.ge [sflag:s26], $0x4000  }
0x82: {  	[sflag:s26] =	ssyncset.done $0x0  }
0x83: {  	s9 =	simm.s32 @!p0 $0x6;
	[sflag:s26] =	ssyncadd.s32 $0xFFFFC000  }
0x84: {  	_ =	swait.ge @!p0 [sflag:s9], $0x4000  }
0x85: {  	[sflag:s9] =	ssyncset.done @!p0 $0x0  }
0x86: {  	s17 =	simm.s32 $0x0;
	[sflag:s9] =	ssyncadd.s32 @!p0 $0xFFFFC000  }
0x87: {  	v0 =	vld [tilespmem:s17+$0x4260]  }
0x88: {  	v1 =	vld [tilespmem:s17+$0xC260]  }
0x89: {  	v2 =	vld [tilespmem:s17+$0x4270]  }
0x8a: {  	v3 =	vld [tilespmem:s17+$0xC270]  }
0x8b: {  	v4 =	vld [tilespmem:s17+$0x4200]  }
0x8c: {  	v5 =	vld [tilespmem:s17+$0xC200]  }
0x8d: {  	v6 =	vld [tilespmem:s17+$0x4210]  }
0x8e: {  	v7 =	vld [tilespmem:s17+$0xC210]  }
0x8f: {  	v8 =	vld [tilespmem:s17+$0x4220];
	v0 =	vadd.f32 v1, v0;
	v1 =	vadd.f32 v3, v2  }
0x90: {  	v61 =	vld [tilespmem:s17+$0x4230]  }
0x91: {  	v3 =	vld [tilespmem:s17+$0xC220];
	v0 =	vadd.s32 $0x8000, v0;
	v1 =	vadd.s32 $0x8000, v1  }
0x92: {  	v62 =	vld [tilespmem:s17+$0xC230];
	v0 =	vshrl.u32 v0, $0x10;
	v1 =	vand.u32 $0xFFFF0000, v1  }
0x93: {  	v63 =	vld [tilespmem:s17+$0x4240];
	v0 =	vor.u32 v0, v1;
	v1 =	vadd.f32 v5, v4;
	v4 =	vadd.f32 v7, v6  }
0x94: {  	v12 =	vld [tilespmem:s17+$0xC240]  }
0x95: {  	v2 =	vld [tilespmem:s17+$0x4250];
	[tilespmem:s17+$0x14230] =	vst v0;
	v0 =	vadd.s32 $0x8000, v1;
	v1 =	vadd.s32 $0x8000, v4  }
0x96: {  	s18 =	simm.s32 $0x80;
	v3 =	vadd.f32 v3, v8;
	v4 =	vld [tilespmem:s17+$0xC250];
	v5 =	vshrl.u32 v0, $0x10;
	v1 =	vand.u32 $0xFFFF0000, v1  }
0x97: {  	v6 =	vadd.f32 v62, v61;
	v0 =	vld [tilespmem:s18+$0x4260];
	v5 =	vor.u32 v5, v1  }
0x98: {  	v3 =	vadd.s32 $0x8000, v3;
	v1 =	vld [tilespmem:s18+$0xC260];
	[tilespmem:s17+$0x14200] =	vst v5  }
0x99: {  	s15 =	simm.s32 $0x400;
	v7 =	vadd.s32 $0x8000, v6;
	v6 =	vadd.f32 v12, v63;
	v5 =	vshrl.u32 v3, $0x10;
	v3 =	vld [tilespmem:s18+$0x4270]  }
.LBB2_5:
0x9a: {  	p0 =	sne.s32 s15, $0xFE00;
	v8 =	vld [tilespmem:s18+$0xC270];
	v7 =	vand.u32 $0xFFFF0000, v7  }
0x9b: {  	v9 =	vld [tilespmem:s18+$0x4200];
	v5 =	vor.u32 v5, v7;
	v2 =	vadd.f32 v4, v2;
	v4 =	vadd.s32 $0x8000, v6  }
0x9c: {  	v6 =	vld [tilespmem:s18+$0xC200];
	[tilespmem:s17+$0x14210] =	vst v5;
	v4 =	vshrl.u32 v4, $0x10  }
0x9d: {  	v5 =	vld [tilespmem:s18+$0x4210];
	v2 =	vadd.s32 $0x8000, v2  }
0x9e: {  	v7 =	vld [tilespmem:s18+$0xC210];
	v2 =	vand.u32 $0xFFFF0000, v2  }
0x9f: {  	v0 =	vadd.f32 v1, v0;
	v10 =	vld [tilespmem:s18+$0x4220];
	v1 =	vadd.f32 v8, v3;
	v2 =	vor.u32 v4, v2  }
0xa0: {  	v3 =	vld [tilespmem:s18+$0xC220];
	[tilespmem:s17+$0x14220] =	vst v2;
	s17 =	smov.u32 s18  }
0xa1: {  	v0 =	vadd.s32 $0x8000, v0;
	v2 =	vadd.f32 v6, v9;
	v6 =	vld [tilespmem:s17+$0x4230];
	v1 =	vadd.s32 $0x8000, v1  }
0xa2: {  	v0 =	vshrl.u32 v0, $0x10;
	v8 =	vld [tilespmem:s17+$0xC230];
	v1 =	vand.u32 $0xFFFF0000, v1  }
0xa3: {  	v4 =	vadd.f32 v7, v5;
	v2 =	vadd.s32 $0x8000, v2;
	v9 =	vld [tilespmem:s17+$0x4240];
	v0 =	vor.u32 v0, v1  }
0xa4: {  	v1 =	vshrl.u32 v2, $0x10;
	v11 =	vld [tilespmem:s17+$0xC240];
	[tilespmem:s17+$0x14230] =	vst v0  }
.Ltmp1:
0xa5: {  	v0 =	vadd.s32 $0x8000, v4;
	v3 =	vadd.f32 v3, v10;
	v2 =	vld [tilespmem:s17+$0x4250];
	(pc) =	sbr.rel @p0 .LBB2_5-.Ltmp1, $4  }
0xa6: {  	s18 =	sshra.s32 s15, $0x2;
	v5 =	vand.u32 $0xFFFF0000, v0;
	v4 =	vld [tilespmem:s17+$0xC250]  }
0xa7: {  	v0 =	vld [tilespmem:s18+$0x4260];
	v5 =	vor.u32 v1, v5;
	v6 =	vadd.f32 v8, v6;
	v3 =	vadd.s32 $0x8000, v3  }
0xa8: {  	v1 =	vld [tilespmem:s18+$0xC260];
	[tilespmem:s17+$0x14200] =	vst v5;
	v5 =	vshrl.u32 v3, $0x10  }
0xa9: {  	s15 =	sadd.s32 $0x200, s15;
	v3 =	vld [tilespmem:s18+$0x4270];
	v7 =	vadd.s32 $0x8000, v6;
	v6 =	vadd.f32 v11, v9  }
0xaa: {  	v8 =	vld [tilespmem:s18+$0xC270];
	v7 =	vand.u32 $0xFFFF0000, v7  }
0xab: {  	v9 =	vld [tilespmem:s18+$0x4200];
	v5 =	vor.u32 v5, v7;
	v2 =	vadd.f32 v4, v2  }
0xac: {  	v52 =	vld [tilespmem:s18+$0xC200];
	[tilespmem:s17+$0x14210] =	vst v5  }
0xad: {  	v54 =	vadd.s32 $0x8000, v6;
	v53 =	vld [tilespmem:s18+$0x4210];
	v2 =	vadd.s32 $0x8000, v2  }
0xae: {  	v5 =	vshrl.u32 v54, $0x10;
	v55 =	vld [tilespmem:s18+$0xC210];
	v2 =	vand.u32 $0xFFFF0000, v2  }
0xaf: {  	v10 =	vld [tilespmem:s18+$0x4220];
	v2 =	vor.u32 v5, v2  }
0xb0: {  	v56 =	vld [tilespmem:s18+$0xC220];
	[tilespmem:s17+$0x14220] =	vst v2  }
0xb1: {  	v2 =	vld [tilespmem:s18+$0x4230]  }
0xb2: {  	v58 =	vld [tilespmem:s18+$0xC230]  }
0xb3: {  	v59 =	vld [tilespmem:s18+$0x4240]  }
0xb4: {  	v0 =	vadd.f32 v1, v0;
	v60 =	vld [tilespmem:s18+$0xC240]  }
0xb5: {  	v57 =	vadd.f32 v8, v3;
	v7 =	vadd.f32 v52, v9;
	v61 =	vld [tilespmem:s18+$0x4250]  }
0xb6: {  	v0 =	vadd.s32 $0x8000, v0;
	v11 =	vld [tilespmem:s18+$0xC250]  }
0xb7: {  	v0 =	vshrl.u32 v0, $0x10;
	v1 =	vadd.s32 $0x8000, v57;
	v62 =	vadd.s32 $0x8000, v7  }
0xb8: {  	v1 =	vand.u32 $0xFFFF0000, v1;
	v4 =	vadd.f32 v55, v53;
	v5 =	vadd.f32 v56, v10  }
0xb9: {  	v6 =	vshrl.u32 v62, $0x10;
	v0 =	vor.u32 v0, v1  }
0xba: {  	v4 =	vadd.s32 $0x8000, v4;
	v63 =	vadd.s32 $0x8000, v5;
	v2 =	vadd.f32 v58, v2  }
0xbb: {  	s2 =	sadd.s32 $0x1, s2;
	[tilespmem:s18+$0x14230] =	vst v0;
	v4 =	vand.u32 $0xFFFF0000, v4;
	v1 =	vadd.f32 v60, v59;
	v0 =	vadd.f32 v11, v61  }
0xbc: {  	p0 =	sne.s32 s2, $0x14;
	v3 =	vshrl.u32 v63, $0x10;
	v4 =	vor.u32 v6, v4;
	v2 =	vadd.s32 $0x8000, v2  }
.Ltmp2:
0xbd: {  	s0 =	sshll.u32 s0, $0xE;
	v1 =	vadd.s32 $0x8000, v1;
	v0 =	vadd.s32 $0x8000, v0;
	v2 =	vand.u32 $0xFFFF0000, v2;
	(pc) =	sbr.rel @p0 .LBB2_2-.Ltmp2, $4  }
0xbe: {  	s0 =	sadd.s32 s11, s0;
	[tilespmem:s18+$0x14200] =	vst v4;
	v1 =	vshrl.u32 v1, $0x10;
	v0 =	vand.u32 $0xFFFF0000, v0;
	v2 =	vor.u32 v3, v2  }
0xbf: {  	s0 =	sshrl.u32 s0, $0x3;
	v0 =	vor.u32 v1, v0;
	[tilespmem:s18+$0x14210] =	vst v2  }
0xc0: {  	s0 =	sadd.s32 s3, s0;
	[tilespmem:s18+$0x14220] =	vst v0  }
0xc1: {  	[hbm4b:s0+s4] =	stream.linear.scatter [tilespmem:s28], [sflag:$0x6], $0x4000, $0x38;
	[tilespmem:$0x18200] =	vst v63  }
0xc2: {  	s31 =	sadd.s32 $0x1, s31  }
0xc3: {  	_ =	swait.ge [sflag:s29], $0x4000;
	p0 =	sne.s32 s31, s13  }
.Ltmp3:
0xc4: {  	[sflag:s29] =	ssyncset.done $0x0;
	(pc) =	sbr.rel @p0 .LBB2_1-.Ltmp3, $4  }
0xc5: {  	[sflag:s29] =	ssyncadd.s32 $0xFFFFC000  }
0xc6: {  	_ =	swait.ge [sflag:s30], $0x4000  }
0xc7: {  	[sflag:s30] =	ssyncset.done $0x0  }
0xc8: {  	[sflag:s30] =	ssyncadd.s32 $0xFFFFC000  }
0xc9: {  	_ =	sfence.sel $0x180000  }
0xca: {  	[bflag:$0x0] =	sbarrier.arrive $0xFFFF  }
0xcb: {  	_ =	strace $0x90000047  }
0xcc: {  	s0 =	stileid.u32;
	[bflag:$0x2] =	sbarrier.arrive $0xFFFF  }
0xcd: {  	p0 =	sne.s32 s0, $0x0;
	s0 =	rddreg [dreg:$0x3]  }
0xce: {  	s0 =	sadd.s32 @!p0 $0x100000, s0  }
0xcf: {  	[sflag:s0] =	ssyncadd.tile.s32 @!p0 $0x1;
	_ =	shalt  }
.Lfunc_end2:
_tile_overlayer_lowered:
.L_overlay_start_2:
0xd0: {  	(tag) =	ssettag $0x2  }
0xd1: {  	s0 =	rddreg [dreg:$0x0];
	s2 =	stileid.u32  }
0xd2: {  	s1 =	rddreg [dreg:$0x1];
	p0 =	sne.s32 s2, $0x0  }
0xd3: {  	s3 =	rddreg [dreg:$0x2];
	[bflag:$0x3] =	sbarrier.arrive $0xFFFF;
	s2 =	simm.s32 @!p0 $0x1C07  }
0xd4: {  	[timem:s3], [sflag:s2] =	dma.local @!p0 [hbm:s0], s1  }
0xd5: {  	s0 =	simm.s32 @!p0 $0x7  }
0xd6: {  	_ =	swait.ge @!p0 [sflag:s0], s1  }
0xd7: {  	s1 =	ssub.s32 @!p0 $0x0, s1;
	[sflag:s0] =	ssyncset.done @!p0 $0x0  }
0xd8: {  	[sflag:s0] =	ssyncadd.s32 @!p0 s1  }
0xd9: {  	[bflag:$0x3] =	sbarrier.arrive $0xFFFF  }
0xda: {  	_ =	shalt  }

// kernel: kernel.13.cloned.1.call-start
scs
__scs_entry_jumppad:
0x0: {  	(pc) =	sbr.rel $0x88, $3  }
0x1: {  	(tag) =	ssettag $0x0;
	lr =	simm.s32 $0x1  }
0x2: {  	[smem:$0x3F93] =	sst lr;
	_ =	strace $0xD0000000  }
0x3: {  	_ = 	snop  }
0x4: {  	_ = 	snop  }
0x5: {  	_ = 	snop  }
0x6: {  	_ = 	snop  }
0x7: {  	_ = 	snop  }
__scs_overlays_trampoline_lowered:
0x8: {  	[smem:$0x3FA2] =	sst s0  }
0x9: {  	[smem:$0x3FA3] =	sst s1  }
0xa: {  	[smem:$0x3FA4] =	sst s2  }
0xb: {  	[smem:$0x3FA5] =	sst s3  }
0xc: {  	[smem:$0x3FA6] =	sst s4  }
0xd: {  	[smem:$0x3FA7] =	sst s5  }
0xe: {  	[smem:$0x3FA8] =	sst s6  }
0xf: {  	[smem:$0x3FA9] =	sst s7  }
0x10: {  	[smem:$0x3FAA] =	sst s8  }
0x11: {  	[smem:$0x3FAB] =	sst s9;
	s0 =	simm.s32 @!p0 $0x0  }
0x12: {  	s1 =	sld [smem:$0x3F91];
	s0 =	simm.s32 @p0 $0x1  }
0x13: {  	[smem:$0x3FAC] =	sst s0;
	s0 =	simm.s32 @!p1 $0x0  }
0x14: {  	s2 =	sld [smem:$0x3F90];
	s0 =	simm.s32 @p1 $0x1  }
0x15: {  	[smem:$0x3FAD] =	sst s0;
	s0 =	simm.s32 @!p2 $0x0  }
0x16: {  	s3 =	sld [smem:$0x3FDB];
	s0 =	simm.s32 @p2 $0x1  }
0x17: {  	s4 =	simm.s32 $0x1BF5;
	[smem:$0x3FAF] =	sst s0  }
0x18: {  	s0 =	sld [smem:$0x3F92];
	_ =	swait.ge [sflag:s4], $0x0  }
0x19: {  	s7 =	sld [smem:$0x3F93]  }
0x1a: {  	s8 =	sadd.s32 $0xFFFFE003, lr  }
0x1b: {  	s9 =	sadd.s32 $0xFFFFFEF7, lr;
	s5 =	simm.s32 $0xFFFFFFFF;
	p2 =	slt.u32 s8, $0xFFFFF086  }
0x1c: {  	p1 =	slt.u32 s9, $0xF7A;
	s5 =	simm.s32 @!p2 $0x0  }
0x1d: {  	s5 =	simm.s32 @p1 $0x1;
	p0 =	seq.s32 s7, s2  }
0x1e: {  	s7 =	smul.u32 @!p0 $0xF7A, s2;
	p2 =	seq.s32 @!p0 s5, $0x0  }
0x1f: {  	s9 =	smul.u32 $0xF7A, s1;
	s8 =	simm.s32 @!p0 $0x1BF5;
	p2 =	por !p2, p0  }
0x20: {  	[sflag:s8] =	ssyncset.s32 @!p0 $0xFFFFF086;
	s6 =	sadd.s32 @!p0 s3, s7;
	s7 =	simm.s32 @!p0 $0x108  }
0x21: {  	s3 =	sadd.s32 s3, s9;
	s6 =	sadd.s32 @!p0 $0x88, s6;
	s7 =	simm.s32 @p2 $0x1082  }
0x22: {  	[simem:s7], [sflag:s8] =	dma.local @!p0 [hbm:s6], $0xF7A  }
0x23: {  	s9 =	sor.u32 $0xD0000000, s2;
	s6 =	simm.s32 $0x108;
	_ =	swait.ge @!p0 [sflag:s8], $0x0  }
0x24: {  	s3 =	sadd.s32 $0x88, s3;
	s6 =	simm.s32 @!p1 $0x1082;
	[sflag:s4] =	ssyncset.s32 $0xFFFFF086  }
0x25: {  	[simem:s6], [sflag:s4] =	dma.local [hbm:s3], $0xF7A  }
0x26: {  	[smem:$0x3F93] =	sst s1;
	(tag) =	ssettag s2;
	_ =	strace s9  }
0x27: {  	s1 =	sld [smem:$0x3FA3]  }
0x28: {  	s2 =	sld [smem:$0x3FA4]  }
0x29: {  	s4 =	sld [smem:$0x3FA6]  }
0x2a: {  	p0 =	seq.s32 s5, $0x0;
	s5 =	sld [smem:$0x3FA7]  }
0x2b: {  	s6 =	sld [smem:$0x3FA8]  }
0x2c: {  	s7 =	sld [smem:$0x3FA9]  }
0x2d: {  	s3 =	simm.s32 $0x108;
	s8 =	sld [smem:$0x3FAA]  }
0x2e: {  	s3 =	simm.s32 @!p0 $0x1082;
	s9 =	sld [smem:$0x3FAB]  }
0x2f: {  	lr =	sadd.s32 s0, s3;
	s0 =	sld [smem:$0x3FA2]  }
0x30: {  	s3 =	sld [smem:$0x3FA5]  }
0x31: {  	[smem:$0x3FAE] =	sst s10  }
0x32: {  	s10 =	sld [smem:$0x3FAC];
	_ =	sdelay $0x3  }
0x33: {  	p0 =	seq.s32 s10, $0x1;
	s10 =	sld [smem:$0x3FAE];
	_ =	sdelay $0x3  }
0x34: {  	[smem:$0x3FAE] =	sst s10  }
0x35: {  	s10 =	sld [smem:$0x3FAD];
	_ =	sdelay $0x3  }
0x36: {  	p1 =	seq.s32 s10, $0x1;
	s10 =	sld [smem:$0x3FAE];
	_ =	sdelay $0x3  }
0x37: {  	[smem:$0x3FAE] =	sst s10  }
0x38: {  	s10 =	sld [smem:$0x3FAF]  }
0x39: {  	_ = 	snop;
	(pc) =	sbr.ind lr, $3  }
0x3a: {  	_ = 	snop  }
0x3b: {  	_ = 	snop  }
0x3c: {  	p2 =	seq.s32 s10, $0x1;
	s10 =	sld [smem:$0x3FAE]  }
0x3d: {  	_ =	shalt  }
0x3e: {  	_ =	shalt  }
0x3f: {  	_ =	shalt  }
0x40: {  	_ =	shalt  }
0x41: {  	_ =	shalt  }
0x42: {  	_ =	shalt  }
0x43: {  	_ =	shalt  }
0x44: {  	_ =	shalt  }
0x45: {  	_ =	shalt  }
0x46: {  	_ =	shalt  }
0x47: {  	_ =	shalt  }
0x48: {  	_ =	shalt  }
0x49: {  	_ =	shalt  }
0x4a: {  	_ =	shalt  }
0x4b: {  	_ =	shalt  }
0x4c: {  	_ =	shalt  }
0x4d: {  	_ =	shalt  }
0x4e: {  	_ =	shalt  }
0x4f: {  	_ =	shalt  }
0x50: {  	_ =	shalt  }
0x51: {  	_ =	shalt  }
0x52: {  	_ =	shalt  }
0x53: {  	_ =	shalt  }
0x54: {  	_ =	shalt  }
0x55: {  	_ =	shalt  }
0x56: {  	_ =	shalt  }
0x57: {  	_ =	shalt  }
0x58: {  	_ =	shalt  }
0x59: {  	_ =	shalt  }
0x5a: {  	_ =	shalt  }
0x5b: {  	_ =	shalt  }
0x5c: {  	_ =	shalt  }
0x5d: {  	_ =	shalt  }
0x5e: {  	_ =	shalt  }
0x5f: {  	_ =	shalt  }
0x60: {  	_ =	shalt  }
0x61: {  	_ =	shalt  }
0x62: {  	_ =	shalt  }
0x63: {  	_ =	shalt  }
0x64: {  	_ =	shalt  }
0x65: {  	_ =	shalt  }
0x66: {  	_ =	shalt  }
0x67: {  	_ =	shalt  }
0x68: {  	_ =	shalt  }
0x69: {  	_ =	shalt  }
0x6a: {  	_ =	shalt  }
0x6b: {  	_ =	shalt  }
0x6c: {  	_ =	shalt  }
0x6d: {  	_ =	shalt  }
0x6e: {  	_ =	shalt  }
0x6f: {  	_ =	shalt  }
0x70: {  	_ =	shalt  }
0x71: {  	_ =	shalt  }
0x72: {  	_ =	shalt  }
0x73: {  	_ =	shalt  }
0x74: {  	_ =	shalt  }
0x75: {  	_ =	shalt  }
0x76: {  	_ =	shalt  }
0x77: {  	_ =	shalt  }
0x78: {  	_ =	shalt  }
0x79: {  	_ =	shalt  }
0x7a: {  	_ =	shalt  }
0x7b: {  	_ =	shalt  }
0x7c: {  	_ =	shalt  }
0x7d: {  	_ =	shalt  }
0x7e: {  	_ =	shalt  }
0x7f: {  	_ =	shalt  }
0x80: {  	_ =	shalt  }
0x81: {  	_ =	shalt  }
0x82: {  	_ =	shalt  }
0x83: {  	_ =	shalt  }
0x84: {  	_ =	shalt  }
0x85: {  	_ =	shalt  }
0x86: {  	_ =	shalt  }
0x87: {  	_ =	shalt  }
.Lfunc_end0:
.L_simem_size_0:
called_computation.1_lowered:
.L_overlay_start_0:
0x88: {  	s2 =	sld [smem:$0x3FD9]  }
0x89: {  	s3 =	sld [smem:$0x3FFE];
	_ =	sdelay $0x1  }
0x8a: {  	s1 =	srdreg.scid  }
0x8b: {  	s0 =	sand.u32 $0x1, s1  }
0x8c: {  	s15 =	sshll.u32 s0, $0xA;
	s2 =	sadd.s32 s3, s2  }
0x8d: {  	s2 =	sadd.s32 s2, s15  }
0x8e: {  	[smem:$0x3FBA] =	sst s2  }
0x8f: {  	_ = 	snop  }
0x90: {  	s2 =	sld [smem:$0x3FD0];
	_ =	sdelay $0x2  }
0x91: {  	s16 =	simm.s32 $0xB;
	s4 =	simm.s32 $0x10  }
0x92: {  	[smem:s4], [sflag:s16] =	dma.local [hbm:s2], $0x1  }
0x93: {  	_ =	swait.eq [sflag:s16], $0x1  }
0x94: {  	[sflag:s16] =	ssyncset.done $0x0  }
0x95: {  	[sflag:s16] =	ssyncadd.s32 $0xFFFFFFFF  }
0x96: {  	s17 =	sld [smem:$0x10];
	(tm) =	ssettm $0x1  }
0x97: {  	s18 =	sld [smem:$0x3FFB];
	_ =	sdelay $0x3  }
0x98: {  	_ =	strace s18  }
0x99: {  	s2 =	sld [smem:$0x3FFC];
	_ =	sdelay $0x3  }
0x9a: {  	_ =	strace s2  }
0x9b: {  	s2 =	sld [smem:$0x3FFD];
	_ =	sdelay $0x3  }
0x9c: {  	_ =	strace s2  }
0x9d: {  	_ =	strace $0x8FFFFFFF  }
0x9e: {  	s19 =	sld [smem:$0x3FDB];
	_ =	sdelay $0x1  }
0x9f: {  	s20 =	simm.s32 $_scs_section_size  }
0xa0: {  	s5 =	simm.s32 $_size__tile_overlayer_lowered;
	s6 =	simm.s32 $_tile_overlayer_lowered  }
0xa1: {  	s7 =	simm.s32 $0x1BFF;
	s21 =	sshll.u32 s6, $0x1;
	s4 =	sadd.s32 s20, s19  }
0xa2: {  	s22 =	simm.s32 $0x0;
	s5 =	sshll.u32 s5, $0x1;
	s6 =	sadd.s32 s21, s4  }
0xa3: {  	[timem:s22], [sflag:s7] =	dma.local [hbm:s6], s5  }
0xa4: {  	_ =	swait.ge [sflag:s7], s5  }
0xa5: {  	s5 =	ssub.s32 $0x0, s5;
	[sflag:s7] =	ssyncset.done $0x0  }
0xa6: {  	[sflag:s7] =	ssyncadd.s32 s5;
	_ =	sdelay $0x1  }
0xa7: {  	s23 =	simm.s32 $0x1B8B  }
0xa8: {  	_ =	swait.ge [sflag:s23], $0x1  }
0xa9: {  	[sflag:s23] =	ssyncset.done $0x0  }
0xaa: {  	[sflag:s23] =	ssyncadd.s32 $0xFFFFFFFF  }
0xab: {  	s5 =	sld [smem:$0x0]  }
0xac: {  	s6 =	sand.u32 $0xFFFFFFFE, s1  }
0xad: {  	p0 =	sne.s32 s1, s6  }
0xae: {  	s6 =	sshll.u32 @p0 s6, $0xE  }
0xaf: {  	s6 =	sadd.s32 @p0 $0x11B8D, s6;
	s7 =	sshll.u32 @p0 s5, $0x11  }
0xb0: {  	s6 =	sor.u32 @p0 s7, s6  }
0xb1: {  	[sflag:s6] =	ssyncadd.remote.s32 @p0 $0x1;
	_ =	sdelay $0x1  }
0xb2: {  	s6 =	simm.s32 @p0 $0x1B8D  }
0xb3: {  	_ =	swait.eq @p0 [sflag:s6], $0x1  }
0xb4: {  	[sflag:s6] =	ssyncadd.s32 @p0 $0xFFFFFFFF  }
0xb5: {  	s7 =	sshll.u32 @!p0 s1, $0xE  }
0xb6: {  	s7 =	sor.u32 @!p0 $0x4000, s7;
	s6 =	simm.s32 @!p0 $0x1B8D  }
0xb7: {  	s5 =	sshll.u32 @!p0 s5, $0x11;
	s7 =	sadd.s32 @!p0 $0x11B8D, s7;
	_ =	swait.eq @!p0 [sflag:s6], $0x1  }
0xb8: {  	s5 =	sor.u32 @!p0 s5, s7;
	[sflag:s6] =	ssyncadd.s32 @!p0 $0xFFFFFFFF  }
0xb9: {  	s25 =	simm.s32 $0x1B8E;
	s24 =	sld [smem:$0x3FFE];
	[sflag:s5] =	ssyncadd.remote.s32 @!p0 $0x1  }
0xba: {  	s26 =	simm.s32 $execute0_lowered;
	[smem:$0x3FD2] =	sst s25  }
0xbb: {  	s6 =	sshll.u32 s26, $0x1;
	_ =	strace $0x80000049;
	[dreg:$0x1] =	wrdreg $0xFFFFFFFF  }
0xbc: {  	s28 =	simm.s32 $_size_execute0_lowered;
	s4 =	sadd.s32 s4, s6;
	[dreg:$0x0] =	wrdreg $0x0  }
0xbd: {  	s6 =	sshll.u32 s28, $0x1;
	[dreg:$0x2] =	wrdreg s4  }
0xbe: {  	[dreg:$0x3] =	wrdreg s6  }
0xbf: {  	[dreg:$0x4] =	wrdreg $0xC0  }
0xc0: {  	_ =	task [dreg:s22], $0x5FFFF  }
0xc1: {  	[dreg:$0x1] =	wrdreg $0xFFFFFFFF  }
0xc2: {  	[dreg:$0x0] =	wrdreg $0x60  }
0xc3: {  	[dreg:$0x2] =	wrdreg s17  }
0xc4: {  	[dreg:$0x3] =	wrdreg s24  }
0xc5: {  	[dreg:$0x4] =	wrdreg $0x9  }
0xc6: {  	_ =	task.clear_ibuf [dreg:s22], $0x5FFFF;
	_ =	strace $0x90000049  }
0xc7: {  	s29 =	simm.s32 $0x9;
	_ =	strace $0x8000004B  }
0xc8: {  	_ =	swait.ge [sflag:s29], $0x1  }
0xc9: {  	[sflag:s29] =	ssyncadd.s32 $0xFFFFFFFF  }
0xca: {  	_ =	strace $0x9000004B  }
0xcb: {  	_ =	sfence  }
0xcc: {  	s30 =	sld [smem:$0x0];
	_ =	sdelay $0x2  }
0xcd: {  	s31 =	sshll.u32 s1, $0xD;
	s1 =	sshrl.u32 s1, $0x2  }
0xce: {  	s4 =	sand.u32 $0x4000, s31;
	s1 =	sadd.s32 s1, s30  }
0xcf: {  	s0 =	sor.u32 s4, s0;
	s1 =	sshll.u32 s1, $0x11  }
0xd0: {  	s0 =	sor.u32 s1, s0  }
0xd1: {  	s0 =	sadd.s32 $0x8F2B, s0  }
0xd2: {  	[sflag:s0] =	ssyncadd.remote.s32 $0x1  }
0xd3: {  	_ =	sfence.sel $0xFFFF  }
0xd4: {  	[dreg:$0x0] =	wrdreg $0xFFFFFFFF;
	(pc) =	sbr.abs _section_cstart, $3  }
0xd5: {  	[dreg:$0x1] =	wrdreg $0xFFFFFFFF  }
0xd6: {  	_ =	task.clear_ibuf [dreg:s22], $0x2FFFF;
	_ =	strace $0x9FFFFFFF  }
0xd7: {  	(tm) =	ssettm $0x7FFFFFFF  }
tec
execute0_lowered:
.L_overlay_start_1:
0x0: {  	(tag) =	ssettag $0x1  }
0x1: {  	s2 =	rddreg [dreg:$0x0]  }
0x2: {  	s0 =	rddreg [dreg:$0x1]  }
0x3: {  	s1 =	srdreg.scid;
	s4 =	stileid.u32  }
0x4: {  	s3 =	simm.s32 $0x0;
	s17 =	simm.s32 $0x7;
	s19 =	simm.s32 $0x80  }
0x5: {  	s28 =	simm.s32 $0x10200;
	s29 =	simm.s32 $0x2;
	s30 =	simm.s32 $0x4  }
0x6: {  	s31 =	simm.s32 $0x14200;
	s1 =	sand.u32 $0x1, s1;
	s4 =	sshll.u32 s4, $0x1  }
0x7: {  	[smem:$0x7FF] =	sst s3;
	s5 =	sadd.s32 $0xF400, s0;
	s6 =	sadd.s32 $0x36600, s0  }
0x8: {  	s7 =	sadd.s32 $0x3B400, s0;
	s9 =	sor.u32 s1, s4;
	s1 =	ssub.s32 $0x2, s1  }
0x9: {  	s8 =	sadd.s32 $0x40200, s0;
	s4 =	smul.u32 $0x1310, s9;
	s10 =	sshrl.u32 s1, $0x1  }
0xa: {  	_ =	strace $0x8000004A;
	s21 =	ssub.s32 s1, s10;
	s10 =	simm.s32 $0x0  }
0xb: {  	s11 =	sshrl.u32 s4, $0x3;
	s24 =	sadd.s32 $0x1300, s4;
	s12 =	sadd.s32 $0x100, s4  }
0xc: {  	s0 =	smax.u32 s21, $0x1;
	s21 =	simm.s32 $0x18280;
	s22 =	sadd.s32 s6, s11  }
0xd: {  	s23 =	sadd.s32 s7, s11;
	s11 =	smul.u32 $0x98800, s9;
	[dreg:$0x8] =	wrdreg s0  }
0xe: {  	s25 =	sshrl.u32 s24, $0x3;
	s1 =	sshll.u32 s24, $0x4;
	[dreg:$0x3] =	wrdreg s22  }
0xf: {  	s24 =	simm.s32 $0xC200;
	[dreg:$0x4] =	wrdreg s23;
	s26 =	sadd.s32 s6, s25  }
0x10: {  	s0 =	simm.s32 $0x5;
	s9 =	sadd.s32 s7, s25;
	[dreg:$0x5] =	wrdreg s26  }
0x11: {  	s1 =	sadd.s32 s8, s1;
	s22 =	simm.s32 $0x180;
	[dreg:$0x6] =	wrdreg s9  }
0x12: {  	s23 =	simm.s32 $0x4200;
	s25 =	simm.s32 $0x1;
	[dreg:$0x7] =	wrdreg s1  }
0x13: {  	s26 =	simm.s32 $0x3;
	s1 =	simm.s32 $0x6;
	s9 =	simm.s32 $0x10  }
.LBB2_1:
0x14: {  	s13 =	rddreg [dreg:$0x3]  }
0x15: {  	[tilespmem:s3], [sflag:$0x7] =	stream.linear.gather [hbm4b:s13+s3], $0x80, $0x38;
	[tilespmem:$0x19B00] =	vst v63  }
0x16: {  	_ =	swait.ge [sflag:s17], $0x80  }
0x17: {  	[sflag:s17] =	ssyncset.done $0x0  }
0x18: {  	s14 =	simm.s32 $0x100;
	s16 =	rddreg [dreg:$0x4];
	[sflag:s17] =	ssyncadd.s32 $0xFFFFFF80  }
0x19: {  	[tilespmem:s14], [sflag:$0x7] =	stream.linear.gather [hbm4b:s16+s3], $0x80, $0x38;
	[tilespmem:$0x19B00] =	vst v63  }
0x1a: {  	_ =	swait.ge [sflag:s17], $0x80  }
0x1b: {  	[sflag:s17] =	ssyncset.done $0x0  }
0x1c: {  	s18 =	simm.s32 $0x200;
	[sflag:s17] =	ssyncadd.s32 $0xFFFFFF80  }
0x1d: {  	[tilespmem:s18], [sflag:$0x1] =	stream.indirect.gather [hbm4b:s2+s19], $0x80, s3, s19, $0xb8;
	[tilespmem:$0x19B00] =	vst v63  }
0x1e: {  	s20 =	simm.s32 $0x8200;
	s18 =	simm.s32 $0x0  }
0x1f: {  	[tilespmem:s20], [sflag:$0x3] =	stream.indirect.gather [hbm4b:s5+s19], $0x80, s14, s19, $0xb8;
	[tilespmem:$0x19B00] =	vst v63  }
.LBB2_2:
0x20: {  	s13 =	sshllo.u32 s18, $0x1  }
0x21: {  	s14 =	sshll.u32 s13, $0x7  }
0x22: {  	s14 =	sadd.s32 s4, s14  }
0x23: {  	s14 =	sshrl.u32 s14, $0x3  }
0x24: {  	s15 =	sadd.s32 s6, s14  }
0x25: {  	[tilespmem:s19], [sflag:$0x7] =	stream.linear.gather [hbm4b:s15+s3], $0x80, $0x38;
	[tilespmem:$0x19B00] =	vst v63  }
0x26: {  	_ =	swait.ge [sflag:s17], $0x80  }
0x27: {  	[sflag:s17] =	ssyncset.done $0x0  }
0x28: {  	s14 =	sadd.s32 s7, s14;
	[sflag:s17] =	ssyncadd.s32 $0xFFFFFF80  }
0x29: {  	[tilespmem:s22], [sflag:$0x7] =	stream.linear.gather [hbm4b:s14+s3], $0x80, $0x38;
	[tilespmem:$0x19B00] =	vst v63  }
0x2a: {  	_ =	swait.ge [sflag:s17], $0x80  }
0x2b: {  	[sflag:s17] =	ssyncset.done $0x0  }
0x2c: {  	[sflag:s17] =	ssyncadd.s32 $0xFFFFFF80  }
0x2d: {  	[tilespmem:s23], [sflag:$0x2] =	stream.indirect.gather [hbm4b:s2+s19], $0x80, s19, s19, $0xb8;
	[tilespmem:$0x19B00] =	vst v63  }
0x2e: {  	_ = 	snop  }
0x2f: {  	[tilespmem:s24], [sflag:$0x4] =	stream.indirect.gather [hbm4b:s5+s19], $0x80, s22, s19, $0xb8;
	[tilespmem:$0x19B00] =	vst v63  }
0x30: {  	_ =	swait.ge [sflag:s25], $0x4000  }
0x31: {  	[sflag:s25] =	ssyncset.done $0x0  }
0x32: {  	[sflag:s25] =	ssyncadd.s32 $0xFFFFC000  }
0x33: {  	_ =	swait.ge [sflag:s26], $0x4000  }
0x34: {  	p0 =	seq.s32 s18, $0x0;
	[sflag:s26] =	ssyncset.done $0x0  }
0x35: {  	s14 =	simm.s32 @!p0 $0x5;
	[sflag:s26] =	ssyncadd.s32 $0xFFFFC000  }
0x36: {  	_ =	swait.ge @!p0 [sflag:s14], $0x4000  }
0x37: {  	[sflag:s14] =	ssyncset.done @!p0 $0x0  }
0x38: {  	[sflag:s14] =	ssyncadd.s32 @!p0 $0xFFFFC000;
	s14 =	simm.s32 $0x0  }
0x39: {  	v0 =	vld [tilespmem:s14+$0x260]  }
0x3a: {  	v1 =	vld [tilespmem:s14+$0x8260]  }
0x3b: {  	v2 =	vld [tilespmem:s14+$0x270]  }
0x3c: {  	v3 =	vld [tilespmem:s14+$0x8270]  }
0x3d: {  	v4 =	vld [tilespmem:s14+$0x200]  }
0x3e: {  	v5 =	vld [tilespmem:s14+$0x8200]  }
0x3f: {  	v6 =	vld [tilespmem:s14+$0x210]  }
0x40: {  	v7 =	vld [tilespmem:s14+$0x8210]  }
0x41: {  	v8 =	vld [tilespmem:s14+$0x220];
	v0 =	vadd.f32 v1, v0;
	v1 =	vadd.f32 v3, v2  }
0x42: {  	v9 =	vld [tilespmem:s14+$0x230]  }
0x43: {  	v3 =	vld [tilespmem:s14+$0x8220];
	v0 =	vadd.s32 $0x8000, v0;
	v1 =	vadd.s32 $0x8000, v1  }
0x44: {  	v10 =	vld [tilespmem:s14+$0x8230];
	v0 =	vshrl.u32 v0, $0x10;
	v1 =	vand.u32 $0xFFFF0000, v1  }
0x45: {  	v11 =	vld [tilespmem:s14+$0x240];
	v0 =	vor.u32 v0, v1;
	v1 =	vadd.f32 v5, v4;
	v4 =	vadd.f32 v7, v6  }
0x46: {  	v12 =	vld [tilespmem:s14+$0x8240]  }
0x47: {  	v2 =	vld [tilespmem:s14+$0x250];
	[tilespmem:s14+$0x10230] =	vst v0;
	v0 =	vadd.s32 $0x8000, v1;
	v1 =	vadd.s32 $0x8000, v4  }
0x48: {  	s15 =	simm.s32 $0x80;
	v3 =	vadd.f32 v3, v8;
	v4 =	vld [tilespmem:s14+$0x8250];
	v5 =	vshrl.u32 v0, $0x10;
	v1 =	vand.u32 $0xFFFF0000, v1  }
0x49: {  	v6 =	vadd.f32 v10, v9;
	v0 =	vld [tilespmem:s15+$0x260];
	v5 =	vor.u32 v5, v1  }
0x4a: {  	v3 =	vadd.s32 $0x8000, v3;
	v1 =	vld [tilespmem:s15+$0x8260];
	[tilespmem:s14+$0x10200] =	vst v5  }
0x4b: {  	s16 =	simm.s32 $0x400;
	v7 =	vadd.s32 $0x8000, v6;
	v6 =	vadd.f32 v12, v11;
	v5 =	vshrl.u32 v3, $0x10;
	v3 =	vld [tilespmem:s15+$0x270]  }
.LBB2_3:
0x4c: {  	p1 =	sne.s32 s16, $0xFE00;
	v8 =	vld [tilespmem:s15+$0x8270];
	v7 =	vand.u32 $0xFFFF0000, v7  }
0x4d: {  	v9 =	vld [tilespmem:s15+$0x200];
	v5 =	vor.u32 v5, v7;
	v2 =	vadd.f32 v4, v2;
	v4 =	vadd.s32 $0x8000, v6  }
0x4e: {  	v6 =	vld [tilespmem:s15+$0x8200];
	[tilespmem:s14+$0x10210] =	vst v5;
	v4 =	vshrl.u32 v4, $0x10  }
0x4f: {  	v5 =	vld [tilespmem:s15+$0x210];
	v2 =	vadd.s32 $0x8000, v2  }
0x50: {  	v7 =	vld [tilespmem:s15+$0x8210];
	v2 =	vand.u32 $0xFFFF0000, v2  }
0x51: {  	v0 =	vadd.f32 v1, v0;
	v10 =	vld [tilespmem:s15+$0x220];
	v1 =	vadd.f32 v8, v3;
	v2 =	vor.u32 v4, v2  }
0x52: {  	v3 =	vld [tilespmem:s15+$0x8220];
	[tilespmem:s14+$0x10220] =	vst v2;
	s14 =	smov.u32 s15  }
0x53: {  	v0 =	vadd.s32 $0x8000, v0;
	v2 =	vadd.f32 v6, v9;
	v6 =	vld [tilespmem:s14+$0x230];
	v1 =	vadd.s32 $0x8000, v1  }
0x54: {  	v0 =	vshrl.u32 v0, $0x10;
	v8 =	vld [tilespmem:s14+$0x8230];
	v1 =	vand.u32 $0xFFFF0000, v1  }
0x55: {  	v4 =	vadd.f32 v7, v5;
	v2 =	vadd.s32 $0x8000, v2;
	v9 =	vld [tilespmem:s14+$0x240];
	v0 =	vor.u32 v0, v1  }
0x56: {  	v1 =	vshrl.u32 v2, $0x10;
	v11 =	vld [tilespmem:s14+$0x8240];
	[tilespmem:s14+$0x10230] =	vst v0  }
.Ltmp0:
0x57: {  	v0 =	vadd.s32 $0x8000, v4;
	v3 =	vadd.f32 v3, v10;
	v2 =	vld [tilespmem:s14+$0x250];
	(pc) =	sbr.rel @p1 .LBB2_3-.Ltmp0, $4  }
0x58: {  	s15 =	sshra.s32 s16, $0x2;
	v5 =	vand.u32 $0xFFFF0000, v0;
	v4 =	vld [tilespmem:s14+$0x8250]  }
0x59: {  	v0 =	vld [tilespmem:s15+$0x260];
	v5 =	vor.u32 v1, v5;
	v6 =	vadd.f32 v8, v6;
	v3 =	vadd.s32 $0x8000, v3  }
0x5a: {  	v1 =	vld [tilespmem:s15+$0x8260];
	[tilespmem:s14+$0x10200] =	vst v5;
	v5 =	vshrl.u32 v3, $0x10  }
0x5b: {  	s16 =	sadd.s32 $0x200, s16;
	v3 =	vld [tilespmem:s15+$0x270];
	v7 =	vadd.s32 $0x8000, v6;
	v6 =	vadd.f32 v11, v9  }
0x5c: {  	v8 =	vld [tilespmem:s15+$0x8270];
	v7 =	vand.u32 $0xFFFF0000, v7  }
0x5d: {  	v9 =	vld [tilespmem:s15+$0x200];
	v5 =	vor.u32 v5, v7;
	v2 =	vadd.f32 v4, v2  }
0x5e: {  	v7 =	vld [tilespmem:s15+$0x8200];
	[tilespmem:s14+$0x10210] =	vst v5  }
0x5f: {  	v5 =	vadd.s32 $0x8000, v6;
	v4 =	vld [tilespmem:s15+$0x210];
	v2 =	vadd.s32 $0x8000, v2  }
0x60: {  	v6 =	vld [tilespmem:s15+$0x8210];
	v5 =	vshrl.u32 v5, $0x10;
	v2 =	vand.u32 $0xFFFF0000, v2  }
0x61: {  	v10 =	vld [tilespmem:s15+$0x220];
	v2 =	vor.u32 v5, v2  }
0x62: {  	v5 =	vld [tilespmem:s15+$0x8220];
	[tilespmem:s14+$0x10220] =	vst v2  }
0x63: {  	v0 =	vadd.f32 v1, v0;
	v1 =	vadd.f32 v8, v3;
	v2 =	vld [tilespmem:s15+$0x230]  }
0x64: {  	v3 =	vld [tilespmem:s15+$0x8230]  }
0x65: {  	v0 =	vadd.s32 $0x8000, v0;
	v1 =	vadd.s32 $0x8000, v1;
	v8 =	vld [tilespmem:s15+$0x240]  }
0x66: {  	v0 =	vshrl.u32 v0, $0x10;
	v11 =	vld [tilespmem:s15+$0x8250];
	v1 =	vand.u32 $0xFFFF0000, v1  }
0x67: {  	v0 =	vor.u32 v0, v1;
	v1 =	vld [tilespmem:s15+$0x8240]  }
0x68: {  	[tilespmem:s15+$0x10230] =	vst v0;
	v0 =	vld [tilespmem:s15+$0x250]  }
0x69: {  	v7 =	vadd.f32 v7, v9;
	v4 =	vadd.f32 v6, v4;
	_ =	sdelay $0x1  }
0x6a: {  	v6 =	vadd.s32 $0x8000, v7;
	v4 =	vadd.s32 $0x8000, v4;
	v5 =	vadd.f32 v5, v10  }
0x6b: {  	v6 =	vshrl.u32 v6, $0x10;
	v4 =	vand.u32 $0xFFFF0000, v4;
	v2 =	vadd.f32 v3, v2  }
0x6c: {  	v3 =	vadd.s32 $0x8000, v5;
	v1 =	vadd.f32 v1, v8;
	v0 =	vadd.f32 v11, v0  }
0x6d: {  	v4 =	vor.u32 v6, v4;
	v3 =	vshrl.u32 v3, $0x10;
	v2 =	vadd.s32 $0x8000, v2  }
0x6e: {  	s20 =	sshll.u32 s18, $0xF;
	v2 =	vand.u32 $0xFFFF0000, v2;
	v1 =	vadd.s32 $0x8000, v1;
	v0 =	vadd.s32 $0x8000, v0  }
0x6f: {  	s14 =	sadd.s32 s11, s20;
	[tilespmem:s15+$0x10200] =	vst v4;
	v2 =	vor.u32 v3, v2;
	v1 =	vshrl.u32 v1, $0x10;
	v0 =	vand.u32 $0xFFFF0000, v0  }
0x70: {  	s14 =	sshrl.u32 s14, $0x3;
	[tilespmem:s15+$0x10210] =	vst v2;
	v0 =	vor.u32 v1, v0  }
0x71: {  	p1 =	seq.s32 s18, $0x12;
	s14 =	sadd.s32 s8, s14;
	[tilespmem:s15+$0x10220] =	vst v0  }
0x72: {  	[hbm4b:s14+s3] =	stream.linear.scatter [tilespmem:s28], [sflag:$0x5], $0x4000, $0x38;
	[tilespmem:$0x19B00] =	vst v63  }
0x73: {  	s14 =	sshll.u32 @!p1 s18, $0x8  }
0x74: {  	s14 =	sadd.s32 @!p1 s14, s12  }
0x75: {  	s14 =	sshrl.u32 @!p1 s14, $0x3  }
0x76: {  	s16 =	simm.s32 @!p1 $0x0;
	s15 =	sadd.s32 @!p1 s6, s14  }
0x77: {  	[tilespmem:s16], [sflag:$0x7] =	stream.linear.gather @!p1 [hbm4b:s15+s16], $0x80, $0x38;
	[tilespmem:$0x19B00] =	vst v63  }
0x78: {  	s15 =	simm.s32 @!p1 $0x7  }
0x79: {  	_ =	swait.ge @!p1 [sflag:s15], $0x80  }
0x7a: {  	[sflag:s15] =	ssyncset.done @!p1 $0x0  }
0x7b: {  	s20 =	simm.s32 @!p1 $0x100;
	s14 =	sadd.s32 @!p1 s7, s14;
	[sflag:s15] =	ssyncadd.s32 @!p1 $0xFFFFFF80  }
0x7c: {  	[tilespmem:s20], [sflag:$0x7] =	stream.linear.gather @!p1 [hbm4b:s14+s16], $0x80, $0x38;
	[tilespmem:$0x19B00] =	vst v63  }
0x7d: {  	_ =	swait.ge @!p1 [sflag:s15], $0x80  }
0x7e: {  	[sflag:s15] =	ssyncset.done @!p1 $0x0  }
0x7f: {  	s14 =	simm.s32 @!p1 $0x80;
	[sflag:s15] =	ssyncadd.s32 @!p1 $0xFFFFFF80;
	s15 =	simm.s32 @!p1 $0x200  }
0x80: {  	[tilespmem:s15], [sflag:$0x1] =	stream.indirect.gather @!p1 [hbm4b:s2+s14], $0x80, s16, s14, $0xb8;
	[tilespmem:$0x19B00] =	vst v63  }
0x81: {  	s15 =	simm.s32 @!p1 $0x8200  }
0x82: {  	[tilespmem:s15], [sflag:$0x3] =	stream.indirect.gather @!p1 [hbm4b:s5+s14], $0x80, s20, s14, $0xb8;
	[tilespmem:$0x19B00] =	vst v63  }
0x83: {  	_ =	swait.ge [sflag:s29], $0x4000  }
0x84: {  	[sflag:s29] =	ssyncset.done $0x0  }
0x85: {  	[sflag:s29] =	ssyncadd.s32 $0xFFFFC000  }
0x86: {  	_ =	swait.ge [sflag:s30], $0x4000  }
0x87: {  	[sflag:s30] =	ssyncset.done $0x0  }
0x88: {  	s14 =	simm.s32 @!p0 $0x6;
	[sflag:s30] =	ssyncadd.s32 $0xFFFFC000  }
0x89: {  	_ =	swait.ge @!p0 [sflag:s14], $0x4000  }
0x8a: {  	[sflag:s14] =	ssyncset.done @!p0 $0x0  }
0x8b: {  	[sflag:s14] =	ssyncadd.s32 @!p0 $0xFFFFC000;
	s14 =	simm.s32 $0x0  }
0x8c: {  	v0 =	vld [tilespmem:s14+$0x4260]  }
0x8d: {  	v1 =	vld [tilespmem:s14+$0xC260]  }
0x8e: {  	v2 =	vld [tilespmem:s14+$0x4270]  }
0x8f: {  	v3 =	vld [tilespmem:s14+$0xC270]  }
0x90: {  	v4 =	vld [tilespmem:s14+$0x4200]  }
0x91: {  	v5 =	vld [tilespmem:s14+$0xC200]  }
0x92: {  	v6 =	vld [tilespmem:s14+$0x4210]  }
0x93: {  	v7 =	vld [tilespmem:s14+$0xC210]  }
0x94: {  	v8 =	vld [tilespmem:s14+$0x4220];
	v0 =	vadd.f32 v1, v0;
	v1 =	vadd.f32 v3, v2  }
0x95: {  	v61 =	vld [tilespmem:s14+$0x4230]  }
0x96: {  	v3 =	vld [tilespmem:s14+$0xC220];
	v0 =	vadd.s32 $0x8000, v0;
	v1 =	vadd.s32 $0x8000, v1  }
0x97: {  	v62 =	vld [tilespmem:s14+$0xC230];
	v0 =	vshrl.u32 v0, $0x10;
	v1 =	vand.u32 $0xFFFF0000, v1  }
0x98: {  	v63 =	vld [tilespmem:s14+$0x4240];
	v0 =	vor.u32 v0, v1;
	v1 =	vadd.f32 v5, v4;
	v4 =	vadd.f32 v7, v6  }
0x99: {  	v12 =	vld [tilespmem:s14+$0xC240]  }
0x9a: {  	v2 =	vld [tilespmem:s14+$0x4250];
	[tilespmem:s14+$0x14230] =	vst v0;
	v0 =	vadd.s32 $0x8000, v1;
	v1 =	vadd.s32 $0x8000, v4  }
0x9b: {  	s15 =	simm.s32 $0x80;
	v3 =	vadd.f32 v3, v8;
	v4 =	vld [tilespmem:s14+$0xC250];
	v5 =	vshrl.u32 v0, $0x10;
	v1 =	vand.u32 $0xFFFF0000, v1  }
0x9c: {  	v6 =	vadd.f32 v62, v61;
	v0 =	vld [tilespmem:s15+$0x4260];
	v5 =	vor.u32 v5, v1  }
0x9d: {  	v3 =	vadd.s32 $0x8000, v3;
	v1 =	vld [tilespmem:s15+$0xC260];
	[tilespmem:s14+$0x14200] =	vst v5  }
0x9e: {  	s16 =	simm.s32 $0x400;
	v7 =	vadd.s32 $0x8000, v6;
	v6 =	vadd.f32 v12, v63;
	v5 =	vshrl.u32 v3, $0x10;
	v3 =	vld [tilespmem:s15+$0x4270]  }
.LBB2_5:
0x9f: {  	p0 =	sne.s32 s16, $0xFE00;
	v8 =	vld [tilespmem:s15+$0xC270];
	v7 =	vand.u32 $0xFFFF0000, v7  }
0xa0: {  	v9 =	vld [tilespmem:s15+$0x4200];
	v5 =	vor.u32 v5, v7;
	v2 =	vadd.f32 v4, v2;
	v4 =	vadd.s32 $0x8000, v6  }
0xa1: {  	v6 =	vld [tilespmem:s15+$0xC200];
	[tilespmem:s14+$0x14210] =	vst v5;
	v4 =	vshrl.u32 v4, $0x10  }
0xa2: {  	v5 =	vld [tilespmem:s15+$0x4210];
	v2 =	vadd.s32 $0x8000, v2  }
0xa3: {  	v7 =	vld [tilespmem:s15+$0xC210];
	v2 =	vand.u32 $0xFFFF0000, v2  }
0xa4: {  	v0 =	vadd.f32 v1, v0;
	v10 =	vld [tilespmem:s15+$0x4220];
	v1 =	vadd.f32 v8, v3;
	v2 =	vor.u32 v4, v2  }
0xa5: {  	v3 =	vld [tilespmem:s15+$0xC220];
	[tilespmem:s14+$0x14220] =	vst v2;
	s14 =	smov.u32 s15  }
0xa6: {  	v0 =	vadd.s32 $0x8000, v0;
	v2 =	vadd.f32 v6, v9;
	v6 =	vld [tilespmem:s14+$0x4230];
	v1 =	vadd.s32 $0x8000, v1  }
0xa7: {  	v0 =	vshrl.u32 v0, $0x10;
	v8 =	vld [tilespmem:s14+$0xC230];
	v1 =	vand.u32 $0xFFFF0000, v1  }
0xa8: {  	v4 =	vadd.f32 v7, v5;
	v2 =	vadd.s32 $0x8000, v2;
	v9 =	vld [tilespmem:s14+$0x4240];
	v0 =	vor.u32 v0, v1  }
0xa9: {  	v1 =	vshrl.u32 v2, $0x10;
	v11 =	vld [tilespmem:s14+$0xC240];
	[tilespmem:s14+$0x14230] =	vst v0  }
.Ltmp1:
0xaa: {  	v0 =	vadd.s32 $0x8000, v4;
	v3 =	vadd.f32 v3, v10;
	v2 =	vld [tilespmem:s14+$0x4250];
	(pc) =	sbr.rel @p0 .LBB2_5-.Ltmp1, $4  }
0xab: {  	s15 =	sshra.s32 s16, $0x2;
	v5 =	vand.u32 $0xFFFF0000, v0;
	v4 =	vld [tilespmem:s14+$0xC250]  }
0xac: {  	v0 =	vld [tilespmem:s15+$0x4260];
	v5 =	vor.u32 v1, v5;
	v6 =	vadd.f32 v8, v6;
	v3 =	vadd.s32 $0x8000, v3  }
0xad: {  	v1 =	vld [tilespmem:s15+$0xC260];
	[tilespmem:s14+$0x14200] =	vst v5;
	v5 =	vshrl.u32 v3, $0x10  }
0xae: {  	s16 =	sadd.s32 $0x200, s16;
	v3 =	vld [tilespmem:s15+$0x4270];
	v7 =	vadd.s32 $0x8000, v6;
	v6 =	vadd.f32 v11, v9  }
0xaf: {  	v8 =	vld [tilespmem:s15+$0xC270];
	v7 =	vand.u32 $0xFFFF0000, v7  }
0xb0: {  	v9 =	vld [tilespmem:s15+$0x4200];
	v5 =	vor.u32 v5, v7;
	v2 =	vadd.f32 v4, v2  }
0xb1: {  	v52 =	vld [tilespmem:s15+$0xC200];
	[tilespmem:s14+$0x14210] =	vst v5  }
0xb2: {  	v54 =	vadd.s32 $0x8000, v6;
	v53 =	vld [tilespmem:s15+$0x4210];
	v2 =	vadd.s32 $0x8000, v2  }
0xb3: {  	v5 =	vshrl.u32 v54, $0x10;
	v55 =	vld [tilespmem:s15+$0xC210];
	v2 =	vand.u32 $0xFFFF0000, v2  }
0xb4: {  	v10 =	vld [tilespmem:s15+$0x4220];
	v2 =	vor.u32 v5, v2  }
0xb5: {  	v56 =	vld [tilespmem:s15+$0xC220];
	[tilespmem:s14+$0x14220] =	vst v2  }
0xb6: {  	v2 =	vld [tilespmem:s15+$0x4230]  }
0xb7: {  	v58 =	vld [tilespmem:s15+$0xC230]  }
0xb8: {  	v59 =	vld [tilespmem:s15+$0x4240]  }
0xb9: {  	v0 =	vadd.f32 v1, v0;
	v60 =	vld [tilespmem:s15+$0xC240]  }
0xba: {  	v57 =	vadd.f32 v8, v3;
	v7 =	vadd.f32 v52, v9;
	v61 =	vld [tilespmem:s15+$0x4250]  }
0xbb: {  	v0 =	vadd.s32 $0x8000, v0;
	v11 =	vld [tilespmem:s15+$0xC250]  }
0xbc: {  	v0 =	vshrl.u32 v0, $0x10;
	v1 =	vadd.s32 $0x8000, v57;
	v62 =	vadd.s32 $0x8000, v7  }
0xbd: {  	v1 =	vand.u32 $0xFFFF0000, v1;
	v4 =	vadd.f32 v55, v53;
	v5 =	vadd.f32 v56, v10  }
0xbe: {  	v6 =	vshrl.u32 v62, $0x10;
	v0 =	vor.u32 v0, v1  }
0xbf: {  	v4 =	vadd.s32 $0x8000, v4;
	v63 =	vadd.s32 $0x8000, v5;
	v2 =	vadd.f32 v58, v2  }
0xc0: {  	s18 =	sadd.s32 $0x1, s18;
	[tilespmem:s15+$0x14230] =	vst v0;
	v4 =	vand.u32 $0xFFFF0000, v4;
	v1 =	vadd.f32 v60, v59;
	v0 =	vadd.f32 v11, v61  }
0xc1: {  	p0 =	sne.s32 s18, $0x13;
	v3 =	vshrl.u32 v63, $0x10;
	v4 =	vor.u32 v6, v4;
	v2 =	vadd.s32 $0x8000, v2  }
.Ltmp2:
0xc2: {  	s13 =	sshll.u32 s13, $0xE;
	v1 =	vadd.s32 $0x8000, v1;
	v0 =	vadd.s32 $0x8000, v0;
	v2 =	vand.u32 $0xFFFF0000, v2;
	(pc) =	sbr.rel @p0 .LBB2_2-.Ltmp2, $4  }
0xc3: {  	s13 =	sadd.s32 s11, s13;
	[tilespmem:s15+$0x14200] =	vst v4;
	v1 =	vshrl.u32 v1, $0x10;
	v0 =	vand.u32 $0xFFFF0000, v0;
	v2 =	vor.u32 v3, v2  }
0xc4: {  	s13 =	sshrl.u32 s13, $0x3;
	v0 =	vor.u32 v1, v0;
	[tilespmem:s15+$0x14210] =	vst v2  }
0xc5: {  	s13 =	sadd.s32 s8, s13;
	[tilespmem:s15+$0x14220] =	vst v0  }
0xc6: {  	[hbm4b:s13+s3] =	stream.linear.scatter [tilespmem:s31], [sflag:$0x6], $0x4000, $0x38;
	[tilespmem:$0x19B00] =	vst v63  }
0xc7: {  	_ =	swait.ge [sflag:s0], $0x4000  }
0xc8: {  	[sflag:s0] =	ssyncset.done $0x0  }
0xc9: {  	[sflag:s0] =	ssyncadd.s32 $0xFFFFC000  }
0xca: {  	_ =	swait.ge [sflag:s1], $0x4000  }
0xcb: {  	s13 =	simm.s32 $0x0;
	[sflag:s1] =	ssyncset.done $0x0  }
0xcc: {  	s15 =	simm.s32 $0x18200;
	s14 =	rddreg [dreg:$0x5];
	[sflag:s1] =	ssyncadd.s32 $0xFFFFC000  }
0xcd: {  	[tilespmem:s15], [sflag:$0x7] =	stream.linear.gather [hbm4b:s14+s13], $0x10, $0x38;
	[tilespmem:$0x19B00] =	vst v63  }
0xce: {  	_ =	swait.ge [sflag:s17], $0x10  }
0xcf: {  	[sflag:s17] =	ssyncset.done $0x0  }
0xd0: {  	s16 =	rddreg [dreg:$0x6];
	[sflag:s17] =	ssyncadd.s32 $0xFFFFFFF0  }
0xd1: {  	[tilespmem:s21], [sflag:$0x7] =	stream.linear.gather [hbm4b:s16+s13], $0x10, $0x38;
	[tilespmem:$0x19B00] =	vst v63  }
0xd2: {  	_ =	swait.ge [sflag:s17], $0x10  }
0xd3: {  	[sflag:s17] =	ssyncset.done $0x0  }
0xd4: {  	s18 =	simm.s32 $0x18300;
	[sflag:s17] =	ssyncadd.s32 $0xFFFFFFF0  }
0xd5: {  	[tilespmem:s18], [sflag:$0x1] =	stream.indirect.gather [hbm4b:s2+s9], $0x80, s15, s9, $0xb8;
	[tilespmem:$0x19B00] =	vst v63  }
0xd6: {  	s20 =	simm.s32 $0x18B00  }
0xd7: {  	[tilespmem:s20], [sflag:$0x3] =	stream.indirect.gather [hbm4b:s5+s9], $0x80, s21, s9, $0xb8;
	[tilespmem:$0x19B00] =	vst v63  }
0xd8: {  	_ =	swait.ge [sflag:s25], $0x800  }
0xd9: {  	[sflag:s25] =	ssyncset.done $0x0  }
0xda: {  	[sflag:s25] =	ssyncadd.s32 $0xFFFFF800  }
0xdb: {  	_ =	swait.ge [sflag:s26], $0x800  }
0xdc: {  	[sflag:s26] =	ssyncset.done $0x0  }
0xdd: {  	s13 =	simm.s32 $0x0;
	[sflag:s26] =	ssyncadd.s32 $0xFFFFF800  }
0xde: {  	v0 =	vld [tilespmem:s13+$0x18360]  }
0xdf: {  	v1 =	vld [tilespmem:s13+$0x18B60]  }
0xe0: {  	v2 =	vld [tilespmem:s13+$0x18370]  }
0xe1: {  	v3 =	vld [tilespmem:s13+$0x18B70]  }
0xe2: {  	v4 =	vld [tilespmem:s13+$0x18300]  }
0xe3: {  	v5 =	vld [tilespmem:s13+$0x18B00]  }
0xe4: {  	v6 =	vld [tilespmem:s13+$0x18310]  }
0xe5: {  	v7 =	vld [tilespmem:s13+$0x18B10]  }
0xe6: {  	v8 =	vld [tilespmem:s13+$0x18320];
	v0 =	vadd.f32 v1, v0;
	v1 =	vadd.f32 v3, v2  }
0xe7: {  	v9 =	vld [tilespmem:s13+$0x18330]  }
0xe8: {  	v3 =	vld [tilespmem:s13+$0x18B20];
	v0 =	vadd.s32 $0x8000, v0;
	v1 =	vadd.s32 $0x8000, v1  }
0xe9: {  	v10 =	vld [tilespmem:s13+$0x18B30];
	v0 =	vshrl.u32 v0, $0x10;
	v1 =	vand.u32 $0xFFFF0000, v1  }
0xea: {  	v11 =	vld [tilespmem:s13+$0x18340];
	v0 =	vor.u32 v0, v1;
	v1 =	vadd.f32 v5, v4;
	v4 =	vadd.f32 v7, v6  }
0xeb: {  	v12 =	vld [tilespmem:s13+$0x18B40]  }
0xec: {  	v2 =	vld [tilespmem:s13+$0x18350];
	[tilespmem:s13+$0x19330] =	vst v0;
	v0 =	vadd.s32 $0x8000, v1;
	v1 =	vadd.s32 $0x8000, v4  }
0xed: {  	s14 =	simm.s32 $0x80;
	v3 =	vadd.f32 v3, v8;
	v4 =	vld [tilespmem:s13+$0x18B50];
	v5 =	vshrl.u32 v0, $0x10;
	v1 =	vand.u32 $0xFFFF0000, v1  }
0xee: {  	v6 =	vadd.f32 v10, v9;
	v0 =	vld [tilespmem:s14+$0x18360];
	v5 =	vor.u32 v5, v1  }
0xef: {  	v3 =	vadd.s32 $0x8000, v3;
	v1 =	vld [tilespmem:s14+$0x18B60];
	[tilespmem:s13+$0x19300] =	vst v5  }
0xf0: {  	s15 =	simm.s32 $0x400;
	v7 =	vadd.s32 $0x8000, v6;
	v6 =	vadd.f32 v12, v11;
	v5 =	vshrl.u32 v3, $0x10;
	v3 =	vld [tilespmem:s14+$0x18370]  }
.LBB2_8:
0xf1: {  	p0 =	sne.s32 s15, $0x1E00;
	v8 =	vld [tilespmem:s14+$0x18B70];
	v7 =	vand.u32 $0xFFFF0000, v7  }
0xf2: {  	v9 =	vld [tilespmem:s14+$0x18300];
	v5 =	vor.u32 v5, v7;
	v2 =	vadd.f32 v4, v2;
	v4 =	vadd.s32 $0x8000, v6  }
0xf3: {  	v6 =	vld [tilespmem:s14+$0x18B00];
	[tilespmem:s13+$0x19310] =	vst v5;
	v4 =	vshrl.u32 v4, $0x10  }
0xf4: {  	v5 =	vld [tilespmem:s14+$0x18310];
	v2 =	vadd.s32 $0x8000, v2  }
0xf5: {  	v7 =	vld [tilespmem:s14+$0x18B10];
	v2 =	vand.u32 $0xFFFF0000, v2  }
0xf6: {  	v0 =	vadd.f32 v1, v0;
	v10 =	vld [tilespmem:s14+$0x18320];
	v1 =	vadd.f32 v8, v3;
	v2 =	vor.u32 v4, v2  }
0xf7: {  	v3 =	vld [tilespmem:s14+$0x18B20];
	[tilespmem:s13+$0x19320] =	vst v2;
	s13 =	smov.u32 s14  }
0xf8: {  	v0 =	vadd.s32 $0x8000, v0;
	v2 =	vadd.f32 v6, v9;
	v6 =	vld [tilespmem:s13+$0x18330];
	v1 =	vadd.s32 $0x8000, v1  }
0xf9: {  	v0 =	vshrl.u32 v0, $0x10;
	v8 =	vld [tilespmem:s13+$0x18B30];
	v1 =	vand.u32 $0xFFFF0000, v1  }
0xfa: {  	v4 =	vadd.f32 v7, v5;
	v2 =	vadd.s32 $0x8000, v2;
	v9 =	vld [tilespmem:s13+$0x18340];
	v0 =	vor.u32 v0, v1  }
0xfb: {  	v1 =	vshrl.u32 v2, $0x10;
	v11 =	vld [tilespmem:s13+$0x18B40];
	[tilespmem:s13+$0x19330] =	vst v0  }
.Ltmp3:
0xfc: {  	v0 =	vadd.s32 $0x8000, v4;
	v3 =	vadd.f32 v3, v10;
	v2 =	vld [tilespmem:s13+$0x18350];
	(pc) =	sbr.rel @p0 .LBB2_8-.Ltmp3, $4  }
0xfd: {  	s14 =	sshra.s32 s15, $0x2;
	v5 =	vand.u32 $0xFFFF0000, v0;
	v4 =	vld [tilespmem:s13+$0x18B50]  }
0xfe: {  	v0 =	vld [tilespmem:s14+$0x18360];
	v5 =	vor.u32 v1, v5;
	v6 =	vadd.f32 v8, v6;
	v3 =	vadd.s32 $0x8000, v3  }
0xff: {  	v1 =	vld [tilespmem:s14+$0x18B60];
	[tilespmem:s13+$0x19300] =	vst v5;
	v5 =	vshrl.u32 v3, $0x10  }
0x100: {  	s15 =	sadd.s32 $0x200, s15;
	v3 =	vld [tilespmem:s14+$0x18370];
	v7 =	vadd.s32 $0x8000, v6;
	v6 =	vadd.f32 v11, v9  }
0x101: {  	v8 =	vld [tilespmem:s14+$0x18B70];
	v7 =	vand.u32 $0xFFFF0000, v7  }
0x102: {  	v9 =	vld [tilespmem:s14+$0x18300];
	v5 =	vor.u32 v5, v7;
	v2 =	vadd.f32 v4, v2  }
0x103: {  	v52 =	vld [tilespmem:s14+$0x18B00];
	[tilespmem:s13+$0x19310] =	vst v5  }
0x104: {  	v54 =	vadd.s32 $0x8000, v6;
	v53 =	vld [tilespmem:s14+$0x18310];
	v2 =	vadd.s32 $0x8000, v2  }
0x105: {  	v5 =	vshrl.u32 v54, $0x10;
	v55 =	vld [tilespmem:s14+$0x18B10];
	v2 =	vand.u32 $0xFFFF0000, v2  }
0x106: {  	v10 =	vld [tilespmem:s14+$0x18320];
	v2 =	vor.u32 v5, v2  }
0x107: {  	v56 =	vld [tilespmem:s14+$0x18B20];
	[tilespmem:s13+$0x19320] =	vst v2  }
0x108: {  	v2 =	vld [tilespmem:s14+$0x18330]  }
0x109: {  	v58 =	vld [tilespmem:s14+$0x18B30]  }
0x10a: {  	v59 =	vld [tilespmem:s14+$0x18340]  }
0x10b: {  	v0 =	vadd.f32 v1, v0;
	v60 =	vld [tilespmem:s14+$0x18B40]  }
0x10c: {  	v57 =	vadd.f32 v8, v3;
	v7 =	vadd.f32 v52, v9;
	v61 =	vld [tilespmem:s14+$0x18350]  }
0x10d: {  	v0 =	vadd.s32 $0x8000, v0;
	v11 =	vld [tilespmem:s14+$0x18B50]  }
0x10e: {  	v0 =	vshrl.u32 v0, $0x10;
	v1 =	vadd.s32 $0x8000, v57;
	v62 =	vadd.s32 $0x8000, v7  }
0x10f: {  	v1 =	vand.u32 $0xFFFF0000, v1;
	v4 =	vadd.f32 v55, v53;
	v5 =	vadd.f32 v56, v10  }
0x110: {  	v6 =	vshrl.u32 v62, $0x10;
	v0 =	vor.u32 v0, v1  }
0x111: {  	v4 =	vadd.s32 $0x8000, v4;
	v63 =	vadd.s32 $0x8000, v5;
	v2 =	vadd.f32 v58, v2  }
0x112: {  	[tilespmem:s14+$0x19330] =	vst v0;
	v4 =	vand.u32 $0xFFFF0000, v4;
	v1 =	vadd.f32 v60, v59;
	v0 =	vadd.f32 v11, v61  }
0x113: {  	v3 =	vshrl.u32 v63, $0x10;
	v4 =	vor.u32 v6, v4;
	v2 =	vadd.s32 $0x8000, v2  }
0x114: {  	v1 =	vadd.s32 $0x8000, v1;
	v0 =	vadd.s32 $0x8000, v0;
	v2 =	vand.u32 $0xFFFF0000, v2  }
0x115: {  	[tilespmem:s14+$0x19300] =	vst v4;
	v1 =	vshrl.u32 v1, $0x10;
	v0 =	vand.u32 $0xFFFF0000, v0;
	v2 =	vor.u32 v3, v2  }
0x116: {  	v0 =	vor.u32 v1, v0;
	[tilespmem:s14+$0x19310] =	vst v2  }
0x117: {  	s16 =	rddreg [dreg:$0x7];
	s18 =	simm.s32 $0x19300;
	[tilespmem:s14+$0x19320] =	vst v0  }
0x118: {  	[hbm4b:s16+s3] =	stream.linear.scatter [tilespmem:s18], [sflag:$0x7], $0x800, $0x38;
	[tilespmem:$0x19B00] =	vst v63  }
0x119: {  	_ =	swait.ge [sflag:s17], $0x800  }
0x11a: {  	s10 =	sadd.s32 $0x1, s10;
	s20 =	rddreg [dreg:$0x8]  }
0x11b: {  	p0 =	sne.s32 s10, s20  }
.Ltmp4:
0x11c: {  	_ = 	snop;
	(pc) =	sbr.rel @p0 .LBB2_1-.Ltmp4, $3  }
0x11d: {  	_ =	sdelay $0x1  }
0x11e: {  	[sflag:s17] =	ssyncset.done $0x0  }
0x11f: {  	[sflag:s17] =	ssyncadd.s32 $0xFFFFF800  }
0x120: {  	_ =	sfence.sel $0x180000  }
0x121: {  	[bflag:$0x0] =	sbarrier.arrive $0xFFFF  }
0x122: {  	_ =	strace $0x9000004A  }
0x123: {  	s0 =	stileid.u32;
	[bflag:$0x2] =	sbarrier.arrive $0xFFFF  }
0x124: {  	p0 =	sne.s32 s0, $0x0;
	s0 =	rddreg [dreg:$0x2]  }
0x125: {  	s0 =	sadd.s32 @!p0 $0x100000, s0  }
0x126: {  	[sflag:s0] =	ssyncadd.tile.s32 @!p0 $0x1;
	_ =	shalt  }
.Lfunc_end2:
_tile_overlayer_lowered:
.L_overlay_start_2:
0x127: {  	(tag) =	ssettag $0x2  }
0x128: {  	s0 =	rddreg [dreg:$0x0];
	s2 =	stileid.u32  }
0x129: {  	s1 =	rddreg [dreg:$0x1];
	p0 =	sne.s32 s2, $0x0  }
0x12a: {  	s3 =	rddreg [dreg:$0x2];
	[bflag:$0x3] =	sbarrier.arrive $0xFFFF;
	s2 =	simm.s32 @!p0 $0x1C07  }
0x12b: {  	[timem:s3], [sflag:s2] =	dma.local @!p0 [hbm:s0], s1  }
0x12c: {  	s0 =	simm.s32 @!p0 $0x7  }
0x12d: {  	_ =	swait.ge @!p0 [sflag:s0], s1  }
0x12e: {  	s1 =	ssub.s32 @!p0 $0x0, s1;
	[sflag:s0] =	ssyncset.done @!p0 $0x0  }
0x12f: {  	[sflag:s0] =	ssyncadd.s32 @!p0 s1  }
0x130: {  	[bflag:$0x3] =	sbarrier.arrive $0xFFFF  }
0x131: {  	_ =	shalt  }

// kernel: kernel.16.cloned.1.call-start
scs
__scs_entry_jumppad:
0x0: {  	(pc) =	sbr.rel $0x88, $3  }
0x1: {  	(tag) =	ssettag $0x0;
	lr =	simm.s32 $0x1  }
0x2: {  	[smem:$0x3F93] =	sst lr;
	_ =	strace $0xD0000000  }
0x3: {  	_ = 	snop  }
0x4: {  	_ = 	snop  }
0x5: {  	_ = 	snop  }
0x6: {  	_ = 	snop  }
0x7: {  	_ = 	snop  }
__scs_overlays_trampoline_lowered:
0x8: {  	[smem:$0x3FA2] =	sst s0  }
0x9: {  	[smem:$0x3FA3] =	sst s1  }
0xa: {  	[smem:$0x3FA4] =	sst s2  }
0xb: {  	[smem:$0x3FA5] =	sst s3  }
0xc: {  	[smem:$0x3FA6] =	sst s4  }
0xd: {  	[smem:$0x3FA7] =	sst s5  }
0xe: {  	[smem:$0x3FA8] =	sst s6  }
0xf: {  	[smem:$0x3FA9] =	sst s7  }
0x10: {  	[smem:$0x3FAA] =	sst s8  }
0x11: {  	[smem:$0x3FAB] =	sst s9;
	s0 =	simm.s32 @!p0 $0x0  }
0x12: {  	s1 =	sld [smem:$0x3F91];
	s0 =	simm.s32 @p0 $0x1  }
0x13: {  	[smem:$0x3FAC] =	sst s0;
	s0 =	simm.s32 @!p1 $0x0  }
0x14: {  	s2 =	sld [smem:$0x3F90];
	s0 =	simm.s32 @p1 $0x1  }
0x15: {  	[smem:$0x3FAD] =	sst s0;
	s0 =	simm.s32 @!p2 $0x0  }
0x16: {  	s3 =	sld [smem:$0x3FDB];
	s0 =	simm.s32 @p2 $0x1  }
0x17: {  	s4 =	simm.s32 $0x1BF5;
	[smem:$0x3FAF] =	sst s0  }
0x18: {  	s0 =	sld [smem:$0x3F92];
	_ =	swait.ge [sflag:s4], $0x0  }
0x19: {  	s7 =	sld [smem:$0x3F93]  }
0x1a: {  	s8 =	sadd.s32 $0xFFFFE003, lr  }
0x1b: {  	s9 =	sadd.s32 $0xFFFFFEF7, lr;
	s5 =	simm.s32 $0xFFFFFFFF;
	p2 =	slt.u32 s8, $0xFFFFF086  }
0x1c: {  	p1 =	slt.u32 s9, $0xF7A;
	s5 =	simm.s32 @!p2 $0x0  }
0x1d: {  	s5 =	simm.s32 @p1 $0x1;
	p0 =	seq.s32 s7, s2  }
0x1e: {  	s7 =	smul.u32 @!p0 $0xF7A, s2;
	p2 =	seq.s32 @!p0 s5, $0x0  }
0x1f: {  	s9 =	smul.u32 $0xF7A, s1;
	s8 =	simm.s32 @!p0 $0x1BF5;
	p2 =	por !p2, p0  }
0x20: {  	[sflag:s8] =	ssyncset.s32 @!p0 $0xFFFFF086;
	s6 =	sadd.s32 @!p0 s3, s7;
	s7 =	simm.s32 @!p0 $0x108  }
0x21: {  	s3 =	sadd.s32 s3, s9;
	s6 =	sadd.s32 @!p0 $0x88, s6;
	s7 =	simm.s32 @p2 $0x1082  }
0x22: {  	[simem:s7], [sflag:s8] =	dma.local @!p0 [hbm:s6], $0xF7A  }
0x23: {  	s9 =	sor.u32 $0xD0000000, s2;
	s6 =	simm.s32 $0x108;
	_ =	swait.ge @!p0 [sflag:s8], $0x0  }
0x24: {  	s3 =	sadd.s32 $0x88, s3;
	s6 =	simm.s32 @!p1 $0x1082;
	[sflag:s4] =	ssyncset.s32 $0xFFFFF086  }
0x25: {  	[simem:s6], [sflag:s4] =	dma.local [hbm:s3], $0xF7A  }
0x26: {  	[smem:$0x3F93] =	sst s1;
	(tag) =	ssettag s2;
	_ =	strace s9  }
0x27: {  	s1 =	sld [smem:$0x3FA3]  }
0x28: {  	s2 =	sld [smem:$0x3FA4]  }
0x29: {  	s4 =	sld [smem:$0x3FA6]  }
0x2a: {  	p0 =	seq.s32 s5, $0x0;
	s5 =	sld [smem:$0x3FA7]  }
0x2b: {  	s6 =	sld [smem:$0x3FA8]  }
0x2c: {  	s7 =	sld [smem:$0x3FA9]  }
0x2d: {  	s3 =	simm.s32 $0x108;
	s8 =	sld [smem:$0x3FAA]  }
0x2e: {  	s3 =	simm.s32 @!p0 $0x1082;
	s9 =	sld [smem:$0x3FAB]  }
0x2f: {  	lr =	sadd.s32 s0, s3;
	s0 =	sld [smem:$0x3FA2]  }
0x30: {  	s3 =	sld [smem:$0x3FA5]  }
0x31: {  	[smem:$0x3FAE] =	sst s10  }
0x32: {  	s10 =	sld [smem:$0x3FAC];
	_ =	sdelay $0x3  }
0x33: {  	p0 =	seq.s32 s10, $0x1;
	s10 =	sld [smem:$0x3FAE];
	_ =	sdelay $0x3  }
0x34: {  	[smem:$0x3FAE] =	sst s10  }
0x35: {  	s10 =	sld [smem:$0x3FAD];
	_ =	sdelay $0x3  }
0x36: {  	p1 =	seq.s32 s10, $0x1;
	s10 =	sld [smem:$0x3FAE];
	_ =	sdelay $0x3  }
0x37: {  	[smem:$0x3FAE] =	sst s10  }
0x38: {  	s10 =	sld [smem:$0x3FAF]  }
0x39: {  	_ = 	snop;
	(pc) =	sbr.ind lr, $3  }
0x3a: {  	_ = 	snop  }
0x3b: {  	_ = 	snop  }
0x3c: {  	p2 =	seq.s32 s10, $0x1;
	s10 =	sld [smem:$0x3FAE]  }
0x3d: {  	_ =	shalt  }
0x3e: {  	_ =	shalt  }
0x3f: {  	_ =	shalt  }
0x40: {  	_ =	shalt  }
0x41: {  	_ =	shalt  }
0x42: {  	_ =	shalt  }
0x43: {  	_ =	shalt  }
0x44: {  	_ =	shalt  }
0x45: {  	_ =	shalt  }
0x46: {  	_ =	shalt  }
0x47: {  	_ =	shalt  }
0x48: {  	_ =	shalt  }
0x49: {  	_ =	shalt  }
0x4a: {  	_ =	shalt  }
0x4b: {  	_ =	shalt  }
0x4c: {  	_ =	shalt  }
0x4d: {  	_ =	shalt  }
0x4e: {  	_ =	shalt  }
0x4f: {  	_ =	shalt  }
0x50: {  	_ =	shalt  }
0x51: {  	_ =	shalt  }
0x52: {  	_ =	shalt  }
0x53: {  	_ =	shalt  }
0x54: {  	_ =	shalt  }
0x55: {  	_ =	shalt  }
0x56: {  	_ =	shalt  }
0x57: {  	_ =	shalt  }
0x58: {  	_ =	shalt  }
0x59: {  	_ =	shalt  }
0x5a: {  	_ =	shalt  }
0x5b: {  	_ =	shalt  }
0x5c: {  	_ =	shalt  }
0x5d: {  	_ =	shalt  }
0x5e: {  	_ =	shalt  }
0x5f: {  	_ =	shalt  }
0x60: {  	_ =	shalt  }
0x61: {  	_ =	shalt  }
0x62: {  	_ =	shalt  }
0x63: {  	_ =	shalt  }
0x64: {  	_ =	shalt  }
0x65: {  	_ =	shalt  }
0x66: {  	_ =	shalt  }
0x67: {  	_ =	shalt  }
0x68: {  	_ =	shalt  }
0x69: {  	_ =	shalt  }
0x6a: {  	_ =	shalt  }
0x6b: {  	_ =	shalt  }
0x6c: {  	_ =	shalt  }
0x6d: {  	_ =	shalt  }
0x6e: {  	_ =	shalt  }
0x6f: {  	_ =	shalt  }
0x70: {  	_ =	shalt  }
0x71: {  	_ =	shalt  }
0x72: {  	_ =	shalt  }
0x73: {  	_ =	shalt  }
0x74: {  	_ =	shalt  }
0x75: {  	_ =	shalt  }
0x76: {  	_ =	shalt  }
0x77: {  	_ =	shalt  }
0x78: {  	_ =	shalt  }
0x79: {  	_ =	shalt  }
0x7a: {  	_ =	shalt  }
0x7b: {  	_ =	shalt  }
0x7c: {  	_ =	shalt  }
0x7d: {  	_ =	shalt  }
0x7e: {  	_ =	shalt  }
0x7f: {  	_ =	shalt  }
0x80: {  	_ =	shalt  }
0x81: {  	_ =	shalt  }
0x82: {  	_ =	shalt  }
0x83: {  	_ =	shalt  }
0x84: {  	_ =	shalt  }
0x85: {  	_ =	shalt  }
0x86: {  	_ =	shalt  }
0x87: {  	_ =	shalt  }
.Lfunc_end0:
.L_simem_size_0:
called_computation.2_lowered:
.L_overlay_start_0:
0x88: {  	s2 =	sld [smem:$0x3FD9]  }
0x89: {  	s3 =	sld [smem:$0x3FFE];
	_ =	sdelay $0x1  }
0x8a: {  	s1 =	srdreg.scid  }
0x8b: {  	s0 =	sand.u32 $0x1, s1  }
0x8c: {  	s17 =	sshll.u32 s0, $0xA;
	s2 =	sadd.s32 s3, s2  }
0x8d: {  	s2 =	sadd.s32 s2, s17  }
0x8e: {  	[smem:$0x3FBA] =	sst s2  }
0x8f: {  	_ = 	snop  }
0x90: {  	(tm) =	ssettm $0x1  }
0x91: {  	s18 =	sld [smem:$0x3FFB];
	_ =	sdelay $0x3  }
0x92: {  	_ =	strace s18  }
0x93: {  	s2 =	sld [smem:$0x3FFC];
	_ =	sdelay $0x3  }
0x94: {  	_ =	strace s2  }
0x95: {  	s2 =	sld [smem:$0x3FFD];
	_ =	sdelay $0x3  }
0x96: {  	_ =	strace s2  }
0x97: {  	_ =	strace $0x8FFFFFFF  }
0x98: {  	s19 =	sld [smem:$0x3FDB];
	_ =	sdelay $0x1  }
0x99: {  	s20 =	simm.s32 $_scs_section_size  }
0x9a: {  	s4 =	simm.s32 $_size__tile_overlayer_lowered;
	s5 =	simm.s32 $_tile_overlayer_lowered  }
0x9b: {  	s6 =	simm.s32 $0x1BFF;
	s21 =	sshll.u32 s5, $0x1;
	s3 =	sadd.s32 s20, s19  }
0x9c: {  	s22 =	simm.s32 $0x0;
	s4 =	sshll.u32 s4, $0x1;
	s5 =	sadd.s32 s21, s3  }
0x9d: {  	[timem:s22], [sflag:s6] =	dma.local [hbm:s5], s4  }
0x9e: {  	_ =	swait.ge [sflag:s6], s4  }
0x9f: {  	s4 =	ssub.s32 $0x0, s4;
	[sflag:s6] =	ssyncset.done $0x0  }
0xa0: {  	[sflag:s6] =	ssyncadd.s32 s4;
	_ =	sdelay $0x1  }
0xa1: {  	s23 =	simm.s32 $0x1B8B  }
0xa2: {  	_ =	swait.ge [sflag:s23], $0x1  }
0xa3: {  	[sflag:s23] =	ssyncset.done $0x0  }
0xa4: {  	[sflag:s23] =	ssyncadd.s32 $0xFFFFFFFF  }
0xa5: {  	s4 =	sld [smem:$0x0]  }
0xa6: {  	s5 =	sand.u32 $0xFFFFFFFE, s1  }
0xa7: {  	p0 =	sne.s32 s1, s5  }
0xa8: {  	s5 =	sshll.u32 @p0 s5, $0xE  }
0xa9: {  	s5 =	sadd.s32 @p0 $0x11B8D, s5;
	s6 =	sshll.u32 @p0 s4, $0x11  }
0xaa: {  	s5 =	sor.u32 @p0 s6, s5  }
0xab: {  	[sflag:s5] =	ssyncadd.remote.s32 @p0 $0x1;
	_ =	sdelay $0x1  }
0xac: {  	s5 =	simm.s32 @p0 $0x1B8D  }
0xad: {  	_ =	swait.eq @p0 [sflag:s5], $0x1  }
0xae: {  	[sflag:s5] =	ssyncadd.s32 @p0 $0xFFFFFFFF  }
0xaf: {  	s6 =	sshll.u32 @!p0 s1, $0xE  }
0xb0: {  	s6 =	sor.u32 @!p0 $0x4000, s6;
	s5 =	simm.s32 @!p0 $0x1B8D  }
0xb1: {  	s4 =	sshll.u32 @!p0 s4, $0x11;
	s6 =	sadd.s32 @!p0 $0x11B8D, s6;
	_ =	swait.eq @!p0 [sflag:s5], $0x1  }
0xb2: {  	s4 =	sor.u32 @!p0 s4, s6;
	[sflag:s5] =	ssyncadd.s32 @!p0 $0xFFFFFFFF  }
0xb3: {  	s25 =	simm.s32 $0x1B8E;
	s24 =	sld [smem:$0x3FFE];
	[sflag:s4] =	ssyncadd.remote.s32 @!p0 $0x1  }
0xb4: {  	s26 =	simm.s32 $execute0_lowered;
	[smem:$0x3FD2] =	sst s25  }
0xb5: {  	s5 =	sshll.u32 s26, $0x1;
	_ =	strace $0x8000004C;
	[dreg:$0x1] =	wrdreg $0xFFFFFFFF  }
0xb6: {  	s28 =	simm.s32 $_size_execute0_lowered;
	s3 =	sadd.s32 s3, s5;
	[dreg:$0x0] =	wrdreg $0x0  }
0xb7: {  	s5 =	sshll.u32 s28, $0x1;
	[dreg:$0x2] =	wrdreg s3  }
0xb8: {  	[dreg:$0x3] =	wrdreg s5  }
0xb9: {  	[dreg:$0x4] =	wrdreg $0xC0  }
0xba: {  	_ =	task [dreg:s22], $0x5FFFF  }
0xbb: {  	[dreg:$0x1] =	wrdreg $0xFFFFFFFF  }
0xbc: {  	[dreg:$0x0] =	wrdreg $0x60  }
0xbd: {  	[dreg:$0x2] =	wrdreg s24  }
0xbe: {  	[dreg:$0x3] =	wrdreg $0x82000  }
0xbf: {  	[dreg:$0x4] =	wrdreg $0xA  }
0xc0: {  	_ =	task.clear_ibuf [dreg:s22], $0x5FFFF;
	_ =	strace $0x9000004C  }
0xc1: {  	s29 =	simm.s32 $0xA;
	_ =	strace $0x8000004E  }
0xc2: {  	_ =	swait.ge [sflag:s29], $0x1  }
0xc3: {  	[sflag:s29] =	ssyncadd.s32 $0xFFFFFFFF  }
0xc4: {  	_ =	strace $0x9000004E  }
0xc5: {  	_ =	sfence  }
0xc6: {  	s30 =	sld [smem:$0x0];
	_ =	sdelay $0x2  }
0xc7: {  	s31 =	sshll.u32 s1, $0xD;
	s1 =	sshrl.u32 s1, $0x2  }
0xc8: {  	s4 =	sand.u32 $0x4000, s31;
	s1 =	sadd.s32 s1, s30  }
0xc9: {  	s0 =	sor.u32 s4, s0;
	s1 =	sshll.u32 s1, $0x11  }
0xca: {  	s0 =	sor.u32 s1, s0  }
0xcb: {  	s0 =	sadd.s32 $0x8F2B, s0  }
0xcc: {  	[sflag:s0] =	ssyncadd.remote.s32 $0x1  }
0xcd: {  	_ =	sfence.sel $0xFFFF  }
0xce: {  	[dreg:$0x0] =	wrdreg $0xFFFFFFFF;
	(pc) =	sbr.abs _section_cstart, $3  }
0xcf: {  	[dreg:$0x1] =	wrdreg $0xFFFFFFFF  }
0xd0: {  	_ =	task.clear_ibuf [dreg:s22], $0x2FFFF;
	_ =	strace $0x9FFFFFFF  }
0xd1: {  	(tm) =	ssettm $0x7FFFFFFF  }
tec
execute0_lowered:
.L_overlay_start_1:
0x0: {  	(tag) =	ssettag $0x1  }
0x1: {  	s0 =	rddreg [dreg:$0x0]  }
0x2: {  	s2 =	rddreg [dreg:$0x1]  }
0x3: {  	s3 =	simm.s32 $0x0;
	s1 =	srdreg.scid;
	s13 =	stileid.u32  }
0x4: {  	s17 =	simm.s32 $0x5;
	s18 =	simm.s32 $0x200;
	s19 =	simm.s32 $0x80  }
0x5: {  	s20 =	simm.s32 $0x2200;
	s21 =	simm.s32 $0x1;
	s22 =	simm.s32 $0x40  }
0x6: {  	s23 =	simm.s32 $0x4200;
	s28 =	simm.s32 $0x3;
	s29 =	simm.s32 $0x180  }
0x7: {  	s30 =	simm.s32 $0x4;
	s31 =	simm.s32 $0x0;
	[smem:$0x7FF] =	sst s3  }
0x8: {  	s1 =	sand.u32 $0x1, s1;
	s4 =	sshll.u32 s13, $0x1;
	s5 =	sadd.s32 $0xA400, s0  }
0x9: {  	s7 =	sadd.s32 $0x5400, s0;
	s10 =	smul.u32 $0x4F000, s13;
	s14 =	sadd.s32 $0x128400, s2  }
0xa: {  	s12 =	smul.u32 $0x13C00, s13;
	p0 =	seq.s32 s13, $0xF;
	_ =	strace $0x8000004D  }
0xb: {  	s8 =	sor.u32 s1, s4;
	s4 =	sadd.s32 $0x522400, s0;
	s9 =	ssub.s32 $0x2, s1  }
0xc: {  	s0 =	sadd.s32 $0x7A2400, s0;
	s1 =	smul.u32 $0x138800, s1;
	s14 =	sshrl.u32 @p0 s14, $0x3  }
0xd: {  	s6 =	smul.u32 $0x1400, s8;
	s11 =	sshrl.u32 s9, $0x1;
	s10 =	sshrl.u32 s10, $0x2  }
0xe: {  	s8 =	smul.u32 $0x14000, s8;
	s9 =	ssub.s32 s9, s11;
	s11 =	sadd.s32 s10, s2  }
0xf: {  	s25 =	sadd.s32 s12, s1;
	s1 =	sshrl.u32 s1, $0x3;
	s24 =	sshrl.u32 s6, $0x3  }
0x10: {  	s8 =	sadd.s32 s4, s8;
	s1 =	sadd.s32 s0, s1;
	s16 =	sshrl.u32 @!p0 s11, $0x3  }
0x11: {  	s10 =	sadd.s32 s5, s24;
	[dreg:$0x4] =	wrdreg s8;
	s8 =	sshrl.u32 s25, $0x3  }
0x12: {  	s26 =	sadd.s32 $0x25080, s1;
	s24 =	simm.s32 $0x100;
	[dreg:$0x3] =	wrdreg s10  }
0x13: {  	s25 =	simm.s32 $0x2;
	s0 =	sadd.s32 s0, s8;
	[dreg:$0x6] =	wrdreg s26  }
0x14: {  	s10 =	sor.u32 $0x100, s6;
	[dreg:$0x5] =	wrdreg s0;
	s0 =	sshll.u32 @!p0 s13, $0x6  }
0x15: {  	s26 =	simm.s32 $0x6200;
	s13 =	smax.u32 s9, $0x1;
	s15 =	sor.u32 @!p0 $0x1C05, s0  }
.LBB2_1:
0x16: {  	s0 =	simm.s32 @p0 $0x1FC5  }
0x17: {  	[spmem:s14], [sflag:s0] =	dma.local @p0 [hbm:s7], $0x2080  }
0x18: {  	s0 =	simm.s32 @p0 $0x5  }
0x19: {  	_ =	swait.ge @p0 [sflag:s0], $0x2080  }
0x1a: {  	[sflag:s0] =	ssyncset.done @p0 $0x0  }
0x1b: {  	[sflag:s0] =	ssyncadd.s32 @p0 $0xFFFFDF80;
	s0 =	simm.s32 @!p0 $0x5  }
0x1c: {  	[spmem:s16], [sflag:s15] =	dma.local @!p0 [hbm:s7], $0x2780  }
0x1d: {  	_ =	swait.ge @!p0 [sflag:s0], $0x2780  }
0x1e: {  	[sflag:s0] =	ssyncset.done @!p0 $0x0  }
0x1f: {  	[sflag:s0] =	ssyncadd.s32 @!p0 $0xFFFFD880  }
0x20: {  	[bflag:$0x0] =	sbarrier.arrive $0xFFFF  }
0x21: {  	s11 =	rddreg [dreg:$0x3]  }
0x22: {  	[tilespmem:s3], [sflag:$0x5] =	stream.linear.gather [hbm4b:s11+s3], $0x40, $0x38;
	[tilespmem:$0x1BA80] =	vst v63  }
0x23: {  	_ =	swait.ge [sflag:s17], $0x40  }
0x24: {  	[sflag:s17] =	ssyncset.done $0x0  }
0x25: {  	s0 =	simm.s32 $0x0;
	s12 =	rddreg [dreg:$0x4];
	[sflag:s17] =	ssyncadd.s32 $0xFFFFFFC0  }
0x26: {  	[tilespmem:s18], [sflag:$0x1] =	stream.linear.gather [hbm4b:s12+s3], $0x2000, $0x38;
	[tilespmem:$0x1BA80] =	vst v63  }
.LBB2_2:
0x27: {  	s1 =	sshll.u32 s0, $0x8;
	p1 =	seq.s32 s0, $0x0  }
0x28: {  	s9 =	simm.s32 @!p1 $0x3;
	s8 =	sadd.s32 s1, s6  }
0x29: {  	_ =	swait.ge @!p1 [sflag:s9], $0x2000;
	s11 =	sadd.s32 $0x40, s8  }
0x2a: {  	[sflag:s9] =	ssyncset.done @!p1 $0x0;
	s12 =	sshrl.u32 s11, $0x3  }
0x2b: {  	[sflag:s9] =	ssyncadd.s32 @!p1 $0xFFFFE000;
	s9 =	sadd.s32 s5, s12;
	s12 =	simm.s32 $0x0  }
0x2c: {  	[tilespmem:s19], [sflag:$0x5] =	stream.linear.gather [hbm4b:s9+s12], $0x40, $0x38;
	[tilespmem:$0x1BA80] =	vst v63  }
0x2d: {  	_ =	swait.ge [sflag:s17], $0x40  }
0x2e: {  	s11 =	sshll.u32 s11, $0x4;
	[sflag:s17] =	ssyncset.done $0x0  }
0x2f: {  	s9 =	sadd.s32 s4, s11;
	[sflag:s17] =	ssyncadd.s32 $0xFFFFFFC0  }
0x30: {  	[tilespmem:s20], [sflag:$0x2] =	stream.linear.gather [hbm4b:s9+s12], $0x2000, $0x38;
	[tilespmem:$0x1BA80] =	vst v63  }
0x31: {  	_ =	swait.ge [sflag:s21], $0x2000  }
0x32: {  	[sflag:s21] =	ssyncset.done $0x0  }
0x33: {  	s11 =	simm.s32 $0x0;
	[sflag:s21] =	ssyncadd.s32 $0xFFFFE000  }
0x34: {  	v0 =	vld [tilespmem:s11+$0x230]  }
0x35: {  	v2 =	vld [tilespmem:s11+$0x200]  }
0x36: {  	v3 =	vld [tilespmem:s11+$0x210]  }
0x37: {  	v1 =	vld [tilespmem:s11+$0x220];
	_ =	sdelay $0x1  }
0x38: {  	v4 =	vand.u32 $0xFFFF0000, v0  }
0x39: {  	v0 =	vshll.u32 v0, $0x10;
	v5 =	vshll.u32 v2, $0x10;
	[tilespmem:s11+$0x4270] =	vst v4  }
0x3a: {  	s9 =	simm.s32 $0x80;
	s12 =	simm.s32 $0x400;
	v2 =	vand.u32 $0xFFFF0000, v2;
	[tilespmem:s11+$0x4200] =	vst v5;
	v4 =	vshll.u32 v3, $0x10;
	v3 =	vand.u32 $0xFFFF0000, v3  }
.LBB2_3:
0x3b: {  	p2 =	sne.s32 s12, $0x7E00;
	v5 =	vld [tilespmem:s9+$0x230];
	[tilespmem:s11+$0x4240] =	vst v2;
	v2 =	vshll.u32 v1, $0x10;
	v6 =	vand.u32 $0xFFFF0000, v1  }
0x3c: {  	v7 =	vld [tilespmem:s9+$0x200];
	[tilespmem:s11+$0x4210] =	vst v4  }
0x3d: {  	v8 =	vld [tilespmem:s9+$0x210];
	[tilespmem:s11+$0x4250] =	vst v3  }
.Ltmp0:
0x3e: {  	v1 =	vld [tilespmem:s9+$0x220];
	[tilespmem:s11+$0x4220] =	vst v2;
	(pc) =	sbr.rel @p2 .LBB2_3-.Ltmp0, $4  }
0x3f: {  	[tilespmem:s11+$0x4260] =	vst v6  }
0x40: {  	v3 =	vand.u32 $0xFFFF0000, v5;
	[tilespmem:s11+$0x4230] =	vst v0;
	v0 =	vshll.u32 v5, $0x10;
	s11 =	smov.u32 s9  }
0x41: {  	v4 =	vshll.u32 v7, $0x10;
	v2 =	vand.u32 $0xFFFF0000, v7;
	[tilespmem:s11+$0x4270] =	vst v3  }
0x42: {  	s9 =	sshra.s32 s12, $0x2;
	s12 =	sadd.s32 $0x200, s12;
	[tilespmem:s11+$0x4200] =	vst v4;
	v4 =	vshll.u32 v8, $0x10;
	v3 =	vand.u32 $0xFFFF0000, v8  }
0x43: {  	v5 =	vld [tilespmem:s9+$0x230];
	[tilespmem:s11+$0x4240] =	vst v2  }
0x44: {  	v2 =	vld [tilespmem:s9+$0x200];
	[tilespmem:s11+$0x4210] =	vst v4  }
0x45: {  	v4 =	vld [tilespmem:s9+$0x210];
	[tilespmem:s11+$0x4250] =	vst v3;
	v3 =	vshll.u32 v1, $0x10  }
0x46: {  	v1 =	vand.u32 $0xFFFF0000, v1;
	v6 =	vld [tilespmem:s9+$0x220];
	[tilespmem:s11+$0x4220] =	vst v3  }
0x47: {  	[tilespmem:s11+$0x4260] =	vst v1  }
0x48: {  	[tilespmem:s11+$0x4230] =	vst v0;
	v1 =	vand.u32 $0xFFFF0000, v5  }
0x49: {  	v0 =	vshll.u32 v2, $0x10;
	[tilespmem:s9+$0x4270] =	vst v1  }
0x4a: {  	v1 =	vand.u32 $0xFFFF0000, v2;
	[tilespmem:s9+$0x4200] =	vst v0  }
0x4b: {  	v0 =	vshll.u32 v4, $0x10;
	[tilespmem:s9+$0x4240] =	vst v1  }
0x4c: {  	v1 =	vand.u32 $0xFFFF0000, v4;
	[tilespmem:s9+$0x4210] =	vst v0  }
0x4d: {  	v0 =	vshll.u32 v6, $0x10;
	[tilespmem:s9+$0x4250] =	vst v1  }
0x4e: {  	v1 =	vand.u32 $0xFFFF0000, v6;
	[tilespmem:s9+$0x4220] =	vst v0  }
0x4f: {  	v0 =	vshll.u32 v5, $0x10;
	[tilespmem:s9+$0x4260] =	vst v1  }
0x50: {  	[tilespmem:s9+$0x4230] =	vst v0;
	s9 =	simm.s32 @!p1 $0x4  }
0x51: {  	[spmem:s2] =	stream.indirect.scatter.add.f32 [tilespmem:s23], [sflag:$0x3], $0x80, s3, s22, $0xb8;
	[tilespmem:$0x1BA80] =	vst v63  }
0x52: {  	s11 =	sadd.s32 $0x80, s8;
	_ =	swait.ge @!p1 [sflag:s9], $0x2000  }
0x53: {  	s12 =	sshrl.u32 s11, $0x3;
	[sflag:s9] =	ssyncset.done @!p1 $0x0  }
0x54: {  	[sflag:s9] =	ssyncadd.s32 @!p1 $0xFFFFE000;
	s9 =	sadd.s32 s5, s12;
	s12 =	simm.s32 $0x0  }
0x55: {  	[tilespmem:s24], [sflag:$0x5] =	stream.linear.gather [hbm4b:s9+s12], $0x40, $0x38;
	[tilespmem:$0x1BA80] =	vst v63  }
0x56: {  	_ =	swait.ge [sflag:s17], $0x40  }
0x57: {  	s11 =	sshll.u32 s11, $0x4;
	[sflag:s17] =	ssyncset.done $0x0  }
0x58: {  	s9 =	sadd.s32 s4, s11;
	[sflag:s17] =	ssyncadd.s32 $0xFFFFFFC0  }
0x59: {  	[tilespmem:s18], [sflag:$0x1] =	stream.linear.gather [hbm4b:s9+s12], $0x2000, $0x38;
	[tilespmem:$0x1BA80] =	vst v63  }
0x5a: {  	_ =	swait.ge [sflag:s25], $0x2000  }
0x5b: {  	[sflag:s25] =	ssyncset.done $0x0  }
0x5c: {  	s11 =	simm.s32 $0x0;
	[sflag:s25] =	ssyncadd.s32 $0xFFFFE000  }
0x5d: {  	v0 =	vld [tilespmem:s11+$0x2230]  }
0x5e: {  	v2 =	vld [tilespmem:s11+$0x2200]  }
0x5f: {  	v3 =	vld [tilespmem:s11+$0x2210]  }
0x60: {  	v1 =	vld [tilespmem:s11+$0x2220];
	_ =	sdelay $0x1  }
0x61: {  	v4 =	vand.u32 $0xFFFF0000, v0  }
0x62: {  	v0 =	vshll.u32 v0, $0x10;
	v5 =	vshll.u32 v2, $0x10;
	[tilespmem:s11+$0x6270] =	vst v4  }
0x63: {  	s9 =	simm.s32 $0x80;
	s12 =	simm.s32 $0x400;
	v2 =	vand.u32 $0xFFFF0000, v2;
	[tilespmem:s11+$0x6200] =	vst v5;
	v4 =	vshll.u32 v3, $0x10;
	v3 =	vand.u32 $0xFFFF0000, v3  }
.LBB2_5:
0x64: {  	p1 =	sne.s32 s12, $0x7E00;
	v5 =	vld [tilespmem:s9+$0x2230];
	[tilespmem:s11+$0x6240] =	vst v2;
	v2 =	vshll.u32 v1, $0x10;
	v6 =	vand.u32 $0xFFFF0000, v1  }
0x65: {  	v7 =	vld [tilespmem:s9+$0x2200];
	[tilespmem:s11+$0x6210] =	vst v4  }
0x66: {  	v8 =	vld [tilespmem:s9+$0x2210];
	[tilespmem:s11+$0x6250] =	vst v3  }
.Ltmp1:
0x67: {  	v1 =	vld [tilespmem:s9+$0x2220];
	[tilespmem:s11+$0x6220] =	vst v2;
	(pc) =	sbr.rel @p1 .LBB2_5-.Ltmp1, $4  }
0x68: {  	[tilespmem:s11+$0x6260] =	vst v6  }
0x69: {  	v3 =	vand.u32 $0xFFFF0000, v5;
	[tilespmem:s11+$0x6230] =	vst v0;
	v0 =	vshll.u32 v5, $0x10;
	s11 =	smov.u32 s9  }
0x6a: {  	v4 =	vshll.u32 v7, $0x10;
	v2 =	vand.u32 $0xFFFF0000, v7;
	[tilespmem:s11+$0x6270] =	vst v3  }
0x6b: {  	s9 =	sshra.s32 s12, $0x2;
	s12 =	sadd.s32 $0x200, s12;
	[tilespmem:s11+$0x6200] =	vst v4;
	v4 =	vshll.u32 v8, $0x10;
	v3 =	vand.u32 $0xFFFF0000, v8  }
0x6c: {  	v5 =	vld [tilespmem:s9+$0x2230];
	[tilespmem:s11+$0x6240] =	vst v2  }
0x6d: {  	v2 =	vld [tilespmem:s9+$0x2200];
	[tilespmem:s11+$0x6210] =	vst v4  }
0x6e: {  	v4 =	vld [tilespmem:s9+$0x2210];
	[tilespmem:s11+$0x6250] =	vst v3;
	v3 =	vshll.u32 v1, $0x10  }
0x6f: {  	v1 =	vand.u32 $0xFFFF0000, v1;
	v6 =	vld [tilespmem:s9+$0x2220];
	[tilespmem:s11+$0x6220] =	vst v3  }
0x70: {  	[tilespmem:s11+$0x6260] =	vst v1  }
0x71: {  	[tilespmem:s11+$0x6230] =	vst v0;
	v1 =	vand.u32 $0xFFFF0000, v5  }
0x72: {  	v0 =	vshll.u32 v2, $0x10;
	[tilespmem:s9+$0x6270] =	vst v1  }
0x73: {  	v1 =	vand.u32 $0xFFFF0000, v2;
	[tilespmem:s9+$0x6200] =	vst v0  }
0x74: {  	v0 =	vshll.u32 v4, $0x10;
	[tilespmem:s9+$0x6240] =	vst v1  }
0x75: {  	v1 =	vand.u32 $0xFFFF0000, v4;
	[tilespmem:s9+$0x6210] =	vst v0  }
0x76: {  	v0 =	vshll.u32 v6, $0x10;
	[tilespmem:s9+$0x6250] =	vst v1  }
0x77: {  	v1 =	vand.u32 $0xFFFF0000, v6;
	[tilespmem:s9+$0x6220] =	vst v0  }
0x78: {  	v0 =	vshll.u32 v5, $0x10;
	[tilespmem:s9+$0x6260] =	vst v1  }
0x79: {  	[tilespmem:s9+$0x6230] =	vst v0  }
0x7a: {  	[spmem:s2] =	stream.indirect.scatter.add.f32 [tilespmem:s26], [sflag:$0x4], $0x80, s19, s22, $0xb8;
	[tilespmem:$0x1BA80] =	vst v63  }
0x7b: {  	s8 =	sadd.s32 $0xC0, s8;
	_ =	swait.ge [sflag:s28], $0x2000  }
0x7c: {  	s11 =	sshrl.u32 s8, $0x3;
	[sflag:s28] =	ssyncset.done $0x0  }
0x7d: {  	s12 =	simm.s32 $0x0;
	s9 =	sadd.s32 s5, s11;
	[sflag:s28] =	ssyncadd.s32 $0xFFFFE000  }
0x7e: {  	[tilespmem:s29], [sflag:$0x5] =	stream.linear.gather [hbm4b:s9+s12], $0x40, $0x38;
	[tilespmem:$0x1BA80] =	vst v63  }
0x7f: {  	_ =	swait.ge [sflag:s17], $0x40  }
0x80: {  	s8 =	sshll.u32 s8, $0x4;
	[sflag:s17] =	ssyncset.done $0x0  }
0x81: {  	s8 =	sadd.s32 s4, s8;
	[sflag:s17] =	ssyncadd.s32 $0xFFFFFFC0  }
0x82: {  	[tilespmem:s20], [sflag:$0x2] =	stream.linear.gather [hbm4b:s8+s12], $0x2000, $0x38;
	[tilespmem:$0x1BA80] =	vst v63  }
0x83: {  	_ =	swait.ge [sflag:s21], $0x2000  }
0x84: {  	[sflag:s21] =	ssyncset.done $0x0  }
0x85: {  	s9 =	simm.s32 $0x0;
	[sflag:s21] =	ssyncadd.s32 $0xFFFFE000  }
0x86: {  	v0 =	vld [tilespmem:s9+$0x230]  }
0x87: {  	v2 =	vld [tilespmem:s9+$0x200]  }
0x88: {  	v3 =	vld [tilespmem:s9+$0x210]  }
0x89: {  	v1 =	vld [tilespmem:s9+$0x220];
	_ =	sdelay $0x1  }
0x8a: {  	v4 =	vand.u32 $0xFFFF0000, v0  }
0x8b: {  	v0 =	vshll.u32 v0, $0x10;
	v5 =	vshll.u32 v2, $0x10;
	[tilespmem:s9+$0x4270] =	vst v4  }
0x8c: {  	s11 =	simm.s32 $0x400;
	s8 =	simm.s32 $0x80;
	v2 =	vand.u32 $0xFFFF0000, v2;
	[tilespmem:s9+$0x4200] =	vst v5;
	v4 =	vshll.u32 v3, $0x10;
	v3 =	vand.u32 $0xFFFF0000, v3  }
.LBB2_7:
0x8d: {  	p1 =	sne.s32 s11, $0x7E00;
	v5 =	vld [tilespmem:s8+$0x230];
	[tilespmem:s9+$0x4240] =	vst v2;
	v2 =	vshll.u32 v1, $0x10;
	v6 =	vand.u32 $0xFFFF0000, v1  }
0x8e: {  	v7 =	vld [tilespmem:s8+$0x200];
	[tilespmem:s9+$0x4210] =	vst v4  }
0x8f: {  	v8 =	vld [tilespmem:s8+$0x210];
	[tilespmem:s9+$0x4250] =	vst v3  }
.Ltmp2:
0x90: {  	v1 =	vld [tilespmem:s8+$0x220];
	[tilespmem:s9+$0x4220] =	vst v2;
	(pc) =	sbr.rel @p1 .LBB2_7-.Ltmp2, $4  }
0x91: {  	[tilespmem:s9+$0x4260] =	vst v6  }
0x92: {  	v3 =	vand.u32 $0xFFFF0000, v5;
	[tilespmem:s9+$0x4230] =	vst v0;
	v0 =	vshll.u32 v5, $0x10;
	s9 =	smov.u32 s8  }
0x93: {  	v4 =	vshll.u32 v7, $0x10;
	v2 =	vand.u32 $0xFFFF0000, v7;
	[tilespmem:s9+$0x4270] =	vst v3  }
0x94: {  	s8 =	sshra.s32 s11, $0x2;
	s11 =	sadd.s32 $0x200, s11;
	[tilespmem:s9+$0x4200] =	vst v4;
	v4 =	vshll.u32 v8, $0x10;
	v3 =	vand.u32 $0xFFFF0000, v8  }
0x95: {  	v5 =	vld [tilespmem:s8+$0x230];
	[tilespmem:s9+$0x4240] =	vst v2  }
0x96: {  	v2 =	vld [tilespmem:s8+$0x200];
	[tilespmem:s9+$0x4210] =	vst v4  }
0x97: {  	v4 =	vld [tilespmem:s8+$0x210];
	[tilespmem:s9+$0x4250] =	vst v3;
	v3 =	vshll.u32 v1, $0x10  }
0x98: {  	v1 =	vand.u32 $0xFFFF0000, v1;
	v6 =	vld [tilespmem:s8+$0x220];
	[tilespmem:s9+$0x4220] =	vst v3  }
0x99: {  	[tilespmem:s9+$0x4260] =	vst v1  }
0x9a: {  	[tilespmem:s9+$0x4230] =	vst v0;
	v1 =	vand.u32 $0xFFFF0000, v5  }
0x9b: {  	v0 =	vshll.u32 v2, $0x10;
	[tilespmem:s8+$0x4270] =	vst v1  }
0x9c: {  	v1 =	vand.u32 $0xFFFF0000, v2;
	[tilespmem:s8+$0x4200] =	vst v0  }
0x9d: {  	v0 =	vshll.u32 v4, $0x10;
	[tilespmem:s8+$0x4240] =	vst v1  }
0x9e: {  	v1 =	vand.u32 $0xFFFF0000, v4;
	[tilespmem:s8+$0x4210] =	vst v0  }
0x9f: {  	v0 =	vshll.u32 v6, $0x10;
	[tilespmem:s8+$0x4250] =	vst v1  }
0xa0: {  	v1 =	vand.u32 $0xFFFF0000, v6;
	[tilespmem:s8+$0x4220] =	vst v0  }
0xa1: {  	v0 =	vshll.u32 v5, $0x10;
	[tilespmem:s8+$0x4260] =	vst v1  }
0xa2: {  	p1 =	seq.s32 s0, $0x13;
	[tilespmem:s8+$0x4230] =	vst v0  }
0xa3: {  	[spmem:s2] =	stream.indirect.scatter.add.f32 [tilespmem:s23], [sflag:$0x3], $0x80, s24, s22, $0xb8;
	[tilespmem:$0x1BA80] =	vst v63  }
0xa4: {  	s1 =	sadd.s32 @!p1 s1, s10;
	_ =	swait.ge [sflag:s30], $0x2000  }
0xa5: {  	s8 =	sshrl.u32 @!p1 s1, $0x3;
	[sflag:s30] =	ssyncset.done $0x0  }
0xa6: {  	s9 =	simm.s32 @!p1 $0x0;
	s8 =	sadd.s32 @!p1 s5, s8;
	[sflag:s30] =	ssyncadd.s32 $0xFFFFE000  }
0xa7: {  	[tilespmem:s9], [sflag:$0x5] =	stream.linear.gather @!p1 [hbm4b:s8+s9], $0x40, $0x38;
	[tilespmem:$0x1BA80] =	vst v63  }
0xa8: {  	s8 =	simm.s32 @!p1 $0x5  }
0xa9: {  	_ =	swait.ge @!p1 [sflag:s8], $0x40  }
0xaa: {  	s1 =	sshll.u32 @!p1 s1, $0x4;
	[sflag:s8] =	ssyncset.done @!p1 $0x0  }
0xab: {  	s1 =	sadd.s32 @!p1 s4, s1;
	[sflag:s8] =	ssyncadd.s32 @!p1 $0xFFFFFFC0;
	s8 =	simm.s32 @!p1 $0x200  }
0xac: {  	[tilespmem:s8], [sflag:$0x1] =	stream.linear.gather @!p1 [hbm4b:s1+s9], $0x2000, $0x38;
	[tilespmem:$0x1BA80] =	vst v63  }
0xad: {  	_ =	swait.ge [sflag:s25], $0x2000  }
0xae: {  	[sflag:s25] =	ssyncset.done $0x0  }
0xaf: {  	s8 =	simm.s32 $0x0;
	[sflag:s25] =	ssyncadd.s32 $0xFFFFE000  }
0xb0: {  	v0 =	vld [tilespmem:s8+$0x2230]  }
0xb1: {  	v2 =	vld [tilespmem:s8+$0x2200]  }
0xb2: {  	v3 =	vld [tilespmem:s8+$0x2210]  }
0xb3: {  	v1 =	vld [tilespmem:s8+$0x2220];
	_ =	sdelay $0x1  }
0xb4: {  	v4 =	vand.u32 $0xFFFF0000, v0  }
0xb5: {  	v0 =	vshll.u32 v0, $0x10;
	v5 =	vshll.u32 v2, $0x10;
	[tilespmem:s8+$0x6270] =	vst v4  }
0xb6: {  	s1 =	simm.s32 $0x80;
	s9 =	simm.s32 $0x400;
	v2 =	vand.u32 $0xFFFF0000, v2;
	[tilespmem:s8+$0x6200] =	vst v5;
	v4 =	vshll.u32 v3, $0x10;
	v3 =	vand.u32 $0xFFFF0000, v3  }
.LBB2_9:
0xb7: {  	p1 =	sne.s32 s9, $0x7E00;
	v5 =	vld [tilespmem:s1+$0x2230];
	[tilespmem:s8+$0x6240] =	vst v2;
	v2 =	vshll.u32 v1, $0x10;
	v6 =	vand.u32 $0xFFFF0000, v1  }
0xb8: {  	v7 =	vld [tilespmem:s1+$0x2200];
	[tilespmem:s8+$0x6210] =	vst v4  }
0xb9: {  	v8 =	vld [tilespmem:s1+$0x2210];
	[tilespmem:s8+$0x6250] =	vst v3  }
.Ltmp3:
0xba: {  	v1 =	vld [tilespmem:s1+$0x2220];
	[tilespmem:s8+$0x6220] =	vst v2;
	(pc) =	sbr.rel @p1 .LBB2_9-.Ltmp3, $4  }
0xbb: {  	[tilespmem:s8+$0x6260] =	vst v6  }
0xbc: {  	v3 =	vand.u32 $0xFFFF0000, v5;
	[tilespmem:s8+$0x6230] =	vst v0;
	v0 =	vshll.u32 v5, $0x10;
	s8 =	smov.u32 s1  }
0xbd: {  	v4 =	vshll.u32 v7, $0x10;
	v2 =	vand.u32 $0xFFFF0000, v7;
	[tilespmem:s8+$0x6270] =	vst v3  }
0xbe: {  	s1 =	sshra.s32 s9, $0x2;
	s9 =	sadd.s32 $0x200, s9;
	[tilespmem:s8+$0x6200] =	vst v4;
	v4 =	vshll.u32 v8, $0x10;
	v3 =	vand.u32 $0xFFFF0000, v8  }
0xbf: {  	v5 =	vld [tilespmem:s1+$0x2230];
	[tilespmem:s8+$0x6240] =	vst v2  }
0xc0: {  	v2 =	vld [tilespmem:s1+$0x2200];
	[tilespmem:s8+$0x6210] =	vst v4  }
0xc1: {  	v54 =	vshll.u32 v1, $0x10;
	v4 =	vld [tilespmem:s1+$0x2210];
	[tilespmem:s8+$0x6250] =	vst v3  }
0xc2: {  	v55 =	vand.u32 $0xFFFF0000, v1;
	v6 =	vld [tilespmem:s1+$0x2220];
	[tilespmem:s8+$0x6220] =	vst v54  }
0xc3: {  	[tilespmem:s8+$0x6260] =	vst v55  }
0xc4: {  	[tilespmem:s8+$0x6230] =	vst v0;
	v56 =	vand.u32 $0xFFFF0000, v5  }
0xc5: {  	v63 =	vshll.u32 v5, $0x10;
	[tilespmem:s1+$0x6270] =	vst v56  }
0xc6: {  	v57 =	vshll.u32 v2, $0x10;
	[tilespmem:s1+$0x6230] =	vst v63  }
0xc7: {  	s0 =	sadd.s32 $0x1, s0;
	v58 =	vand.u32 $0xFFFF0000, v2;
	[tilespmem:s1+$0x6200] =	vst v57  }
0xc8: {  	p1 =	sne.s32 s0, $0x14;
	v59 =	vshll.u32 v4, $0x10;
	[tilespmem:s1+$0x6240] =	vst v58  }
.Ltmp4:
0xc9: {  	v60 =	vand.u32 $0xFFFF0000, v4;
	[tilespmem:s1+$0x6210] =	vst v59;
	(pc) =	sbr.rel @p1 .LBB2_2-.Ltmp4, $4  }
0xca: {  	v61 =	vshll.u32 v6, $0x10;
	[tilespmem:s1+$0x6250] =	vst v60  }
0xcb: {  	v62 =	vand.u32 $0xFFFF0000, v6;
	[tilespmem:s1+$0x6220] =	vst v61  }
0xcc: {  	[tilespmem:s1+$0x6260] =	vst v62  }
0xcd: {  	[spmem:s2] =	stream.indirect.scatter.add.f32 [tilespmem:s26], [sflag:$0x4], $0x80, s29, s22, $0xb8;
	[tilespmem:$0x1BA80] =	vst v63  }
0xce: {  	_ =	swait.ge [sflag:s28], $0x2000  }
0xcf: {  	[sflag:s28] =	ssyncset.done $0x0  }
0xd0: {  	[sflag:s28] =	ssyncadd.s32 $0xFFFFE000  }
0xd1: {  	_ =	swait.ge [sflag:s30], $0x2000  }
0xd2: {  	[sflag:s30] =	ssyncset.done $0x0  }
0xd3: {  	[sflag:s30] =	ssyncadd.s32 $0xFFFFE000  }
0xd4: {  	[bflag:$0x0] =	sbarrier.arrive $0xFFFF  }
0xd5: {  	s0 =	simm.s32 @p0 $0x1FC5;
	s1 =	rddreg [dreg:$0x6]  }
0xd6: {  	[hbm:s1], [sflag:s0] =	dma.local @p0 [spmem:s14], $0x2080  }
0xd7: {  	s0 =	simm.s32 @p0 $0x5  }
0xd8: {  	_ =	swait.ge @p0 [sflag:s0], $0x2080  }
0xd9: {  	s31 =	sadd.s32 $0x1, s31;
	[sflag:s0] =	ssyncset.done @p0 $0x0  }
0xda: {  	p1 =	sne.s32 s31, s13;
	[sflag:s0] =	ssyncadd.s32 @p0 $0xFFFFDF80;
	s0 =	rddreg [dreg:$0x5]  }
0xdb: {  	[hbm:s0], [sflag:s15] =	dma.local @!p0 [spmem:s16], $0x2780  }
.Ltmp5:
0xdc: {  	_ = 	snop;
	(pc) =	sbr.rel @p1 .LBB2_1-.Ltmp5, $4  }
0xdd: {  	s0 =	simm.s32 @!p0 $0x5  }
0xde: {  	_ =	swait.ge @!p0 [sflag:s0], $0x2780  }
0xdf: {  	[sflag:s0] =	ssyncset.done @!p0 $0x0  }
0xe0: {  	[sflag:s0] =	ssyncadd.s32 @!p0 $0xFFFFD880  }
0xe1: {  	_ =	sfence.sel $0x180000  }
0xe2: {  	[bflag:$0x0] =	sbarrier.arrive $0xFFFF  }
0xe3: {  	_ =	strace $0x9000004D  }
0xe4: {  	s0 =	stileid.u32;
	[bflag:$0x2] =	sbarrier.arrive $0xFFFF  }
0xe5: {  	p0 =	sne.s32 s0, $0x0;
	s0 =	rddreg [dreg:$0x2]  }
0xe6: {  	s0 =	sadd.s32 @!p0 $0x100000, s0  }
0xe7: {  	[sflag:s0] =	ssyncadd.tile.s32 @!p0 $0x1;
	_ =	shalt  }
.Lfunc_end2:
_tile_overlayer_lowered:
.L_overlay_start_2:
0xe8: {  	(tag) =	ssettag $0x2  }
0xe9: {  	s0 =	rddreg [dreg:$0x0];
	s2 =	stileid.u32  }
0xea: {  	s1 =	rddreg [dreg:$0x1];
	p0 =	sne.s32 s2, $0x0  }
0xeb: {  	s3 =	rddreg [dreg:$0x2];
	[bflag:$0x3] =	sbarrier.arrive $0xFFFF;
	s2 =	simm.s32 @!p0 $0x1C05  }
0xec: {  	[timem:s3], [sflag:s2] =	dma.local @!p0 [hbm:s0], s1  }
0xed: {  	s0 =	simm.s32 @!p0 $0x5  }
0xee: {  	_ =	swait.ge @!p0 [sflag:s0], s1  }
0xef: {  	s1 =	ssub.s32 @!p0 $0x0, s1;
	[sflag:s0] =	ssyncset.done @!p0 $0x0  }
0xf0: {  	[sflag:s0] =	ssyncadd.s32 @!p0 s1  }
0xf1: {  	[bflag:$0x3] =	sbarrier.arrive $0xFFFF  }
0xf2: {  	_ =	shalt  }

// kernel: kernel.19.cloned.1.call-start
scs
__scs_entry_jumppad:
0x0: {  	(pc) =	sbr.rel $0x88, $3  }
0x1: {  	(tag) =	ssettag $0x0;
	lr =	simm.s32 $0x1  }
0x2: {  	[smem:$0x3F93] =	sst lr;
	_ =	strace $0xD0000000  }
0x3: {  	_ = 	snop  }
0x4: {  	_ = 	snop  }
0x5: {  	_ = 	snop  }
0x6: {  	_ = 	snop  }
0x7: {  	_ = 	snop  }
__scs_overlays_trampoline_lowered:
0x8: {  	[smem:$0x3FA2] =	sst s0  }
0x9: {  	[smem:$0x3FA3] =	sst s1  }
0xa: {  	[smem:$0x3FA4] =	sst s2  }
0xb: {  	[smem:$0x3FA5] =	sst s3  }
0xc: {  	[smem:$0x3FA6] =	sst s4  }
0xd: {  	[smem:$0x3FA7] =	sst s5  }
0xe: {  	[smem:$0x3FA8] =	sst s6  }
0xf: {  	[smem:$0x3FA9] =	sst s7  }
0x10: {  	[smem:$0x3FAA] =	sst s8  }
0x11: {  	[smem:$0x3FAB] =	sst s9;
	s0 =	simm.s32 @!p0 $0x0  }
0x12: {  	s1 =	sld [smem:$0x3F91];
	s0 =	simm.s32 @p0 $0x1  }
0x13: {  	[smem:$0x3FAC] =	sst s0;
	s0 =	simm.s32 @!p1 $0x0  }
0x14: {  	s2 =	sld [smem:$0x3F90];
	s0 =	simm.s32 @p1 $0x1  }
0x15: {  	[smem:$0x3FAD] =	sst s0;
	s0 =	simm.s32 @!p2 $0x0  }
0x16: {  	s3 =	sld [smem:$0x3FDB];
	s0 =	simm.s32 @p2 $0x1  }
0x17: {  	s4 =	simm.s32 $0x1BF5;
	[smem:$0x3FAF] =	sst s0  }
0x18: {  	s0 =	sld [smem:$0x3F92];
	_ =	swait.ge [sflag:s4], $0x0  }
0x19: {  	s7 =	sld [smem:$0x3F93]  }
0x1a: {  	s8 =	sadd.s32 $0xFFFFE003, lr  }
0x1b: {  	s9 =	sadd.s32 $0xFFFFFEF7, lr;
	s5 =	simm.s32 $0xFFFFFFFF;
	p2 =	slt.u32 s8, $0xFFFFF086  }
0x1c: {  	p1 =	slt.u32 s9, $0xF7A;
	s5 =	simm.s32 @!p2 $0x0  }
0x1d: {  	s5 =	simm.s32 @p1 $0x1;
	p0 =	seq.s32 s7, s2  }
0x1e: {  	s7 =	smul.u32 @!p0 $0xF7A, s2;
	p2 =	seq.s32 @!p0 s5, $0x0  }
0x1f: {  	s9 =	smul.u32 $0xF7A, s1;
	s8 =	simm.s32 @!p0 $0x1BF5;
	p2 =	por !p2, p0  }
0x20: {  	[sflag:s8] =	ssyncset.s32 @!p0 $0xFFFFF086;
	s6 =	sadd.s32 @!p0 s3, s7;
	s7 =	simm.s32 @!p0 $0x108  }
0x21: {  	s3 =	sadd.s32 s3, s9;
	s6 =	sadd.s32 @!p0 $0x88, s6;
	s7 =	simm.s32 @p2 $0x1082  }
0x22: {  	[simem:s7], [sflag:s8] =	dma.local @!p0 [hbm:s6], $0xF7A  }
0x23: {  	s9 =	sor.u32 $0xD0000000, s2;
	s6 =	simm.s32 $0x108;
	_ =	swait.ge @!p0 [sflag:s8], $0x0  }
0x24: {  	s3 =	sadd.s32 $0x88, s3;
	s6 =	simm.s32 @!p1 $0x1082;
	[sflag:s4] =	ssyncset.s32 $0xFFFFF086  }
0x25: {  	[simem:s6], [sflag:s4] =	dma.local [hbm:s3], $0xF7A  }
0x26: {  	[smem:$0x3F93] =	sst s1;
	(tag) =	ssettag s2;
	_ =	strace s9  }
0x27: {  	s1 =	sld [smem:$0x3FA3]  }
0x28: {  	s2 =	sld [smem:$0x3FA4]  }
0x29: {  	s4 =	sld [smem:$0x3FA6]  }
0x2a: {  	p0 =	seq.s32 s5, $0x0;
	s5 =	sld [smem:$0x3FA7]  }
0x2b: {  	s6 =	sld [smem:$0x3FA8]  }
0x2c: {  	s7 =	sld [smem:$0x3FA9]  }
0x2d: {  	s3 =	simm.s32 $0x108;
	s8 =	sld [smem:$0x3FAA]  }
0x2e: {  	s3 =	simm.s32 @!p0 $0x1082;
	s9 =	sld [smem:$0x3FAB]  }
0x2f: {  	lr =	sadd.s32 s0, s3;
	s0 =	sld [smem:$0x3FA2]  }
0x30: {  	s3 =	sld [smem:$0x3FA5]  }
0x31: {  	[smem:$0x3FAE] =	sst s10  }
0x32: {  	s10 =	sld [smem:$0x3FAC];
	_ =	sdelay $0x3  }
0x33: {  	p0 =	seq.s32 s10, $0x1;
	s10 =	sld [smem:$0x3FAE];
	_ =	sdelay $0x3  }
0x34: {  	[smem:$0x3FAE] =	sst s10  }
0x35: {  	s10 =	sld [smem:$0x3FAD];
	_ =	sdelay $0x3  }
0x36: {  	p1 =	seq.s32 s10, $0x1;
	s10 =	sld [smem:$0x3FAE];
	_ =	sdelay $0x3  }
0x37: {  	[smem:$0x3FAE] =	sst s10  }
0x38: {  	s10 =	sld [smem:$0x3FAF]  }
0x39: {  	_ = 	snop;
	(pc) =	sbr.ind lr, $3  }
0x3a: {  	_ = 	snop  }
0x3b: {  	_ = 	snop  }
0x3c: {  	p2 =	seq.s32 s10, $0x1;
	s10 =	sld [smem:$0x3FAE]  }
0x3d: {  	_ =	shalt  }
0x3e: {  	_ =	shalt  }
0x3f: {  	_ =	shalt  }
0x40: {  	_ =	shalt  }
0x41: {  	_ =	shalt  }
0x42: {  	_ =	shalt  }
0x43: {  	_ =	shalt  }
0x44: {  	_ =	shalt  }
0x45: {  	_ =	shalt  }
0x46: {  	_ =	shalt  }
0x47: {  	_ =	shalt  }
0x48: {  	_ =	shalt  }
0x49: {  	_ =	shalt  }
0x4a: {  	_ =	shalt  }
0x4b: {  	_ =	shalt  }
0x4c: {  	_ =	shalt  }
0x4d: {  	_ =	shalt  }
0x4e: {  	_ =	shalt  }
0x4f: {  	_ =	shalt  }
0x50: {  	_ =	shalt  }
0x51: {  	_ =	shalt  }
0x52: {  	_ =	shalt  }
0x53: {  	_ =	shalt  }
0x54: {  	_ =	shalt  }
0x55: {  	_ =	shalt  }
0x56: {  	_ =	shalt  }
0x57: {  	_ =	shalt  }
0x58: {  	_ =	shalt  }
0x59: {  	_ =	shalt  }
0x5a: {  	_ =	shalt  }
0x5b: {  	_ =	shalt  }
0x5c: {  	_ =	shalt  }
0x5d: {  	_ =	shalt  }
0x5e: {  	_ =	shalt  }
0x5f: {  	_ =	shalt  }
0x60: {  	_ =	shalt  }
0x61: {  	_ =	shalt  }
0x62: {  	_ =	shalt  }
0x63: {  	_ =	shalt  }
0x64: {  	_ =	shalt  }
0x65: {  	_ =	shalt  }
0x66: {  	_ =	shalt  }
0x67: {  	_ =	shalt  }
0x68: {  	_ =	shalt  }
0x69: {  	_ =	shalt  }
0x6a: {  	_ =	shalt  }
0x6b: {  	_ =	shalt  }
0x6c: {  	_ =	shalt  }
0x6d: {  	_ =	shalt  }
0x6e: {  	_ =	shalt  }
0x6f: {  	_ =	shalt  }
0x70: {  	_ =	shalt  }
0x71: {  	_ =	shalt  }
0x72: {  	_ =	shalt  }
0x73: {  	_ =	shalt  }
0x74: {  	_ =	shalt  }
0x75: {  	_ =	shalt  }
0x76: {  	_ =	shalt  }
0x77: {  	_ =	shalt  }
0x78: {  	_ =	shalt  }
0x79: {  	_ =	shalt  }
0x7a: {  	_ =	shalt  }
0x7b: {  	_ =	shalt  }
0x7c: {  	_ =	shalt  }
0x7d: {  	_ =	shalt  }
0x7e: {  	_ =	shalt  }
0x7f: {  	_ =	shalt  }
0x80: {  	_ =	shalt  }
0x81: {  	_ =	shalt  }
0x82: {  	_ =	shalt  }
0x83: {  	_ =	shalt  }
0x84: {  	_ =	shalt  }
0x85: {  	_ =	shalt  }
0x86: {  	_ =	shalt  }
0x87: {  	_ =	shalt  }
.Lfunc_end0:
.L_simem_size_0:
called_computation.3_lowered:
.L_overlay_start_0:
0x88: {  	s2 =	sld [smem:$0x3FD9]  }
0x89: {  	s3 =	sld [smem:$0x3FFE];
	_ =	sdelay $0x1  }
0x8a: {  	s1 =	srdreg.scid  }
0x8b: {  	s0 =	sand.u32 $0x1, s1  }
0x8c: {  	s17 =	sshll.u32 s0, $0xA;
	s2 =	sadd.s32 s3, s2  }
0x8d: {  	s2 =	sadd.s32 s2, s17  }
0x8e: {  	[smem:$0x3FBA] =	sst s2  }
0x8f: {  	_ = 	snop  }
0x90: {  	(tm) =	ssettm $0x1  }
0x91: {  	s18 =	sld [smem:$0x3FFB];
	_ =	sdelay $0x3  }
0x92: {  	_ =	strace s18  }
0x93: {  	s2 =	sld [smem:$0x3FFC];
	_ =	sdelay $0x3  }
0x94: {  	_ =	strace s2  }
0x95: {  	s2 =	sld [smem:$0x3FFD];
	_ =	sdelay $0x3  }
0x96: {  	_ =	strace s2  }
0x97: {  	_ =	strace $0x8FFFFFFF  }
0x98: {  	s19 =	sld [smem:$0x3FDB];
	_ =	sdelay $0x1  }
0x99: {  	s20 =	simm.s32 $_scs_section_size  }
0x9a: {  	s4 =	simm.s32 $_size__tile_overlayer_lowered;
	s5 =	simm.s32 $_tile_overlayer_lowered  }
0x9b: {  	s6 =	simm.s32 $0x1BFF;
	s21 =	sshll.u32 s5, $0x1;
	s3 =	sadd.s32 s20, s19  }
0x9c: {  	s22 =	simm.s32 $0x0;
	s4 =	sshll.u32 s4, $0x1;
	s5 =	sadd.s32 s21, s3  }
0x9d: {  	[timem:s22], [sflag:s6] =	dma.local [hbm:s5], s4  }
0x9e: {  	_ =	swait.ge [sflag:s6], s4  }
0x9f: {  	s4 =	ssub.s32 $0x0, s4;
	[sflag:s6] =	ssyncset.done $0x0  }
0xa0: {  	[sflag:s6] =	ssyncadd.s32 s4;
	_ =	sdelay $0x1  }
0xa1: {  	s23 =	simm.s32 $0x1B8B  }
0xa2: {  	_ =	swait.ge [sflag:s23], $0x1  }
0xa3: {  	[sflag:s23] =	ssyncset.done $0x0  }
0xa4: {  	[sflag:s23] =	ssyncadd.s32 $0xFFFFFFFF  }
0xa5: {  	s4 =	sld [smem:$0x0]  }
0xa6: {  	s5 =	sand.u32 $0xFFFFFFFE, s1  }
0xa7: {  	p0 =	sne.s32 s1, s5  }
0xa8: {  	s5 =	sshll.u32 @p0 s5, $0xE  }
0xa9: {  	s5 =	sadd.s32 @p0 $0x11B8D, s5;
	s6 =	sshll.u32 @p0 s4, $0x11  }
0xaa: {  	s5 =	sor.u32 @p0 s6, s5  }
0xab: {  	[sflag:s5] =	ssyncadd.remote.s32 @p0 $0x1;
	_ =	sdelay $0x1  }
0xac: {  	s5 =	simm.s32 @p0 $0x1B8D  }
0xad: {  	_ =	swait.eq @p0 [sflag:s5], $0x1  }
0xae: {  	[sflag:s5] =	ssyncadd.s32 @p0 $0xFFFFFFFF  }
0xaf: {  	s6 =	sshll.u32 @!p0 s1, $0xE  }
0xb0: {  	s6 =	sor.u32 @!p0 $0x4000, s6;
	s5 =	simm.s32 @!p0 $0x1B8D  }
0xb1: {  	s4 =	sshll.u32 @!p0 s4, $0x11;
	s6 =	sadd.s32 @!p0 $0x11B8D, s6;
	_ =	swait.eq @!p0 [sflag:s5], $0x1  }
0xb2: {  	s4 =	sor.u32 @!p0 s4, s6;
	[sflag:s5] =	ssyncadd.s32 @!p0 $0xFFFFFFFF  }
0xb3: {  	s25 =	simm.s32 $0x1B8E;
	s24 =	sld [smem:$0x3FFE];
	[sflag:s4] =	ssyncadd.remote.s32 @!p0 $0x1  }
0xb4: {  	s26 =	simm.s32 $execute0_lowered;
	[smem:$0x3FD2] =	sst s25  }
0xb5: {  	s5 =	sshll.u32 s26, $0x1;
	_ =	strace $0x8000004F;
	[dreg:$0x1] =	wrdreg $0xFFFFFFFF  }
0xb6: {  	s28 =	simm.s32 $_size_execute0_lowered;
	s3 =	sadd.s32 s3, s5;
	[dreg:$0x0] =	wrdreg $0x0  }
0xb7: {  	s5 =	sshll.u32 s28, $0x1;
	[dreg:$0x2] =	wrdreg s3  }
0xb8: {  	[dreg:$0x3] =	wrdreg s5  }
0xb9: {  	[dreg:$0x4] =	wrdreg $0xC0  }
0xba: {  	_ =	task [dreg:s22], $0x5FFFF  }
0xbb: {  	[dreg:$0x1] =	wrdreg $0xFFFFFFFF  }
0xbc: {  	[dreg:$0x0] =	wrdreg $0x60  }
0xbd: {  	[dreg:$0x2] =	wrdreg s24  }
0xbe: {  	[dreg:$0x3] =	wrdreg $0x92800  }
0xbf: {  	[dreg:$0x4] =	wrdreg $0x9  }
0xc0: {  	_ =	task.clear_ibuf [dreg:s22], $0x5FFFF;
	_ =	strace $0x9000004F  }
0xc1: {  	s29 =	simm.s32 $0x9;
	_ =	strace $0x80000051  }
0xc2: {  	_ =	swait.ge [sflag:s29], $0x1  }
0xc3: {  	[sflag:s29] =	ssyncadd.s32 $0xFFFFFFFF  }
0xc4: {  	_ =	strace $0x90000051  }
0xc5: {  	_ =	sfence  }
0xc6: {  	s30 =	sld [smem:$0x0];
	_ =	sdelay $0x2  }
0xc7: {  	s31 =	sshll.u32 s1, $0xD;
	s1 =	sshrl.u32 s1, $0x2  }
0xc8: {  	s4 =	sand.u32 $0x4000, s31;
	s1 =	sadd.s32 s1, s30  }
0xc9: {  	s0 =	sor.u32 s4, s0;
	s1 =	sshll.u32 s1, $0x11  }
0xca: {  	s0 =	sor.u32 s1, s0  }
0xcb: {  	s0 =	sadd.s32 $0x8F2B, s0  }
0xcc: {  	[sflag:s0] =	ssyncadd.remote.s32 $0x1  }
0xcd: {  	_ =	sfence.sel $0xFFFF  }
0xce: {  	[dreg:$0x0] =	wrdreg $0xFFFFFFFF;
	(pc) =	sbr.abs _section_cstart, $3  }
0xcf: {  	[dreg:$0x1] =	wrdreg $0xFFFFFFFF  }
0xd0: {  	_ =	task.clear_ibuf [dreg:s22], $0x2FFFF;
	_ =	strace $0x9FFFFFFF  }
0xd1: {  	(tm) =	ssettm $0x7FFFFFFF  }
tec
execute0_lowered:
.L_overlay_start_1:
0x0: {  	(tag) =	ssettag $0x1  }
0x1: {  	s0 =	rddreg [dreg:$0x0]  }
0x2: {  	s1 =	rddreg [dreg:$0x1]  }
0x3: {  	s2 =	simm.s32 $0x0;
	s3 =	srdreg.scid;
	s15 =	stileid.u32  }
0x4: {  	s19 =	simm.s32 $0x5;
	s20 =	simm.s32 $0x200;
	s21 =	simm.s32 $0x80  }
0x5: {  	s22 =	simm.s32 $0x2200;
	s23 =	simm.s32 $0x1;
	s28 =	simm.s32 $0x2  }
0x6: {  	s29 =	simm.s32 $0x6200;
	s30 =	simm.s32 $0x3;
	s31 =	simm.s32 $0x180  }
0x7: {  	[smem:$0x7FF] =	sst s2;
	s4 =	sadd.s32 $0xA52600, s0;
	s5 =	sadd.s32 $0x36600, s0  }
0x8: {  	s6 =	sadd.s32 $0x5400, s0;
	s3 =	sand.u32 $0x1, s3;
	s8 =	smul.u32 $0x4F000, s15  }
0x9: {  	s7 =	sshll.u32 s15, $0x1;
	s0 =	sadd.s32 $0x3B400, s0;
	s13 =	smul.u32 $0x13C00, s15  }
0xa: {  	s9 =	ssub.s32 $0x2, s3;
	s10 =	sor.u32 s3, s7;
	s3 =	smul.u32 $0x138800, s3  }
0xb: {  	p0 =	seq.s32 s15, $0xF;
	_ =	strace $0x80000050;
	s7 =	smul.u32 $0x1310, s10  }
0xc: {  	s11 =	sshrl.u32 s9, $0x1;
	s8 =	sshrl.u32 s8, $0x2;
	s10 =	smul.u32 $0x13100, s10  }
0xd: {  	s9 =	ssub.s32 s9, s11;
	s8 =	sadd.s32 s8, s1;
	s11 =	sadd.s32 $0x128400, s1  }
0xe: {  	s13 =	sadd.s32 s13, s3;
	s3 =	sshrl.u32 s3, $0x3;
	s12 =	sshrl.u32 s7, $0x3  }
0xf: {  	s24 =	sadd.s32 $0x1300, s7;
	s10 =	sadd.s32 s4, s10;
	s25 =	sshrl.u32 s13, $0x3  }
0x10: {  	s26 =	smax.u32 s9, $0x1;
	s16 =	sshrl.u32 @p0 s11, $0x3;
	s18 =	sshrl.u32 @!p0 s8, $0x3  }
0x11: {  	s8 =	simm.s32 $0x0;
	s12 =	sadd.s32 s5, s12;
	[dreg:$0x4] =	wrdreg s10  }
0x12: {  	s10 =	sadd.s32 $0x100, s7;
	s14 =	sshrl.u32 s24, $0x3;
	[dreg:$0x9] =	wrdreg s26  }
0x13: {  	s26 =	simm.s32 $0x100;
	[dreg:$0x3] =	wrdreg s12;
	s12 =	sshll.u32 s24, $0x4  }
0x14: {  	s14 =	sadd.s32 s5, s14;
	s24 =	simm.s32 $0x40;
	s12 =	sadd.s32 s4, s12  }
0x15: {  	[dreg:$0x6] =	wrdreg s12;
	s12 =	sadd.s32 s0, s25;
	s0 =	sadd.s32 s0, s3  }
0x16: {  	[dreg:$0x5] =	wrdreg s14;
	s25 =	simm.s32 $0x4200;
	s0 =	sadd.s32 $0x25080, s0  }
0x17: {  	s3 =	simm.s32 $0x8200;
	[dreg:$0x8] =	wrdreg s0;
	s0 =	sshll.u32 @!p0 s15, $0x6  }
0x18: {  	[dreg:$0x7] =	wrdreg s12;
	s17 =	sor.u32 @!p0 $0x1C05, s0;
	s0 =	simm.s32 $0x4  }
.LBB2_1:
0x19: {  	s9 =	simm.s32 @p0 $0x1FC5  }
0x1a: {  	[spmem:s16], [sflag:s9] =	dma.local @p0 [hbm:s6], $0x2080  }
0x1b: {  	s9 =	simm.s32 @p0 $0x5  }
0x1c: {  	_ =	swait.ge @p0 [sflag:s9], $0x2080  }
0x1d: {  	[sflag:s9] =	ssyncset.done @p0 $0x0  }
0x1e: {  	[sflag:s9] =	ssyncadd.s32 @p0 $0xFFFFDF80;
	s9 =	simm.s32 @!p0 $0x5  }
0x1f: {  	[spmem:s18], [sflag:s17] =	dma.local @!p0 [hbm:s6], $0x2780  }
0x20: {  	_ =	swait.ge @!p0 [sflag:s9], $0x2780  }
0x21: {  	[sflag:s9] =	ssyncset.done @!p0 $0x0  }
0x22: {  	[sflag:s9] =	ssyncadd.s32 @!p0 $0xFFFFD880  }
0x23: {  	[bflag:$0x0] =	sbarrier.arrive $0xFFFF  }
0x24: {  	s14 =	rddreg [dreg:$0x3]  }
0x25: {  	[tilespmem:s2], [sflag:$0x5] =	stream.linear.gather [hbm4b:s14+s2], $0x40, $0x38;
	[tilespmem:$0x1CB00] =	vst v63  }
0x26: {  	_ =	swait.ge [sflag:s19], $0x40  }
0x27: {  	[sflag:s19] =	ssyncset.done $0x0  }
0x28: {  	s9 =	simm.s32 $0x0;
	s15 =	rddreg [dreg:$0x4];
	[sflag:s19] =	ssyncadd.s32 $0xFFFFFFC0  }
0x29: {  	[tilespmem:s20], [sflag:$0x1] =	stream.linear.gather [hbm4b:s15+s2], $0x2000, $0x38;
	[tilespmem:$0x1CB00] =	vst v63  }
.LBB2_2:
0x2a: {  	s11 =	sshll.u32 s9, $0x8;
	p1 =	seq.s32 s9, $0x0  }
0x2b: {  	s13 =	simm.s32 @!p1 $0x3;
	s12 =	sadd.s32 s11, s7  }
0x2c: {  	_ =	swait.ge @!p1 [sflag:s13], $0x2000;
	s14 =	sadd.s32 $0x40, s12  }
0x2d: {  	[sflag:s13] =	ssyncset.done @!p1 $0x0;
	s15 =	sshrl.u32 s14, $0x3  }
0x2e: {  	[sflag:s13] =	ssyncadd.s32 @!p1 $0xFFFFE000;
	s13 =	sadd.s32 s5, s15;
	s15 =	simm.s32 $0x0  }
0x2f: {  	[tilespmem:s21], [sflag:$0x5] =	stream.linear.gather [hbm4b:s13+s15], $0x40, $0x38;
	[tilespmem:$0x1CB00] =	vst v63  }
0x30: {  	_ =	swait.ge [sflag:s19], $0x40  }
0x31: {  	s14 =	sshll.u32 s14, $0x4;
	[sflag:s19] =	ssyncset.done $0x0  }
0x32: {  	s13 =	sadd.s32 s4, s14;
	[sflag:s19] =	ssyncadd.s32 $0xFFFFFFC0  }
0x33: {  	[tilespmem:s22], [sflag:$0x2] =	stream.linear.gather [hbm4b:s13+s15], $0x2000, $0x38;
	[tilespmem:$0x1CB00] =	vst v63  }
0x34: {  	_ =	swait.ge [sflag:s23], $0x2000  }
0x35: {  	[sflag:s23] =	ssyncset.done $0x0  }
0x36: {  	s14 =	simm.s32 $0x0;
	[sflag:s23] =	ssyncadd.s32 $0xFFFFE000  }
0x37: {  	v0 =	vld [tilespmem:s14+$0x230]  }
0x38: {  	v2 =	vld [tilespmem:s14+$0x200]  }
0x39: {  	v3 =	vld [tilespmem:s14+$0x210]  }
0x3a: {  	v1 =	vld [tilespmem:s14+$0x220];
	_ =	sdelay $0x1  }
0x3b: {  	v4 =	vand.u32 $0xFFFF0000, v0  }
0x3c: {  	v0 =	vshll.u32 v0, $0x10;
	v5 =	vshll.u32 v2, $0x10;
	[tilespmem:s14+$0x4270] =	vst v4  }
0x3d: {  	s13 =	simm.s32 $0x80;
	s15 =	simm.s32 $0x400;
	v2 =	vand.u32 $0xFFFF0000, v2;
	[tilespmem:s14+$0x4200] =	vst v5;
	v4 =	vshll.u32 v3, $0x10;
	v3 =	vand.u32 $0xFFFF0000, v3  }
.LBB2_3:
0x3e: {  	p2 =	sne.s32 s15, $0x7E00;
	v5 =	vld [tilespmem:s13+$0x230];
	[tilespmem:s14+$0x4240] =	vst v2;
	v2 =	vshll.u32 v1, $0x10;
	v6 =	vand.u32 $0xFFFF0000, v1  }
0x3f: {  	v7 =	vld [tilespmem:s13+$0x200];
	[tilespmem:s14+$0x4210] =	vst v4  }
0x40: {  	v8 =	vld [tilespmem:s13+$0x210];
	[tilespmem:s14+$0x4250] =	vst v3  }
.Ltmp0:
0x41: {  	v1 =	vld [tilespmem:s13+$0x220];
	[tilespmem:s14+$0x4220] =	vst v2;
	(pc) =	sbr.rel @p2 .LBB2_3-.Ltmp0, $4  }
0x42: {  	[tilespmem:s14+$0x4260] =	vst v6  }
0x43: {  	v3 =	vand.u32 $0xFFFF0000, v5;
	[tilespmem:s14+$0x4230] =	vst v0;
	v0 =	vshll.u32 v5, $0x10;
	s14 =	smov.u32 s13  }
0x44: {  	v4 =	vshll.u32 v7, $0x10;
	v2 =	vand.u32 $0xFFFF0000, v7;
	[tilespmem:s14+$0x4270] =	vst v3  }
0x45: {  	s13 =	sshra.s32 s15, $0x2;
	s15 =	sadd.s32 $0x200, s15;
	[tilespmem:s14+$0x4200] =	vst v4;
	v4 =	vshll.u32 v8, $0x10;
	v3 =	vand.u32 $0xFFFF0000, v8  }
0x46: {  	v5 =	vld [tilespmem:s13+$0x230];
	[tilespmem:s14+$0x4240] =	vst v2  }
0x47: {  	v2 =	vld [tilespmem:s13+$0x200];
	[tilespmem:s14+$0x4210] =	vst v4  }
0x48: {  	v4 =	vld [tilespmem:s13+$0x210];
	[tilespmem:s14+$0x4250] =	vst v3;
	v3 =	vshll.u32 v1, $0x10  }
0x49: {  	v1 =	vand.u32 $0xFFFF0000, v1;
	v6 =	vld [tilespmem:s13+$0x220];
	[tilespmem:s14+$0x4220] =	vst v3  }
0x4a: {  	[tilespmem:s14+$0x4260] =	vst v1  }
0x4b: {  	[tilespmem:s14+$0x4230] =	vst v0;
	v1 =	vand.u32 $0xFFFF0000, v5  }
0x4c: {  	v0 =	vshll.u32 v2, $0x10;
	[tilespmem:s13+$0x4270] =	vst v1  }
0x4d: {  	v1 =	vand.u32 $0xFFFF0000, v2;
	[tilespmem:s13+$0x4200] =	vst v0  }
0x4e: {  	v0 =	vshll.u32 v4, $0x10;
	[tilespmem:s13+$0x4240] =	vst v1  }
0x4f: {  	v1 =	vand.u32 $0xFFFF0000, v4;
	[tilespmem:s13+$0x4210] =	vst v0  }
0x50: {  	v0 =	vshll.u32 v6, $0x10;
	[tilespmem:s13+$0x4250] =	vst v1  }
0x51: {  	v1 =	vand.u32 $0xFFFF0000, v6;
	[tilespmem:s13+$0x4220] =	vst v0  }
0x52: {  	v0 =	vshll.u32 v5, $0x10;
	[tilespmem:s13+$0x4260] =	vst v1  }
0x53: {  	[tilespmem:s13+$0x4230] =	vst v0;
	s13 =	simm.s32 @!p1 $0x4  }
0x54: {  	[spmem:s1] =	stream.indirect.scatter.add.f32 [tilespmem:s25], [sflag:$0x3], $0x80, s2, s24, $0xb8;
	[tilespmem:$0x1CB00] =	vst v63  }
0x55: {  	s14 =	sadd.s32 $0x80, s12;
	_ =	swait.ge @!p1 [sflag:s13], $0x2000  }
0x56: {  	s15 =	sshrl.u32 s14, $0x3;
	[sflag:s13] =	ssyncset.done @!p1 $0x0  }
0x57: {  	[sflag:s13] =	ssyncadd.s32 @!p1 $0xFFFFE000;
	s13 =	sadd.s32 s5, s15;
	s15 =	simm.s32 $0x0  }
0x58: {  	[tilespmem:s26], [sflag:$0x5] =	stream.linear.gather [hbm4b:s13+s15], $0x40, $0x38;
	[tilespmem:$0x1CB00] =	vst v63  }
0x59: {  	_ =	swait.ge [sflag:s19], $0x40  }
0x5a: {  	s14 =	sshll.u32 s14, $0x4;
	[sflag:s19] =	ssyncset.done $0x0  }
0x5b: {  	s13 =	sadd.s32 s4, s14;
	[sflag:s19] =	ssyncadd.s32 $0xFFFFFFC0  }
0x5c: {  	[tilespmem:s20], [sflag:$0x1] =	stream.linear.gather [hbm4b:s13+s15], $0x2000, $0x38;
	[tilespmem:$0x1CB00] =	vst v63  }
0x5d: {  	_ =	swait.ge [sflag:s28], $0x2000  }
0x5e: {  	[sflag:s28] =	ssyncset.done $0x0  }
0x5f: {  	s14 =	simm.s32 $0x0;
	[sflag:s28] =	ssyncadd.s32 $0xFFFFE000  }
0x60: {  	v0 =	vld [tilespmem:s14+$0x2230]  }
0x61: {  	v2 =	vld [tilespmem:s14+$0x2200]  }
0x62: {  	v3 =	vld [tilespmem:s14+$0x2210]  }
0x63: {  	v1 =	vld [tilespmem:s14+$0x2220];
	_ =	sdelay $0x1  }
0x64: {  	v4 =	vand.u32 $0xFFFF0000, v0  }
0x65: {  	v0 =	vshll.u32 v0, $0x10;
	v5 =	vshll.u32 v2, $0x10;
	[tilespmem:s14+$0x6270] =	vst v4  }
0x66: {  	s13 =	simm.s32 $0x80;
	s15 =	simm.s32 $0x400;
	v2 =	vand.u32 $0xFFFF0000, v2;
	[tilespmem:s14+$0x6200] =	vst v5;
	v4 =	vshll.u32 v3, $0x10;
	v3 =	vand.u32 $0xFFFF0000, v3  }
.LBB2_5:
0x67: {  	p1 =	sne.s32 s15, $0x7E00;
	v5 =	vld [tilespmem:s13+$0x2230];
	[tilespmem:s14+$0x6240] =	vst v2;
	v2 =	vshll.u32 v1, $0x10;
	v6 =	vand.u32 $0xFFFF0000, v1  }
0x68: {  	v7 =	vld [tilespmem:s13+$0x2200];
	[tilespmem:s14+$0x6210] =	vst v4  }
0x69: {  	v8 =	vld [tilespmem:s13+$0x2210];
	[tilespmem:s14+$0x6250] =	vst v3  }
.Ltmp1:
0x6a: {  	v1 =	vld [tilespmem:s13+$0x2220];
	[tilespmem:s14+$0x6220] =	vst v2;
	(pc) =	sbr.rel @p1 .LBB2_5-.Ltmp1, $4  }
0x6b: {  	[tilespmem:s14+$0x6260] =	vst v6  }
0x6c: {  	v3 =	vand.u32 $0xFFFF0000, v5;
	[tilespmem:s14+$0x6230] =	vst v0;
	v0 =	vshll.u32 v5, $0x10;
	s14 =	smov.u32 s13  }
0x6d: {  	v4 =	vshll.u32 v7, $0x10;
	v2 =	vand.u32 $0xFFFF0000, v7;
	[tilespmem:s14+$0x6270] =	vst v3  }
0x6e: {  	s13 =	sshra.s32 s15, $0x2;
	s15 =	sadd.s32 $0x200, s15;
	[tilespmem:s14+$0x6200] =	vst v4;
	v4 =	vshll.u32 v8, $0x10;
	v3 =	vand.u32 $0xFFFF0000, v8  }
0x6f: {  	v5 =	vld [tilespmem:s13+$0x2230];
	[tilespmem:s14+$0x6240] =	vst v2  }
0x70: {  	v2 =	vld [tilespmem:s13+$0x2200];
	[tilespmem:s14+$0x6210] =	vst v4  }
0x71: {  	v4 =	vld [tilespmem:s13+$0x2210];
	[tilespmem:s14+$0x6250] =	vst v3;
	v3 =	vshll.u32 v1, $0x10  }
0x72: {  	v1 =	vand.u32 $0xFFFF0000, v1;
	v6 =	vld [tilespmem:s13+$0x2220];
	[tilespmem:s14+$0x6220] =	vst v3  }
0x73: {  	[tilespmem:s14+$0x6260] =	vst v1  }
0x74: {  	[tilespmem:s14+$0x6230] =	vst v0;
	v1 =	vand.u32 $0xFFFF0000, v5  }
0x75: {  	v0 =	vshll.u32 v2, $0x10;
	[tilespmem:s13+$0x6270] =	vst v1  }
0x76: {  	v1 =	vand.u32 $0xFFFF0000, v2;
	[tilespmem:s13+$0x6200] =	vst v0  }
0x77: {  	v0 =	vshll.u32 v4, $0x10;
	[tilespmem:s13+$0x6240] =	vst v1  }
0x78: {  	v1 =	vand.u32 $0xFFFF0000, v4;
	[tilespmem:s13+$0x6210] =	vst v0  }
0x79: {  	v0 =	vshll.u32 v6, $0x10;
	[tilespmem:s13+$0x6250] =	vst v1  }
0x7a: {  	v1 =	vand.u32 $0xFFFF0000, v6;
	[tilespmem:s13+$0x6220] =	vst v0  }
0x7b: {  	v0 =	vshll.u32 v5, $0x10;
	[tilespmem:s13+$0x6260] =	vst v1  }
0x7c: {  	[tilespmem:s13+$0x6230] =	vst v0  }
0x7d: {  	[spmem:s1] =	stream.indirect.scatter.add.f32 [tilespmem:s29], [sflag:$0x4], $0x80, s21, s24, $0xb8;
	[tilespmem:$0x1CB00] =	vst v63  }
0x7e: {  	s12 =	sadd.s32 $0xC0, s12;
	_ =	swait.ge [sflag:s30], $0x2000  }
0x7f: {  	s14 =	sshrl.u32 s12, $0x3;
	[sflag:s30] =	ssyncset.done $0x0  }
0x80: {  	s15 =	simm.s32 $0x0;
	s13 =	sadd.s32 s5, s14;
	[sflag:s30] =	ssyncadd.s32 $0xFFFFE000  }
0x81: {  	[tilespmem:s31], [sflag:$0x5] =	stream.linear.gather [hbm4b:s13+s15], $0x40, $0x38;
	[tilespmem:$0x1CB00] =	vst v63  }
0x82: {  	_ =	swait.ge [sflag:s19], $0x40  }
0x83: {  	s12 =	sshll.u32 s12, $0x4;
	[sflag:s19] =	ssyncset.done $0x0  }
0x84: {  	s12 =	sadd.s32 s4, s12;
	[sflag:s19] =	ssyncadd.s32 $0xFFFFFFC0  }
0x85: {  	[tilespmem:s22], [sflag:$0x2] =	stream.linear.gather [hbm4b:s12+s15], $0x2000, $0x38;
	[tilespmem:$0x1CB00] =	vst v63  }
0x86: {  	_ =	swait.ge [sflag:s23], $0x2000  }
0x87: {  	[sflag:s23] =	ssyncset.done $0x0  }
0x88: {  	s13 =	simm.s32 $0x0;
	[sflag:s23] =	ssyncadd.s32 $0xFFFFE000  }
0x89: {  	v0 =	vld [tilespmem:s13+$0x230]  }
0x8a: {  	v2 =	vld [tilespmem:s13+$0x200]  }
0x8b: {  	v3 =	vld [tilespmem:s13+$0x210]  }
0x8c: {  	v1 =	vld [tilespmem:s13+$0x220];
	_ =	sdelay $0x1  }
0x8d: {  	v4 =	vand.u32 $0xFFFF0000, v0  }
0x8e: {  	v0 =	vshll.u32 v0, $0x10;
	v5 =	vshll.u32 v2, $0x10;
	[tilespmem:s13+$0x4270] =	vst v4  }
0x8f: {  	s14 =	simm.s32 $0x400;
	s12 =	simm.s32 $0x80;
	v2 =	vand.u32 $0xFFFF0000, v2;
	[tilespmem:s13+$0x4200] =	vst v5;
	v4 =	vshll.u32 v3, $0x10;
	v3 =	vand.u32 $0xFFFF0000, v3  }
.LBB2_7:
0x90: {  	p1 =	sne.s32 s14, $0x7E00;
	v5 =	vld [tilespmem:s12+$0x230];
	[tilespmem:s13+$0x4240] =	vst v2;
	v2 =	vshll.u32 v1, $0x10;
	v6 =	vand.u32 $0xFFFF0000, v1  }
0x91: {  	v7 =	vld [tilespmem:s12+$0x200];
	[tilespmem:s13+$0x4210] =	vst v4  }
0x92: {  	v8 =	vld [tilespmem:s12+$0x210];
	[tilespmem:s13+$0x4250] =	vst v3  }
.Ltmp2:
0x93: {  	v1 =	vld [tilespmem:s12+$0x220];
	[tilespmem:s13+$0x4220] =	vst v2;
	(pc) =	sbr.rel @p1 .LBB2_7-.Ltmp2, $4  }
0x94: {  	[tilespmem:s13+$0x4260] =	vst v6  }
0x95: {  	v3 =	vand.u32 $0xFFFF0000, v5;
	[tilespmem:s13+$0x4230] =	vst v0;
	v0 =	vshll.u32 v5, $0x10;
	s13 =	smov.u32 s12  }
0x96: {  	v4 =	vshll.u32 v7, $0x10;
	v2 =	vand.u32 $0xFFFF0000, v7;
	[tilespmem:s13+$0x4270] =	vst v3  }
0x97: {  	s12 =	sshra.s32 s14, $0x2;
	s14 =	sadd.s32 $0x200, s14;
	[tilespmem:s13+$0x4200] =	vst v4;
	v4 =	vshll.u32 v8, $0x10;
	v3 =	vand.u32 $0xFFFF0000, v8  }
0x98: {  	v5 =	vld [tilespmem:s12+$0x230];
	[tilespmem:s13+$0x4240] =	vst v2  }
0x99: {  	v2 =	vld [tilespmem:s12+$0x200];
	[tilespmem:s13+$0x4210] =	vst v4  }
0x9a: {  	v4 =	vld [tilespmem:s12+$0x210];
	[tilespmem:s13+$0x4250] =	vst v3;
	v3 =	vshll.u32 v1, $0x10  }
0x9b: {  	v1 =	vand.u32 $0xFFFF0000, v1;
	v6 =	vld [tilespmem:s12+$0x220];
	[tilespmem:s13+$0x4220] =	vst v3  }
0x9c: {  	[tilespmem:s13+$0x4260] =	vst v1  }
0x9d: {  	[tilespmem:s13+$0x4230] =	vst v0;
	v1 =	vand.u32 $0xFFFF0000, v5  }
0x9e: {  	v0 =	vshll.u32 v2, $0x10;
	[tilespmem:s12+$0x4270] =	vst v1  }
0x9f: {  	v1 =	vand.u32 $0xFFFF0000, v2;
	[tilespmem:s12+$0x4200] =	vst v0  }
0xa0: {  	v0 =	vshll.u32 v4, $0x10;
	[tilespmem:s12+$0x4240] =	vst v1  }
0xa1: {  	v1 =	vand.u32 $0xFFFF0000, v4;
	[tilespmem:s12+$0x4210] =	vst v0  }
0xa2: {  	v0 =	vshll.u32 v6, $0x10;
	[tilespmem:s12+$0x4250] =	vst v1  }
0xa3: {  	v1 =	vand.u32 $0xFFFF0000, v6;
	[tilespmem:s12+$0x4220] =	vst v0  }
0xa4: {  	v0 =	vshll.u32 v5, $0x10;
	[tilespmem:s12+$0x4260] =	vst v1  }
0xa5: {  	p1 =	seq.s32 s9, $0x12;
	[tilespmem:s12+$0x4230] =	vst v0  }
0xa6: {  	[spmem:s1] =	stream.indirect.scatter.add.f32 [tilespmem:s25], [sflag:$0x3], $0x80, s26, s24, $0xb8;
	[tilespmem:$0x1CB00] =	vst v63  }
0xa7: {  	s11 =	sadd.s32 @!p1 s11, s10;
	_ =	swait.ge [sflag:s0], $0x2000  }
0xa8: {  	s12 =	sshrl.u32 @!p1 s11, $0x3;
	[sflag:s0] =	ssyncset.done $0x0  }
0xa9: {  	s13 =	simm.s32 @!p1 $0x0;
	s12 =	sadd.s32 @!p1 s5, s12;
	[sflag:s0] =	ssyncadd.s32 $0xFFFFE000  }
0xaa: {  	[tilespmem:s13], [sflag:$0x5] =	stream.linear.gather @!p1 [hbm4b:s12+s13], $0x40, $0x38;
	[tilespmem:$0x1CB00] =	vst v63  }
0xab: {  	s12 =	simm.s32 @!p1 $0x5  }
0xac: {  	_ =	swait.ge @!p1 [sflag:s12], $0x40  }
0xad: {  	s11 =	sshll.u32 @!p1 s11, $0x4;
	[sflag:s12] =	ssyncset.done @!p1 $0x0  }
0xae: {  	s11 =	sadd.s32 @!p1 s4, s11;
	[sflag:s12] =	ssyncadd.s32 @!p1 $0xFFFFFFC0;
	s12 =	simm.s32 @!p1 $0x200  }
0xaf: {  	[tilespmem:s12], [sflag:$0x1] =	stream.linear.gather @!p1 [hbm4b:s11+s13], $0x2000, $0x38;
	[tilespmem:$0x1CB00] =	vst v63  }
0xb0: {  	_ =	swait.ge [sflag:s28], $0x2000  }
0xb1: {  	[sflag:s28] =	ssyncset.done $0x0  }
0xb2: {  	s12 =	simm.s32 $0x0;
	[sflag:s28] =	ssyncadd.s32 $0xFFFFE000  }
0xb3: {  	v0 =	vld [tilespmem:s12+$0x2230]  }
0xb4: {  	v2 =	vld [tilespmem:s12+$0x2200]  }
0xb5: {  	v3 =	vld [tilespmem:s12+$0x2210]  }
0xb6: {  	v1 =	vld [tilespmem:s12+$0x2220];
	_ =	sdelay $0x1  }
0xb7: {  	v4 =	vand.u32 $0xFFFF0000, v0  }
0xb8: {  	v0 =	vshll.u32 v0, $0x10;
	v5 =	vshll.u32 v2, $0x10;
	[tilespmem:s12+$0x6270] =	vst v4  }
0xb9: {  	s11 =	simm.s32 $0x80;
	s13 =	simm.s32 $0x400;
	v2 =	vand.u32 $0xFFFF0000, v2;
	[tilespmem:s12+$0x6200] =	vst v5;
	v4 =	vshll.u32 v3, $0x10;
	v3 =	vand.u32 $0xFFFF0000, v3  }
.LBB2_9:
0xba: {  	p1 =	sne.s32 s13, $0x7E00;
	v5 =	vld [tilespmem:s11+$0x2230];
	[tilespmem:s12+$0x6240] =	vst v2;
	v2 =	vshll.u32 v1, $0x10;
	v6 =	vand.u32 $0xFFFF0000, v1  }
0xbb: {  	v7 =	vld [tilespmem:s11+$0x2200];
	[tilespmem:s12+$0x6210] =	vst v4  }
0xbc: {  	v8 =	vld [tilespmem:s11+$0x2210];
	[tilespmem:s12+$0x6250] =	vst v3  }
.Ltmp3:
0xbd: {  	v1 =	vld [tilespmem:s11+$0x2220];
	[tilespmem:s12+$0x6220] =	vst v2;
	(pc) =	sbr.rel @p1 .LBB2_9-.Ltmp3, $4  }
0xbe: {  	[tilespmem:s12+$0x6260] =	vst v6  }
0xbf: {  	v3 =	vand.u32 $0xFFFF0000, v5;
	[tilespmem:s12+$0x6230] =	vst v0;
	v0 =	vshll.u32 v5, $0x10;
	s12 =	smov.u32 s11  }
0xc0: {  	v4 =	vshll.u32 v7, $0x10;
	v2 =	vand.u32 $0xFFFF0000, v7;
	[tilespmem:s12+$0x6270] =	vst v3  }
0xc1: {  	s11 =	sshra.s32 s13, $0x2;
	s13 =	sadd.s32 $0x200, s13;
	[tilespmem:s12+$0x6200] =	vst v4;
	v4 =	vshll.u32 v8, $0x10;
	v3 =	vand.u32 $0xFFFF0000, v8  }
0xc2: {  	v5 =	vld [tilespmem:s11+$0x2230];
	[tilespmem:s12+$0x6240] =	vst v2  }
0xc3: {  	v2 =	vld [tilespmem:s11+$0x2200];
	[tilespmem:s12+$0x6210] =	vst v4  }
0xc4: {  	v54 =	vshll.u32 v1, $0x10;
	v4 =	vld [tilespmem:s11+$0x2210];
	[tilespmem:s12+$0x6250] =	vst v3  }
0xc5: {  	v55 =	vand.u32 $0xFFFF0000, v1;
	v6 =	vld [tilespmem:s11+$0x2220];
	[tilespmem:s12+$0x6220] =	vst v54  }
0xc6: {  	[tilespmem:s12+$0x6260] =	vst v55  }
0xc7: {  	[tilespmem:s12+$0x6230] =	vst v0;
	v56 =	vand.u32 $0xFFFF0000, v5  }
0xc8: {  	v63 =	vshll.u32 v5, $0x10;
	[tilespmem:s11+$0x6270] =	vst v56  }
0xc9: {  	v57 =	vshll.u32 v2, $0x10;
	[tilespmem:s11+$0x6230] =	vst v63  }
0xca: {  	s9 =	sadd.s32 $0x1, s9;
	v58 =	vand.u32 $0xFFFF0000, v2;
	[tilespmem:s11+$0x6200] =	vst v57  }
0xcb: {  	p1 =	sne.s32 s9, $0x13;
	v59 =	vshll.u32 v4, $0x10;
	[tilespmem:s11+$0x6240] =	vst v58  }
.Ltmp4:
0xcc: {  	v60 =	vand.u32 $0xFFFF0000, v4;
	[tilespmem:s11+$0x6210] =	vst v59;
	(pc) =	sbr.rel @p1 .LBB2_2-.Ltmp4, $4  }
0xcd: {  	v61 =	vshll.u32 v6, $0x10;
	[tilespmem:s11+$0x6250] =	vst v60  }
0xce: {  	v62 =	vand.u32 $0xFFFF0000, v6;
	[tilespmem:s11+$0x6220] =	vst v61  }
0xcf: {  	[tilespmem:s11+$0x6260] =	vst v62  }
0xd0: {  	[spmem:s1] =	stream.indirect.scatter.add.f32 [tilespmem:s29], [sflag:$0x4], $0x80, s31, s24, $0xb8;
	[tilespmem:$0x1CB00] =	vst v63  }
0xd1: {  	_ =	swait.ge [sflag:s30], $0x2000  }
0xd2: {  	[sflag:s30] =	ssyncset.done $0x0  }
0xd3: {  	[sflag:s30] =	ssyncadd.s32 $0xFFFFE000  }
0xd4: {  	_ =	swait.ge [sflag:s0], $0x2000  }
0xd5: {  	[sflag:s0] =	ssyncset.done $0x0  }
0xd6: {  	s9 =	simm.s32 $0x0;
	s11 =	rddreg [dreg:$0x5];
	[sflag:s0] =	ssyncadd.s32 $0xFFFFE000  }
0xd7: {  	[tilespmem:s3], [sflag:$0x5] =	stream.linear.gather [hbm4b:s11+s9], $0x10, $0x38;
	[tilespmem:$0x1CB00] =	vst v63  }
0xd8: {  	_ =	swait.ge [sflag:s19], $0x10  }
0xd9: {  	[sflag:s19] =	ssyncset.done $0x0  }
0xda: {  	s12 =	simm.s32 $0x8280;
	s15 =	rddreg [dreg:$0x6];
	[sflag:s19] =	ssyncadd.s32 $0xFFFFFFF0  }
0xdb: {  	[tilespmem:s12], [sflag:$0x5] =	stream.linear.gather [hbm4b:s15+s9], $0x800, $0x38;
	[tilespmem:$0x1CB00] =	vst v63  }
0xdc: {  	_ =	swait.ge [sflag:s19], $0x800  }
0xdd: {  	[sflag:s19] =	ssyncset.done $0x0  }
0xde: {  	s11 =	simm.s32 $0x0;
	[sflag:s19] =	ssyncadd.s32 $0xFFFFF800  }
0xdf: {  	v0 =	vld [tilespmem:s11+$0x82B0]  }
0xe0: {  	v2 =	vld [tilespmem:s11+$0x8280]  }
0xe1: {  	v3 =	vld [tilespmem:s11+$0x8290]  }
0xe2: {  	v1 =	vld [tilespmem:s11+$0x82A0];
	_ =	sdelay $0x1  }
0xe3: {  	v4 =	vand.u32 $0xFFFF0000, v0  }
0xe4: {  	v0 =	vshll.u32 v0, $0x10;
	v5 =	vshll.u32 v2, $0x10;
	[tilespmem:s11+$0x8AF0] =	vst v4  }
0xe5: {  	s9 =	simm.s32 $0x80;
	s12 =	simm.s32 $0x400;
	v2 =	vand.u32 $0xFFFF0000, v2;
	[tilespmem:s11+$0x8A80] =	vst v5;
	v4 =	vshll.u32 v3, $0x10;
	v3 =	vand.u32 $0xFFFF0000, v3  }
.LBB2_12:
0xe6: {  	p1 =	sne.s32 s12, $0x1E00;
	v5 =	vld [tilespmem:s9+$0x82B0];
	[tilespmem:s11+$0x8AC0] =	vst v2;
	v2 =	vshll.u32 v1, $0x10;
	v6 =	vand.u32 $0xFFFF0000, v1  }
0xe7: {  	v7 =	vld [tilespmem:s9+$0x8280];
	[tilespmem:s11+$0x8A90] =	vst v4  }
0xe8: {  	v8 =	vld [tilespmem:s9+$0x8290];
	[tilespmem:s11+$0x8AD0] =	vst v3  }
.Ltmp5:
0xe9: {  	v1 =	vld [tilespmem:s9+$0x82A0];
	[tilespmem:s11+$0x8AA0] =	vst v2;
	(pc) =	sbr.rel @p1 .LBB2_12-.Ltmp5, $4  }
0xea: {  	[tilespmem:s11+$0x8AE0] =	vst v6  }
0xeb: {  	v3 =	vand.u32 $0xFFFF0000, v5;
	[tilespmem:s11+$0x8AB0] =	vst v0;
	v0 =	vshll.u32 v5, $0x10;
	s11 =	smov.u32 s9  }
0xec: {  	v4 =	vshll.u32 v7, $0x10;
	v2 =	vand.u32 $0xFFFF0000, v7;
	[tilespmem:s11+$0x8AF0] =	vst v3  }
0xed: {  	s9 =	sshra.s32 s12, $0x2;
	s12 =	sadd.s32 $0x200, s12;
	[tilespmem:s11+$0x8A80] =	vst v4;
	v4 =	vshll.u32 v8, $0x10;
	v3 =	vand.u32 $0xFFFF0000, v8  }
0xee: {  	v5 =	vld [tilespmem:s9+$0x82B0];
	[tilespmem:s11+$0x8AC0] =	vst v2  }
0xef: {  	v2 =	vld [tilespmem:s9+$0x8280];
	[tilespmem:s11+$0x8A90] =	vst v4  }
0xf0: {  	v54 =	vshll.u32 v1, $0x10;
	v4 =	vld [tilespmem:s9+$0x8290];
	[tilespmem:s11+$0x8AD0] =	vst v3  }
0xf1: {  	v55 =	vand.u32 $0xFFFF0000, v1;
	v6 =	vld [tilespmem:s9+$0x82A0];
	[tilespmem:s11+$0x8AA0] =	vst v54  }
0xf2: {  	[tilespmem:s11+$0x8AE0] =	vst v55  }
0xf3: {  	[tilespmem:s11+$0x8AB0] =	vst v0;
	v56 =	vand.u32 $0xFFFF0000, v5  }
0xf4: {  	v63 =	vshll.u32 v5, $0x10;
	[tilespmem:s9+$0x8AF0] =	vst v56  }
0xf5: {  	v57 =	vshll.u32 v2, $0x10;
	[tilespmem:s9+$0x8AB0] =	vst v63  }
0xf6: {  	v58 =	vand.u32 $0xFFFF0000, v2;
	[tilespmem:s9+$0x8A80] =	vst v57  }
0xf7: {  	v59 =	vshll.u32 v4, $0x10;
	[tilespmem:s9+$0x8AC0] =	vst v58  }
0xf8: {  	v60 =	vand.u32 $0xFFFF0000, v4;
	[tilespmem:s9+$0x8A90] =	vst v59  }
0xf9: {  	v61 =	vshll.u32 v6, $0x10;
	[tilespmem:s9+$0x8AD0] =	vst v60  }
0xfa: {  	v62 =	vand.u32 $0xFFFF0000, v6;
	[tilespmem:s9+$0x8AA0] =	vst v61  }
0xfb: {  	s13 =	simm.s32 $0x10;
	s14 =	simm.s32 $0x8A80;
	[tilespmem:s9+$0x8AE0] =	vst v62  }
0xfc: {  	[spmem:s1] =	stream.indirect.scatter.add.f32 [tilespmem:s14], [sflag:$0x5], $0x80, s3, s13, $0xb8;
	[tilespmem:$0x1CB00] =	vst v63  }
0xfd: {  	_ =	swait.ge [sflag:s19], $0x800  }
0xfe: {  	[sflag:s19] =	ssyncset.done $0x0  }
0xff: {  	[sflag:s19] =	ssyncadd.s32 $0xFFFFF800  }
0x100: {  	[bflag:$0x0] =	sbarrier.arrive $0xFFFF  }
0x101: {  	s9 =	simm.s32 @p0 $0x1FC5;
	s11 =	rddreg [dreg:$0x8]  }
0x102: {  	[hbm:s11], [sflag:s9] =	dma.local @p0 [spmem:s16], $0x2080  }
0x103: {  	s9 =	simm.s32 @p0 $0x5  }
0x104: {  	_ =	swait.ge @p0 [sflag:s9], $0x2080  }
0x105: {  	[sflag:s9] =	ssyncset.done @p0 $0x0  }
0x106: {  	[sflag:s9] =	ssyncadd.s32 @p0 $0xFFFFDF80;
	s9 =	rddreg [dreg:$0x7]  }
0x107: {  	[hbm:s9], [sflag:s17] =	dma.local @!p0 [spmem:s18], $0x2780  }
0x108: {  	s9 =	simm.s32 @!p0 $0x5  }
0x109: {  	_ =	swait.ge @!p0 [sflag:s9], $0x2780  }
0x10a: {  	s8 =	sadd.s32 $0x1, s8;
	s15 =	rddreg [dreg:$0x9]  }
0x10b: {  	p1 =	sne.s32 s8, s15  }
.Ltmp6:
0x10c: {  	_ = 	snop;
	(pc) =	sbr.rel @p1 .LBB2_1-.Ltmp6, $3  }
0x10d: {  	_ =	sdelay $0x1  }
0x10e: {  	[sflag:s9] =	ssyncset.done @!p0 $0x0  }
0x10f: {  	[sflag:s9] =	ssyncadd.s32 @!p0 $0xFFFFD880  }
0x110: {  	_ =	sfence.sel $0x180000  }
0x111: {  	[bflag:$0x0] =	sbarrier.arrive $0xFFFF  }
0x112: {  	_ =	strace $0x90000050  }
0x113: {  	s0 =	stileid.u32;
	[bflag:$0x2] =	sbarrier.arrive $0xFFFF  }
0x114: {  	p0 =	sne.s32 s0, $0x0;
	s0 =	rddreg [dreg:$0x2]  }
0x115: {  	s0 =	sadd.s32 @!p0 $0x100000, s0  }
0x116: {  	[sflag:s0] =	ssyncadd.tile.s32 @!p0 $0x1;
	_ =	shalt  }
.Lfunc_end2:
_tile_overlayer_lowered:
.L_overlay_start_2:
0x117: {  	(tag) =	ssettag $0x2  }
0x118: {  	s0 =	rddreg [dreg:$0x0];
	s2 =	stileid.u32  }
0x119: {  	s1 =	rddreg [dreg:$0x1];
	p0 =	sne.s32 s2, $0x0  }
0x11a: {  	s3 =	rddreg [dreg:$0x2];
	[bflag:$0x3] =	sbarrier.arrive $0xFFFF;
	s2 =	simm.s32 @!p0 $0x1C05  }
0x11b: {  	[timem:s3], [sflag:s2] =	dma.local @!p0 [hbm:s0], s1  }
0x11c: {  	s0 =	simm.s32 @!p0 $0x5  }
0x11d: {  	_ =	swait.ge @!p0 [sflag:s0], s1  }
0x11e: {  	s1 =	ssub.s32 @!p0 $0x0, s1;
	[sflag:s0] =	ssyncset.done @!p0 $0x0  }
0x11f: {  	[sflag:s0] =	ssyncadd.s32 @!p0 s1  }
0x120: {  	[bflag:$0x3] =	sbarrier.arrive $0xFFFF  }
0x121: {  	_ =	shalt  }

</sc_bundles>
